<compile_context>
chip_gen: v7x
topology: tpu7x:2x2x1
jax: 0.10.2.dev20260603
libtpu: 0.0.44.dev20260713+nightly
codegen_flags: <defaults>
</compile_context>

<pallas_src>
import functools

import jax
import jax.numpy as jnp
from jax import lax
from jax.experimental import pallas as pl
from jax.experimental.pallas import tpu as pltpu
from jax.experimental.pallas import tpu_sc as plsc

_H = 16
_W = 16
_T = 4
_NLEV = 4
_NPTS = 4
_D = 256
_LEN = _T * _H * _W
_SHIFTS = (-1 - _H, -_H, 1 - _H, -1, 0, 1, -1 + _H, _H, 1 + _H)
_MAXG = (_H - 1) * (_W - 1)
_IDX_PAD = 128
_NWORK = 32


def _shift_rows(x, delta):
    if delta == 0:
        return x
    n, d = x.shape
    z = jnp.zeros((abs(delta), d), x.dtype)
    if delta > 0:
        return jnp.concatenate([x[delta:], z], axis=0)
    return jnp.concatenate([z, x[:n + delta]], axis=0)


def _corr_topk_body(q_ref, v_ref, idx_ref):
    q = q_ref[0]
    v = v_ref[0]
    row = lax.broadcasted_iota(jnp.int32, (_LEN, 1), 0)
    yy = (row // _W) % _H
    xx = row % _W
    corr = jnp.zeros((_LEN, _LEN), jnp.float32)
    for di in (-1, 0, 1):
        for dj in (-1, 0, 1):
            delta = di * _W + dj
            mask = ((yy + di >= 0) & (yy + di < _H)
                    & (xx + dj >= 0) & (xx + dj < _W)).astype(jnp.float32)
            qs = _shift_rows(q, delta) * mask
            vs = _shift_rows(v, delta) * mask
            corr = corr + lax.dot_general(
                qs, vs, (((1,), (1,)), ((), ())),
                preferred_element_type=jnp.float32)

    lane = lax.broadcasted_iota(jnp.int32, (_LEN, _IDX_PAD), 1)
    iot = lax.broadcasted_iota(jnp.int32, (_LEN, _D), 1)
    acc = jnp.zeros((_LEN, _IDX_PAD), jnp.int32)
    for lev in range(_NLEV):
        x = (corr[:, lev * _D:(lev + 1) * _D] * (1.0 / _D)) * 10.0
        mx = jnp.max(x, axis=1, keepdims=True)
        e = jnp.exp(x - mx)
        p = e / jnp.sum(e, axis=1, keepdims=True)
        for j in range(_NPTS):
            pm = jnp.max(p, axis=1, keepdims=True)
            am = jnp.min(jnp.where(p == pm, iot, _D), axis=1, keepdims=True)
            acc = jnp.where(lane == lev * _NPTS + j, am, acc)
            p = jnp.where(iot == am, -1.0, p)
    idx_ref[0] = acc


def _corr_topk(query, input_flatten):
    n = query.shape[0]
    return pl.pallas_call(
        _corr_topk_body,
        grid=(n,),
        in_specs=[
            pl.BlockSpec((1, _LEN, _D), lambda i: (i, 0, 0)),
            pl.BlockSpec((1, _LEN, _D), lambda i: (i, 0, 0)),
        ],
        out_specs=pl.BlockSpec((1, _LEN, _IDX_PAD), lambda i: (i, 0, 0)),
        out_shape=jax.ShapeDtypeStruct((n, _LEN, _IDX_PAD), jnp.int32),
    )(query, input_flatten)


def _expand_sc(idx_flat, nq):
    per_w = nq // _NWORK
    n_groups = per_w // 4
    mesh = plsc.VectorSubcoreMesh(core_axis_name="c", subcore_axis_name="s")

    @functools.partial(
        pl.kernel,
        mesh=mesh,
        compiler_params=pltpu.CompilerParams(needs_layout_passes=False),
        out_type=[
            jax.ShapeDtypeStruct((nq, _LEN), jnp.float32),
            jax.ShapeDtypeStruct((nq, 288), jnp.float32),
        ],
        scratch_types=[
            pltpu.VMEM((per_w * _IDX_PAD,), jnp.int32),
            pltpu.VMEM((per_w, _LEN), jnp.float32),
            pltpu.VMEM((per_w, 288), jnp.float32),
        ],
    )
    def sc_kernel(idx_hbm, w_hbm, loc_hbm, idx_v, w_v, loc_v):
        cid = lax.axis_index("c")
        sid = lax.axis_index("s")
        wid = sid * 2 + cid
        qoff = wid * per_w
        pltpu.sync_copy(idx_hbm.at[pl.ds(qoff * _IDX_PAD, per_w * _IDX_PAD)],
                        idx_v)
        lane = lax.iota(jnp.int32, 16)
        qs = lane >> 2
        lev = lane & 3
        col0 = qs * _IDX_PAD + lev * _NPTS
        loc0 = lev * 72
        wcol0 = lev * _D
        base01 = wcol0 - 16
        base10 = wcol0 - 1
        base11 = wcol0 - 17
        tapw = jnp.full((16,), 1.0 / 576.0, jnp.float32)
        zero16 = jnp.zeros((16,), jnp.float32)

        def zero_blk(r, carry):
            for u in range(_LEN // 16):
                w_v[r, pl.ds(u * 16, 16)] = zero16
            return carry

        lax.fori_loop(0, per_w, zero_blk, 0)

        @plsc.parallel_loop(0, n_groups)
        def group(g):
            qrow = g * 4 + qs
            for pt in range(_NPTS):
                m0 = plsc.load_gather(idx_v, [g * 512 + col0 + pt])
                for si, s in enumerate(_SHIFTS):
                    m = jnp.clip(m0 + s, 0, _MAXG)
                    r_ = m >> 4
                    c_ = m & 15
                    jj = si * _NPTS + pt
                    plsc.store_scatter(loc_v, [qrow, loc0 + 2 * jj],
                                       r_.astype(jnp.float32) * 0.0625)
                    plsc.store_scatter(loc_v, [qrow, loc0 + 2 * jj + 1],
                                       c_.astype(jnp.float32) * 0.0625)
                    s1 = (c_ << 4) + r_
                    mr = r_ >= 1
                    mc = c_ >= 1
                    plsc.addupdate_scatter(w_v, [qrow, wcol0 + s1], tapw)
                    plsc.addupdate_scatter(w_v, [qrow, base01 + s1], tapw,
                                           mask=mc)
                    plsc.addupdate_scatter(w_v, [qrow, base10 + s1], tapw,
                                           mask=mr)
                    plsc.addupdate_scatter(w_v, [qrow, base11 + s1], tapw,
                                           mask=mr & mc)
        pltpu.sync_copy(w_v, w_hbm.at[pl.ds(qoff, per_w)])
        pltpu.sync_copy(loc_v, loc_hbm.at[pl.ds(qoff, per_w)])

    return sc_kernel(idx_flat)


def _apply_body(w_ref, v_ref, wo_ref, b_ref, o_ref):
    t = lax.dot_general(w_ref[...], v_ref[0], (((1,), (0,)), ((), ())),
                        preferred_element_type=jnp.float32)
    o = lax.dot_general(t, wo_ref[...], (((1,), (1,)), ((), ())),
                        preferred_element_type=jnp.float32)
    o_ref[0] = o + b_ref[...]


def _apply(weights, input_flatten, w_out, b_out):
    n = input_flatten.shape[0]
    return pl.pallas_call(
        _apply_body,
        grid=(n,),
        in_specs=[
            pl.BlockSpec((_LEN, _LEN), lambda i: (i, 0)),
            pl.BlockSpec((1, _LEN, _D), lambda i: (i, 0, 0)),
            pl.BlockSpec((_D, _D), lambda i: (0, 0)),
            pl.BlockSpec((1, _D), lambda i: (0, 0)),
        ],
        out_specs=pl.BlockSpec((1, _LEN, _D), lambda i: (i, 0, 0)),
        out_shape=jax.ShapeDtypeStruct((n, _LEN, _D), jnp.float32),
    )(weights, input_flatten, w_out, b_out.reshape(1, _D))


def kernel(query, reference_points, input_flatten, input_spatial_shapes,
           input_level_start_index, W_out, b_out):
    n, len_q, _ = query.shape
    idx = _corr_topk(query, input_flatten)
    w2d, loc2d = _expand_sc(idx.reshape(-1), n * len_q)
    out = _apply(w2d, input_flatten, W_out, b_out)
    sampling_locations = loc2d.reshape(n, len_q, 1, _NLEV, 36, 2)
    return (out, sampling_locations)

# --- scband reference (transcript-rebuilt; emitter-appended) ---
"""Pipeline reference for scband-msdeform-match-v3-attn-10136122818978 (READ-ONLY COPY).

The authoritative reference and input builder live on the scoring server;
editing this copy changes nothing except your own understanding.
"""

import jax
import jax.numpy as jnp
import numpy as np

H = 16
W = 16
T = 4
N_HEADS = 1
N_LEVELS = 4
N_POINTS = 4
D_MODEL = 256
BATCH = 2


def _unfold3x3(x):
    # x: [B, C, H, W] -> [B, C*9, H*W], matching torch.nn.Unfold(kernel_size=3, padding=1)
    B, C, Hh, Ww = x.shape
    xp = jnp.pad(x, ((0, 0), (0, 0), (1, 1), (1, 1)))
    pats = [xp[:, :, i:i + Hh, j:j + Ww] for i in range(3) for j in range(3)]
    p = jnp.stack(pats, axis=2)  # [B, C, 9, H, W]
    return p.reshape(B, C * 9, Hh * Ww)


def _grid_sample(im, grid):
    # im: [B, C, H, W]; grid: [B, P, 2] (x, y) in [-1, 1]
    # bilinear, padding_mode='zeros', align_corners=False (matches F.grid_sample defaults)
    B, C, Hh, Ww = im.shape
    x = (grid[..., 0] + 1.0) * Ww / 2.0 - 0.5
    y = (grid[..., 1] + 1.0) * Hh / 2.0 - 0.5
    x0 = jnp.floor(x)
    y0 = jnp.floor(y)
    flat = im.reshape(B, C, Hh * Ww)

    def g(ix, iy):
        valid = ((ix >= 0) & (ix <= Ww - 1) & (iy >= 0) & (iy <= Hh - 1)).astype(im.dtype)
        ii = jnp.clip(ix, 0, Ww - 1).astype(jnp.int32)
        jj = jnp.clip(iy, 0, Hh - 1).astype(jnp.int32)
        idx = jj * Ww + ii
        got = jnp.take_along_axis(flat, idx[:, None, :], axis=2)  # [B, C, P]
        return got * valid[:, None, :]

    wx1 = x - x0
    wx0 = 1.0 - wx1
    wy1 = y - y0
    wy0 = 1.0 - wy1
    out = (g(x0, y0) * (wx0 * wy0)[:, None, :]
           + g(x0 + 1, y0) * (wx1 * wy0)[:, None, :]
           + g(x0, y0 + 1) * (wx0 * wy1)[:, None, :]
           + g(x0 + 1, y0 + 1) * (wx1 * wy1)[:, None, :])
    return out


def _ms_deform_attn(value, shapes, sampling_locations, attention_weights):
    # Faithful port of ms_deform_attn_core_pytorch
    N, S, M, D = value.shape
    _, Lq, _, L, P, _ = sampling_locations.shape
    grids = 2.0 * sampling_locations - 1.0
    start = 0
    samples = []
    for lid in range(L):
        h, w = shapes[lid]
        v = value[:, start:start + h * w]  # [N, h*w, M, D]
        start += h * w
        v_ = v.transpose(0, 2, 3, 1).reshape(N * M, D, h, w)
        grid_l = grids[:, :, :, lid].transpose(0, 2, 1, 3, 4).reshape(N * M, Lq * P, 2)
        s = _grid_sample(v_, grid_l).reshape(N * M, D, Lq, P)
        samples.append(s)
    stacked = jnp.stack(samples, axis=-2).reshape(N * M, D, Lq, L * P)
    attn = attention_weights.transpose(0, 2, 1, 3, 4).reshape(N * M, 1, Lq, L * P)
    out = (stacked * attn).sum(-1).reshape(N, M * D, Lq).transpose(0, 2, 1)
    return out


def setup_inputs(seed: int = 0):
    key = jax.random.key(seed)
    k1, k2, k3, k4 = jax.random.split(key, 4)
    Len = T * H * W
    query = jax.random.normal(k1, (BATCH, Len, D_MODEL), dtype=jnp.float32)
    input_flatten = jax.random.normal(k2, (BATCH, Len, D_MODEL), dtype=jnp.float32)
    reference_points = jax.random.uniform(k3, (BATCH, Len, N_LEVELS, 2), dtype=jnp.float32)
    input_spatial_shapes = jnp.full((N_LEVELS, 2), H, dtype=jnp.int32)
    input_level_start_index = jnp.array([0, 256, 512, 768], dtype=jnp.int32)
    bound = float(np.sqrt(6.0 / (D_MODEL + D_MODEL)))  # xavier_uniform
    W_out = jax.random.uniform(k4, (D_MODEL, D_MODEL), dtype=jnp.float32, minval=-bound, maxval=bound)
    b_out = jnp.zeros((D_MODEL,), dtype=jnp.float32)
    return {"query": query, "reference_points": reference_points, "input_flatten": input_flatten,
            "input_spatial_shapes": input_spatial_shapes, "input_level_start_index": input_level_start_index,
            "W_out": W_out, "b_out": b_out}


def reference(query, reference_points, input_flatten, input_spatial_shapes, input_level_start_index, W_out, b_out):
    N, Len_q, dim = query.shape
    _, Len_in, _ = input_flatten.shape
    h = H
    w = W
    t = Len_in // (h * w)
    value = input_flatten.reshape(N, Len_in, N_HEADS, dim // N_HEADS)
    query_p = query.reshape(N, t, h, w, dim).transpose(0, 1, 4, 2, 3).reshape(N * t, dim, h, w)
    q_patch = _unfold3x3(query_p).reshape(N, t, dim * 9, h * w).transpose(0, 1, 3, 2).reshape(N, t * h * w, dim * 9)
    inp_p = input_flatten.reshape(N, t, h, w, dim).transpose(0, 1, 4, 2, 3).reshape(N * t, dim, h, w)
    v_patch = _unfold3x3(inp_p).reshape(N, t, dim * 9, h * w).transpose(0, 1, 3, 2).reshape(N, t * h * w, dim * 9)
    correlation = jnp.matmul(q_patch, v_patch.transpose(0, 2, 1)).reshape(N, Len_q, t, h * w) / dim
    prob = jax.nn.softmax(10.0 * correlation, axis=-1)
    _, indices = jax.lax.top_k(prob, N_POINTS)  # [N, Len_q, t, n_points]
    shifts = [-1 - h, -h, 1 - h, -1, 0, 1, -1 + h, h, 1 + h]
    resample = jnp.concatenate([indices + s for s in shifts], axis=-1)  # [N, Len_q, t, n_points*9]
    max_grid = (h - 1) * (w - 1)
    resample = jnp.clip(resample, 0, max_grid)
    idxf = resample[..., None].astype(jnp.float32)
    offw = jnp.floor(idxf / h)
    offh = idxf - offw * h
    offsets = jnp.concatenate([offw, offh], axis=-1)[:, :, None]  # [N, Len_q, 1, t, n_points*9, 2]
    sampling_offsets = offsets.reshape(N, Len_q, N_HEADS, N_LEVELS, N_POINTS * 9, 2)
    attention_weights = jnp.full((N, Len_q, N_HEADS, N_LEVELS, N_POINTS * 9),
                                 1.0 / (N_LEVELS * N_POINTS * 9), dtype=query.dtype)
    offset_normalizer = jnp.stack([input_spatial_shapes[..., 1], input_spatial_shapes[..., 0]], -1).astype(jnp.float32)
    sampling_locations = sampling_offsets / offset_normalizer[None, None, None, :, None, :]
    shapes = [(H, W)] * N_LEVELS
    out = _ms_deform_attn(value, shapes, sampling_locations, attention_weights)
    out = out @ W_out.T + b_out
    return (out, sampling_locations)

if __name__ == "__main__":
    import jax
    _d = setup_inputs()
    print(jax.jit(kernel)(*tuple(_d.values())))

</pallas_src>

<mosaic_0001>
#map = affine_map<(d0, d1) -> (0)>
#map1 = affine_map<(d0, d1) -> (0, 0)>
module attributes {stable_mosaic.version = 14 : i64} {
  func.func @sc_kernel(%arg0: i32, %arg1: i32, %arg2: memref<262144xi32, #tpu.memory_space<hbm>>, %arg3: memref<2048x1024xf32, #tpu.memory_space<hbm>>, %arg4: memref<2048x288xf32, #tpu.memory_space<hbm>>, %arg5: memref<8192xi32, #tpu.memory_space<vmem>>, %arg6: memref<64x1024xf32, #tpu.memory_space<vmem>>, %arg7: memref<64x288xf32, #tpu.memory_space<vmem>>) attributes {dimension_semantics = [#tpu.dimension_semantics<core_parallel>, #tpu.dimension_semantics<subcore_parallel>], iteration_bounds = array<i64: 2, 16>, scalar_prefetch = 0 : i64, scratch_operands = 3 : i64, tpu.core_type = #tpu.core_type<sc_vector_subcore>, window_params = [{transform_indices = #map}, {transform_indices = #map1}, {transform_indices = #map1}]} {
    %mul3A = arith.constant 2 : i32
    %mul3A_0 = arith.muli %arg1, %mul3A : i32
    %add3A = arith.addi %mul3A_0, %arg0 : i32
    %mul3A_1 = arith.constant 64 : i32
    %mul3A_2 = arith.muli %add3A, %mul3A_1 : i32
    %mul3A_3 = arith.constant 128 : i32
    %mul3A_4 = arith.muli %mul3A_2, %mul3A_3 : i32
    "tpu.region"() ({
      %run_scoped3A = tpu.sem_alloc : memref<!tpu.dma_semaphore, #tpu.memory_space<semaphore_mem>>
      %dma_start3A = tpu.memref_slice %arg2[%mul3A_4] : memref<262144xi32, #tpu.memory_space<hbm>> -> memref<8192xi32, #tpu.memory_space<hbm>>
      %dma_start3A_40 = tpu.memref_slice %arg2[%mul3A_4] : memref<262144xi32, #tpu.memory_space<hbm>> -> memref<8192xi32, #tpu.memory_space<hbm>>
      tpu.enqueue_dma source(%dma_start3A_40 : memref<8192xi32, #tpu.memory_space<hbm>>) target(%arg5 : memref<8192xi32, #tpu.memory_space<vmem>>) target_semaphore(%run_scoped3A : memref<!tpu.dma_semaphore, #tpu.memory_space<semaphore_mem>>)
      %dma_wait3A = tpu.memref_slice %arg2[%mul3A_4] : memref<262144xi32, #tpu.memory_space<hbm>> -> memref<8192xi32, #tpu.memory_space<hbm>>
      %dma_wait3A_41 = tpu.memref_slice %arg2[%mul3A_4] : memref<262144xi32, #tpu.memory_space<hbm>> -> memref<8192xi32, #tpu.memory_space<hbm>>
      tpu.wait_dma2 semaphore(%run_scoped3A : memref<!tpu.dma_semaphore, #tpu.memory_space<semaphore_mem>>) src(%dma_wait3A_41 : memref<8192xi32, #tpu.memory_space<hbm>>) dst(%arg5 : memref<8192xi32, #tpu.memory_space<vmem>>)
      tpu.yield
    }) : () -> ()
    %iota3A = tpu.iota {dimensions = array<i32: 0>} : vector<16xi32>
    %shift_right_arithmetic3A = arith.constant 2 : i32
    %shift_right_arithmetic3A_5 = vector.broadcast %shift_right_arithmetic3A : i32 to vector<16xi32>
    %shift_right_arithmetic3A_6 = arith.shrsi %iota3A, %shift_right_arithmetic3A_5 : vector<16xi32>
    %and3A = arith.constant 3 : i32
    %and3A_7 = vector.broadcast %and3A : i32 to vector<16xi32>
    %and3A_8 = arith.andi %iota3A, %and3A_7 : vector<16xi32>
    %mul3A_9 = arith.constant 128 : i32
    %mul3A_10 = vector.broadcast %mul3A_9 : i32 to vector<16xi32>
    %mul3A_11 = arith.muli %shift_right_arithmetic3A_6, %mul3A_10 : vector<16xi32>
    %mul3A_12 = arith.constant 4 : i32
    %mul3A_13 = vector.broadcast %mul3A_12 : i32 to vector<16xi32>
    %mul3A_14 = arith.muli %and3A_8, %mul3A_13 : vector<16xi32>
    %add3A_15 = arith.addi %mul3A_11, %mul3A_14 : vector<16xi32>
    %mul3A_16 = arith.constant 72 : i32
    %mul3A_17 = vector.broadcast %mul3A_16 : i32 to vector<16xi32>
    %mul3A_18 = arith.muli %and3A_8, %mul3A_17 : vector<16xi32>
    %mul3A_19 = arith.constant 256 : i32
    %mul3A_20 = vector.broadcast %mul3A_19 : i32 to vector<16xi32>
    %mul3A_21 = arith.muli %and3A_8, %mul3A_20 : vector<16xi32>
    %sub3A = arith.constant 16 : i32
    %sub3A_22 = vector.broadcast %sub3A : i32 to vector<16xi32>
    %sub3A_23 = arith.subi %mul3A_21, %sub3A_22 : vector<16xi32>
    %sub3A_24 = arith.constant 1 : i32
    %sub3A_25 = vector.broadcast %sub3A_24 : i32 to vector<16xi32>
    %sub3A_26 = arith.subi %mul3A_21, %sub3A_25 : vector<16xi32>
    %sub3A_27 = arith.constant 17 : i32
    %sub3A_28 = vector.broadcast %sub3A_27 : i32 to vector<16xi32>
    %sub3A_29 = arith.subi %mul3A_21, %sub3A_28 : vector<16xi32>
    %broadcast_in_dim3A = arith.constant 0.00173611112 : f32
    %broadcast_in_dim3A_30 = vector.broadcast %broadcast_in_dim3A : f32 to vector<16xf32>
    %broadcast_in_dim3A_31 = arith.constant 0.000000e+00 : f32
    %broadcast_in_dim3A_32 = vector.broadcast %broadcast_in_dim3A_31 : f32 to vector<16xf32>
    %scan3A = arith.constant 0 : i32
    %scan3A_33 = arith.constant 0 : i32
    %scan3A_34 = arith.constant 64 : i32
    %scan3A_35 = arith.addi %scan3A_33, %scan3A_34 : i32
    %scan3A_36 = arith.constant 1 : i32
    scf.for %scan3A_40 = %scan3A_33 to %scan3A_35 step %scan3A_36  : i32 {
      %swap3A = arith.index_cast %scan3A_40 : i32 to index
      %swap3A_41 = arith.constant 0 : index
      %swap3A_42 = tpu.vector_load %arg6[%swap3A, %swap3A_41] {strides = array<i32>} : memref<64x1024xf32, #tpu.memory_space<vmem>>, vector<16xf32>,
      tpu.vector_store %arg6[%swap3A, %swap3A_41], %broadcast_in_dim3A_32 {strides = array<i32>} : memref<64x1024xf32, #tpu.memory_space<vmem>>, vector<16xf32>,
      %swap3A_43 = arith.index_cast %scan3A_40 : i32 to index
      %swap3A_44 = arith.constant 16 : index
      %swap3A_45 = tpu.vector_load %arg6[%swap3A_43, %swap3A_44] {strides = array<i32>} : memref<64x1024xf32, #tpu.memory_space<vmem>>, vector<16xf32>,
      tpu.vector_store %arg6[%swap3A_43, %swap3A_44], %broadcast_in_dim3A_32 {strides = array<i32>} : memref<64x1024xf32, #tpu.memory_space<vmem>>, vector<16xf32>,
      %swap3A_46 = arith.index_cast %scan3A_40 : i32 to index
      %swap3A_47 = arith.constant 32 : index
      %swap3A_48 = tpu.vector_load %arg6[%swap3A_46, %swap3A_47] {strides = array<i32>} : memref<64x1024xf32, #tpu.memory_space<vmem>>, vector<16xf32>,
      tpu.vector_store %arg6[%swap3A_46, %swap3A_47], %broadcast_in_dim3A_32 {strides = array<i32>} : memref<64x1024xf32, #tpu.memory_space<vmem>>, vector<16xf32>,
      %swap3A_49 = arith.index_cast %scan3A_40 : i32 to index
      %swap3A_50 = arith.constant 48 : index
      %swap3A_51 = tpu.vector_load %arg6[%swap3A_49, %swap3A_50] {strides = array<i32>} : memref<64x1024xf32, #tpu.memory_space<vmem>>, vector<16xf32>,
      tpu.vector_store %arg6[%swap3A_49, %swap3A_50], %broadcast_in_dim3A_32 {strides = array<i32>} : memref<64x1024xf32, #tpu.memory_space<vmem>>, vector<16xf32>,
      %swap3A_52 = arith.index_cast %scan3A_40 : i32 to index
      %swap3A_53 = arith.constant 64 : index
      %swap3A_54 = tpu.vector_load %arg6[%swap3A_52, %swap3A_53] {strides = array<i32>} : memref<64x1024xf32, #tpu.memory_space<vmem>>, vector<16xf32>,
      tpu.vector_store %arg6[%swap3A_52, %swap3A_53], %broadcast_in_dim3A_32 {strides = array<i32>} : memref<64x1024xf32, #tpu.memory_space<vmem>>, vector<16xf32>,
      %swap3A_55 = arith.index_cast %scan3A_40 : i32 to index
      %swap3A_56 = arith.constant 80 : index
      %swap3A_57 = tpu.vector_load %arg6[%swap3A_55, %swap3A_56] {strides = array<i32>} : memref<64x1024xf32, #tpu.memory_space<vmem>>, vector<16xf32>,
      tpu.vector_store %arg6[%swap3A_55, %swap3A_56], %broadcast_in_dim3A_32 {strides = array<i32>} : memref<64x1024xf32, #tpu.memory_space<vmem>>, vector<16xf32>,
      %swap3A_58 = arith.index_cast %scan3A_40 : i32 to index
      %swap3A_59 = arith.constant 96 : index
      %swap3A_60 = tpu.vector_load %arg6[%swap3A_58, %swap3A_59] {strides = array<i32>} : memref<64x1024xf32, #tpu.memory_space<vmem>>, vector<16xf32>,
      tpu.vector_store %arg6[%swap3A_58, %swap3A_59], %broadcast_in_dim3A_32 {strides = array<i32>} : memref<64x1024xf32, #tpu.memory_space<vmem>>, vector<16xf32>,
      %swap3A_61 = arith.index_cast %scan3A_40 : i32 to index
      %swap3A_62 = arith.constant 112 : index
      %swap3A_63 = tpu.vector_load %arg6[%swap3A_61, %swap3A_62] {strides = array<i32>} : memref<64x1024xf32, #tpu.memory_space<vmem>>, vector<16xf32>,
      tpu.vector_store %arg6[%swap3A_61, %swap3A_62], %broadcast_in_dim3A_32 {strides = array<i32>} : memref<64x1024xf32, #tpu.memory_space<vmem>>, vector<16xf32>,
      %swap3A_64 = arith.index_cast %scan3A_40 : i32 to index
      %swap3A_65 = arith.constant 128 : index
      %swap3A_66 = tpu.vector_load %arg6[%swap3A_64, %swap3A_65] {strides = array<i32>} : memref<64x1024xf32, #tpu.memory_space<vmem>>, vector<16xf32>,
      tpu.vector_store %arg6[%swap3A_64, %swap3A_65], %broadcast_in_dim3A_32 {strides = array<i32>} : memref<64x1024xf32, #tpu.memory_space<vmem>>, vector<16xf32>,
      %swap3A_67 = arith.index_cast %scan3A_40 : i32 to index
      %swap3A_68 = arith.constant 144 : index
      %swap3A_69 = tpu.vector_load %arg6[%swap3A_67, %swap3A_68] {strides = array<i32>} : memref<64x1024xf32, #tpu.memory_space<vmem>>, vector<16xf32>,
      tpu.vector_store %arg6[%swap3A_67, %swap3A_68], %broadcast_in_dim3A_32 {strides = array<i32>} : memref<64x1024xf32, #tpu.memory_space<vmem>>, vector<16xf32>,
      %swap3A_70 = arith.index_cast %scan3A_40 : i32 to index
      %swap3A_71 = arith.constant 160 : index
      %swap3A_72 = tpu.vector_load %arg6[%swap3A_70, %swap3A_71] {strides = array<i32>} : memref<64x1024xf32, #tpu.memory_space<vmem>>, vector<16xf32>,
      tpu.vector_store %arg6[%swap3A_70, %swap3A_71], %broadcast_in_dim3A_32 {strides = array<i32>} : memref<64x1024xf32, #tpu.memory_space<vmem>>, vector<16xf32>,
      %swap3A_73 = arith.index_cast %scan3A_40 : i32 to index
      %swap3A_74 = arith.constant 176 : index
      %swap3A_75 = tpu.vector_load %arg6[%swap3A_73, %swap3A_74] {strides = array<i32>} : memref<64x1024xf32, #tpu.memory_space<vmem>>, vector<16xf32>,
      tpu.vector_store %arg6[%swap3A_73, %swap3A_74], %broadcast_in_dim3A_32 {strides = array<i32>} : memref<64x1024xf32, #tpu.memory_space<vmem>>, vector<16xf32>,
      %swap3A_76 = arith.index_cast %scan3A_40 : i32 to index
      %swap3A_77 = arith.constant 192 : index
      %swap3A_78 = tpu.vector_load %arg6[%swap3A_76, %swap3A_77] {strides = array<i32>} : memref<64x1024xf32, #tpu.memory_space<vmem>>, vector<16xf32>,
      tpu.vector_store %arg6[%swap3A_76, %swap3A_77], %broadcast_in_dim3A_32 {strides = array<i32>} : memref<64x1024xf32, #tpu.memory_space<vmem>>, vector<16xf32>,
      %swap3A_79 = arith.index_cast %scan3A_40 : i32 to index
      %swap3A_80 = arith.constant 208 : index
      %swap3A_81 = tpu.vector_load %arg6[%swap3A_79, %swap3A_80] {strides = array<i32>} : memref<64x1024xf32, #tpu.memory_space<vmem>>, vector<16xf32>,
      tpu.vector_store %arg6[%swap3A_79, %swap3A_80], %broadcast_in_dim3A_32 {strides = array<i32>} : memref<64x1024xf32, #tpu.memory_space<vmem>>, vector<16xf32>,
      %swap3A_82 = arith.index_cast %scan3A_40 : i32 to index
      %swap3A_83 = arith.constant 224 : index
      %swap3A_84 = tpu.vector_load %arg6[%swap3A_82, %swap3A_83] {strides = array<i32>} : memref<64x1024xf32, #tpu.memory_space<vmem>>, vector<16xf32>,
      tpu.vector_store %arg6[%swap3A_82, %swap3A_83], %broadcast_in_dim3A_32 {strides = array<i32>} : memref<64x1024xf32, #tpu.memory_space<vmem>>, vector<16xf32>,
      %swap3A_85 = arith.index_cast %scan3A_40 : i32 to index
      %swap3A_86 = arith.constant 240 : index
      %swap3A_87 = tpu.vector_load %arg6[%swap3A_85, %swap3A_86] {strides = array<i32>} : memref<64x1024xf32, #tpu.memory_space<vmem>>, vector<16xf32>,
      tpu.vector_store %arg6[%swap3A_85, %swap3A_86], %broadcast_in_dim3A_32 {strides = array<i32>} : memref<64x1024xf32, #tpu.memory_space<vmem>>, vector<16xf32>,
      %swap3A_88 = arith.index_cast %scan3A_40 : i32 to index
      %swap3A_89 = arith.constant 256 : index
      %swap3A_90 = tpu.vector_load %arg6[%swap3A_88, %swap3A_89] {strides = array<i32>} : memref<64x1024xf32, #tpu.memory_space<vmem>>, vector<16xf32>,
      tpu.vector_store %arg6[%swap3A_88, %swap3A_89], %broadcast_in_dim3A_32 {strides = array<i32>} : memref<64x1024xf32, #tpu.memory_space<vmem>>, vector<16xf32>,
      %swap3A_91 = arith.index_cast %scan3A_40 : i32 to index
      %swap3A_92 = arith.constant 272 : index
      %swap3A_93 = tpu.vector_load %arg6[%swap3A_91, %swap3A_92] {strides = array<i32>} : memref<64x1024xf32, #tpu.memory_space<vmem>>, vector<16xf32>,
      tpu.vector_store %arg6[%swap3A_91, %swap3A_92], %broadcast_in_dim3A_32 {strides = array<i32>} : memref<64x1024xf32, #tpu.memory_space<vmem>>, vector<16xf32>,
      %swap3A_94 = arith.index_cast %scan3A_40 : i32 to index
      %swap3A_95 = arith.constant 288 : index
      %swap3A_96 = tpu.vector_load %arg6[%swap3A_94, %swap3A_95] {strides = array<i32>} : memref<64x1024xf32, #tpu.memory_space<vmem>>, vector<16xf32>,
      tpu.vector_store %arg6[%swap3A_94, %swap3A_95], %broadcast_in_dim3A_32 {strides = array<i32>} : memref<64x1024xf32, #tpu.memory_space<vmem>>, vector<16xf32>,
      %swap3A_97 = arith.index_cast %scan3A_40 : i32 to index
      %swap3A_98 = arith.constant 304 : index
      %swap3A_99 = tpu.vector_load %arg6[%swap3A_97, %swap3A_98] {strides = array<i32>} : memref<64x1024xf32, #tpu.memory_space<vmem>>, vector<16xf32>,
      tpu.vector_store %arg6[%swap3A_97, %swap3A_98], %broadcast_in_dim3A_32 {strides = array<i32>} : memref<64x1024xf32, #tpu.memory_space<vmem>>, vector<16xf32>,
      %swap3A_100 = arith.index_cast %scan3A_40 : i32 to index
      %swap3A_101 = arith.constant 320 : index
      %swap3A_102 = tpu.vector_load %arg6[%swap3A_100, %swap3A_101] {strides = array<i32>} : memref<64x1024xf32, #tpu.memory_space<vmem>>, vector<16xf32>,
      tpu.vector_store %arg6[%swap3A_100, %swap3A_101], %broadcast_in_dim3A_32 {strides = array<i32>} : memref<64x1024xf32, #tpu.memory_space<vmem>>, vector<16xf32>,
      %swap3A_103 = arith.index_cast %scan3A_40 : i32 to index
      %swap3A_104 = arith.constant 336 : index
      %swap3A_105 = tpu.vector_load %arg6[%swap3A_103, %swap3A_104] {strides = array<i32>} : memref<64x1024xf32, #tpu.memory_space<vmem>>, vector<16xf32>,
      tpu.vector_store %arg6[%swap3A_103, %swap3A_104], %broadcast_in_dim3A_32 {strides = array<i32>} : memref<64x1024xf32, #tpu.memory_space<vmem>>, vector<16xf32>,
      %swap3A_106 = arith.index_cast %scan3A_40 : i32 to index
      %swap3A_107 = arith.constant 352 : index
      %swap3A_108 = tpu.vector_load %arg6[%swap3A_106, %swap3A_107] {strides = array<i32>} : memref<64x1024xf32, #tpu.memory_space<vmem>>, vector<16xf32>,
      tpu.vector_store %arg6[%swap3A_106, %swap3A_107], %broadcast_in_dim3A_32 {strides = array<i32>} : memref<64x1024xf32, #tpu.memory_space<vmem>>, vector<16xf32>,
      %swap3A_109 = arith.index_cast %scan3A_40 : i32 to index
      %swap3A_110 = arith.constant 368 : index
      %swap3A_111 = tpu.vector_load %arg6[%swap3A_109, %swap3A_110] {strides = array<i32>} : memref<64x1024xf32, #tpu.memory_space<vmem>>, vector<16xf32>,
      tpu.vector_store %arg6[%swap3A_109, %swap3A_110], %broadcast_in_dim3A_32 {strides = array<i32>} : memref<64x1024xf32, #tpu.memory_space<vmem>>, vector<16xf32>,
      %swap3A_112 = arith.index_cast %scan3A_40 : i32 to index
      %swap3A_113 = arith.constant 384 : index
      %swap3A_114 = tpu.vector_load %arg6[%swap3A_112, %swap3A_113] {strides = array<i32>} : memref<64x1024xf32, #tpu.memory_space<vmem>>, vector<16xf32>,
      tpu.vector_store %arg6[%swap3A_112, %swap3A_113], %broadcast_in_dim3A_32 {strides = array<i32>} : memref<64x1024xf32, #tpu.memory_space<vmem>>, vector<16xf32>,
      %swap3A_115 = arith.index_cast %scan3A_40 : i32 to index
      %swap3A_116 = arith.constant 400 : index
      %swap3A_117 = tpu.vector_load %arg6[%swap3A_115, %swap3A_116] {strides = array<i32>} : memref<64x1024xf32, #tpu.memory_space<vmem>>, vector<16xf32>,
      tpu.vector_store %arg6[%swap3A_115, %swap3A_116], %broadcast_in_dim3A_32 {strides = array<i32>} : memref<64x1024xf32, #tpu.memory_space<vmem>>, vector<16xf32>,
      %swap3A_118 = arith.index_cast %scan3A_40 : i32 to index
      %swap3A_119 = arith.constant 416 : index
      %swap3A_120 = tpu.vector_load %arg6[%swap3A_118, %swap3A_119] {strides = array<i32>} : memref<64x1024xf32, #tpu.memory_space<vmem>>, vector<16xf32>,
      tpu.vector_store %arg6[%swap3A_118, %swap3A_119], %broadcast_in_dim3A_32 {strides = array<i32>} : memref<64x1024xf32, #tpu.memory_space<vmem>>, vector<16xf32>,
      %swap3A_121 = arith.index_cast %scan3A_40 : i32 to index
      %swap3A_122 = arith.constant 432 : index
      %swap3A_123 = tpu.vector_load %arg6[%swap3A_121, %swap3A_122] {strides = array<i32>} : memref<64x1024xf32, #tpu.memory_space<vmem>>, vector<16xf32>,
      tpu.vector_store %arg6[%swap3A_121, %swap3A_122], %broadcast_in_dim3A_32 {strides = array<i32>} : memref<64x1024xf32, #tpu.memory_space<vmem>>, vector<16xf32>,
      %swap3A_124 = arith.index_cast %scan3A_40 : i32 to index
      %swap3A_125 = arith.constant 448 : index
      %swap3A_126 = tpu.vector_load %arg6[%swap3A_124, %swap3A_125] {strides = array<i32>} : memref<64x1024xf32, #tpu.memory_space<vmem>>, vector<16xf32>,
      tpu.vector_store %arg6[%swap3A_124, %swap3A_125], %broadcast_in_dim3A_32 {strides = array<i32>} : memref<64x1024xf32, #tpu.memory_space<vmem>>, vector<16xf32>,
      %swap3A_127 = arith.index_cast %scan3A_40 : i32 to index
      %swap3A_128 = arith.constant 464 : index
      %swap3A_129 = tpu.vector_load %arg6[%swap3A_127, %swap3A_128] {strides = array<i32>} : memref<64x1024xf32, #tpu.memory_space<vmem>>, vector<16xf32>,
      tpu.vector_store %arg6[%swap3A_127, %swap3A_128], %broadcast_in_dim3A_32 {strides = array<i32>} : memref<64x1024xf32, #tpu.memory_space<vmem>>, vector<16xf32>,
      %swap3A_130 = arith.index_cast %scan3A_40 : i32 to index
      %swap3A_131 = arith.constant 480 : index
      %swap3A_132 = tpu.vector_load %arg6[%swap3A_130, %swap3A_131] {strides = array<i32>} : memref<64x1024xf32, #tpu.memory_space<vmem>>, vector<16xf32>,
      tpu.vector_store %arg6[%swap3A_130, %swap3A_131], %broadcast_in_dim3A_32 {strides = array<i32>} : memref<64x1024xf32, #tpu.memory_space<vmem>>, vector<16xf32>,
      %swap3A_133 = arith.index_cast %scan3A_40 : i32 to index
      %swap3A_134 = arith.constant 496 : index
      %swap3A_135 = tpu.vector_load %arg6[%swap3A_133, %swap3A_134] {strides = array<i32>} : memref<64x1024xf32, #tpu.memory_space<vmem>>, vector<16xf32>,
      tpu.vector_store %arg6[%swap3A_133, %swap3A_134], %broadcast_in_dim3A_32 {strides = array<i32>} : memref<64x1024xf32, #tpu.memory_space<vmem>>, vector<16xf32>,
      %swap3A_136 = arith.index_cast %scan3A_40 : i32 to index
      %swap3A_137 = arith.constant 512 : index
      %swap3A_138 = tpu.vector_load %arg6[%swap3A_136, %swap3A_137] {strides = array<i32>} : memref<64x1024xf32, #tpu.memory_space<vmem>>, vector<16xf32>,
      tpu.vector_store %arg6[%swap3A_136, %swap3A_137], %broadcast_in_dim3A_32 {strides = array<i32>} : memref<64x1024xf32, #tpu.memory_space<vmem>>, vector<16xf32>,
      %swap3A_139 = arith.index_cast %scan3A_40 : i32 to index
      %swap3A_140 = arith.constant 528 : index
      %swap3A_141 = tpu.vector_load %arg6[%swap3A_139, %swap3A_140] {strides = array<i32>} : memref<64x1024xf32, #tpu.memory_space<vmem>>, vector<16xf32>,
      tpu.vector_store %arg6[%swap3A_139, %swap3A_140], %broadcast_in_dim3A_32 {strides = array<i32>} : memref<64x1024xf32, #tpu.memory_space<vmem>>, vector<16xf32>,
      %swap3A_142 = arith.index_cast %scan3A_40 : i32 to index
      %swap3A_143 = arith.constant 544 : index
      %swap3A_144 = tpu.vector_load %arg6[%swap3A_142, %swap3A_143] {strides = array<i32>} : memref<64x1024xf32, #tpu.memory_space<vmem>>, vector<16xf32>,
      tpu.vector_store %arg6[%swap3A_142, %swap3A_143], %broadcast_in_dim3A_32 {strides = array<i32>} : memref<64x1024xf32, #tpu.memory_space<vmem>>, vector<16xf32>,
      %swap3A_145 = arith.index_cast %scan3A_40 : i32 to index
      %swap3A_146 = arith.constant 560 : index
      %swap3A_147 = tpu.vector_load %arg6[%swap3A_145, %swap3A_146] {strides = array<i32>} : memref<64x1024xf32, #tpu.memory_space<vmem>>, vector<16xf32>,
      tpu.vector_store %arg6[%swap3A_145, %swap3A_146], %broadcast_in_dim3A_32 {strides = array<i32>} : memref<64x1024xf32, #tpu.memory_space<vmem>>, vector<16xf32>,
      %swap3A_148 = arith.index_cast %scan3A_40 : i32 to index
      %swap3A_149 = arith.constant 576 : index
      %swap3A_150 = tpu.vector_load %arg6[%swap3A_148, %swap3A_149] {strides = array<i32>} : memref<64x1024xf32, #tpu.memory_space<vmem>>, vector<16xf32>,
      tpu.vector_store %arg6[%swap3A_148, %swap3A_149], %broadcast_in_dim3A_32 {strides = array<i32>} : memref<64x1024xf32, #tpu.memory_space<vmem>>, vector<16xf32>,
      %swap3A_151 = arith.index_cast %scan3A_40 : i32 to index
      %swap3A_152 = arith.constant 592 : index
      %swap3A_153 = tpu.vector_load %arg6[%swap3A_151, %swap3A_152] {strides = array<i32>} : memref<64x1024xf32, #tpu.memory_space<vmem>>, vector<16xf32>,
      tpu.vector_store %arg6[%swap3A_151, %swap3A_152], %broadcast_in_dim3A_32 {strides = array<i32>} : memref<64x1024xf32, #tpu.memory_space<vmem>>, vector<16xf32>,
      %swap3A_154 = arith.index_cast %scan3A_40 : i32 to index
      %swap3A_155 = arith.constant 608 : index
      %swap3A_156 = tpu.vector_load %arg6[%swap3A_154, %swap3A_155] {strides = array<i32>} : memref<64x1024xf32, #tpu.memory_space<vmem>>, vector<16xf32>,
      tpu.vector_store %arg6[%swap3A_154, %swap3A_155], %broadcast_in_dim3A_32 {strides = array<i32>} : memref<64x1024xf32, #tpu.memory_space<vmem>>, vector<16xf32>,
      %swap3A_157 = arith.index_cast %scan3A_40 : i32 to index
      %swap3A_158 = arith.constant 624 : index
      %swap3A_159 = tpu.vector_load %arg6[%swap3A_157, %swap3A_158] {strides = array<i32>} : memref<64x1024xf32, #tpu.memory_space<vmem>>, vector<16xf32>,
      tpu.vector_store %arg6[%swap3A_157, %swap3A_158], %broadcast_in_dim3A_32 {strides = array<i32>} : memref<64x1024xf32, #tpu.memory_space<vmem>>, vector<16xf32>,
      %swap3A_160 = arith.index_cast %scan3A_40 : i32 to index
      %swap3A_161 = arith.constant 640 : index
      %swap3A_162 = tpu.vector_load %arg6[%swap3A_160, %swap3A_161] {strides = array<i32>} : memref<64x1024xf32, #tpu.memory_space<vmem>>, vector<16xf32>,
      tpu.vector_store %arg6[%swap3A_160, %swap3A_161], %broadcast_in_dim3A_32 {strides = array<i32>} : memref<64x1024xf32, #tpu.memory_space<vmem>>, vector<16xf32>,
      %swap3A_163 = arith.index_cast %scan3A_40 : i32 to index
      %swap3A_164 = arith.constant 656 : index
      %swap3A_165 = tpu.vector_load %arg6[%swap3A_163, %swap3A_164] {strides = array<i32>} : memref<64x1024xf32, #tpu.memory_space<vmem>>, vector<16xf32>,
      tpu.vector_store %arg6[%swap3A_163, %swap3A_164], %broadcast_in_dim3A_32 {strides = array<i32>} : memref<64x1024xf32, #tpu.memory_space<vmem>>, vector<16xf32>,
      %swap3A_166 = arith.index_cast %scan3A_40 : i32 to index
      %swap3A_167 = arith.constant 672 : index
      %swap3A_168 = tpu.vector_load %arg6[%swap3A_166, %swap3A_167] {strides = array<i32>} : memref<64x1024xf32, #tpu.memory_space<vmem>>, vector<16xf32>,
      tpu.vector_store %arg6[%swap3A_166, %swap3A_167], %broadcast_in_dim3A_32 {strides = array<i32>} : memref<64x1024xf32, #tpu.memory_space<vmem>>, vector<16xf32>,
      %swap3A_169 = arith.index_cast %scan3A_40 : i32 to index
      %swap3A_170 = arith.constant 688 : index
      %swap3A_171 = tpu.vector_load %arg6[%swap3A_169, %swap3A_170] {strides = array<i32>} : memref<64x1024xf32, #tpu.memory_space<vmem>>, vector<16xf32>,
      tpu.vector_store %arg6[%swap3A_169, %swap3A_170], %broadcast_in_dim3A_32 {strides = array<i32>} : memref<64x1024xf32, #tpu.memory_space<vmem>>, vector<16xf32>,
      %swap3A_172 = arith.index_cast %scan3A_40 : i32 to index
      %swap3A_173 = arith.constant 704 : index
      %swap3A_174 = tpu.vector_load %arg6[%swap3A_172, %swap3A_173] {strides = array<i32>} : memref<64x1024xf32, #tpu.memory_space<vmem>>, vector<16xf32>,
      tpu.vector_store %arg6[%swap3A_172, %swap3A_173], %broadcast_in_dim3A_32 {strides = array<i32>} : memref<64x1024xf32, #tpu.memory_space<vmem>>, vector<16xf32>,
      %swap3A_175 = arith.index_cast %scan3A_40 : i32 to index
      %swap3A_176 = arith.constant 720 : index
      %swap3A_177 = tpu.vector_load %arg6[%swap3A_175, %swap3A_176] {strides = array<i32>} : memref<64x1024xf32, #tpu.memory_space<vmem>>, vector<16xf32>,
      tpu.vector_store %arg6[%swap3A_175, %swap3A_176], %broadcast_in_dim3A_32 {strides = array<i32>} : memref<64x1024xf32, #tpu.memory_space<vmem>>, vector<16xf32>,
      %swap3A_178 = arith.index_cast %scan3A_40 : i32 to index
      %swap3A_179 = arith.constant 736 : index
      %swap3A_180 = tpu.vector_load %arg6[%swap3A_178, %swap3A_179] {strides = array<i32>} : memref<64x1024xf32, #tpu.memory_space<vmem>>, vector<16xf32>,
      tpu.vector_store %arg6[%swap3A_178, %swap3A_179], %broadcast_in_dim3A_32 {strides = array<i32>} : memref<64x1024xf32, #tpu.memory_space<vmem>>, vector<16xf32>,
      %swap3A_181 = arith.index_cast %scan3A_40 : i32 to index
      %swap3A_182 = arith.constant 752 : index
      %swap3A_183 = tpu.vector_load %arg6[%swap3A_181, %swap3A_182] {strides = array<i32>} : memref<64x1024xf32, #tpu.memory_space<vmem>>, vector<16xf32>,
      tpu.vector_store %arg6[%swap3A_181, %swap3A_182], %broadcast_in_dim3A_32 {strides = array<i32>} : memref<64x1024xf32, #tpu.memory_space<vmem>>, vector<16xf32>,
      %swap3A_184 = arith.index_cast %scan3A_40 : i32 to index
      %swap3A_185 = arith.constant 768 : index
      %swap3A_186 = tpu.vector_load %arg6[%swap3A_184, %swap3A_185] {strides = array<i32>} : memref<64x1024xf32, #tpu.memory_space<vmem>>, vector<16xf32>,
      tpu.vector_store %arg6[%swap3A_184, %swap3A_185], %broadcast_in_dim3A_32 {strides = array<i32>} : memref<64x1024xf32, #tpu.memory_space<vmem>>, vector<16xf32>,
      %swap3A_187 = arith.index_cast %scan3A_40 : i32 to index
      %swap3A_188 = arith.constant 784 : index
      %swap3A_189 = tpu.vector_load %arg6[%swap3A_187, %swap3A_188] {strides = array<i32>} : memref<64x1024xf32, #tpu.memory_space<vmem>>, vector<16xf32>,
      tpu.vector_store %arg6[%swap3A_187, %swap3A_188], %broadcast_in_dim3A_32 {strides = array<i32>} : memref<64x1024xf32, #tpu.memory_space<vmem>>, vector<16xf32>,
      %swap3A_190 = arith.index_cast %scan3A_40 : i32 to index
      %swap3A_191 = arith.constant 800 : index
      %swap3A_192 = tpu.vector_load %arg6[%swap3A_190, %swap3A_191] {strides = array<i32>} : memref<64x1024xf32, #tpu.memory_space<vmem>>, vector<16xf32>,
      tpu.vector_store %arg6[%swap3A_190, %swap3A_191], %broadcast_in_dim3A_32 {strides = array<i32>} : memref<64x1024xf32, #tpu.memory_space<vmem>>, vector<16xf32>,
      %swap3A_193 = arith.index_cast %scan3A_40 : i32 to index
      %swap3A_194 = arith.constant 816 : index
      %swap3A_195 = tpu.vector_load %arg6[%swap3A_193, %swap3A_194] {strides = array<i32>} : memref<64x1024xf32, #tpu.memory_space<vmem>>, vector<16xf32>,
      tpu.vector_store %arg6[%swap3A_193, %swap3A_194], %broadcast_in_dim3A_32 {strides = array<i32>} : memref<64x1024xf32, #tpu.memory_space<vmem>>, vector<16xf32>,
      %swap3A_196 = arith.index_cast %scan3A_40 : i32 to index
      %swap3A_197 = arith.constant 832 : index
      %swap3A_198 = tpu.vector_load %arg6[%swap3A_196, %swap3A_197] {strides = array<i32>} : memref<64x1024xf32, #tpu.memory_space<vmem>>, vector<16xf32>,
      tpu.vector_store %arg6[%swap3A_196, %swap3A_197], %broadcast_in_dim3A_32 {strides = array<i32>} : memref<64x1024xf32, #tpu.memory_space<vmem>>, vector<16xf32>,
      %swap3A_199 = arith.index_cast %scan3A_40 : i32 to index
      %swap3A_200 = arith.constant 848 : index
      %swap3A_201 = tpu.vector_load %arg6[%swap3A_199, %swap3A_200] {strides = array<i32>} : memref<64x1024xf32, #tpu.memory_space<vmem>>, vector<16xf32>,
      tpu.vector_store %arg6[%swap3A_199, %swap3A_200], %broadcast_in_dim3A_32 {strides = array<i32>} : memref<64x1024xf32, #tpu.memory_space<vmem>>, vector<16xf32>,
      %swap3A_202 = arith.index_cast %scan3A_40 : i32 to index
      %swap3A_203 = arith.constant 864 : index
      %swap3A_204 = tpu.vector_load %arg6[%swap3A_202, %swap3A_203] {strides = array<i32>} : memref<64x1024xf32, #tpu.memory_space<vmem>>, vector<16xf32>,
      tpu.vector_store %arg6[%swap3A_202, %swap3A_203], %broadcast_in_dim3A_32 {strides = array<i32>} : memref<64x1024xf32, #tpu.memory_space<vmem>>, vector<16xf32>,
      %swap3A_205 = arith.index_cast %scan3A_40 : i32 to index
      %swap3A_206 = arith.constant 880 : index
      %swap3A_207 = tpu.vector_load %arg6[%swap3A_205, %swap3A_206] {strides = array<i32>} : memref<64x1024xf32, #tpu.memory_space<vmem>>, vector<16xf32>,
      tpu.vector_store %arg6[%swap3A_205, %swap3A_206], %broadcast_in_dim3A_32 {strides = array<i32>} : memref<64x1024xf32, #tpu.memory_space<vmem>>, vector<16xf32>,
      %swap3A_208 = arith.index_cast %scan3A_40 : i32 to index
      %swap3A_209 = arith.constant 896 : index
      %swap3A_210 = tpu.vector_load %arg6[%swap3A_208, %swap3A_209] {strides = array<i32>} : memref<64x1024xf32, #tpu.memory_space<vmem>>, vector<16xf32>,
      tpu.vector_store %arg6[%swap3A_208, %swap3A_209], %broadcast_in_dim3A_32 {strides = array<i32>} : memref<64x1024xf32, #tpu.memory_space<vmem>>, vector<16xf32>,
      %swap3A_211 = arith.index_cast %scan3A_40 : i32 to index
      %swap3A_212 = arith.constant 912 : index
      %swap3A_213 = tpu.vector_load %arg6[%swap3A_211, %swap3A_212] {strides = array<i32>} : memref<64x1024xf32, #tpu.memory_space<vmem>>, vector<16xf32>,
      tpu.vector_store %arg6[%swap3A_211, %swap3A_212], %broadcast_in_dim3A_32 {strides = array<i32>} : memref<64x1024xf32, #tpu.memory_space<vmem>>, vector<16xf32>,
      %swap3A_214 = arith.index_cast %scan3A_40 : i32 to index
      %swap3A_215 = arith.constant 928 : index
      %swap3A_216 = tpu.vector_load %arg6[%swap3A_214, %swap3A_215] {strides = array<i32>} : memref<64x1024xf32, #tpu.memory_space<vmem>>, vector<16xf32>,
      tpu.vector_store %arg6[%swap3A_214, %swap3A_215], %broadcast_in_dim3A_32 {strides = array<i32>} : memref<64x1024xf32, #tpu.memory_space<vmem>>, vector<16xf32>,
      %swap3A_217 = arith.index_cast %scan3A_40 : i32 to index
      %swap3A_218 = arith.constant 944 : index
      %swap3A_219 = tpu.vector_load %arg6[%swap3A_217, %swap3A_218] {strides = array<i32>} : memref<64x1024xf32, #tpu.memory_space<vmem>>, vector<16xf32>,
      tpu.vector_store %arg6[%swap3A_217, %swap3A_218], %broadcast_in_dim3A_32 {strides = array<i32>} : memref<64x1024xf32, #tpu.memory_space<vmem>>, vector<16xf32>,
      %swap3A_220 = arith.index_cast %scan3A_40 : i32 to index
      %swap3A_221 = arith.constant 960 : index
      %swap3A_222 = tpu.vector_load %arg6[%swap3A_220, %swap3A_221] {strides = array<i32>} : memref<64x1024xf32, #tpu.memory_space<vmem>>, vector<16xf32>,
      tpu.vector_store %arg6[%swap3A_220, %swap3A_221], %broadcast_in_dim3A_32 {strides = array<i32>} : memref<64x1024xf32, #tpu.memory_space<vmem>>, vector<16xf32>,
      %swap3A_223 = arith.index_cast %scan3A_40 : i32 to index
      %swap3A_224 = arith.constant 976 : index
      %swap3A_225 = tpu.vector_load %arg6[%swap3A_223, %swap3A_224] {strides = array<i32>} : memref<64x1024xf32, #tpu.memory_space<vmem>>, vector<16xf32>,
      tpu.vector_store %arg6[%swap3A_223, %swap3A_224], %broadcast_in_dim3A_32 {strides = array<i32>} : memref<64x1024xf32, #tpu.memory_space<vmem>>, vector<16xf32>,
      %swap3A_226 = arith.index_cast %scan3A_40 : i32 to index
      %swap3A_227 = arith.constant 992 : index
      %swap3A_228 = tpu.vector_load %arg6[%swap3A_226, %swap3A_227] {strides = array<i32>} : memref<64x1024xf32, #tpu.memory_space<vmem>>, vector<16xf32>,
      tpu.vector_store %arg6[%swap3A_226, %swap3A_227], %broadcast_in_dim3A_32 {strides = array<i32>} : memref<64x1024xf32, #tpu.memory_space<vmem>>, vector<16xf32>,
      %swap3A_229 = arith.index_cast %scan3A_40 : i32 to index
      %swap3A_230 = arith.constant 1008 : index
      %swap3A_231 = tpu.vector_load %arg6[%swap3A_229, %swap3A_230] {strides = array<i32>} : memref<64x1024xf32, #tpu.memory_space<vmem>>, vector<16xf32>,
      tpu.vector_store %arg6[%swap3A_229, %swap3A_230], %broadcast_in_dim3A_32 {strides = array<i32>} : memref<64x1024xf32, #tpu.memory_space<vmem>>, vector<16xf32>,
    }
    %scan3A_37 = arith.constant 64 : i32
    %parallel_loop3A = arith.constant 0 : i32
    %parallel_loop3A_38 = arith.constant 16 : i32
    %parallel_loop3A_39 = arith.constant 1 : i32
    scf.for %parallel_loop3A_40 = %parallel_loop3A to %parallel_loop3A_38 step %parallel_loop3A_39  : i32 {
      %parallel_loop3A_41 = arith.constant 4 : i32
      %parallel_loop3A_42 = arith.muli %parallel_loop3A_40, %parallel_loop3A_41 : i32
      %parallel_loop3A_43 = vector.broadcast %parallel_loop3A_42 : i32 to vector<16xi32>
      %parallel_loop3A_44 = arith.addi %parallel_loop3A_43, %shift_right_arithmetic3A_6 : vector<16xi32>
      %parallel_loop3A_45 = arith.constant 512 : i32
      %parallel_loop3A_46 = arith.muli %parallel_loop3A_40, %parallel_loop3A_45 : i32
      %parallel_loop3A_47 = vector.broadcast %parallel_loop3A_46 : i32 to vector<16xi32>
      %parallel_loop3A_48 = arith.addi %parallel_loop3A_47, %add3A_15 : vector<16xi32>
      %parallel_loop3A_49 = arith.constant 0 : i32
      %parallel_loop3A_50 = vector.broadcast %parallel_loop3A_49 : i32 to vector<16xi32>
      %parallel_loop3A_51 = arith.addi %parallel_loop3A_48, %parallel_loop3A_50 : vector<16xi32>
      %parallel_loop3A_52 = tpu.vector_load_idx %arg5[%parallel_loop3A_51] : memref<8192xi32, #tpu.memory_space<vmem>>[vector<16xi32>], vector<16xi32>,
      %parallel_loop3A_53 = arith.constant -17 : i32
      %parallel_loop3A_54 = vector.broadcast %parallel_loop3A_53 : i32 to vector<16xi32>
      %parallel_loop3A_55 = arith.addi %parallel_loop3A_52, %parallel_loop3A_54 : vector<16xi32>
      %parallel_loop3A_56 = arith.constant 0 : i32
      %parallel_loop3A_57 = arith.constant 225 : i32
      %parallel_loop3A_58 = vector.broadcast %parallel_loop3A_56 : i32 to vector<16xi32>
      %parallel_loop3A_59 = arith.maxsi %parallel_loop3A_58, %parallel_loop3A_55 : vector<16xi32>
      %parallel_loop3A_60 = vector.broadcast %parallel_loop3A_57 : i32 to vector<16xi32>
      %parallel_loop3A_61 = arith.minsi %parallel_loop3A_60, %parallel_loop3A_59 : vector<16xi32>
      %parallel_loop3A_62 = arith.constant 4 : i32
      %parallel_loop3A_63 = vector.broadcast %parallel_loop3A_62 : i32 to vector<16xi32>
      %parallel_loop3A_64 = arith.shrsi %parallel_loop3A_61, %parallel_loop3A_63 : vector<16xi32>
      %parallel_loop3A_65 = arith.constant 15 : i32
      %parallel_loop3A_66 = vector.broadcast %parallel_loop3A_65 : i32 to vector<16xi32>
      %parallel_loop3A_67 = arith.andi %parallel_loop3A_61, %parallel_loop3A_66 : vector<16xi32>
      %parallel_loop3A_68 = arith.constant 0 : i32
      %parallel_loop3A_69 = vector.broadcast %parallel_loop3A_68 : i32 to vector<16xi32>
      %parallel_loop3A_70 = arith.addi %mul3A_18, %parallel_loop3A_69 : vector<16xi32>
      %parallel_loop3A_71 = arith.sitofp %parallel_loop3A_64 : vector<16xi32> to vector<16xf32>
      %parallel_loop3A_72 = arith.constant 6.250000e-02 : f32
      %parallel_loop3A_73 = vector.broadcast %parallel_loop3A_72 : f32 to vector<16xf32>
      %parallel_loop3A_74 = arith.mulf %parallel_loop3A_71, %parallel_loop3A_73 : vector<16xf32>
      tpu.vector_store_idx %arg7[%parallel_loop3A_44, %parallel_loop3A_70], %parallel_loop3A_74 : memref<64x288xf32, #tpu.memory_space<vmem>>[vector<16xi32>, vector<16xi32>], vector<16xf32>,
      %parallel_loop3A_75 = arith.constant 0 : i32
      %parallel_loop3A_76 = vector.broadcast %parallel_loop3A_75 : i32 to vector<16xi32>
      %parallel_loop3A_77 = arith.addi %mul3A_18, %parallel_loop3A_76 : vector<16xi32>
      %parallel_loop3A_78 = arith.constant 1 : i32
      %parallel_loop3A_79 = vector.broadcast %parallel_loop3A_78 : i32 to vector<16xi32>
      %parallel_loop3A_80 = arith.addi %parallel_loop3A_77, %parallel_loop3A_79 : vector<16xi32>
      %parallel_loop3A_81 = arith.sitofp %parallel_loop3A_67 : vector<16xi32> to vector<16xf32>
      %parallel_loop3A_82 = arith.constant 6.250000e-02 : f32
      %parallel_loop3A_83 = vector.broadcast %parallel_loop3A_82 : f32 to vector<16xf32>
      %parallel_loop3A_84 = arith.mulf %parallel_loop3A_81, %parallel_loop3A_83 : vector<16xf32>
      tpu.vector_store_idx %arg7[%parallel_loop3A_44, %parallel_loop3A_80], %parallel_loop3A_84 : memref<64x288xf32, #tpu.memory_space<vmem>>[vector<16xi32>, vector<16xi32>], vector<16xf32>,
      %parallel_loop3A_85 = arith.constant 4 : i32
      %parallel_loop3A_86 = vector.broadcast %parallel_loop3A_85 : i32 to vector<16xi32>
      %parallel_loop3A_87 = arith.shli %parallel_loop3A_67, %parallel_loop3A_86 : vector<16xi32>
      %parallel_loop3A_88 = arith.addi %parallel_loop3A_87, %parallel_loop3A_64 : vector<16xi32>
      %parallel_loop3A_89 = arith.constant 1 : i32
      %parallel_loop3A_90 = vector.broadcast %parallel_loop3A_89 : i32 to vector<16xi32>
      %parallel_loop3A_91 = arith.cmpi sge, %parallel_loop3A_64, %parallel_loop3A_90 : vector<16xi32>
      %parallel_loop3A_92 = arith.constant 1 : i32
      %parallel_loop3A_93 = vector.broadcast %parallel_loop3A_92 : i32 to vector<16xi32>
      %parallel_loop3A_94 = arith.cmpi sge, %parallel_loop3A_67, %parallel_loop3A_93 : vector<16xi32>
      %parallel_loop3A_95 = arith.addi %mul3A_21, %parallel_loop3A_88 : vector<16xi32>
      tpu.vector_store_idx %arg6[%parallel_loop3A_44, %parallel_loop3A_95], %broadcast_in_dim3A_30 {add = true} : memref<64x1024xf32, #tpu.memory_space<vmem>>[vector<16xi32>, vector<16xi32>], vector<16xf32>,
      %parallel_loop3A_96 = arith.addi %sub3A_23, %parallel_loop3A_88 : vector<16xi32>
      tpu.vector_store_idx %arg6[%parallel_loop3A_44, %parallel_loop3A_96], %broadcast_in_dim3A_30 masked %parallel_loop3A_94 {add = true} : memref<64x1024xf32, #tpu.memory_space<vmem>>[vector<16xi32>, vector<16xi32>], vector<16xf32>, vector<16xi1>
      %parallel_loop3A_97 = arith.addi %sub3A_26, %parallel_loop3A_88 : vector<16xi32>
      tpu.vector_store_idx %arg6[%parallel_loop3A_44, %parallel_loop3A_97], %broadcast_in_dim3A_30 masked %parallel_loop3A_91 {add = true} : memref<64x1024xf32, #tpu.memory_space<vmem>>[vector<16xi32>, vector<16xi32>], vector<16xf32>, vector<16xi1>
      %parallel_loop3A_98 = arith.addi %sub3A_29, %parallel_loop3A_88 : vector<16xi32>
      %parallel_loop3A_99 = arith.andi %parallel_loop3A_91, %parallel_loop3A_94 : vector<16xi1>
      tpu.vector_store_idx %arg6[%parallel_loop3A_44, %parallel_loop3A_98], %broadcast_in_dim3A_30 masked %parallel_loop3A_99 {add = true} : memref<64x1024xf32, #tpu.memory_space<vmem>>[vector<16xi32>, vector<16xi32>], vector<16xf32>, vector<16xi1>
      %parallel_loop3A_100 = arith.constant -16 : i32
      %parallel_loop3A_101 = vector.broadcast %parallel_loop3A_100 : i32 to vector<16xi32>
      %parallel_loop3A_102 = arith.addi %parallel_loop3A_52, %parallel_loop3A_101 : vector<16xi32>
      %parallel_loop3A_103 = arith.constant 0 : i32
      %parallel_loop3A_104 = arith.constant 225 : i32
      %parallel_loop3A_105 = vector.broadcast %parallel_loop3A_103 : i32 to vector<16xi32>
      %parallel_loop3A_106 = arith.maxsi %parallel_loop3A_105, %parallel_loop3A_102 : vector<16xi32>
      %parallel_loop3A_107 = vector.broadcast %parallel_loop3A_104 : i32 to vector<16xi32>
      %parallel_loop3A_108 = arith.minsi %parallel_loop3A_107, %parallel_loop3A_106 : vector<16xi32>
      %parallel_loop3A_109 = arith.constant 4 : i32
      %parallel_loop3A_110 = vector.broadcast %parallel_loop3A_109 : i32 to vector<16xi32>
      %parallel_loop3A_111 = arith.shrsi %parallel_loop3A_108, %parallel_loop3A_110 : vector<16xi32>
      %parallel_loop3A_112 = arith.constant 15 : i32
      %parallel_loop3A_113 = vector.broadcast %parallel_loop3A_112 : i32 to vector<16xi32>
      %parallel_loop3A_114 = arith.andi %parallel_loop3A_108, %parallel_loop3A_113 : vector<16xi32>
      %parallel_loop3A_115 = arith.constant 8 : i32
      %parallel_loop3A_116 = vector.broadcast %parallel_loop3A_115 : i32 to vector<16xi32>
      %parallel_loop3A_117 = arith.addi %mul3A_18, %parallel_loop3A_116 : vector<16xi32>
      %parallel_loop3A_118 = arith.sitofp %parallel_loop3A_111 : vector<16xi32> to vector<16xf32>
      %parallel_loop3A_119 = arith.constant 6.250000e-02 : f32
      %parallel_loop3A_120 = vector.broadcast %parallel_loop3A_119 : f32 to vector<16xf32>
      %parallel_loop3A_121 = arith.mulf %parallel_loop3A_118, %parallel_loop3A_120 : vector<16xf32>
      tpu.vector_store_idx %arg7[%parallel_loop3A_44, %parallel_loop3A_117], %parallel_loop3A_121 : memref<64x288xf32, #tpu.memory_space<vmem>>[vector<16xi32>, vector<16xi32>], vector<16xf32>,
      %parallel_loop3A_122 = arith.constant 8 : i32
      %parallel_loop3A_123 = vector.broadcast %parallel_loop3A_122 : i32 to vector<16xi32>
      %parallel_loop3A_124 = arith.addi %mul3A_18, %parallel_loop3A_123 : vector<16xi32>
      %parallel_loop3A_125 = arith.constant 1 : i32
      %parallel_loop3A_126 = vector.broadcast %parallel_loop3A_125 : i32 to vector<16xi32>
      %parallel_loop3A_127 = arith.addi %parallel_loop3A_124, %parallel_loop3A_126 : vector<16xi32>
      %parallel_loop3A_128 = arith.sitofp %parallel_loop3A_114 : vector<16xi32> to vector<16xf32>
      %parallel_loop3A_129 = arith.constant 6.250000e-02 : f32
      %parallel_loop3A_130 = vector.broadcast %parallel_loop3A_129 : f32 to vector<16xf32>
      %parallel_loop3A_131 = arith.mulf %parallel_loop3A_128, %parallel_loop3A_130 : vector<16xf32>
      tpu.vector_store_idx %arg7[%parallel_loop3A_44, %parallel_loop3A_127], %parallel_loop3A_131 : memref<64x288xf32, #tpu.memory_space<vmem>>[vector<16xi32>, vector<16xi32>], vector<16xf32>,
      %parallel_loop3A_132 = arith.constant 4 : i32
      %parallel_loop3A_133 = vector.broadcast %parallel_loop3A_132 : i32 to vector<16xi32>
      %parallel_loop3A_134 = arith.shli %parallel_loop3A_114, %parallel_loop3A_133 : vector<16xi32>
      %parallel_loop3A_135 = arith.addi %parallel_loop3A_134, %parallel_loop3A_111 : vector<16xi32>
      %parallel_loop3A_136 = arith.constant 1 : i32
      %parallel_loop3A_137 = vector.broadcast %parallel_loop3A_136 : i32 to vector<16xi32>
      %parallel_loop3A_138 = arith.cmpi sge, %parallel_loop3A_111, %parallel_loop3A_137 : vector<16xi32>
      %parallel_loop3A_139 = arith.constant 1 : i32
      %parallel_loop3A_140 = vector.broadcast %parallel_loop3A_139 : i32 to vector<16xi32>
      %parallel_loop3A_141 = arith.cmpi sge, %parallel_loop3A_114, %parallel_loop3A_140 : vector<16xi32>
      %parallel_loop3A_142 = arith.addi %mul3A_21, %parallel_loop3A_135 : vector<16xi32>
      tpu.vector_store_idx %arg6[%parallel_loop3A_44, %parallel_loop3A_142], %broadcast_in_dim3A_30 {add = true} : memref<64x1024xf32, #tpu.memory_space<vmem>>[vector<16xi32>, vector<16xi32>], vector<16xf32>,
      %parallel_loop3A_143 = arith.addi %sub3A_23, %parallel_loop3A_135 : vector<16xi32>
      tpu.vector_store_idx %arg6[%parallel_loop3A_44, %parallel_loop3A_143], %broadcast_in_dim3A_30 masked %parallel_loop3A_141 {add = true} : memref<64x1024xf32, #tpu.memory_space<vmem>>[vector<16xi32>, vector<16xi32>], vector<16xf32>, vector<16xi1>
      %parallel_loop3A_144 = arith.addi %sub3A_26, %parallel_loop3A_135 : vector<16xi32>
      tpu.vector_store_idx %arg6[%parallel_loop3A_44, %parallel_loop3A_144], %broadcast_in_dim3A_30 masked %parallel_loop3A_138 {add = true} : memref<64x1024xf32, #tpu.memory_space<vmem>>[vector<16xi32>, vector<16xi32>], vector<16xf32>, vector<16xi1>
      %parallel_loop3A_145 = arith.addi %sub3A_29, %parallel_loop3A_135 : vector<16xi32>
      %parallel_loop3A_146 = arith.andi %parallel_loop3A_138, %parallel_loop3A_141 : vector<16xi1>
      tpu.vector_store_idx %arg6[%parallel_loop3A_44, %parallel_loop3A_145], %broadcast_in_dim3A_30 masked %parallel_loop3A_146 {add = true} : memref<64x1024xf32, #tpu.memory_space<vmem>>[vector<16xi32>, vector<16xi32>], vector<16xf32>, vector<16xi1>
      %parallel_loop3A_147 = arith.constant -15 : i32
      %parallel_loop3A_148 = vector.broadcast %parallel_loop3A_147 : i32 to vector<16xi32>
      %parallel_loop3A_149 = arith.addi %parallel_loop3A_52, %parallel_loop3A_148 : vector<16xi32>
      %parallel_loop3A_150 = arith.constant 0 : i32
      %parallel_loop3A_151 = arith.constant 225 : i32
      %parallel_loop3A_152 = vector.broadcast %parallel_loop3A_150 : i32 to vector<16xi32>
      %parallel_loop3A_153 = arith.maxsi %parallel_loop3A_152, %parallel_loop3A_149 : vector<16xi32>
      %parallel_loop3A_154 = vector.broadcast %parallel_loop3A_151 : i32 to vector<16xi32>
      %parallel_loop3A_155 = arith.minsi %parallel_loop3A_154, %parallel_loop3A_153 : vector<16xi32>
      %parallel_loop3A_156 = arith.constant 4 : i32
      %parallel_loop3A_157 = vector.broadcast %parallel_loop3A_156 : i32 to vector<16xi32>
      %parallel_loop3A_158 = arith.shrsi %parallel_loop3A_155, %parallel_loop3A_157 : vector<16xi32>
      %parallel_loop3A_159 = arith.constant 15 : i32
      %parallel_loop3A_160 = vector.broadcast %parallel_loop3A_159 : i32 to vector<16xi32>
      %parallel_loop3A_161 = arith.andi %parallel_loop3A_155, %parallel_loop3A_160 : vector<16xi32>
      %parallel_loop3A_162 = arith.constant 16 : i32
      %parallel_loop3A_163 = vector.broadcast %parallel_loop3A_162 : i32 to vector<16xi32>
      %parallel_loop3A_164 = arith.addi %mul3A_18, %parallel_loop3A_163 : vector<16xi32>
      %parallel_loop3A_165 = arith.sitofp %parallel_loop3A_158 : vector<16xi32> to vector<16xf32>
      %parallel_loop3A_166 = arith.constant 6.250000e-02 : f32
      %parallel_loop3A_167 = vector.broadcast %parallel_loop3A_166 : f32 to vector<16xf32>
      %parallel_loop3A_168 = arith.mulf %parallel_loop3A_165, %parallel_loop3A_167 : vector<16xf32>
      tpu.vector_store_idx %arg7[%parallel_loop3A_44, %parallel_loop3A_164], %parallel_loop3A_168 : memref<64x288xf32, #tpu.memory_space<vmem>>[vector<16xi32>, vector<16xi32>], vector<16xf32>,
      %parallel_loop3A_169 = arith.constant 16 : i32
      %parallel_loop3A_170 = vector.broadcast %parallel_loop3A_169 : i32 to vector<16xi32>
      %parallel_loop3A_171 = arith.addi %mul3A_18, %parallel_loop3A_170 : vector<16xi32>
      %parallel_loop3A_172 = arith.constant 1 : i32
      %parallel_loop3A_173 = vector.broadcast %parallel_loop3A_172 : i32 to vector<16xi32>
      %parallel_loop3A_174 = arith.addi %parallel_loop3A_171, %parallel_loop3A_173 : vector<16xi32>
      %parallel_loop3A_175 = arith.sitofp %parallel_loop3A_161 : vector<16xi32> to vector<16xf32>
      %parallel_loop3A_176 = arith.constant 6.250000e-02 : f32
      %parallel_loop3A_177 = vector.broadcast %parallel_loop3A_176 : f32 to vector<16xf32>
      %parallel_loop3A_178 = arith.mulf %parallel_loop3A_175, %parallel_loop3A_177 : vector<16xf32>
      tpu.vector_store_idx %arg7[%parallel_loop3A_44, %parallel_loop3A_174], %parallel_loop3A_178 : memref<64x288xf32, #tpu.memory_space<vmem>>[vector<16xi32>, vector<16xi32>], vector<16xf32>,
      %parallel_loop3A_179 = arith.constant 4 : i32
      %parallel_loop3A_180 = vector.broadcast %parallel_loop3A_179 : i32 to vector<16xi32>
      %parallel_loop3A_181 = arith.shli %parallel_loop3A_161, %parallel_loop3A_180 : vector<16xi32>
      %parallel_loop3A_182 = arith.addi %parallel_loop3A_181, %parallel_loop3A_158 : vector<16xi32>
      %parallel_loop3A_183 = arith.constant 1 : i32
      %parallel_loop3A_184 = vector.broadcast %parallel_loop3A_183 : i32 to vector<16xi32>
      %parallel_loop3A_185 = arith.cmpi sge, %parallel_loop3A_158, %parallel_loop3A_184 : vector<16xi32>
      %parallel_loop3A_186 = arith.constant 1 : i32
      %parallel_loop3A_187 = vector.broadcast %parallel_loop3A_186 : i32 to vector<16xi32>
      %parallel_loop3A_188 = arith.cmpi sge, %parallel_loop3A_161, %parallel_loop3A_187 : vector<16xi32>
      %parallel_loop3A_189 = arith.addi %mul3A_21, %parallel_loop3A_182 : vector<16xi32>
      tpu.vector_store_idx %arg6[%parallel_loop3A_44, %parallel_loop3A_189], %broadcast_in_dim3A_30 {add = true} : memref<64x1024xf32, #tpu.memory_space<vmem>>[vector<16xi32>, vector<16xi32>], vector<16xf32>,
      %parallel_loop3A_190 = arith.addi %sub3A_23, %parallel_loop3A_182 : vector<16xi32>
      tpu.vector_store_idx %arg6[%parallel_loop3A_44, %parallel_loop3A_190], %broadcast_in_dim3A_30 masked %parallel_loop3A_188 {add = true} : memref<64x1024xf32, #tpu.memory_space<vmem>>[vector<16xi32>, vector<16xi32>], vector<16xf32>, vector<16xi1>
      %parallel_loop3A_191 = arith.addi %sub3A_26, %parallel_loop3A_182 : vector<16xi32>
      tpu.vector_store_idx %arg6[%parallel_loop3A_44, %parallel_loop3A_191], %broadcast_in_dim3A_30 masked %parallel_loop3A_185 {add = true} : memref<64x1024xf32, #tpu.memory_space<vmem>>[vector<16xi32>, vector<16xi32>], vector<16xf32>, vector<16xi1>
      %parallel_loop3A_192 = arith.addi %sub3A_29, %parallel_loop3A_182 : vector<16xi32>
      %parallel_loop3A_193 = arith.andi %parallel_loop3A_185, %parallel_loop3A_188 : vector<16xi1>
      tpu.vector_store_idx %arg6[%parallel_loop3A_44, %parallel_loop3A_192], %broadcast_in_dim3A_30 masked %parallel_loop3A_193 {add = true} : memref<64x1024xf32, #tpu.memory_space<vmem>>[vector<16xi32>, vector<16xi32>], vector<16xf32>, vector<16xi1>
      %parallel_loop3A_194 = arith.constant -1 : i32
      %parallel_loop3A_195 = vector.broadcast %parallel_loop3A_194 : i32 to vector<16xi32>
      %parallel_loop3A_196 = arith.addi %parallel_loop3A_52, %parallel_loop3A_195 : vector<16xi32>
      %parallel_loop3A_197 = arith.constant 0 : i32
      %parallel_loop3A_198 = arith.constant 225 : i32
      %parallel_loop3A_199 = vector.broadcast %parallel_loop3A_197 : i32 to vector<16xi32>
      %parallel_loop3A_200 = arith.maxsi %parallel_loop3A_199, %parallel_loop3A_196 : vector<16xi32>
      %parallel_loop3A_201 = vector.broadcast %parallel_loop3A_198 : i32 to vector<16xi32>
      %parallel_loop3A_202 = arith.minsi %parallel_loop3A_201, %parallel_loop3A_200 : vector<16xi32>
      %parallel_loop3A_203 = arith.constant 4 : i32
      %parallel_loop3A_204 = vector.broadcast %parallel_loop3A_203 : i32 to vector<16xi32>
      %parallel_loop3A_205 = arith.shrsi %parallel_loop3A_202, %parallel_loop3A_204 : vector<16xi32>
      %parallel_loop3A_206 = arith.constant 15 : i32
      %parallel_loop3A_207 = vector.broadcast %parallel_loop3A_206 : i32 to vector<16xi32>
      %parallel_loop3A_208 = arith.andi %parallel_loop3A_202, %parallel_loop3A_207 : vector<16xi32>
      %parallel_loop3A_209 = arith.constant 24 : i32
      %parallel_loop3A_210 = vector.broadcast %parallel_loop3A_209 : i32 to vector<16xi32>
      %parallel_loop3A_211 = arith.addi %mul3A_18, %parallel_loop3A_210 : vector<16xi32>
      %parallel_loop3A_212 = arith.sitofp %parallel_loop3A_205 : vector<16xi32> to vector<16xf32>
      %parallel_loop3A_213 = arith.constant 6.250000e-02 : f32
      %parallel_loop3A_214 = vector.broadcast %parallel_loop3A_213 : f32 to vector<16xf32>
      %parallel_loop3A_215 = arith.mulf %parallel_loop3A_212, %parallel_loop3A_214 : vector<16xf32>
      tpu.vector_store_idx %arg7[%parallel_loop3A_44, %parallel_loop3A_211], %parallel_loop3A_215 : memref<64x288xf32, #tpu.memory_space<vmem>>[vector<16xi32>, vector<16xi32>], vector<16xf32>,
      %parallel_loop3A_216 = arith.constant 24 : i32
      %parallel_loop3A_217 = vector.broadcast %parallel_loop3A_216 : i32 to vector<16xi32>
      %parallel_loop3A_218 = arith.addi %mul3A_18, %parallel_loop3A_217 : vector<16xi32>
      %parallel_loop3A_219 = arith.constant 1 : i32
      %parallel_loop3A_220 = vector.broadcast %parallel_loop3A_219 : i32 to vector<16xi32>
      %parallel_loop3A_221 = arith.addi %parallel_loop3A_218, %parallel_loop3A_220 : vector<16xi32>
      %parallel_loop3A_222 = arith.sitofp %parallel_loop3A_208 : vector<16xi32> to vector<16xf32>
      %parallel_loop3A_223 = arith.constant 6.250000e-02 : f32
      %parallel_loop3A_224 = vector.broadcast %parallel_loop3A_223 : f32 to vector<16xf32>
      %parallel_loop3A_225 = arith.mulf %parallel_loop3A_222, %parallel_loop3A_224 : vector<16xf32>
      tpu.vector_store_idx %arg7[%parallel_loop3A_44, %parallel_loop3A_221], %parallel_loop3A_225 : memref<64x288xf32, #tpu.memory_space<vmem>>[vector<16xi32>, vector<16xi32>], vector<16xf32>,
      %parallel_loop3A_226 = arith.constant 4 : i32
      %parallel_loop3A_227 = vector.broadcast %parallel_loop3A_226 : i32 to vector<16xi32>
      %parallel_loop3A_228 = arith.shli %parallel_loop3A_208, %parallel_loop3A_227 : vector<16xi32>
      %parallel_loop3A_229 = arith.addi %parallel_loop3A_228, %parallel_loop3A_205 : vector<16xi32>
      %parallel_loop3A_230 = arith.constant 1 : i32
      %parallel_loop3A_231 = vector.broadcast %parallel_loop3A_230 : i32 to vector<16xi32>
      %parallel_loop3A_232 = arith.cmpi sge, %parallel_loop3A_205, %parallel_loop3A_231 : vector<16xi32>
      %parallel_loop3A_233 = arith.constant 1 : i32
      %parallel_loop3A_234 = vector.broadcast %parallel_loop3A_233 : i32 to vector<16xi32>
      %parallel_loop3A_235 = arith.cmpi sge, %parallel_loop3A_208, %parallel_loop3A_234 : vector<16xi32>
      %parallel_loop3A_236 = arith.addi %mul3A_21, %parallel_loop3A_229 : vector<16xi32>
      tpu.vector_store_idx %arg6[%parallel_loop3A_44, %parallel_loop3A_236], %broadcast_in_dim3A_30 {add = true} : memref<64x1024xf32, #tpu.memory_space<vmem>>[vector<16xi32>, vector<16xi32>], vector<16xf32>,
      %parallel_loop3A_237 = arith.addi %sub3A_23, %parallel_loop3A_229 : vector<16xi32>
      tpu.vector_store_idx %arg6[%parallel_loop3A_44, %parallel_loop3A_237], %broadcast_in_dim3A_30 masked %parallel_loop3A_235 {add = true} : memref<64x1024xf32, #tpu.memory_space<vmem>>[vector<16xi32>, vector<16xi32>], vector<16xf32>, vector<16xi1>
      %parallel_loop3A_238 = arith.addi %sub3A_26, %parallel_loop3A_229 : vector<16xi32>
      tpu.vector_store_idx %arg6[%parallel_loop3A_44, %parallel_loop3A_238], %broadcast_in_dim3A_30 masked %parallel_loop3A_232 {add = true} : memref<64x1024xf32, #tpu.memory_space<vmem>>[vector<16xi32>, vector<16xi32>], vector<16xf32>, vector<16xi1>
      %parallel_loop3A_239 = arith.addi %sub3A_29, %parallel_loop3A_229 : vector<16xi32>
      %parallel_loop3A_240 = arith.andi %parallel_loop3A_232, %parallel_loop3A_235 : vector<16xi1>
      tpu.vector_store_idx %arg6[%parallel_loop3A_44, %parallel_loop3A_239], %broadcast_in_dim3A_30 masked %parallel_loop3A_240 {add = true} : memref<64x1024xf32, #tpu.memory_space<vmem>>[vector<16xi32>, vector<16xi32>], vector<16xf32>, vector<16xi1>
      %parallel_loop3A_241 = arith.constant 0 : i32
      %parallel_loop3A_242 = vector.broadcast %parallel_loop3A_241 : i32 to vector<16xi32>
      %parallel_loop3A_243 = arith.addi %parallel_loop3A_52, %parallel_loop3A_242 : vector<16xi32>
      %parallel_loop3A_244 = arith.constant 0 : i32
      %parallel_loop3A_245 = arith.constant 225 : i32
      %parallel_loop3A_246 = vector.broadcast %parallel_loop3A_244 : i32 to vector<16xi32>
      %parallel_loop3A_247 = arith.maxsi %parallel_loop3A_246, %parallel_loop3A_243 : vector<16xi32>
      %parallel_loop3A_248 = vector.broadcast %parallel_loop3A_245 : i32 to vector<16xi32>
      %parallel_loop3A_249 = arith.minsi %parallel_loop3A_248, %parallel_loop3A_247 : vector<16xi32>
      %parallel_loop3A_250 = arith.constant 4 : i32
      %parallel_loop3A_251 = vector.broadcast %parallel_loop3A_250 : i32 to vector<16xi32>
      %parallel_loop3A_252 = arith.shrsi %parallel_loop3A_249, %parallel_loop3A_251 : vector<16xi32>
      %parallel_loop3A_253 = arith.constant 15 : i32
      %parallel_loop3A_254 = vector.broadcast %parallel_loop3A_253 : i32 to vector<16xi32>
      %parallel_loop3A_255 = arith.andi %parallel_loop3A_249, %parallel_loop3A_254 : vector<16xi32>
      %parallel_loop3A_256 = arith.constant 32 : i32
      %parallel_loop3A_257 = vector.broadcast %parallel_loop3A_256 : i32 to vector<16xi32>
      %parallel_loop3A_258 = arith.addi %mul3A_18, %parallel_loop3A_257 : vector<16xi32>
      %parallel_loop3A_259 = arith.sitofp %parallel_loop3A_252 : vector<16xi32> to vector<16xf32>
      %parallel_loop3A_260 = arith.constant 6.250000e-02 : f32
      %parallel_loop3A_261 = vector.broadcast %parallel_loop3A_260 : f32 to vector<16xf32>
      %parallel_loop3A_262 = arith.mulf %parallel_loop3A_259, %parallel_loop3A_261 : vector<16xf32>
      tpu.vector_store_idx %arg7[%parallel_loop3A_44, %parallel_loop3A_258], %parallel_loop3A_262 : memref<64x288xf32, #tpu.memory_space<vmem>>[vector<16xi32>, vector<16xi32>], vector<16xf32>,
      %parallel_loop3A_263 = arith.constant 32 : i32
      %parallel_loop3A_264 = vector.broadcast %parallel_loop3A_263 : i32 to vector<16xi32>
      %parallel_loop3A_265 = arith.addi %mul3A_18, %parallel_loop3A_264 : vector<16xi32>
      %parallel_loop3A_266 = arith.constant 1 : i32
      %parallel_loop3A_267 = vector.broadcast %parallel_loop3A_266 : i32 to vector<16xi32>
      %parallel_loop3A_268 = arith.addi %parallel_loop3A_265, %parallel_loop3A_267 : vector<16xi32>
      %parallel_loop3A_269 = arith.sitofp %parallel_loop3A_255 : vector<16xi32> to vector<16xf32>
      %parallel_loop3A_270 = arith.constant 6.250000e-02 : f32
      %parallel_loop3A_271 = vector.broadcast %parallel_loop3A_270 : f32 to vector<16xf32>
      %parallel_loop3A_272 = arith.mulf %parallel_loop3A_269, %parallel_loop3A_271 : vector<16xf32>
      tpu.vector_store_idx %arg7[%parallel_loop3A_44, %parallel_loop3A_268], %parallel_loop3A_272 : memref<64x288xf32, #tpu.memory_space<vmem>>[vector<16xi32>, vector<16xi32>], vector<16xf32>,
      %parallel_loop3A_273 = arith.constant 4 : i32
      %parallel_loop3A_274 = vector.broadcast %parallel_loop3A_273 : i32 to vector<16xi32>
      %parallel_loop3A_275 = arith.shli %parallel_loop3A_255, %parallel_loop3A_274 : vector<16xi32>
      %parallel_loop3A_276 = arith.addi %parallel_loop3A_275, %parallel_loop3A_252 : vector<16xi32>
      %parallel_loop3A_277 = arith.constant 1 : i32
      %parallel_loop3A_278 = vector.broadcast %parallel_loop3A_277 : i32 to vector<16xi32>
      %parallel_loop3A_279 = arith.cmpi sge, %parallel_loop3A_252, %parallel_loop3A_278 : vector<16xi32>
      %parallel_loop3A_280 = arith.constant 1 : i32
      %parallel_loop3A_281 = vector.broadcast %parallel_loop3A_280 : i32 to vector<16xi32>
      %parallel_loop3A_282 = arith.cmpi sge, %parallel_loop3A_255, %parallel_loop3A_281 : vector<16xi32>
      %parallel_loop3A_283 = arith.addi %mul3A_21, %parallel_loop3A_276 : vector<16xi32>
      tpu.vector_store_idx %arg6[%parallel_loop3A_44, %parallel_loop3A_283], %broadcast_in_dim3A_30 {add = true} : memref<64x1024xf32, #tpu.memory_space<vmem>>[vector<16xi32>, vector<16xi32>], vector<16xf32>,
      %parallel_loop3A_284 = arith.addi %sub3A_23, %parallel_loop3A_276 : vector<16xi32>
      tpu.vector_store_idx %arg6[%parallel_loop3A_44, %parallel_loop3A_284], %broadcast_in_dim3A_30 masked %parallel_loop3A_282 {add = true} : memref<64x1024xf32, #tpu.memory_space<vmem>>[vector<16xi32>, vector<16xi32>], vector<16xf32>, vector<16xi1>
      %parallel_loop3A_285 = arith.addi %sub3A_26, %parallel_loop3A_276 : vector<16xi32>
      tpu.vector_store_idx %arg6[%parallel_loop3A_44, %parallel_loop3A_285], %broadcast_in_dim3A_30 masked %parallel_loop3A_279 {add = true} : memref<64x1024xf32, #tpu.memory_space<vmem>>[vector<16xi32>, vector<16xi32>], vector<16xf32>, vector<16xi1>
      %parallel_loop3A_286 = arith.addi %sub3A_29, %parallel_loop3A_276 : vector<16xi32>
      %parallel_loop3A_287 = arith.andi %parallel_loop3A_279, %parallel_loop3A_282 : vector<16xi1>
      tpu.vector_store_idx %arg6[%parallel_loop3A_44, %parallel_loop3A_286], %broadcast_in_dim3A_30 masked %parallel_loop3A_287 {add = true} : memref<64x1024xf32, #tpu.memory_space<vmem>>[vector<16xi32>, vector<16xi32>], vector<16xf32>, vector<16xi1>
      %parallel_loop3A_288 = arith.constant 1 : i32
      %parallel_loop3A_289 = vector.broadcast %parallel_loop3A_288 : i32 to vector<16xi32>
      %parallel_loop3A_290 = arith.addi %parallel_loop3A_52, %parallel_loop3A_289 : vector<16xi32>
      %parallel_loop3A_291 = arith.constant 0 : i32
      %parallel_loop3A_292 = arith.constant 225 : i32
      %parallel_loop3A_293 = vector.broadcast %parallel_loop3A_291 : i32 to vector<16xi32>
      %parallel_loop3A_294 = arith.maxsi %parallel_loop3A_293, %parallel_loop3A_290 : vector<16xi32>
      %parallel_loop3A_295 = vector.broadcast %parallel_loop3A_292 : i32 to vector<16xi32>
      %parallel_loop3A_296 = arith.minsi %parallel_loop3A_295, %parallel_loop3A_294 : vector<16xi32>
      %parallel_loop3A_297 = arith.constant 4 : i32
      %parallel_loop3A_298 = vector.broadcast %parallel_loop3A_297 : i32 to vector<16xi32>
      %parallel_loop3A_299 = arith.shrsi %parallel_loop3A_296, %parallel_loop3A_298 : vector<16xi32>
      %parallel_loop3A_300 = arith.constant 15 : i32
      %parallel_loop3A_301 = vector.broadcast %parallel_loop3A_300 : i32 to vector<16xi32>
      %parallel_loop3A_302 = arith.andi %parallel_loop3A_296, %parallel_loop3A_301 : vector<16xi32>
      %parallel_loop3A_303 = arith.constant 40 : i32
      %parallel_loop3A_304 = vector.broadcast %parallel_loop3A_303 : i32 to vector<16xi32>
      %parallel_loop3A_305 = arith.addi %mul3A_18, %parallel_loop3A_304 : vector<16xi32>
      %parallel_loop3A_306 = arith.sitofp %parallel_loop3A_299 : vector<16xi32> to vector<16xf32>
      %parallel_loop3A_307 = arith.constant 6.250000e-02 : f32
      %parallel_loop3A_308 = vector.broadcast %parallel_loop3A_307 : f32 to vector<16xf32>
      %parallel_loop3A_309 = arith.mulf %parallel_loop3A_306, %parallel_loop3A_308 : vector<16xf32>
      tpu.vector_store_idx %arg7[%parallel_loop3A_44, %parallel_loop3A_305], %parallel_loop3A_309 : memref<64x288xf32, #tpu.memory_space<vmem>>[vector<16xi32>, vector<16xi32>], vector<16xf32>,
      %parallel_loop3A_310 = arith.constant 40 : i32
      %parallel_loop3A_311 = vector.broadcast %parallel_loop3A_310 : i32 to vector<16xi32>
      %parallel_loop3A_312 = arith.addi %mul3A_18, %parallel_loop3A_311 : vector<16xi32>
      %parallel_loop3A_313 = arith.constant 1 : i32
      %parallel_loop3A_314 = vector.broadcast %parallel_loop3A_313 : i32 to vector<16xi32>
      %parallel_loop3A_315 = arith.addi %parallel_loop3A_312, %parallel_loop3A_314 : vector<16xi32>
      %parallel_loop3A_316 = arith.sitofp %parallel_loop3A_302 : vector<16xi32> to vector<16xf32>
      %parallel_loop3A_317 = arith.constant 6.250000e-02 : f32
      %parallel_loop3A_318 = vector.broadcast %parallel_loop3A_317 : f32 to vector<16xf32>
      %parallel_loop3A_319 = arith.mulf %parallel_loop3A_316, %parallel_loop3A_318 : vector<16xf32>
      tpu.vector_store_idx %arg7[%parallel_loop3A_44, %parallel_loop3A_315], %parallel_loop3A_319 : memref<64x288xf32, #tpu.memory_space<vmem>>[vector<16xi32>, vector<16xi32>], vector<16xf32>,
      %parallel_loop3A_320 = arith.constant 4 : i32
      %parallel_loop3A_321 = vector.broadcast %parallel_loop3A_320 : i32 to vector<16xi32>
      %parallel_loop3A_322 = arith.shli %parallel_loop3A_302, %parallel_loop3A_321 : vector<16xi32>
      %parallel_loop3A_323 = arith.addi %parallel_loop3A_322, %parallel_loop3A_299 : vector<16xi32>
      %parallel_loop3A_324 = arith.constant 1 : i32
      %parallel_loop3A_325 = vector.broadcast %parallel_loop3A_324 : i32 to vector<16xi32>
      %parallel_loop3A_326 = arith.cmpi sge, %parallel_loop3A_299, %parallel_loop3A_325 : vector<16xi32>
      %parallel_loop3A_327 = arith.constant 1 : i32
      %parallel_loop3A_328 = vector.broadcast %parallel_loop3A_327 : i32 to vector<16xi32>
      %parallel_loop3A_329 = arith.cmpi sge, %parallel_loop3A_302, %parallel_loop3A_328 : vector<16xi32>
      %parallel_loop3A_330 = arith.addi %mul3A_21, %parallel_loop3A_323 : vector<16xi32>
      tpu.vector_store_idx %arg6[%parallel_loop3A_44, %parallel_loop3A_330], %broadcast_in_dim3A_30 {add = true} : memref<64x1024xf32, #tpu.memory_space<vmem>>[vector<16xi32>, vector<16xi32>], vector<16xf32>,
      %parallel_loop3A_331 = arith.addi %sub3A_23, %parallel_loop3A_323 : vector<16xi32>
      tpu.vector_store_idx %arg6[%parallel_loop3A_44, %parallel_loop3A_331], %broadcast_in_dim3A_30 masked %parallel_loop3A_329 {add = true} : memref<64x1024xf32, #tpu.memory_space<vmem>>[vector<16xi32>, vector<16xi32>], vector<16xf32>, vector<16xi1>
      %parallel_loop3A_332 = arith.addi %sub3A_26, %parallel_loop3A_323 : vector<16xi32>
      tpu.vector_store_idx %arg6[%parallel_loop3A_44, %parallel_loop3A_332], %broadcast_in_dim3A_30 masked %parallel_loop3A_326 {add = true} : memref<64x1024xf32, #tpu.memory_space<vmem>>[vector<16xi32>, vector<16xi32>], vector<16xf32>, vector<16xi1>
      %parallel_loop3A_333 = arith.addi %sub3A_29, %parallel_loop3A_323 : vector<16xi32>
      %parallel_loop3A_334 = arith.andi %parallel_loop3A_326, %parallel_loop3A_329 : vector<16xi1>
      tpu.vector_store_idx %arg6[%parallel_loop3A_44, %parallel_loop3A_333], %broadcast_in_dim3A_30 masked %parallel_loop3A_334 {add = true} : memref<64x1024xf32, #tpu.memory_space<vmem>>[vector<16xi32>, vector<16xi32>], vector<16xf32>, vector<16xi1>
      %parallel_loop3A_335 = arith.constant 15 : i32
      %parallel_loop3A_336 = vector.broadcast %parallel_loop3A_335 : i32 to vector<16xi32>
      %parallel_loop3A_337 = arith.addi %parallel_loop3A_52, %parallel_loop3A_336 : vector<16xi32>
      %parallel_loop3A_338 = arith.constant 0 : i32
      %parallel_loop3A_339 = arith.constant 225 : i32
      %parallel_loop3A_340 = vector.broadcast %parallel_loop3A_338 : i32 to vector<16xi32>
      %parallel_loop3A_341 = arith.maxsi %parallel_loop3A_340, %parallel_loop3A_337 : vector<16xi32>
      %parallel_loop3A_342 = vector.broadcast %parallel_loop3A_339 : i32 to vector<16xi32>
      %parallel_loop3A_343 = arith.minsi %parallel_loop3A_342, %parallel_loop3A_341 : vector<16xi32>
      %parallel_loop3A_344 = arith.constant 4 : i32
      %parallel_loop3A_345 = vector.broadcast %parallel_loop3A_344 : i32 to vector<16xi32>
      %parallel_loop3A_346 = arith.shrsi %parallel_loop3A_343, %parallel_loop3A_345 : vector<16xi32>
      %parallel_loop3A_347 = arith.constant 15 : i32
      %parallel_loop3A_348 = vector.broadcast %parallel_loop3A_347 : i32 to vector<16xi32>
      %parallel_loop3A_349 = arith.andi %parallel_loop3A_343, %parallel_loop3A_348 : vector<16xi32>
      %parallel_loop3A_350 = arith.constant 48 : i32
      %parallel_loop3A_351 = vector.broadcast %parallel_loop3A_350 : i32 to vector<16xi32>
      %parallel_loop3A_352 = arith.addi %mul3A_18, %parallel_loop3A_351 : vector<16xi32>
      %parallel_loop3A_353 = arith.sitofp %parallel_loop3A_346 : vector<16xi32> to vector<16xf32>
      %parallel_loop3A_354 = arith.constant 6.250000e-02 : f32
      %parallel_loop3A_355 = vector.broadcast %parallel_loop3A_354 : f32 to vector<16xf32>
      %parallel_loop3A_356 = arith.mulf %parallel_loop3A_353, %parallel_loop3A_355 : vector<16xf32>
      tpu.vector_store_idx %arg7[%parallel_loop3A_44, %parallel_loop3A_352], %parallel_loop3A_356 : memref<64x288xf32, #tpu.memory_space<vmem>>[vector<16xi32>, vector<16xi32>], vector<16xf32>,
      %parallel_loop3A_357 = arith.constant 48 : i32
      %parallel_loop3A_358 = vector.broadcast %parallel_loop3A_357 : i32 to vector<16xi32>
      %parallel_loop3A_359 = arith.addi %mul3A_18, %parallel_loop3A_358 : vector<16xi32>
      %parallel_loop3A_360 = arith.constant 1 : i32
      %parallel_loop3A_361 = vector.broadcast %parallel_loop3A_360 : i32 to vector<16xi32>
      %parallel_loop3A_362 = arith.addi %parallel_loop3A_359, %parallel_loop3A_361 : vector<16xi32>
      %parallel_loop3A_363 = arith.sitofp %parallel_loop3A_349 : vector<16xi32> to vector<16xf32>
      %parallel_loop3A_364 = arith.constant 6.250000e-02 : f32
      %parallel_loop3A_365 = vector.broadcast %parallel_loop3A_364 : f32 to vector<16xf32>
      %parallel_loop3A_366 = arith.mulf %parallel_loop3A_363, %parallel_loop3A_365 : vector<16xf32>
      tpu.vector_store_idx %arg7[%parallel_loop3A_44, %parallel_loop3A_362], %parallel_loop3A_366 : memref<64x288xf32, #tpu.memory_space<vmem>>[vector<16xi32>, vector<16xi32>], vector<16xf32>,
      %parallel_loop3A_367 = arith.constant 4 : i32
      %parallel_loop3A_368 = vector.broadcast %parallel_loop3A_367 : i32 to vector<16xi32>
      %parallel_loop3A_369 = arith.shli %parallel_loop3A_349, %parallel_loop3A_368 : vector<16xi32>
      %parallel_loop3A_370 = arith.addi %parallel_loop3A_369, %parallel_loop3A_346 : vector<16xi32>
      %parallel_loop3A_371 = arith.constant 1 : i32
      %parallel_loop3A_372 = vector.broadcast %parallel_loop3A_371 : i32 to vector<16xi32>
      %parallel_loop3A_373 = arith.cmpi sge, %parallel_loop3A_346, %parallel_loop3A_372 : vector<16xi32>
      %parallel_loop3A_374 = arith.constant 1 : i32
      %parallel_loop3A_375 = vector.broadcast %parallel_loop3A_374 : i32 to vector<16xi32>
      %parallel_loop3A_376 = arith.cmpi sge, %parallel_loop3A_349, %parallel_loop3A_375 : vector<16xi32>
      %parallel_loop3A_377 = arith.addi %mul3A_21, %parallel_loop3A_370 : vector<16xi32>
      tpu.vector_store_idx %arg6[%parallel_loop3A_44, %parallel_loop3A_377], %broadcast_in_dim3A_30 {add = true} : memref<64x1024xf32, #tpu.memory_space<vmem>>[vector<16xi32>, vector<16xi32>], vector<16xf32>,
      %parallel_loop3A_378 = arith.addi %sub3A_23, %parallel_loop3A_370 : vector<16xi32>
      tpu.vector_store_idx %arg6[%parallel_loop3A_44, %parallel_loop3A_378], %broadcast_in_dim3A_30 masked %parallel_loop3A_376 {add = true} : memref<64x1024xf32, #tpu.memory_space<vmem>>[vector<16xi32>, vector<16xi32>], vector<16xf32>, vector<16xi1>
      %parallel_loop3A_379 = arith.addi %sub3A_26, %parallel_loop3A_370 : vector<16xi32>
      tpu.vector_store_idx %arg6[%parallel_loop3A_44, %parallel_loop3A_379], %broadcast_in_dim3A_30 masked %parallel_loop3A_373 {add = true} : memref<64x1024xf32, #tpu.memory_space<vmem>>[vector<16xi32>, vector<16xi32>], vector<16xf32>, vector<16xi1>
      %parallel_loop3A_380 = arith.addi %sub3A_29, %parallel_loop3A_370 : vector<16xi32>
      %parallel_loop3A_381 = arith.andi %parallel_loop3A_373, %parallel_loop3A_376 : vector<16xi1>
      tpu.vector_store_idx %arg6[%parallel_loop3A_44, %parallel_loop3A_380], %broadcast_in_dim3A_30 masked %parallel_loop3A_381 {add = true} : memref<64x1024xf32, #tpu.memory_space<vmem>>[vector<16xi32>, vector<16xi32>], vector<16xf32>, vector<16xi1>
      %parallel_loop3A_382 = arith.constant 16 : i32
      %parallel_loop3A_383 = vector.broadcast %parallel_loop3A_382 : i32 to vector<16xi32>
      %parallel_loop3A_384 = arith.addi %parallel_loop3A_52, %parallel_loop3A_383 : vector<16xi32>
      %parallel_loop3A_385 = arith.constant 0 : i32
      %parallel_loop3A_386 = arith.constant 225 : i32
      %parallel_loop3A_387 = vector.broadcast %parallel_loop3A_385 : i32 to vector<16xi32>
      %parallel_loop3A_388 = arith.maxsi %parallel_loop3A_387, %parallel_loop3A_384 : vector<16xi32>
      %parallel_loop3A_389 = vector.broadcast %parallel_loop3A_386 : i32 to vector<16xi32>
      %parallel_loop3A_390 = arith.minsi %parallel_loop3A_389, %parallel_loop3A_388 : vector<16xi32>
      %parallel_loop3A_391 = arith.constant 4 : i32
      %parallel_loop3A_392 = vector.broadcast %parallel_loop3A_391 : i32 to vector<16xi32>
      %parallel_loop3A_393 = arith.shrsi %parallel_loop3A_390, %parallel_loop3A_392 : vector<16xi32>
      %parallel_loop3A_394 = arith.constant 15 : i32
      %parallel_loop3A_395 = vector.broadcast %parallel_loop3A_394 : i32 to vector<16xi32>
      %parallel_loop3A_396 = arith.andi %parallel_loop3A_390, %parallel_loop3A_395 : vector<16xi32>
      %parallel_loop3A_397 = arith.constant 56 : i32
      %parallel_loop3A_398 = vector.broadcast %parallel_loop3A_397 : i32 to vector<16xi32>
      %parallel_loop3A_399 = arith.addi %mul3A_18, %parallel_loop3A_398 : vector<16xi32>
      %parallel_loop3A_400 = arith.sitofp %parallel_loop3A_393 : vector<16xi32> to vector<16xf32>
      %parallel_loop3A_401 = arith.constant 6.250000e-02 : f32
      %parallel_loop3A_402 = vector.broadcast %parallel_loop3A_401 : f32 to vector<16xf32>
      %parallel_loop3A_403 = arith.mulf %parallel_loop3A_400, %parallel_loop3A_402 : vector<16xf32>
      tpu.vector_store_idx %arg7[%parallel_loop3A_44, %parallel_loop3A_399], %parallel_loop3A_403 : memref<64x288xf32, #tpu.memory_space<vmem>>[vector<16xi32>, vector<16xi32>], vector<16xf32>,
      %parallel_loop3A_404 = arith.constant 56 : i32
      %parallel_loop3A_405 = vector.broadcast %parallel_loop3A_404 : i32 to vector<16xi32>
      %parallel_loop3A_406 = arith.addi %mul3A_18, %parallel_loop3A_405 : vector<16xi32>
      %parallel_loop3A_407 = arith.constant 1 : i32
      %parallel_loop3A_408 = vector.broadcast %parallel_loop3A_407 : i32 to vector<16xi32>
      %parallel_loop3A_409 = arith.addi %parallel_loop3A_406, %parallel_loop3A_408 : vector<16xi32>
      %parallel_loop3A_410 = arith.sitofp %parallel_loop3A_396 : vector<16xi32> to vector<16xf32>
      %parallel_loop3A_411 = arith.constant 6.250000e-02 : f32
      %parallel_loop3A_412 = vector.broadcast %parallel_loop3A_411 : f32 to vector<16xf32>
      %parallel_loop3A_413 = arith.mulf %parallel_loop3A_410, %parallel_loop3A_412 : vector<16xf32>
      tpu.vector_store_idx %arg7[%parallel_loop3A_44, %parallel_loop3A_409], %parallel_loop3A_413 : memref<64x288xf32, #tpu.memory_space<vmem>>[vector<16xi32>, vector<16xi32>], vector<16xf32>,
      %parallel_loop3A_414 = arith.constant 4 : i32
      %parallel_loop3A_415 = vector.broadcast %parallel_loop3A_414 : i32 to vector<16xi32>
      %parallel_loop3A_416 = arith.shli %parallel_loop3A_396, %parallel_loop3A_415 : vector<16xi32>
      %parallel_loop3A_417 = arith.addi %parallel_loop3A_416, %parallel_loop3A_393 : vector<16xi32>
      %parallel_loop3A_418 = arith.constant 1 : i32
      %parallel_loop3A_419 = vector.broadcast %parallel_loop3A_418 : i32 to vector<16xi32>
      %parallel_loop3A_420 = arith.cmpi sge, %parallel_loop3A_393, %parallel_loop3A_419 : vector<16xi32>
      %parallel_loop3A_421 = arith.constant 1 : i32
      %parallel_loop3A_422 = vector.broadcast %parallel_loop3A_421 : i32 to vector<16xi32>
      %parallel_loop3A_423 = arith.cmpi sge, %parallel_loop3A_396, %parallel_loop3A_422 : vector<16xi32>
      %parallel_loop3A_424 = arith.addi %mul3A_21, %parallel_loop3A_417 : vector<16xi32>
      tpu.vector_store_idx %arg6[%parallel_loop3A_44, %parallel_loop3A_424], %broadcast_in_dim3A_30 {add = true} : memref<64x1024xf32, #tpu.memory_space<vmem>>[vector<16xi32>, vector<16xi32>], vector<16xf32>,
      %parallel_loop3A_425 = arith.addi %sub3A_23, %parallel_loop3A_417 : vector<16xi32>
      tpu.vector_store_idx %arg6[%parallel_loop3A_44, %parallel_loop3A_425], %broadcast_in_dim3A_30 masked %parallel_loop3A_423 {add = true} : memref<64x1024xf32, #tpu.memory_space<vmem>>[vector<16xi32>, vector<16xi32>], vector<16xf32>, vector<16xi1>
      %parallel_loop3A_426 = arith.addi %sub3A_26, %parallel_loop3A_417 : vector<16xi32>
      tpu.vector_store_idx %arg6[%parallel_loop3A_44, %parallel_loop3A_426], %broadcast_in_dim3A_30 masked %parallel_loop3A_420 {add = true} : memref<64x1024xf32, #tpu.memory_space<vmem>>[vector<16xi32>, vector<16xi32>], vector<16xf32>, vector<16xi1>
      %parallel_loop3A_427 = arith.addi %sub3A_29, %parallel_loop3A_417 : vector<16xi32>
      %parallel_loop3A_428 = arith.andi %parallel_loop3A_420, %parallel_loop3A_423 : vector<16xi1>
      tpu.vector_store_idx %arg6[%parallel_loop3A_44, %parallel_loop3A_427], %broadcast_in_dim3A_30 masked %parallel_loop3A_428 {add = true} : memref<64x1024xf32, #tpu.memory_space<vmem>>[vector<16xi32>, vector<16xi32>], vector<16xf32>, vector<16xi1>
      %parallel_loop3A_429 = arith.constant 17 : i32
      %parallel_loop3A_430 = vector.broadcast %parallel_loop3A_429 : i32 to vector<16xi32>
      %parallel_loop3A_431 = arith.addi %parallel_loop3A_52, %parallel_loop3A_430 : vector<16xi32>
      %parallel_loop3A_432 = arith.constant 0 : i32
      %parallel_loop3A_433 = arith.constant 225 : i32
      %parallel_loop3A_434 = vector.broadcast %parallel_loop3A_432 : i32 to vector<16xi32>
      %parallel_loop3A_435 = arith.maxsi %parallel_loop3A_434, %parallel_loop3A_431 : vector<16xi32>
      %parallel_loop3A_436 = vector.broadcast %parallel_loop3A_433 : i32 to vector<16xi32>
      %parallel_loop3A_437 = arith.minsi %parallel_loop3A_436, %parallel_loop3A_435 : vector<16xi32>
      %parallel_loop3A_438 = arith.constant 4 : i32
      %parallel_loop3A_439 = vector.broadcast %parallel_loop3A_438 : i32 to vector<16xi32>
      %parallel_loop3A_440 = arith.shrsi %parallel_loop3A_437, %parallel_loop3A_439 : vector<16xi32>
      %parallel_loop3A_441 = arith.constant 15 : i32
      %parallel_loop3A_442 = vector.broadcast %parallel_loop3A_441 : i32 to vector<16xi32>
      %parallel_loop3A_443 = arith.andi %parallel_loop3A_437, %parallel_loop3A_442 : vector<16xi32>
      %parallel_loop3A_444 = arith.constant 64 : i32
      %parallel_loop3A_445 = vector.broadcast %parallel_loop3A_444 : i32 to vector<16xi32>
      %parallel_loop3A_446 = arith.addi %mul3A_18, %parallel_loop3A_445 : vector<16xi32>
      %parallel_loop3A_447 = arith.sitofp %parallel_loop3A_440 : vector<16xi32> to vector<16xf32>
      %parallel_loop3A_448 = arith.constant 6.250000e-02 : f32
      %parallel_loop3A_449 = vector.broadcast %parallel_loop3A_448 : f32 to vector<16xf32>
      %parallel_loop3A_450 = arith.mulf %parallel_loop3A_447, %parallel_loop3A_449 : vector<16xf32>
      tpu.vector_store_idx %arg7[%parallel_loop3A_44, %parallel_loop3A_446], %parallel_loop3A_450 : memref<64x288xf32, #tpu.memory_space<vmem>>[vector<16xi32>, vector<16xi32>], vector<16xf32>,
      %parallel_loop3A_451 = arith.constant 64 : i32
      %parallel_loop3A_452 = vector.broadcast %parallel_loop3A_451 : i32 to vector<16xi32>
      %parallel_loop3A_453 = arith.addi %mul3A_18, %parallel_loop3A_452 : vector<16xi32>
      %parallel_loop3A_454 = arith.constant 1 : i32
      %parallel_loop3A_455 = vector.broadcast %parallel_loop3A_454 : i32 to vector<16xi32>
      %parallel_loop3A_456 = arith.addi %parallel_loop3A_453, %parallel_loop3A_455 : vector<16xi32>
      %parallel_loop3A_457 = arith.sitofp %parallel_loop3A_443 : vector<16xi32> to vector<16xf32>
      %parallel_loop3A_458 = arith.constant 6.250000e-02 : f32
      %parallel_loop3A_459 = vector.broadcast %parallel_loop3A_458 : f32 to vector<16xf32>
      %parallel_loop3A_460 = arith.mulf %parallel_loop3A_457, %parallel_loop3A_459 : vector<16xf32>
      tpu.vector_store_idx %arg7[%parallel_loop3A_44, %parallel_loop3A_456], %parallel_loop3A_460 : memref<64x288xf32, #tpu.memory_space<vmem>>[vector<16xi32>, vector<16xi32>], vector<16xf32>,
      %parallel_loop3A_461 = arith.constant 4 : i32
      %parallel_loop3A_462 = vector.broadcast %parallel_loop3A_461 : i32 to vector<16xi32>
      %parallel_loop3A_463 = arith.shli %parallel_loop3A_443, %parallel_loop3A_462 : vector<16xi32>
      %parallel_loop3A_464 = arith.addi %parallel_loop3A_463, %parallel_loop3A_440 : vector<16xi32>
      %parallel_loop3A_465 = arith.constant 1 : i32
      %parallel_loop3A_466 = vector.broadcast %parallel_loop3A_465 : i32 to vector<16xi32>
      %parallel_loop3A_467 = arith.cmpi sge, %parallel_loop3A_440, %parallel_loop3A_466 : vector<16xi32>
      %parallel_loop3A_468 = arith.constant 1 : i32
      %parallel_loop3A_469 = vector.broadcast %parallel_loop3A_468 : i32 to vector<16xi32>
      %parallel_loop3A_470 = arith.cmpi sge, %parallel_loop3A_443, %parallel_loop3A_469 : vector<16xi32>
      %parallel_loop3A_471 = arith.addi %mul3A_21, %parallel_loop3A_464 : vector<16xi32>
      tpu.vector_store_idx %arg6[%parallel_loop3A_44, %parallel_loop3A_471], %broadcast_in_dim3A_30 {add = true} : memref<64x1024xf32, #tpu.memory_space<vmem>>[vector<16xi32>, vector<16xi32>], vector<16xf32>,
      %parallel_loop3A_472 = arith.addi %sub3A_23, %parallel_loop3A_464 : vector<16xi32>
      tpu.vector_store_idx %arg6[%parallel_loop3A_44, %parallel_loop3A_472], %broadcast_in_dim3A_30 masked %parallel_loop3A_470 {add = true} : memref<64x1024xf32, #tpu.memory_space<vmem>>[vector<16xi32>, vector<16xi32>], vector<16xf32>, vector<16xi1>
      %parallel_loop3A_473 = arith.addi %sub3A_26, %parallel_loop3A_464 : vector<16xi32>
      tpu.vector_store_idx %arg6[%parallel_loop3A_44, %parallel_loop3A_473], %broadcast_in_dim3A_30 masked %parallel_loop3A_467 {add = true} : memref<64x1024xf32, #tpu.memory_space<vmem>>[vector<16xi32>, vector<16xi32>], vector<16xf32>, vector<16xi1>
      %parallel_loop3A_474 = arith.addi %sub3A_29, %parallel_loop3A_464 : vector<16xi32>
      %parallel_loop3A_475 = arith.andi %parallel_loop3A_467, %parallel_loop3A_470 : vector<16xi1>
      tpu.vector_store_idx %arg6[%parallel_loop3A_44, %parallel_loop3A_474], %broadcast_in_dim3A_30 masked %parallel_loop3A_475 {add = true} : memref<64x1024xf32, #tpu.memory_space<vmem>>[vector<16xi32>, vector<16xi32>], vector<16xf32>, vector<16xi1>
      %parallel_loop3A_476 = arith.constant 512 : i32
      %parallel_loop3A_477 = arith.muli %parallel_loop3A_40, %parallel_loop3A_476 : i32
      %parallel_loop3A_478 = vector.broadcast %parallel_loop3A_477 : i32 to vector<16xi32>
      %parallel_loop3A_479 = arith.addi %parallel_loop3A_478, %add3A_15 : vector<16xi32>
      %parallel_loop3A_480 = arith.constant 1 : i32
      %parallel_loop3A_481 = vector.broadcast %parallel_loop3A_480 : i32 to vector<16xi32>
      %parallel_loop3A_482 = arith.addi %parallel_loop3A_479, %parallel_loop3A_481 : vector<16xi32>
      %parallel_loop3A_483 = tpu.vector_load_idx %arg5[%parallel_loop3A_482] : memref<8192xi32, #tpu.memory_space<vmem>>[vector<16xi32>], vector<16xi32>,
      %parallel_loop3A_484 = arith.constant -17 : i32
      %parallel_loop3A_485 = vector.broadcast %parallel_loop3A_484 : i32 to vector<16xi32>
      %parallel_loop3A_486 = arith.addi %parallel_loop3A_483, %parallel_loop3A_485 : vector<16xi32>
      %parallel_loop3A_487 = arith.constant 0 : i32
      %parallel_loop3A_488 = arith.constant 225 : i32
      %parallel_loop3A_489 = vector.broadcast %parallel_loop3A_487 : i32 to vector<16xi32>
      %parallel_loop3A_490 = arith.maxsi %parallel_loop3A_489, %parallel_loop3A_486 : vector<16xi32>
      %parallel_loop3A_491 = vector.broadcast %parallel_loop3A_488 : i32 to vector<16xi32>
      %parallel_loop3A_492 = arith.minsi %parallel_loop3A_491, %parallel_loop3A_490 : vector<16xi32>
      %parallel_loop3A_493 = arith.constant 4 : i32
      %parallel_loop3A_494 = vector.broadcast %parallel_loop3A_493 : i32 to vector<16xi32>
      %parallel_loop3A_495 = arith.shrsi %parallel_loop3A_492, %parallel_loop3A_494 : vector<16xi32>
      %parallel_loop3A_496 = arith.constant 15 : i32
      %parallel_loop3A_497 = vector.broadcast %parallel_loop3A_496 : i32 to vector<16xi32>
      %parallel_loop3A_498 = arith.andi %parallel_loop3A_492, %parallel_loop3A_497 : vector<16xi32>
      %parallel_loop3A_499 = arith.constant 2 : i32
      %parallel_loop3A_500 = vector.broadcast %parallel_loop3A_499 : i32 to vector<16xi32>
      %parallel_loop3A_501 = arith.addi %mul3A_18, %parallel_loop3A_500 : vector<16xi32>
      %parallel_loop3A_502 = arith.sitofp %parallel_loop3A_495 : vector<16xi32> to vector<16xf32>
      %parallel_loop3A_503 = arith.constant 6.250000e-02 : f32
      %parallel_loop3A_504 = vector.broadcast %parallel_loop3A_503 : f32 to vector<16xf32>
      %parallel_loop3A_505 = arith.mulf %parallel_loop3A_502, %parallel_loop3A_504 : vector<16xf32>
      tpu.vector_store_idx %arg7[%parallel_loop3A_44, %parallel_loop3A_501], %parallel_loop3A_505 : memref<64x288xf32, #tpu.memory_space<vmem>>[vector<16xi32>, vector<16xi32>], vector<16xf32>,
      %parallel_loop3A_506 = arith.constant 2 : i32
      %parallel_loop3A_507 = vector.broadcast %parallel_loop3A_506 : i32 to vector<16xi32>
      %parallel_loop3A_508 = arith.addi %mul3A_18, %parallel_loop3A_507 : vector<16xi32>
      %parallel_loop3A_509 = arith.constant 1 : i32
      %parallel_loop3A_510 = vector.broadcast %parallel_loop3A_509 : i32 to vector<16xi32>
      %parallel_loop3A_511 = arith.addi %parallel_loop3A_508, %parallel_loop3A_510 : vector<16xi32>
      %parallel_loop3A_512 = arith.sitofp %parallel_loop3A_498 : vector<16xi32> to vector<16xf32>
      %parallel_loop3A_513 = arith.constant 6.250000e-02 : f32
      %parallel_loop3A_514 = vector.broadcast %parallel_loop3A_513 : f32 to vector<16xf32>
      %parallel_loop3A_515 = arith.mulf %parallel_loop3A_512, %parallel_loop3A_514 : vector<16xf32>
      tpu.vector_store_idx %arg7[%parallel_loop3A_44, %parallel_loop3A_511], %parallel_loop3A_515 : memref<64x288xf32, #tpu.memory_space<vmem>>[vector<16xi32>, vector<16xi32>], vector<16xf32>,
      %parallel_loop3A_516 = arith.constant 4 : i32
      %parallel_loop3A_517 = vector.broadcast %parallel_loop3A_516 : i32 to vector<16xi32>
      %parallel_loop3A_518 = arith.shli %parallel_loop3A_498, %parallel_loop3A_517 : vector<16xi32>
      %parallel_loop3A_519 = arith.addi %parallel_loop3A_518, %parallel_loop3A_495 : vector<16xi32>
      %parallel_loop3A_520 = arith.constant 1 : i32
      %parallel_loop3A_521 = vector.broadcast %parallel_loop3A_520 : i32 to vector<16xi32>
      %parallel_loop3A_522 = arith.cmpi sge, %parallel_loop3A_495, %parallel_loop3A_521 : vector<16xi32>
      %parallel_loop3A_523 = arith.constant 1 : i32
      %parallel_loop3A_524 = vector.broadcast %parallel_loop3A_523 : i32 to vector<16xi32>
      %parallel_loop3A_525 = arith.cmpi sge, %parallel_loop3A_498, %parallel_loop3A_524 : vector<16xi32>
      %parallel_loop3A_526 = arith.addi %mul3A_21, %parallel_loop3A_519 : vector<16xi32>
      tpu.vector_store_idx %arg6[%parallel_loop3A_44, %parallel_loop3A_526], %broadcast_in_dim3A_30 {add = true} : memref<64x1024xf32, #tpu.memory_space<vmem>>[vector<16xi32>, vector<16xi32>], vector<16xf32>,
      %parallel_loop3A_527 = arith.addi %sub3A_23, %parallel_loop3A_519 : vector<16xi32>
      tpu.vector_store_idx %arg6[%parallel_loop3A_44, %parallel_loop3A_527], %broadcast_in_dim3A_30 masked %parallel_loop3A_525 {add = true} : memref<64x1024xf32, #tpu.memory_space<vmem>>[vector<16xi32>, vector<16xi32>], vector<16xf32>, vector<16xi1>
      %parallel_loop3A_528 = arith.addi %sub3A_26, %parallel_loop3A_519 : vector<16xi32>
      tpu.vector_store_idx %arg6[%parallel_loop3A_44, %parallel_loop3A_528], %broadcast_in_dim3A_30 masked %parallel_loop3A_522 {add = true} : memref<64x1024xf32, #tpu.memory_space<vmem>>[vector<16xi32>, vector<16xi32>], vector<16xf32>, vector<16xi1>
      %parallel_loop3A_529 = arith.addi %sub3A_29, %parallel_loop3A_519 : vector<16xi32>
      %parallel_loop3A_530 = arith.andi %parallel_loop3A_522, %parallel_loop3A_525 : vector<16xi1>
      tpu.vector_store_idx %arg6[%parallel_loop3A_44, %parallel_loop3A_529], %broadcast_in_dim3A_30 masked %parallel_loop3A_530 {add = true} : memref<64x1024xf32, #tpu.memory_space<vmem>>[vector<16xi32>, vector<16xi32>], vector<16xf32>, vector<16xi1>
      %parallel_loop3A_531 = arith.constant -16 : i32
      %parallel_loop3A_532 = vector.broadcast %parallel_loop3A_531 : i32 to vector<16xi32>
      %parallel_loop3A_533 = arith.addi %parallel_loop3A_483, %parallel_loop3A_532 : vector<16xi32>
      %parallel_loop3A_534 = arith.constant 0 : i32
      %parallel_loop3A_535 = arith.constant 225 : i32
      %parallel_loop3A_536 = vector.broadcast %parallel_loop3A_534 : i32 to vector<16xi32>
      %parallel_loop3A_537 = arith.maxsi %parallel_loop3A_536, %parallel_loop3A_533 : vector<16xi32>
      %parallel_loop3A_538 = vector.broadcast %parallel_loop3A_535 : i32 to vector<16xi32>
      %parallel_loop3A_539 = arith.minsi %parallel_loop3A_538, %parallel_loop3A_537 : vector<16xi32>
      %parallel_loop3A_540 = arith.constant 4 : i32
      %parallel_loop3A_541 = vector.broadcast %parallel_loop3A_540 : i32 to vector<16xi32>
      %parallel_loop3A_542 = arith.shrsi %parallel_loop3A_539, %parallel_loop3A_541 : vector<16xi32>
      %parallel_loop3A_543 = arith.constant 15 : i32
      %parallel_loop3A_544 = vector.broadcast %parallel_loop3A_543 : i32 to vector<16xi32>
      %parallel_loop3A_545 = arith.andi %parallel_loop3A_539, %parallel_loop3A_544 : vector<16xi32>
      %parallel_loop3A_546 = arith.constant 10 : i32
      %parallel_loop3A_547 = vector.broadcast %parallel_loop3A_546 : i32 to vector<16xi32>
      %parallel_loop3A_548 = arith.addi %mul3A_18, %parallel_loop3A_547 : vector<16xi32>
      %parallel_loop3A_549 = arith.sitofp %parallel_loop3A_542 : vector<16xi32> to vector<16xf32>
      %parallel_loop3A_550 = arith.constant 6.250000e-02 : f32
      %parallel_loop3A_551 = vector.broadcast %parallel_loop3A_550 : f32 to vector<16xf32>
      %parallel_loop3A_552 = arith.mulf %parallel_loop3A_549, %parallel_loop3A_551 : vector<16xf32>
      tpu.vector_store_idx %arg7[%parallel_loop3A_44, %parallel_loop3A_548], %parallel_loop3A_552 : memref<64x288xf32, #tpu.memory_space<vmem>>[vector<16xi32>, vector<16xi32>], vector<16xf32>,
      %parallel_loop3A_553 = arith.constant 10 : i32
      %parallel_loop3A_554 = vector.broadcast %parallel_loop3A_553 : i32 to vector<16xi32>
      %parallel_loop3A_555 = arith.addi %mul3A_18, %parallel_loop3A_554 : vector<16xi32>
      %parallel_loop3A_556 = arith.constant 1 : i32
      %parallel_loop3A_557 = vector.broadcast %parallel_loop3A_556 : i32 to vector<16xi32>
      %parallel_loop3A_558 = arith.addi %parallel_loop3A_555, %parallel_loop3A_557 : vector<16xi32>
      %parallel_loop3A_559 = arith.sitofp %parallel_loop3A_545 : vector<16xi32> to vector<16xf32>
      %parallel_loop3A_560 = arith.constant 6.250000e-02 : f32
      %parallel_loop3A_561 = vector.broadcast %parallel_loop3A_560 : f32 to vector<16xf32>
      %parallel_loop3A_562 = arith.mulf %parallel_loop3A_559, %parallel_loop3A_561 : vector<16xf32>
      tpu.vector_store_idx %arg7[%parallel_loop3A_44, %parallel_loop3A_558], %parallel_loop3A_562 : memref<64x288xf32, #tpu.memory_space<vmem>>[vector<16xi32>, vector<16xi32>], vector<16xf32>,
      %parallel_loop3A_563 = arith.constant 4 : i32
      %parallel_loop3A_564 = vector.broadcast %parallel_loop3A_563 : i32 to vector<16xi32>
      %parallel_loop3A_565 = arith.shli %parallel_loop3A_545, %parallel_loop3A_564 : vector<16xi32>
      %parallel_loop3A_566 = arith.addi %parallel_loop3A_565, %parallel_loop3A_542 : vector<16xi32>
      %parallel_loop3A_567 = arith.constant 1 : i32
      %parallel_loop3A_568 = vector.broadcast %parallel_loop3A_567 : i32 to vector<16xi32>
      %parallel_loop3A_569 = arith.cmpi sge, %parallel_loop3A_542, %parallel_loop3A_568 : vector<16xi32>
      %parallel_loop3A_570 = arith.constant 1 : i32
      %parallel_loop3A_571 = vector.broadcast %parallel_loop3A_570 : i32 to vector<16xi32>
      %parallel_loop3A_572 = arith.cmpi sge, %parallel_loop3A_545, %parallel_loop3A_571 : vector<16xi32>
      %parallel_loop3A_573 = arith.addi %mul3A_21, %parallel_loop3A_566 : vector<16xi32>
      tpu.vector_store_idx %arg6[%parallel_loop3A_44, %parallel_loop3A_573], %broadcast_in_dim3A_30 {add = true} : memref<64x1024xf32, #tpu.memory_space<vmem>>[vector<16xi32>, vector<16xi32>], vector<16xf32>,
      %parallel_loop3A_574 = arith.addi %sub3A_23, %parallel_loop3A_566 : vector<16xi32>
      tpu.vector_store_idx %arg6[%parallel_loop3A_44, %parallel_loop3A_574], %broadcast_in_dim3A_30 masked %parallel_loop3A_572 {add = true} : memref<64x1024xf32, #tpu.memory_space<vmem>>[vector<16xi32>, vector<16xi32>], vector<16xf32>, vector<16xi1>
      %parallel_loop3A_575 = arith.addi %sub3A_26, %parallel_loop3A_566 : vector<16xi32>
      tpu.vector_store_idx %arg6[%parallel_loop3A_44, %parallel_loop3A_575], %broadcast_in_dim3A_30 masked %parallel_loop3A_569 {add = true} : memref<64x1024xf32, #tpu.memory_space<vmem>>[vector<16xi32>, vector<16xi32>], vector<16xf32>, vector<16xi1>
      %parallel_loop3A_576 = arith.addi %sub3A_29, %parallel_loop3A_566 : vector<16xi32>
      %parallel_loop3A_577 = arith.andi %parallel_loop3A_569, %parallel_loop3A_572 : vector<16xi1>
      tpu.vector_store_idx %arg6[%parallel_loop3A_44, %parallel_loop3A_576], %broadcast_in_dim3A_30 masked %parallel_loop3A_577 {add = true} : memref<64x1024xf32, #tpu.memory_space<vmem>>[vector<16xi32>, vector<16xi32>], vector<16xf32>, vector<16xi1>
      %parallel_loop3A_578 = arith.constant -15 : i32
      %parallel_loop3A_579 = vector.broadcast %parallel_loop3A_578 : i32 to vector<16xi32>
      %parallel_loop3A_580 = arith.addi %parallel_loop3A_483, %parallel_loop3A_579 : vector<16xi32>
      %parallel_loop3A_581 = arith.constant 0 : i32
      %parallel_loop3A_582 = arith.constant 225 : i32
      %parallel_loop3A_583 = vector.broadcast %parallel_loop3A_581 : i32 to vector<16xi32>
      %parallel_loop3A_584 = arith.maxsi %parallel_loop3A_583, %parallel_loop3A_580 : vector<16xi32>
      %parallel_loop3A_585 = vector.broadcast %parallel_loop3A_582 : i32 to vector<16xi32>
      %parallel_loop3A_586 = arith.minsi %parallel_loop3A_585, %parallel_loop3A_584 : vector<16xi32>
      %parallel_loop3A_587 = arith.constant 4 : i32
      %parallel_loop3A_588 = vector.broadcast %parallel_loop3A_587 : i32 to vector<16xi32>
      %parallel_loop3A_589 = arith.shrsi %parallel_loop3A_586, %parallel_loop3A_588 : vector<16xi32>
      %parallel_loop3A_590 = arith.constant 15 : i32
      %parallel_loop3A_591 = vector.broadcast %parallel_loop3A_590 : i32 to vector<16xi32>
      %parallel_loop3A_592 = arith.andi %parallel_loop3A_586, %parallel_loop3A_591 : vector<16xi32>
      %parallel_loop3A_593 = arith.constant 18 : i32
      %parallel_loop3A_594 = vector.broadcast %parallel_loop3A_593 : i32 to vector<16xi32>
      %parallel_loop3A_595 = arith.addi %mul3A_18, %parallel_loop3A_594 : vector<16xi32>
      %parallel_loop3A_596 = arith.sitofp %parallel_loop3A_589 : vector<16xi32> to vector<16xf32>
      %parallel_loop3A_597 = arith.constant 6.250000e-02 : f32
      %parallel_loop3A_598 = vector.broadcast %parallel_loop3A_597 : f32 to vector<16xf32>
      %parallel_loop3A_599 = arith.mulf %parallel_loop3A_596, %parallel_loop3A_598 : vector<16xf32>
      tpu.vector_store_idx %arg7[%parallel_loop3A_44, %parallel_loop3A_595], %parallel_loop3A_599 : memref<64x288xf32, #tpu.memory_space<vmem>>[vector<16xi32>, vector<16xi32>], vector<16xf32>,
      %parallel_loop3A_600 = arith.constant 18 : i32
      %parallel_loop3A_601 = vector.broadcast %parallel_loop3A_600 : i32 to vector<16xi32>
      %parallel_loop3A_602 = arith.addi %mul3A_18, %parallel_loop3A_601 : vector<16xi32>
      %parallel_loop3A_603 = arith.constant 1 : i32
      %parallel_loop3A_604 = vector.broadcast %parallel_loop3A_603 : i32 to vector<16xi32>
      %parallel_loop3A_605 = arith.addi %parallel_loop3A_602, %parallel_loop3A_604 : vector<16xi32>
      %parallel_loop3A_606 = arith.sitofp %parallel_loop3A_592 : vector<16xi32> to vector<16xf32>
      %parallel_loop3A_607 = arith.constant 6.250000e-02 : f32
      %parallel_loop3A_608 = vector.broadcast %parallel_loop3A_607 : f32 to vector<16xf32>
      %parallel_loop3A_609 = arith.mulf %parallel_loop3A_606, %parallel_loop3A_608 : vector<16xf32>
      tpu.vector_store_idx %arg7[%parallel_loop3A_44, %parallel_loop3A_605], %parallel_loop3A_609 : memref<64x288xf32, #tpu.memory_space<vmem>>[vector<16xi32>, vector<16xi32>], vector<16xf32>,
      %parallel_loop3A_610 = arith.constant 4 : i32
      %parallel_loop3A_611 = vector.broadcast %parallel_loop3A_610 : i32 to vector<16xi32>
      %parallel_loop3A_612 = arith.shli %parallel_loop3A_592, %parallel_loop3A_611 : vector<16xi32>
      %parallel_loop3A_613 = arith.addi %parallel_loop3A_612, %parallel_loop3A_589 : vector<16xi32>
      %parallel_loop3A_614 = arith.constant 1 : i32
      %parallel_loop3A_615 = vector.broadcast %parallel_loop3A_614 : i32 to vector<16xi32>
      %parallel_loop3A_616 = arith.cmpi sge, %parallel_loop3A_589, %parallel_loop3A_615 : vector<16xi32>
      %parallel_loop3A_617 = arith.constant 1 : i32
      %parallel_loop3A_618 = vector.broadcast %parallel_loop3A_617 : i32 to vector<16xi32>
      %parallel_loop3A_619 = arith.cmpi sge, %parallel_loop3A_592, %parallel_loop3A_618 : vector<16xi32>
      %parallel_loop3A_620 = arith.addi %mul3A_21, %parallel_loop3A_613 : vector<16xi32>
      tpu.vector_store_idx %arg6[%parallel_loop3A_44, %parallel_loop3A_620], %broadcast_in_dim3A_30 {add = true} : memref<64x1024xf32, #tpu.memory_space<vmem>>[vector<16xi32>, vector<16xi32>], vector<16xf32>,
      %parallel_loop3A_621 = arith.addi %sub3A_23, %parallel_loop3A_613 : vector<16xi32>
      tpu.vector_store_idx %arg6[%parallel_loop3A_44, %parallel_loop3A_621], %broadcast_in_dim3A_30 masked %parallel_loop3A_619 {add = true} : memref<64x1024xf32, #tpu.memory_space<vmem>>[vector<16xi32>, vector<16xi32>], vector<16xf32>, vector<16xi1>
      %parallel_loop3A_622 = arith.addi %sub3A_26, %parallel_loop3A_613 : vector<16xi32>
      tpu.vector_store_idx %arg6[%parallel_loop3A_44, %parallel_loop3A_622], %broadcast_in_dim3A_30 masked %parallel_loop3A_616 {add = true} : memref<64x1024xf32, #tpu.memory_space<vmem>>[vector<16xi32>, vector<16xi32>], vector<16xf32>, vector<16xi1>
      %parallel_loop3A_623 = arith.addi %sub3A_29, %parallel_loop3A_613 : vector<16xi32>
      %parallel_loop3A_624 = arith.andi %parallel_loop3A_616, %parallel_loop3A_619 : vector<16xi1>
      tpu.vector_store_idx %arg6[%parallel_loop3A_44, %parallel_loop3A_623], %broadcast_in_dim3A_30 masked %parallel_loop3A_624 {add = true} : memref<64x1024xf32, #tpu.memory_space<vmem>>[vector<16xi32>, vector<16xi32>], vector<16xf32>, vector<16xi1>
      %parallel_loop3A_625 = arith.constant -1 : i32
      %parallel_loop3A_626 = vector.broadcast %parallel_loop3A_625 : i32 to vector<16xi32>
      %parallel_loop3A_627 = arith.addi %parallel_loop3A_483, %parallel_loop3A_626 : vector<16xi32>
      %parallel_loop3A_628 = arith.constant 0 : i32
      %parallel_loop3A_629 = arith.constant 225 : i32
      %parallel_loop3A_630 = vector.broadcast %parallel_loop3A_628 : i32 to vector<16xi32>
      %parallel_loop3A_631 = arith.maxsi %parallel_loop3A_630, %parallel_loop3A_627 : vector<16xi32>
      %parallel_loop3A_632 = vector.broadcast %parallel_loop3A_629 : i32 to vector<16xi32>
      %parallel_loop3A_633 = arith.minsi %parallel_loop3A_632, %parallel_loop3A_631 : vector<16xi32>
      %parallel_loop3A_634 = arith.constant 4 : i32
      %parallel_loop3A_635 = vector.broadcast %parallel_loop3A_634 : i32 to vector<16xi32>
      %parallel_loop3A_636 = arith.shrsi %parallel_loop3A_633, %parallel_loop3A_635 : vector<16xi32>
      %parallel_loop3A_637 = arith.constant 15 : i32
      %parallel_loop3A_638 = vector.broadcast %parallel_loop3A_637 : i32 to vector<16xi32>
      %parallel_loop3A_639 = arith.andi %parallel_loop3A_633, %parallel_loop3A_638 : vector<16xi32>
      %parallel_loop3A_640 = arith.constant 26 : i32
      %parallel_loop3A_641 = vector.broadcast %parallel_loop3A_640 : i32 to vector<16xi32>
      %parallel_loop3A_642 = arith.addi %mul3A_18, %parallel_loop3A_641 : vector<16xi32>
      %parallel_loop3A_643 = arith.sitofp %parallel_loop3A_636 : vector<16xi32> to vector<16xf32>
      %parallel_loop3A_644 = arith.constant 6.250000e-02 : f32
      %parallel_loop3A_645 = vector.broadcast %parallel_loop3A_644 : f32 to vector<16xf32>
      %parallel_loop3A_646 = arith.mulf %parallel_loop3A_643, %parallel_loop3A_645 : vector<16xf32>
      tpu.vector_store_idx %arg7[%parallel_loop3A_44, %parallel_loop3A_642], %parallel_loop3A_646 : memref<64x288xf32, #tpu.memory_space<vmem>>[vector<16xi32>, vector<16xi32>], vector<16xf32>,
      %parallel_loop3A_647 = arith.constant 26 : i32
      %parallel_loop3A_648 = vector.broadcast %parallel_loop3A_647 : i32 to vector<16xi32>
      %parallel_loop3A_649 = arith.addi %mul3A_18, %parallel_loop3A_648 : vector<16xi32>
      %parallel_loop3A_650 = arith.constant 1 : i32
      %parallel_loop3A_651 = vector.broadcast %parallel_loop3A_650 : i32 to vector<16xi32>
      %parallel_loop3A_652 = arith.addi %parallel_loop3A_649, %parallel_loop3A_651 : vector<16xi32>
      %parallel_loop3A_653 = arith.sitofp %parallel_loop3A_639 : vector<16xi32> to vector<16xf32>
      %parallel_loop3A_654 = arith.constant 6.250000e-02 : f32
      %parallel_loop3A_655 = vector.broadcast %parallel_loop3A_654 : f32 to vector<16xf32>
      %parallel_loop3A_656 = arith.mulf %parallel_loop3A_653, %parallel_loop3A_655 : vector<16xf32>
      tpu.vector_store_idx %arg7[%parallel_loop3A_44, %parallel_loop3A_652], %parallel_loop3A_656 : memref<64x288xf32, #tpu.memory_space<vmem>>[vector<16xi32>, vector<16xi32>], vector<16xf32>,
      %parallel_loop3A_657 = arith.constant 4 : i32
      %parallel_loop3A_658 = vector.broadcast %parallel_loop3A_657 : i32 to vector<16xi32>
      %parallel_loop3A_659 = arith.shli %parallel_loop3A_639, %parallel_loop3A_658 : vector<16xi32>
      %parallel_loop3A_660 = arith.addi %parallel_loop3A_659, %parallel_loop3A_636 : vector<16xi32>
      %parallel_loop3A_661 = arith.constant 1 : i32
      %parallel_loop3A_662 = vector.broadcast %parallel_loop3A_661 : i32 to vector<16xi32>
      %parallel_loop3A_663 = arith.cmpi sge, %parallel_loop3A_636, %parallel_loop3A_662 : vector<16xi32>
      %parallel_loop3A_664 = arith.constant 1 : i32
      %parallel_loop3A_665 = vector.broadcast %parallel_loop3A_664 : i32 to vector<16xi32>
      %parallel_loop3A_666 = arith.cmpi sge, %parallel_loop3A_639, %parallel_loop3A_665 : vector<16xi32>
      %parallel_loop3A_667 = arith.addi %mul3A_21, %parallel_loop3A_660 : vector<16xi32>
      tpu.vector_store_idx %arg6[%parallel_loop3A_44, %parallel_loop3A_667], %broadcast_in_dim3A_30 {add = true} : memref<64x1024xf32, #tpu.memory_space<vmem>>[vector<16xi32>, vector<16xi32>], vector<16xf32>,
      %parallel_loop3A_668 = arith.addi %sub3A_23, %parallel_loop3A_660 : vector<16xi32>
      tpu.vector_store_idx %arg6[%parallel_loop3A_44, %parallel_loop3A_668], %broadcast_in_dim3A_30 masked %parallel_loop3A_666 {add = true} : memref<64x1024xf32, #tpu.memory_space<vmem>>[vector<16xi32>, vector<16xi32>], vector<16xf32>, vector<16xi1>
      %parallel_loop3A_669 = arith.addi %sub3A_26, %parallel_loop3A_660 : vector<16xi32>
      tpu.vector_store_idx %arg6[%parallel_loop3A_44, %parallel_loop3A_669], %broadcast_in_dim3A_30 masked %parallel_loop3A_663 {add = true} : memref<64x1024xf32, #tpu.memory_space<vmem>>[vector<16xi32>, vector<16xi32>], vector<16xf32>, vector<16xi1>
      %parallel_loop3A_670 = arith.addi %sub3A_29, %parallel_loop3A_660 : vector<16xi32>
      %parallel_loop3A_671 = arith.andi %parallel_loop3A_663, %parallel_loop3A_666 : vector<16xi1>
      tpu.vector_store_idx %arg6[%parallel_loop3A_44, %parallel_loop3A_670], %broadcast_in_dim3A_30 masked %parallel_loop3A_671 {add = true} : memref<64x1024xf32, #tpu.memory_space<vmem>>[vector<16xi32>, vector<16xi32>], vector<16xf32>, vector<16xi1>
      %parallel_loop3A_672 = arith.constant 0 : i32
      %parallel_loop3A_673 = vector.broadcast %parallel_loop3A_672 : i32 to vector<16xi32>
      %parallel_loop3A_674 = arith.addi %parallel_loop3A_483, %parallel_loop3A_673 : vector<16xi32>
      %parallel_loop3A_675 = arith.constant 0 : i32
      %parallel_loop3A_676 = arith.constant 225 : i32
      %parallel_loop3A_677 = vector.broadcast %parallel_loop3A_675 : i32 to vector<16xi32>
      %parallel_loop3A_678 = arith.maxsi %parallel_loop3A_677, %parallel_loop3A_674 : vector<16xi32>
      %parallel_loop3A_679 = vector.broadcast %parallel_loop3A_676 : i32 to vector<16xi32>
      %parallel_loop3A_680 = arith.minsi %parallel_loop3A_679, %parallel_loop3A_678 : vector<16xi32>
      %parallel_loop3A_681 = arith.constant 4 : i32
      %parallel_loop3A_682 = vector.broadcast %parallel_loop3A_681 : i32 to vector<16xi32>
      %parallel_loop3A_683 = arith.shrsi %parallel_loop3A_680, %parallel_loop3A_682 : vector<16xi32>
      %parallel_loop3A_684 = arith.constant 15 : i32
      %parallel_loop3A_685 = vector.broadcast %parallel_loop3A_684 : i32 to vector<16xi32>
      %parallel_loop3A_686 = arith.andi %parallel_loop3A_680, %parallel_loop3A_685 : vector<16xi32>
      %parallel_loop3A_687 = arith.constant 34 : i32
      %parallel_loop3A_688 = vector.broadcast %parallel_loop3A_687 : i32 to vector<16xi32>
      %parallel_loop3A_689 = arith.addi %mul3A_18, %parallel_loop3A_688 : vector<16xi32>
      %parallel_loop3A_690 = arith.sitofp %parallel_loop3A_683 : vector<16xi32> to vector<16xf32>
      %parallel_loop3A_691 = arith.constant 6.250000e-02 : f32
      %parallel_loop3A_692 = vector.broadcast %parallel_loop3A_691 : f32 to vector<16xf32>
      %parallel_loop3A_693 = arith.mulf %parallel_loop3A_690, %parallel_loop3A_692 : vector<16xf32>
      tpu.vector_store_idx %arg7[%parallel_loop3A_44, %parallel_loop3A_689], %parallel_loop3A_693 : memref<64x288xf32, #tpu.memory_space<vmem>>[vector<16xi32>, vector<16xi32>], vector<16xf32>,
      %parallel_loop3A_694 = arith.constant 34 : i32
      %parallel_loop3A_695 = vector.broadcast %parallel_loop3A_694 : i32 to vector<16xi32>
      %parallel_loop3A_696 = arith.addi %mul3A_18, %parallel_loop3A_695 : vector<16xi32>
      %parallel_loop3A_697 = arith.constant 1 : i32
      %parallel_loop3A_698 = vector.broadcast %parallel_loop3A_697 : i32 to vector<16xi32>
      %parallel_loop3A_699 = arith.addi %parallel_loop3A_696, %parallel_loop3A_698 : vector<16xi32>
      %parallel_loop3A_700 = arith.sitofp %parallel_loop3A_686 : vector<16xi32> to vector<16xf32>
      %parallel_loop3A_701 = arith.constant 6.250000e-02 : f32
      %parallel_loop3A_702 = vector.broadcast %parallel_loop3A_701 : f32 to vector<16xf32>
      %parallel_loop3A_703 = arith.mulf %parallel_loop3A_700, %parallel_loop3A_702 : vector<16xf32>
      tpu.vector_store_idx %arg7[%parallel_loop3A_44, %parallel_loop3A_699], %parallel_loop3A_703 : memref<64x288xf32, #tpu.memory_space<vmem>>[vector<16xi32>, vector<16xi32>], vector<16xf32>,
      %parallel_loop3A_704 = arith.constant 4 : i32
      %parallel_loop3A_705 = vector.broadcast %parallel_loop3A_704 : i32 to vector<16xi32>
      %parallel_loop3A_706 = arith.shli %parallel_loop3A_686, %parallel_loop3A_705 : vector<16xi32>
      %parallel_loop3A_707 = arith.addi %parallel_loop3A_706, %parallel_loop3A_683 : vector<16xi32>
      %parallel_loop3A_708 = arith.constant 1 : i32
      %parallel_loop3A_709 = vector.broadcast %parallel_loop3A_708 : i32 to vector<16xi32>
      %parallel_loop3A_710 = arith.cmpi sge, %parallel_loop3A_683, %parallel_loop3A_709 : vector<16xi32>
      %parallel_loop3A_711 = arith.constant 1 : i32
      %parallel_loop3A_712 = vector.broadcast %parallel_loop3A_711 : i32 to vector<16xi32>
      %parallel_loop3A_713 = arith.cmpi sge, %parallel_loop3A_686, %parallel_loop3A_712 : vector<16xi32>
      %parallel_loop3A_714 = arith.addi %mul3A_21, %parallel_loop3A_707 : vector<16xi32>
      tpu.vector_store_idx %arg6[%parallel_loop3A_44, %parallel_loop3A_714], %broadcast_in_dim3A_30 {add = true} : memref<64x1024xf32, #tpu.memory_space<vmem>>[vector<16xi32>, vector<16xi32>], vector<16xf32>,
      %parallel_loop3A_715 = arith.addi %sub3A_23, %parallel_loop3A_707 : vector<16xi32>
      tpu.vector_store_idx %arg6[%parallel_loop3A_44, %parallel_loop3A_715], %broadcast_in_dim3A_30 masked %parallel_loop3A_713 {add = true} : memref<64x1024xf32, #tpu.memory_space<vmem>>[vector<16xi32>, vector<16xi32>], vector<16xf32>, vector<16xi1>
      %parallel_loop3A_716 = arith.addi %sub3A_26, %parallel_loop3A_707 : vector<16xi32>
      tpu.vector_store_idx %arg6[%parallel_loop3A_44, %parallel_loop3A_716], %broadcast_in_dim3A_30 masked %parallel_loop3A_710 {add = true} : memref<64x1024xf32, #tpu.memory_space<vmem>>[vector<16xi32>, vector<16xi32>], vector<16xf32>, vector<16xi1>
      %parallel_loop3A_717 = arith.addi %sub3A_29, %parallel_loop3A_707 : vector<16xi32>
      %parallel_loop3A_718 = arith.andi %parallel_loop3A_710, %parallel_loop3A_713 : vector<16xi1>
      tpu.vector_store_idx %arg6[%parallel_loop3A_44, %parallel_loop3A_717], %broadcast_in_dim3A_30 masked %parallel_loop3A_718 {add = true} : memref<64x1024xf32, #tpu.memory_space<vmem>>[vector<16xi32>, vector<16xi32>], vector<16xf32>, vector<16xi1>
      %parallel_loop3A_719 = arith.constant 1 : i32
      %parallel_loop3A_720 = vector.broadcast %parallel_loop3A_719 : i32 to vector<16xi32>
      %parallel_loop3A_721 = arith.addi %parallel_loop3A_483, %parallel_loop3A_720 : vector<16xi32>
      %parallel_loop3A_722 = arith.constant 0 : i32
      %parallel_loop3A_723 = arith.constant 225 : i32
      %parallel_loop3A_724 = vector.broadcast %parallel_loop3A_722 : i32 to vector<16xi32>
      %parallel_loop3A_725 = arith.maxsi %parallel_loop3A_724, %parallel_loop3A_721 : vector<16xi32>
      %parallel_loop3A_726 = vector.broadcast %parallel_loop3A_723 : i32 to vector<16xi32>
      %parallel_loop3A_727 = arith.minsi %parallel_loop3A_726, %parallel_loop3A_725 : vector<16xi32>
      %parallel_loop3A_728 = arith.constant 4 : i32
      %parallel_loop3A_729 = vector.broadcast %parallel_loop3A_728 : i32 to vector<16xi32>
      %parallel_loop3A_730 = arith.shrsi %parallel_loop3A_727, %parallel_loop3A_729 : vector<16xi32>
      %parallel_loop3A_731 = arith.constant 15 : i32
      %parallel_loop3A_732 = vector.broadcast %parallel_loop3A_731 : i32 to vector<16xi32>
      %parallel_loop3A_733 = arith.andi %parallel_loop3A_727, %parallel_loop3A_732 : vector<16xi32>
      %parallel_loop3A_734 = arith.constant 42 : i32
      %parallel_loop3A_735 = vector.broadcast %parallel_loop3A_734 : i32 to vector<16xi32>
      %parallel_loop3A_736 = arith.addi %mul3A_18, %parallel_loop3A_735 : vector<16xi32>
      %parallel_loop3A_737 = arith.sitofp %parallel_loop3A_730 : vector<16xi32> to vector<16xf32>
      %parallel_loop3A_738 = arith.constant 6.250000e-02 : f32
      %parallel_loop3A_739 = vector.broadcast %parallel_loop3A_738 : f32 to vector<16xf32>
      %parallel_loop3A_740 = arith.mulf %parallel_loop3A_737, %parallel_loop3A_739 : vector<16xf32>
      tpu.vector_store_idx %arg7[%parallel_loop3A_44, %parallel_loop3A_736], %parallel_loop3A_740 : memref<64x288xf32, #tpu.memory_space<vmem>>[vector<16xi32>, vector<16xi32>], vector<16xf32>,
      %parallel_loop3A_741 = arith.constant 42 : i32
      %parallel_loop3A_742 = vector.broadcast %parallel_loop3A_741 : i32 to vector<16xi32>
      %parallel_loop3A_743 = arith.addi %mul3A_18, %parallel_loop3A_742 : vector<16xi32>
      %parallel_loop3A_744 = arith.constant 1 : i32
      %parallel_loop3A_745 = vector.broadcast %parallel_loop3A_744 : i32 to vector<16xi32>
      %parallel_loop3A_746 = arith.addi %parallel_loop3A_743, %parallel_loop3A_745 : vector<16xi32>
      %parallel_loop3A_747 = arith.sitofp %parallel_loop3A_733 : vector<16xi32> to vector<16xf32>
      %parallel_loop3A_748 = arith.constant 6.250000e-02 : f32
      %parallel_loop3A_749 = vector.broadcast %parallel_loop3A_748 : f32 to vector<16xf32>
      %parallel_loop3A_750 = arith.mulf %parallel_loop3A_747, %parallel_loop3A_749 : vector<16xf32>
      tpu.vector_store_idx %arg7[%parallel_loop3A_44, %parallel_loop3A_746], %parallel_loop3A_750 : memref<64x288xf32, #tpu.memory_space<vmem>>[vector<16xi32>, vector<16xi32>], vector<16xf32>,
      %parallel_loop3A_751 = arith.constant 4 : i32
      %parallel_loop3A_752 = vector.broadcast %parallel_loop3A_751 : i32 to vector<16xi32>
      %parallel_loop3A_753 = arith.shli %parallel_loop3A_733, %parallel_loop3A_752 : vector<16xi32>
      %parallel_loop3A_754 = arith.addi %parallel_loop3A_753, %parallel_loop3A_730 : vector<16xi32>
      %parallel_loop3A_755 = arith.constant 1 : i32
      %parallel_loop3A_756 = vector.broadcast %parallel_loop3A_755 : i32 to vector<16xi32>
      %parallel_loop3A_757 = arith.cmpi sge, %parallel_loop3A_730, %parallel_loop3A_756 : vector<16xi32>
      %parallel_loop3A_758 = arith.constant 1 : i32
      %parallel_loop3A_759 = vector.broadcast %parallel_loop3A_758 : i32 to vector<16xi32>
      %parallel_loop3A_760 = arith.cmpi sge, %parallel_loop3A_733, %parallel_loop3A_759 : vector<16xi32>
      %parallel_loop3A_761 = arith.addi %mul3A_21, %parallel_loop3A_754 : vector<16xi32>
      tpu.vector_store_idx %arg6[%parallel_loop3A_44, %parallel_loop3A_761], %broadcast_in_dim3A_30 {add = true} : memref<64x1024xf32, #tpu.memory_space<vmem>>[vector<16xi32>, vector<16xi32>], vector<16xf32>,
      %parallel_loop3A_762 = arith.addi %sub3A_23, %parallel_loop3A_754 : vector<16xi32>
      tpu.vector_store_idx %arg6[%parallel_loop3A_44, %parallel_loop3A_762], %broadcast_in_dim3A_30 masked %parallel_loop3A_760 {add = true} : memref<64x1024xf32, #tpu.memory_space<vmem>>[vector<16xi32>, vector<16xi32>], vector<16xf32>, vector<16xi1>
      %parallel_loop3A_763 = arith.addi %sub3A_26, %parallel_loop3A_754 : vector<16xi32>
      tpu.vector_store_idx %arg6[%parallel_loop3A_44, %parallel_loop3A_763], %broadcast_in_dim3A_30 masked %parallel_loop3A_757 {add = true} : memref<64x1024xf32, #tpu.memory_space<vmem>>[vector<16xi32>, vector<16xi32>], vector<16xf32>, vector<16xi1>
      %parallel_loop3A_764 = arith.addi %sub3A_29, %parallel_loop3A_754 : vector<16xi32>
      %parallel_loop3A_765 = arith.andi %parallel_loop3A_757, %parallel_loop3A_760 : vector<16xi1>
      tpu.vector_store_idx %arg6[%parallel_loop3A_44, %parallel_loop3A_764], %broadcast_in_dim3A_30 masked %parallel_loop3A_765 {add = true} : memref<64x1024xf32, #tpu.memory_space<vmem>>[vector<16xi32>, vector<16xi32>], vector<16xf32>, vector<16xi1>
      %parallel_loop3A_766 = arith.constant 15 : i32
      %parallel_loop3A_767 = vector.broadcast %parallel_loop3A_766 : i32 to vector<16xi32>
      %parallel_loop3A_768 = arith.addi %parallel_loop3A_483, %parallel_loop3A_767 : vector<16xi32>
      %parallel_loop3A_769 = arith.constant 0 : i32
      %parallel_loop3A_770 = arith.constant 225 : i32
      %parallel_loop3A_771 = vector.broadcast %parallel_loop3A_769 : i32 to vector<16xi32>
      %parallel_loop3A_772 = arith.maxsi %parallel_loop3A_771, %parallel_loop3A_768 : vector<16xi32>
      %parallel_loop3A_773 = vector.broadcast %parallel_loop3A_770 : i32 to vector<16xi32>
      %parallel_loop3A_774 = arith.minsi %parallel_loop3A_773, %parallel_loop3A_772 : vector<16xi32>
      %parallel_loop3A_775 = arith.constant 4 : i32
      %parallel_loop3A_776 = vector.broadcast %parallel_loop3A_775 : i32 to vector<16xi32>
      %parallel_loop3A_777 = arith.shrsi %parallel_loop3A_774, %parallel_loop3A_776 : vector<16xi32>
      %parallel_loop3A_778 = arith.constant 15 : i32
      %parallel_loop3A_779 = vector.broadcast %parallel_loop3A_778 : i32 to vector<16xi32>
      %parallel_loop3A_780 = arith.andi %parallel_loop3A_774, %parallel_loop3A_779 : vector<16xi32>
      %parallel_loop3A_781 = arith.constant 50 : i32
      %parallel_loop3A_782 = vector.broadcast %parallel_loop3A_781 : i32 to vector<16xi32>
      %parallel_loop3A_783 = arith.addi %mul3A_18, %parallel_loop3A_782 : vector<16xi32>
      %parallel_loop3A_784 = arith.sitofp %parallel_loop3A_777 : vector<16xi32> to vector<16xf32>
      %parallel_loop3A_785 = arith.constant 6.250000e-02 : f32
      %parallel_loop3A_786 = vector.broadcast %parallel_loop3A_785 : f32 to vector<16xf32>
      %parallel_loop3A_787 = arith.mulf %parallel_loop3A_784, %parallel_loop3A_786 : vector<16xf32>
      tpu.vector_store_idx %arg7[%parallel_loop3A_44, %parallel_loop3A_783], %parallel_loop3A_787 : memref<64x288xf32, #tpu.memory_space<vmem>>[vector<16xi32>, vector<16xi32>], vector<16xf32>,
      %parallel_loop3A_788 = arith.constant 50 : i32
      %parallel_loop3A_789 = vector.broadcast %parallel_loop3A_788 : i32 to vector<16xi32>
      %parallel_loop3A_790 = arith.addi %mul3A_18, %parallel_loop3A_789 : vector<16xi32>
      %parallel_loop3A_791 = arith.constant 1 : i32
      %parallel_loop3A_792 = vector.broadcast %parallel_loop3A_791 : i32 to vector<16xi32>
      %parallel_loop3A_793 = arith.addi %parallel_loop3A_790, %parallel_loop3A_792 : vector<16xi32>
      %parallel_loop3A_794 = arith.sitofp %parallel_loop3A_780 : vector<16xi32> to vector<16xf32>
      %parallel_loop3A_795 = arith.constant 6.250000e-02 : f32
      %parallel_loop3A_796 = vector.broadcast %parallel_loop3A_795 : f32 to vector<16xf32>
      %parallel_loop3A_797 = arith.mulf %parallel_loop3A_794, %parallel_loop3A_796 : vector<16xf32>
      tpu.vector_store_idx %arg7[%parallel_loop3A_44, %parallel_loop3A_793], %parallel_loop3A_797 : memref<64x288xf32, #tpu.memory_space<vmem>>[vector<16xi32>, vector<16xi32>], vector<16xf32>,
      %parallel_loop3A_798 = arith.constant 4 : i32
      %parallel_loop3A_799 = vector.broadcast %parallel_loop3A_798 : i32 to vector<16xi32>
      %parallel_loop3A_800 = arith.shli %parallel_loop3A_780, %parallel_loop3A_799 : vector<16xi32>
      %parallel_loop3A_801 = arith.addi %parallel_loop3A_800, %parallel_loop3A_777 : vector<16xi32>
      %parallel_loop3A_802 = arith.constant 1 : i32
      %parallel_loop3A_803 = vector.broadcast %parallel_loop3A_802 : i32 to vector<16xi32>
      %parallel_loop3A_804 = arith.cmpi sge, %parallel_loop3A_777, %parallel_loop3A_803 : vector<16xi32>
      %parallel_loop3A_805 = arith.constant 1 : i32
      %parallel_loop3A_806 = vector.broadcast %parallel_loop3A_805 : i32 to vector<16xi32>
      %parallel_loop3A_807 = arith.cmpi sge, %parallel_loop3A_780, %parallel_loop3A_806 : vector<16xi32>
      %parallel_loop3A_808 = arith.addi %mul3A_21, %parallel_loop3A_801 : vector<16xi32>
      tpu.vector_store_idx %arg6[%parallel_loop3A_44, %parallel_loop3A_808], %broadcast_in_dim3A_30 {add = true} : memref<64x1024xf32, #tpu.memory_space<vmem>>[vector<16xi32>, vector<16xi32>], vector<16xf32>,
      %parallel_loop3A_809 = arith.addi %sub3A_23, %parallel_loop3A_801 : vector<16xi32>
      tpu.vector_store_idx %arg6[%parallel_loop3A_44, %parallel_loop3A_809], %broadcast_in_dim3A_30 masked %parallel_loop3A_807 {add = true} : memref<64x1024xf32, #tpu.memory_space<vmem>>[vector<16xi32>, vector<16xi32>], vector<16xf32>, vector<16xi1>
      %parallel_loop3A_810 = arith.addi %sub3A_26, %parallel_loop3A_801 : vector<16xi32>
      tpu.vector_store_idx %arg6[%parallel_loop3A_44, %parallel_loop3A_810], %broadcast_in_dim3A_30 masked %parallel_loop3A_804 {add = true} : memref<64x1024xf32, #tpu.memory_space<vmem>>[vector<16xi32>, vector<16xi32>], vector<16xf32>, vector<16xi1>
      %parallel_loop3A_811 = arith.addi %sub3A_29, %parallel_loop3A_801 : vector<16xi32>
      %parallel_loop3A_812 = arith.andi %parallel_loop3A_804, %parallel_loop3A_807 : vector<16xi1>
      tpu.vector_store_idx %arg6[%parallel_loop3A_44, %parallel_loop3A_811], %broadcast_in_dim3A_30 masked %parallel_loop3A_812 {add = true} : memref<64x1024xf32, #tpu.memory_space<vmem>>[vector<16xi32>, vector<16xi32>], vector<16xf32>, vector<16xi1>
      %parallel_loop3A_813 = arith.constant 16 : i32
      %parallel_loop3A_814 = vector.broadcast %parallel_loop3A_813 : i32 to vector<16xi32>
      %parallel_loop3A_815 = arith.addi %parallel_loop3A_483, %parallel_loop3A_814 : vector<16xi32>
      %parallel_loop3A_816 = arith.constant 0 : i32
      %parallel_loop3A_817 = arith.constant 225 : i32
      %parallel_loop3A_818 = vector.broadcast %parallel_loop3A_816 : i32 to vector<16xi32>
      %parallel_loop3A_819 = arith.maxsi %parallel_loop3A_818, %parallel_loop3A_815 : vector<16xi32>
      %parallel_loop3A_820 = vector.broadcast %parallel_loop3A_817 : i32 to vector<16xi32>
      %parallel_loop3A_821 = arith.minsi %parallel_loop3A_820, %parallel_loop3A_819 : vector<16xi32>
      %parallel_loop3A_822 = arith.constant 4 : i32
      %parallel_loop3A_823 = vector.broadcast %parallel_loop3A_822 : i32 to vector<16xi32>
      %parallel_loop3A_824 = arith.shrsi %parallel_loop3A_821, %parallel_loop3A_823 : vector<16xi32>
      %parallel_loop3A_825 = arith.constant 15 : i32
      %parallel_loop3A_826 = vector.broadcast %parallel_loop3A_825 : i32 to vector<16xi32>
      %parallel_loop3A_827 = arith.andi %parallel_loop3A_821, %parallel_loop3A_826 : vector<16xi32>
      %parallel_loop3A_828 = arith.constant 58 : i32
      %parallel_loop3A_829 = vector.broadcast %parallel_loop3A_828 : i32 to vector<16xi32>
      %parallel_loop3A_830 = arith.addi %mul3A_18, %parallel_loop3A_829 : vector<16xi32>
      %parallel_loop3A_831 = arith.sitofp %parallel_loop3A_824 : vector<16xi32> to vector<16xf32>
      %parallel_loop3A_832 = arith.constant 6.250000e-02 : f32
      %parallel_loop3A_833 = vector.broadcast %parallel_loop3A_832 : f32 to vector<16xf32>
      %parallel_loop3A_834 = arith.mulf %parallel_loop3A_831, %parallel_loop3A_833 : vector<16xf32>
      tpu.vector_store_idx %arg7[%parallel_loop3A_44, %parallel_loop3A_830], %parallel_loop3A_834 : memref<64x288xf32, #tpu.memory_space<vmem>>[vector<16xi32>, vector<16xi32>], vector<16xf32>,
      %parallel_loop3A_835 = arith.constant 58 : i32
      %parallel_loop3A_836 = vector.broadcast %parallel_loop3A_835 : i32 to vector<16xi32>
      %parallel_loop3A_837 = arith.addi %mul3A_18, %parallel_loop3A_836 : vector<16xi32>
      %parallel_loop3A_838 = arith.constant 1 : i32
      %parallel_loop3A_839 = vector.broadcast %parallel_loop3A_838 : i32 to vector<16xi32>
      %parallel_loop3A_840 = arith.addi %parallel_loop3A_837, %parallel_loop3A_839 : vector<16xi32>
      %parallel_loop3A_841 = arith.sitofp %parallel_loop3A_827 : vector<16xi32> to vector<16xf32>
      %parallel_loop3A_842 = arith.constant 6.250000e-02 : f32
      %parallel_loop3A_843 = vector.broadcast %parallel_loop3A_842 : f32 to vector<16xf32>
      %parallel_loop3A_844 = arith.mulf %parallel_loop3A_841, %parallel_loop3A_843 : vector<16xf32>
      tpu.vector_store_idx %arg7[%parallel_loop3A_44, %parallel_loop3A_840], %parallel_loop3A_844 : memref<64x288xf32, #tpu.memory_space<vmem>>[vector<16xi32>, vector<16xi32>], vector<16xf32>,
      %parallel_loop3A_845 = arith.constant 4 : i32
      %parallel_loop3A_846 = vector.broadcast %parallel_loop3A_845 : i32 to vector<16xi32>
      %parallel_loop3A_847 = arith.shli %parallel_loop3A_827, %parallel_loop3A_846 : vector<16xi32>
      %parallel_loop3A_848 = arith.addi %parallel_loop3A_847, %parallel_loop3A_824 : vector<16xi32>
      %parallel_loop3A_849 = arith.constant 1 : i32
      %parallel_loop3A_850 = vector.broadcast %parallel_loop3A_849 : i32 to vector<16xi32>
      %parallel_loop3A_851 = arith.cmpi sge, %parallel_loop3A_824, %parallel_loop3A_850 : vector<16xi32>
      %parallel_loop3A_852 = arith.constant 1 : i32
      %parallel_loop3A_853 = vector.broadcast %parallel_loop3A_852 : i32 to vector<16xi32>
      %parallel_loop3A_854 = arith.cmpi sge, %parallel_loop3A_827, %parallel_loop3A_853 : vector<16xi32>
      %parallel_loop3A_855 = arith.addi %mul3A_21, %parallel_loop3A_848 : vector<16xi32>
      tpu.vector_store_idx %arg6[%parallel_loop3A_44, %parallel_loop3A_855], %broadcast_in_dim3A_30 {add = true} : memref<64x1024xf32, #tpu.memory_space<vmem>>[vector<16xi32>, vector<16xi32>], vector<16xf32>,
      %parallel_loop3A_856 = arith.addi %sub3A_23, %parallel_loop3A_848 : vector<16xi32>
      tpu.vector_store_idx %arg6[%parallel_loop3A_44, %parallel_loop3A_856], %broadcast_in_dim3A_30 masked %parallel_loop3A_854 {add = true} : memref<64x1024xf32, #tpu.memory_space<vmem>>[vector<16xi32>, vector<16xi32>], vector<16xf32>, vector<16xi1>
      %parallel_loop3A_857 = arith.addi %sub3A_26, %parallel_loop3A_848 : vector<16xi32>
      tpu.vector_store_idx %arg6[%parallel_loop3A_44, %parallel_loop3A_857], %broadcast_in_dim3A_30 masked %parallel_loop3A_851 {add = true} : memref<64x1024xf32, #tpu.memory_space<vmem>>[vector<16xi32>, vector<16xi32>], vector<16xf32>, vector<16xi1>
      %parallel_loop3A_858 = arith.addi %sub3A_29, %parallel_loop3A_848 : vector<16xi32>
      %parallel_loop3A_859 = arith.andi %parallel_loop3A_851, %parallel_loop3A_854 : vector<16xi1>
      tpu.vector_store_idx %arg6[%parallel_loop3A_44, %parallel_loop3A_858], %broadcast_in_dim3A_30 masked %parallel_loop3A_859 {add = true} : memref<64x1024xf32, #tpu.memory_space<vmem>>[vector<16xi32>, vector<16xi32>], vector<16xf32>, vector<16xi1>
      %parallel_loop3A_860 = arith.constant 17 : i32
      %parallel_loop3A_861 = vector.broadcast %parallel_loop3A_860 : i32 to vector<16xi32>
      %parallel_loop3A_862 = arith.addi %parallel_loop3A_483, %parallel_loop3A_861 : vector<16xi32>
      %parallel_loop3A_863 = arith.constant 0 : i32
      %parallel_loop3A_864 = arith.constant 225 : i32
      %parallel_loop3A_865 = vector.broadcast %parallel_loop3A_863 : i32 to vector<16xi32>
      %parallel_loop3A_866 = arith.maxsi %parallel_loop3A_865, %parallel_loop3A_862 : vector<16xi32>
      %parallel_loop3A_867 = vector.broadcast %parallel_loop3A_864 : i32 to vector<16xi32>
      %parallel_loop3A_868 = arith.minsi %parallel_loop3A_867, %parallel_loop3A_866 : vector<16xi32>
      %parallel_loop3A_869 = arith.constant 4 : i32
      %parallel_loop3A_870 = vector.broadcast %parallel_loop3A_869 : i32 to vector<16xi32>
      %parallel_loop3A_871 = arith.shrsi %parallel_loop3A_868, %parallel_loop3A_870 : vector<16xi32>
      %parallel_loop3A_872 = arith.constant 15 : i32
      %parallel_loop3A_873 = vector.broadcast %parallel_loop3A_872 : i32 to vector<16xi32>
      %parallel_loop3A_874 = arith.andi %parallel_loop3A_868, %parallel_loop3A_873 : vector<16xi32>
      %parallel_loop3A_875 = arith.constant 66 : i32
      %parallel_loop3A_876 = vector.broadcast %parallel_loop3A_875 : i32 to vector<16xi32>
      %parallel_loop3A_877 = arith.addi %mul3A_18, %parallel_loop3A_876 : vector<16xi32>
      %parallel_loop3A_878 = arith.sitofp %parallel_loop3A_871 : vector<16xi32> to vector<16xf32>
      %parallel_loop3A_879 = arith.constant 6.250000e-02 : f32
      %parallel_loop3A_880 = vector.broadcast %parallel_loop3A_879 : f32 to vector<16xf32>
      %parallel_loop3A_881 = arith.mulf %parallel_loop3A_878, %parallel_loop3A_880 : vector<16xf32>
      tpu.vector_store_idx %arg7[%parallel_loop3A_44, %parallel_loop3A_877], %parallel_loop3A_881 : memref<64x288xf32, #tpu.memory_space<vmem>>[vector<16xi32>, vector<16xi32>], vector<16xf32>,
      %parallel_loop3A_882 = arith.constant 66 : i32
      %parallel_loop3A_883 = vector.broadcast %parallel_loop3A_882 : i32 to vector<16xi32>
      %parallel_loop3A_884 = arith.addi %mul3A_18, %parallel_loop3A_883 : vector<16xi32>
      %parallel_loop3A_885 = arith.constant 1 : i32
      %parallel_loop3A_886 = vector.broadcast %parallel_loop3A_885 : i32 to vector<16xi32>
      %parallel_loop3A_887 = arith.addi %parallel_loop3A_884, %parallel_loop3A_886 : vector<16xi32>
      %parallel_loop3A_888 = arith.sitofp %parallel_loop3A_874 : vector<16xi32> to vector<16xf32>
      %parallel_loop3A_889 = arith.constant 6.250000e-02 : f32
      %parallel_loop3A_890 = vector.broadcast %parallel_loop3A_889 : f32 to vector<16xf32>
      %parallel_loop3A_891 = arith.mulf %parallel_loop3A_888, %parallel_loop3A_890 : vector<16xf32>
      tpu.vector_store_idx %arg7[%parallel_loop3A_44, %parallel_loop3A_887], %parallel_loop3A_891 : memref<64x288xf32, #tpu.memory_space<vmem>>[vector<16xi32>, vector<16xi32>], vector<16xf32>,
      %parallel_loop3A_892 = arith.constant 4 : i32
      %parallel_loop3A_893 = vector.broadcast %parallel_loop3A_892 : i32 to vector<16xi32>
      %parallel_loop3A_894 = arith.shli %parallel_loop3A_874, %parallel_loop3A_893 : vector<16xi32>
      %parallel_loop3A_895 = arith.addi %parallel_loop3A_894, %parallel_loop3A_871 : vector<16xi32>
      %parallel_loop3A_896 = arith.constant 1 : i32
      %parallel_loop3A_897 = vector.broadcast %parallel_loop3A_896 : i32 to vector<16xi32>
      %parallel_loop3A_898 = arith.cmpi sge, %parallel_loop3A_871, %parallel_loop3A_897 : vector<16xi32>
      %parallel_loop3A_899 = arith.constant 1 : i32
      %parallel_loop3A_900 = vector.broadcast %parallel_loop3A_899 : i32 to vector<16xi32>
      %parallel_loop3A_901 = arith.cmpi sge, %parallel_loop3A_874, %parallel_loop3A_900 : vector<16xi32>
      %parallel_loop3A_902 = arith.addi %mul3A_21, %parallel_loop3A_895 : vector<16xi32>
      tpu.vector_store_idx %arg6[%parallel_loop3A_44, %parallel_loop3A_902], %broadcast_in_dim3A_30 {add = true} : memref<64x1024xf32, #tpu.memory_space<vmem>>[vector<16xi32>, vector<16xi32>], vector<16xf32>,
      %parallel_loop3A_903 = arith.addi %sub3A_23, %parallel_loop3A_895 : vector<16xi32>
      tpu.vector_store_idx %arg6[%parallel_loop3A_44, %parallel_loop3A_903], %broadcast_in_dim3A_30 masked %parallel_loop3A_901 {add = true} : memref<64x1024xf32, #tpu.memory_space<vmem>>[vector<16xi32>, vector<16xi32>], vector<16xf32>, vector<16xi1>
      %parallel_loop3A_904 = arith.addi %sub3A_26, %parallel_loop3A_895 : vector<16xi32>
      tpu.vector_store_idx %arg6[%parallel_loop3A_44, %parallel_loop3A_904], %broadcast_in_dim3A_30 masked %parallel_loop3A_898 {add = true} : memref<64x1024xf32, #tpu.memory_space<vmem>>[vector<16xi32>, vector<16xi32>], vector<16xf32>, vector<16xi1>
      %parallel_loop3A_905 = arith.addi %sub3A_29, %parallel_loop3A_895 : vector<16xi32>
      %parallel_loop3A_906 = arith.andi %parallel_loop3A_898, %parallel_loop3A_901 : vector<16xi1>
      tpu.vector_store_idx %arg6[%parallel_loop3A_44, %parallel_loop3A_905], %broadcast_in_dim3A_30 masked %parallel_loop3A_906 {add = true} : memref<64x1024xf32, #tpu.memory_space<vmem>>[vector<16xi32>, vector<16xi32>], vector<16xf32>, vector<16xi1>
      %parallel_loop3A_907 = arith.constant 512 : i32
      %parallel_loop3A_908 = arith.muli %parallel_loop3A_40, %parallel_loop3A_907 : i32
      %parallel_loop3A_909 = vector.broadcast %parallel_loop3A_908 : i32 to vector<16xi32>
      %parallel_loop3A_910 = arith.addi %parallel_loop3A_909, %add3A_15 : vector<16xi32>
      %parallel_loop3A_911 = arith.constant 2 : i32
      %parallel_loop3A_912 = vector.broadcast %parallel_loop3A_911 : i32 to vector<16xi32>
      %parallel_loop3A_913 = arith.addi %parallel_loop3A_910, %parallel_loop3A_912 : vector<16xi32>
      %parallel_loop3A_914 = tpu.vector_load_idx %arg5[%parallel_loop3A_913] : memref<8192xi32, #tpu.memory_space<vmem>>[vector<16xi32>], vector<16xi32>,
      %parallel_loop3A_915 = arith.constant -17 : i32
      %parallel_loop3A_916 = vector.broadcast %parallel_loop3A_915 : i32 to vector<16xi32>
      %parallel_loop3A_917 = arith.addi %parallel_loop3A_914, %parallel_loop3A_916 : vector<16xi32>
      %parallel_loop3A_918 = arith.constant 0 : i32
      %parallel_loop3A_919 = arith.constant 225 : i32
      %parallel_loop3A_920 = vector.broadcast %parallel_loop3A_918 : i32 to vector<16xi32>
      %parallel_loop3A_921 = arith.maxsi %parallel_loop3A_920, %parallel_loop3A_917 : vector<16xi32>
      %parallel_loop3A_922 = vector.broadcast %parallel_loop3A_919 : i32 to vector<16xi32>
      %parallel_loop3A_923 = arith.minsi %parallel_loop3A_922, %parallel_loop3A_921 : vector<16xi32>
      %parallel_loop3A_924 = arith.constant 4 : i32
      %parallel_loop3A_925 = vector.broadcast %parallel_loop3A_924 : i32 to vector<16xi32>
      %parallel_loop3A_926 = arith.shrsi %parallel_loop3A_923, %parallel_loop3A_925 : vector<16xi32>
      %parallel_loop3A_927 = arith.constant 15 : i32
      %parallel_loop3A_928 = vector.broadcast %parallel_loop3A_927 : i32 to vector<16xi32>
      %parallel_loop3A_929 = arith.andi %parallel_loop3A_923, %parallel_loop3A_928 : vector<16xi32>
      %parallel_loop3A_930 = arith.constant 4 : i32
      %parallel_loop3A_931 = vector.broadcast %parallel_loop3A_930 : i32 to vector<16xi32>
      %parallel_loop3A_932 = arith.addi %mul3A_18, %parallel_loop3A_931 : vector<16xi32>
      %parallel_loop3A_933 = arith.sitofp %parallel_loop3A_926 : vector<16xi32> to vector<16xf32>
      %parallel_loop3A_934 = arith.constant 6.250000e-02 : f32
      %parallel_loop3A_935 = vector.broadcast %parallel_loop3A_934 : f32 to vector<16xf32>
      %parallel_loop3A_936 = arith.mulf %parallel_loop3A_933, %parallel_loop3A_935 : vector<16xf32>
      tpu.vector_store_idx %arg7[%parallel_loop3A_44, %parallel_loop3A_932], %parallel_loop3A_936 : memref<64x288xf32, #tpu.memory_space<vmem>>[vector<16xi32>, vector<16xi32>], vector<16xf32>,
      %parallel_loop3A_937 = arith.constant 4 : i32
      %parallel_loop3A_938 = vector.broadcast %parallel_loop3A_937 : i32 to vector<16xi32>
      %parallel_loop3A_939 = arith.addi %mul3A_18, %parallel_loop3A_938 : vector<16xi32>
      %parallel_loop3A_940 = arith.constant 1 : i32
      %parallel_loop3A_941 = vector.broadcast %parallel_loop3A_940 : i32 to vector<16xi32>
      %parallel_loop3A_942 = arith.addi %parallel_loop3A_939, %parallel_loop3A_941 : vector<16xi32>
      %parallel_loop3A_943 = arith.sitofp %parallel_loop3A_929 : vector<16xi32> to vector<16xf32>
      %parallel_loop3A_944 = arith.constant 6.250000e-02 : f32
      %parallel_loop3A_945 = vector.broadcast %parallel_loop3A_944 : f32 to vector<16xf32>
      %parallel_loop3A_946 = arith.mulf %parallel_loop3A_943, %parallel_loop3A_945 : vector<16xf32>
      tpu.vector_store_idx %arg7[%parallel_loop3A_44, %parallel_loop3A_942], %parallel_loop3A_946 : memref<64x288xf32, #tpu.memory_space<vmem>>[vector<16xi32>, vector<16xi32>], vector<16xf32>,
      %parallel_loop3A_947 = arith.constant 4 : i32
      %parallel_loop3A_948 = vector.broadcast %parallel_loop3A_947 : i32 to vector<16xi32>
      %parallel_loop3A_949 = arith.shli %parallel_loop3A_929, %parallel_loop3A_948 : vector<16xi32>
      %parallel_loop3A_950 = arith.addi %parallel_loop3A_949, %parallel_loop3A_926 : vector<16xi32>
      %parallel_loop3A_951 = arith.constant 1 : i32
      %parallel_loop3A_952 = vector.broadcast %parallel_loop3A_951 : i32 to vector<16xi32>
      %parallel_loop3A_953 = arith.cmpi sge, %parallel_loop3A_926, %parallel_loop3A_952 : vector<16xi32>
      %parallel_loop3A_954 = arith.constant 1 : i32
      %parallel_loop3A_955 = vector.broadcast %parallel_loop3A_954 : i32 to vector<16xi32>
      %parallel_loop3A_956 = arith.cmpi sge, %parallel_loop3A_929, %parallel_loop3A_955 : vector<16xi32>
      %parallel_loop3A_957 = arith.addi %mul3A_21, %parallel_loop3A_950 : vector<16xi32>
      tpu.vector_store_idx %arg6[%parallel_loop3A_44, %parallel_loop3A_957], %broadcast_in_dim3A_30 {add = true} : memref<64x1024xf32, #tpu.memory_space<vmem>>[vector<16xi32>, vector<16xi32>], vector<16xf32>,
      %parallel_loop3A_958 = arith.addi %sub3A_23, %parallel_loop3A_950 : vector<16xi32>
      tpu.vector_store_idx %arg6[%parallel_loop3A_44, %parallel_loop3A_958], %broadcast_in_dim3A_30 masked %parallel_loop3A_956 {add = true} : memref<64x1024xf32, #tpu.memory_space<vmem>>[vector<16xi32>, vector<16xi32>], vector<16xf32>, vector<16xi1>
      %parallel_loop3A_959 = arith.addi %sub3A_26, %parallel_loop3A_950 : vector<16xi32>
      tpu.vector_store_idx %arg6[%parallel_loop3A_44, %parallel_loop3A_959], %broadcast_in_dim3A_30 masked %parallel_loop3A_953 {add = true} : memref<64x1024xf32, #tpu.memory_space<vmem>>[vector<16xi32>, vector<16xi32>], vector<16xf32>, vector<16xi1>
      %parallel_loop3A_960 = arith.addi %sub3A_29, %parallel_loop3A_950 : vector<16xi32>
      %parallel_loop3A_961 = arith.andi %parallel_loop3A_953, %parallel_loop3A_956 : vector<16xi1>
      tpu.vector_store_idx %arg6[%parallel_loop3A_44, %parallel_loop3A_960], %broadcast_in_dim3A_30 masked %parallel_loop3A_961 {add = true} : memref<64x1024xf32, #tpu.memory_space<vmem>>[vector<16xi32>, vector<16xi32>], vector<16xf32>, vector<16xi1>
      %parallel_loop3A_962 = arith.constant -16 : i32
      %parallel_loop3A_963 = vector.broadcast %parallel_loop3A_962 : i32 to vector<16xi32>
      %parallel_loop3A_964 = arith.addi %parallel_loop3A_914, %parallel_loop3A_963 : vector<16xi32>
      %parallel_loop3A_965 = arith.constant 0 : i32
      %parallel_loop3A_966 = arith.constant 225 : i32
      %parallel_loop3A_967 = vector.broadcast %parallel_loop3A_965 : i32 to vector<16xi32>
      %parallel_loop3A_968 = arith.maxsi %parallel_loop3A_967, %parallel_loop3A_964 : vector<16xi32>
      %parallel_loop3A_969 = vector.broadcast %parallel_loop3A_966 : i32 to vector<16xi32>
      %parallel_loop3A_970 = arith.minsi %parallel_loop3A_969, %parallel_loop3A_968 : vector<16xi32>
      %parallel_loop3A_971 = arith.constant 4 : i32
      %parallel_loop3A_972 = vector.broadcast %parallel_loop3A_971 : i32 to vector<16xi32>
      %parallel_loop3A_973 = arith.shrsi %parallel_loop3A_970, %parallel_loop3A_972 : vector<16xi32>
      %parallel_loop3A_974 = arith.constant 15 : i32
      %parallel_loop3A_975 = vector.broadcast %parallel_loop3A_974 : i32 to vector<16xi32>
      %parallel_loop3A_976 = arith.andi %parallel_loop3A_970, %parallel_loop3A_975 : vector<16xi32>
      %parallel_loop3A_977 = arith.constant 12 : i32
      %parallel_loop3A_978 = vector.broadcast %parallel_loop3A_977 : i32 to vector<16xi32>
      %parallel_loop3A_979 = arith.addi %mul3A_18, %parallel_loop3A_978 : vector<16xi32>
      %parallel_loop3A_980 = arith.sitofp %parallel_loop3A_973 : vector<16xi32> to vector<16xf32>
      %parallel_loop3A_981 = arith.constant 6.250000e-02 : f32
      %parallel_loop3A_982 = vector.broadcast %parallel_loop3A_981 : f32 to vector<16xf32>
      %parallel_loop3A_983 = arith.mulf %parallel_loop3A_980, %parallel_loop3A_982 : vector<16xf32>
      tpu.vector_store_idx %arg7[%parallel_loop3A_44, %parallel_loop3A_979], %parallel_loop3A_983 : memref<64x288xf32, #tpu.memory_space<vmem>>[vector<16xi32>, vector<16xi32>], vector<16xf32>,
      %parallel_loop3A_984 = arith.constant 12 : i32
      %parallel_loop3A_985 = vector.broadcast %parallel_loop3A_984 : i32 to vector<16xi32>
      %parallel_loop3A_986 = arith.addi %mul3A_18, %parallel_loop3A_985 : vector<16xi32>
      %parallel_loop3A_987 = arith.constant 1 : i32
      %parallel_loop3A_988 = vector.broadcast %parallel_loop3A_987 : i32 to vector<16xi32>
      %parallel_loop3A_989 = arith.addi %parallel_loop3A_986, %parallel_loop3A_988 : vector<16xi32>
      %parallel_loop3A_990 = arith.sitofp %parallel_loop3A_976 : vector<16xi32> to vector<16xf32>
      %parallel_loop3A_991 = arith.constant 6.250000e-02 : f32
      %parallel_loop3A_992 = vector.broadcast %parallel_loop3A_991 : f32 to vector<16xf32>
      %parallel_loop3A_993 = arith.mulf %parallel_loop3A_990, %parallel_loop3A_992 : vector<16xf32>
      tpu.vector_store_idx %arg7[%parallel_loop3A_44, %parallel_loop3A_989], %parallel_loop3A_993 : memref<64x288xf32, #tpu.memory_space<vmem>>[vector<16xi32>, vector<16xi32>], vector<16xf32>,
      %parallel_loop3A_994 = arith.constant 4 : i32
      %parallel_loop3A_995 = vector.broadcast %parallel_loop3A_994 : i32 to vector<16xi32>
      %parallel_loop3A_996 = arith.shli %parallel_loop3A_976, %parallel_loop3A_995 : vector<16xi32>
      %parallel_loop3A_997 = arith.addi %parallel_loop3A_996, %parallel_loop3A_973 : vector<16xi32>
      %parallel_loop3A_998 = arith.constant 1 : i32
      %parallel_loop3A_999 = vector.broadcast %parallel_loop3A_998 : i32 to vector<16xi32>
      %parallel_loop3A_1000 = arith.cmpi sge, %parallel_loop3A_973, %parallel_loop3A_999 : vector<16xi32>
      %parallel_loop3A_1001 = arith.constant 1 : i32
      %parallel_loop3A_1002 = vector.broadcast %parallel_loop3A_1001 : i32 to vector<16xi32>
      %parallel_loop3A_1003 = arith.cmpi sge, %parallel_loop3A_976, %parallel_loop3A_1002 : vector<16xi32>
      %parallel_loop3A_1004 = arith.addi %mul3A_21, %parallel_loop3A_997 : vector<16xi32>
      tpu.vector_store_idx %arg6[%parallel_loop3A_44, %parallel_loop3A_1004], %broadcast_in_dim3A_30 {add = true} : memref<64x1024xf32, #tpu.memory_space<vmem>>[vector<16xi32>, vector<16xi32>], vector<16xf32>,
      %parallel_loop3A_1005 = arith.addi %sub3A_23, %parallel_loop3A_997 : vector<16xi32>
      tpu.vector_store_idx %arg6[%parallel_loop3A_44, %parallel_loop3A_1005], %broadcast_in_dim3A_30 masked %parallel_loop3A_1003 {add = true} : memref<64x1024xf32, #tpu.memory_space<vmem>>[vector<16xi32>, vector<16xi32>], vector<16xf32>, vector<16xi1>
      %parallel_loop3A_1006 = arith.addi %sub3A_26, %parallel_loop3A_997 : vector<16xi32>
      tpu.vector_store_idx %arg6[%parallel_loop3A_44, %parallel_loop3A_1006], %broadcast_in_dim3A_30 masked %parallel_loop3A_1000 {add = true} : memref<64x1024xf32, #tpu.memory_space<vmem>>[vector<16xi32>, vector<16xi32>], vector<16xf32>, vector<16xi1>
      %parallel_loop3A_1007 = arith.addi %sub3A_29, %parallel_loop3A_997 : vector<16xi32>
      %parallel_loop3A_1008 = arith.andi %parallel_loop3A_1000, %parallel_loop3A_1003 : vector<16xi1>
      tpu.vector_store_idx %arg6[%parallel_loop3A_44, %parallel_loop3A_1007], %broadcast_in_dim3A_30 masked %parallel_loop3A_1008 {add = true} : memref<64x1024xf32, #tpu.memory_space<vmem>>[vector<16xi32>, vector<16xi32>], vector<16xf32>, vector<16xi1>
      %parallel_loop3A_1009 = arith.constant -15 : i32
      %parallel_loop3A_1010 = vector.broadcast %parallel_loop3A_1009 : i32 to vector<16xi32>
      %parallel_loop3A_1011 = arith.addi %parallel_loop3A_914, %parallel_loop3A_1010 : vector<16xi32>
      %parallel_loop3A_1012 = arith.constant 0 : i32
      %parallel_loop3A_1013 = arith.constant 225 : i32
      %parallel_loop3A_1014 = vector.broadcast %parallel_loop3A_1012 : i32 to vector<16xi32>
      %parallel_loop3A_1015 = arith.maxsi %parallel_loop3A_1014, %parallel_loop3A_1011 : vector<16xi32>
      %parallel_loop3A_1016 = vector.broadcast %parallel_loop3A_1013 : i32 to vector<16xi32>
      %parallel_loop3A_1017 = arith.minsi %parallel_loop3A_1016, %parallel_loop3A_1015 : vector<16xi32>
      %parallel_loop3A_1018 = arith.constant 4 : i32
      %parallel_loop3A_1019 = vector.broadcast %parallel_loop3A_1018 : i32 to vector<16xi32>
      %parallel_loop3A_1020 = arith.shrsi %parallel_loop3A_1017, %parallel_loop3A_1019 : vector<16xi32>
      %parallel_loop3A_1021 = arith.constant 15 : i32
      %parallel_loop3A_1022 = vector.broadcast %parallel_loop3A_1021 : i32 to vector<16xi32>
      %parallel_loop3A_1023 = arith.andi %parallel_loop3A_1017, %parallel_loop3A_1022 : vector<16xi32>
      %parallel_loop3A_1024 = arith.constant 20 : i32
      %parallel_loop3A_1025 = vector.broadcast %parallel_loop3A_1024 : i32 to vector<16xi32>
      %parallel_loop3A_1026 = arith.addi %mul3A_18, %parallel_loop3A_1025 : vector<16xi32>
      %parallel_loop3A_1027 = arith.sitofp %parallel_loop3A_1020 : vector<16xi32> to vector<16xf32>
      %parallel_loop3A_1028 = arith.constant 6.250000e-02 : f32
      %parallel_loop3A_1029 = vector.broadcast %parallel_loop3A_1028 : f32 to vector<16xf32>
      %parallel_loop3A_1030 = arith.mulf %parallel_loop3A_1027, %parallel_loop3A_1029 : vector<16xf32>
      tpu.vector_store_idx %arg7[%parallel_loop3A_44, %parallel_loop3A_1026], %parallel_loop3A_1030 : memref<64x288xf32, #tpu.memory_space<vmem>>[vector<16xi32>, vector<16xi32>], vector<16xf32>,
      %parallel_loop3A_1031 = arith.constant 20 : i32
      %parallel_loop3A_1032 = vector.broadcast %parallel_loop3A_1031 : i32 to vector<16xi32>
      %parallel_loop3A_1033 = arith.addi %mul3A_18, %parallel_loop3A_1032 : vector<16xi32>
      %parallel_loop3A_1034 = arith.constant 1 : i32
      %parallel_loop3A_1035 = vector.broadcast %parallel_loop3A_1034 : i32 to vector<16xi32>
      %parallel_loop3A_1036 = arith.addi %parallel_loop3A_1033, %parallel_loop3A_1035 : vector<16xi32>
      %parallel_loop3A_1037 = arith.sitofp %parallel_loop3A_1023 : vector<16xi32> to vector<16xf32>
      %parallel_loop3A_1038 = arith.constant 6.250000e-02 : f32
      %parallel_loop3A_1039 = vector.broadcast %parallel_loop3A_1038 : f32 to vector<16xf32>
      %parallel_loop3A_1040 = arith.mulf %parallel_loop3A_1037, %parallel_loop3A_1039 : vector<16xf32>
      tpu.vector_store_idx %arg7[%parallel_loop3A_44, %parallel_loop3A_1036], %parallel_loop3A_1040 : memref<64x288xf32, #tpu.memory_space<vmem>>[vector<16xi32>, vector<16xi32>], vector<16xf32>,
      %parallel_loop3A_1041 = arith.constant 4 : i32
      %parallel_loop3A_1042 = vector.broadcast %parallel_loop3A_1041 : i32 to vector<16xi32>
      %parallel_loop3A_1043 = arith.shli %parallel_loop3A_1023, %parallel_loop3A_1042 : vector<16xi32>
      %parallel_loop3A_1044 = arith.addi %parallel_loop3A_1043, %parallel_loop3A_1020 : vector<16xi32>
      %parallel_loop3A_1045 = arith.constant 1 : i32
      %parallel_loop3A_1046 = vector.broadcast %parallel_loop3A_1045 : i32 to vector<16xi32>
      %parallel_loop3A_1047 = arith.cmpi sge, %parallel_loop3A_1020, %parallel_loop3A_1046 : vector<16xi32>
      %parallel_loop3A_1048 = arith.constant 1 : i32
      %parallel_loop3A_1049 = vector.broadcast %parallel_loop3A_1048 : i32 to vector<16xi32>
      %parallel_loop3A_1050 = arith.cmpi sge, %parallel_loop3A_1023, %parallel_loop3A_1049 : vector<16xi32>
      %parallel_loop3A_1051 = arith.addi %mul3A_21, %parallel_loop3A_1044 : vector<16xi32>
      tpu.vector_store_idx %arg6[%parallel_loop3A_44, %parallel_loop3A_1051], %broadcast_in_dim3A_30 {add = true} : memref<64x1024xf32, #tpu.memory_space<vmem>>[vector<16xi32>, vector<16xi32>], vector<16xf32>,
      %parallel_loop3A_1052 = arith.addi %sub3A_23, %parallel_loop3A_1044 : vector<16xi32>
      tpu.vector_store_idx %arg6[%parallel_loop3A_44, %parallel_loop3A_1052], %broadcast_in_dim3A_30 masked %parallel_loop3A_1050 {add = true} : memref<64x1024xf32, #tpu.memory_space<vmem>>[vector<16xi32>, vector<16xi32>], vector<16xf32>, vector<16xi1>
      %parallel_loop3A_1053 = arith.addi %sub3A_26, %parallel_loop3A_1044 : vector<16xi32>
      tpu.vector_store_idx %arg6[%parallel_loop3A_44, %parallel_loop3A_1053], %broadcast_in_dim3A_30 masked %parallel_loop3A_1047 {add = true} : memref<64x1024xf32, #tpu.memory_space<vmem>>[vector<16xi32>, vector<16xi32>], vector<16xf32>, vector<16xi1>
      %parallel_loop3A_1054 = arith.addi %sub3A_29, %parallel_loop3A_1044 : vector<16xi32>
      %parallel_loop3A_1055 = arith.andi %parallel_loop3A_1047, %parallel_loop3A_1050 : vector<16xi1>
      tpu.vector_store_idx %arg6[%parallel_loop3A_44, %parallel_loop3A_1054], %broadcast_in_dim3A_30 masked %parallel_loop3A_1055 {add = true} : memref<64x1024xf32, #tpu.memory_space<vmem>>[vector<16xi32>, vector<16xi32>], vector<16xf32>, vector<16xi1>
      %parallel_loop3A_1056 = arith.constant -1 : i32
      %parallel_loop3A_1057 = vector.broadcast %parallel_loop3A_1056 : i32 to vector<16xi32>
      %parallel_loop3A_1058 = arith.addi %parallel_loop3A_914, %parallel_loop3A_1057 : vector<16xi32>
      %parallel_loop3A_1059 = arith.constant 0 : i32
      %parallel_loop3A_1060 = arith.constant 225 : i32
      %parallel_loop3A_1061 = vector.broadcast %parallel_loop3A_1059 : i32 to vector<16xi32>
      %parallel_loop3A_1062 = arith.maxsi %parallel_loop3A_1061, %parallel_loop3A_1058 : vector<16xi32>
      %parallel_loop3A_1063 = vector.broadcast %parallel_loop3A_1060 : i32 to vector<16xi32>
      %parallel_loop3A_1064 = arith.minsi %parallel_loop3A_1063, %parallel_loop3A_1062 : vector<16xi32>
      %parallel_loop3A_1065 = arith.constant 4 : i32
      %parallel_loop3A_1066 = vector.broadcast %parallel_loop3A_1065 : i32 to vector<16xi32>
      %parallel_loop3A_1067 = arith.shrsi %parallel_loop3A_1064, %parallel_loop3A_1066 : vector<16xi32>
      %parallel_loop3A_1068 = arith.constant 15 : i32
      %parallel_loop3A_1069 = vector.broadcast %parallel_loop3A_1068 : i32 to vector<16xi32>
      %parallel_loop3A_1070 = arith.andi %parallel_loop3A_1064, %parallel_loop3A_1069 : vector<16xi32>
      %parallel_loop3A_1071 = arith.constant 28 : i32
      %parallel_loop3A_1072 = vector.broadcast %parallel_loop3A_1071 : i32 to vector<16xi32>
      %parallel_loop3A_1073 = arith.addi %mul3A_18, %parallel_loop3A_1072 : vector<16xi32>
      %parallel_loop3A_1074 = arith.sitofp %parallel_loop3A_1067 : vector<16xi32> to vector<16xf32>
      %parallel_loop3A_1075 = arith.constant 6.250000e-02 : f32
      %parallel_loop3A_1076 = vector.broadcast %parallel_loop3A_1075 : f32 to vector<16xf32>
      %parallel_loop3A_1077 = arith.mulf %parallel_loop3A_1074, %parallel_loop3A_1076 : vector<16xf32>
      tpu.vector_store_idx %arg7[%parallel_loop3A_44, %parallel_loop3A_1073], %parallel_loop3A_1077 : memref<64x288xf32, #tpu.memory_space<vmem>>[vector<16xi32>, vector<16xi32>], vector<16xf32>,
      %parallel_loop3A_1078 = arith.constant 28 : i32
      %parallel_loop3A_1079 = vector.broadcast %parallel_loop3A_1078 : i32 to vector<16xi32>
      %parallel_loop3A_1080 = arith.addi %mul3A_18, %parallel_loop3A_1079 : vector<16xi32>
      %parallel_loop3A_1081 = arith.constant 1 : i32
      %parallel_loop3A_1082 = vector.broadcast %parallel_loop3A_1081 : i32 to vector<16xi32>
      %parallel_loop3A_1083 = arith.addi %parallel_loop3A_1080, %parallel_loop3A_1082 : vector<16xi32>
      %parallel_loop3A_1084 = arith.sitofp %parallel_loop3A_1070 : vector<16xi32> to vector<16xf32>
      %parallel_loop3A_1085 = arith.constant 6.250000e-02 : f32
      %parallel_loop3A_1086 = vector.broadcast %parallel_loop3A_1085 : f32 to vector<16xf32>
      %parallel_loop3A_1087 = arith.mulf %parallel_loop3A_1084, %parallel_loop3A_1086 : vector<16xf32>
      tpu.vector_store_idx %arg7[%parallel_loop3A_44, %parallel_loop3A_1083], %parallel_loop3A_1087 : memref<64x288xf32, #tpu.memory_space<vmem>>[vector<16xi32>, vector<16xi32>], vector<16xf32>,
      %parallel_loop3A_1088 = arith.constant 4 : i32
      %parallel_loop3A_1089 = vector.broadcast %parallel_loop3A_1088 : i32 to vector<16xi32>
      %parallel_loop3A_1090 = arith.shli %parallel_loop3A_1070, %parallel_loop3A_1089 : vector<16xi32>
      %parallel_loop3A_1091 = arith.addi %parallel_loop3A_1090, %parallel_loop3A_1067 : vector<16xi32>
      %parallel_loop3A_1092 = arith.constant 1 : i32
      %parallel_loop3A_1093 = vector.broadcast %parallel_loop3A_1092 : i32 to vector<16xi32>
      %parallel_loop3A_1094 = arith.cmpi sge, %parallel_loop3A_1067, %parallel_loop3A_1093 : vector<16xi32>
      %parallel_loop3A_1095 = arith.constant 1 : i32
      %parallel_loop3A_1096 = vector.broadcast %parallel_loop3A_1095 : i32 to vector<16xi32>
      %parallel_loop3A_1097 = arith.cmpi sge, %parallel_loop3A_1070, %parallel_loop3A_1096 : vector<16xi32>
      %parallel_loop3A_1098 = arith.addi %mul3A_21, %parallel_loop3A_1091 : vector<16xi32>
      tpu.vector_store_idx %arg6[%parallel_loop3A_44, %parallel_loop3A_1098], %broadcast_in_dim3A_30 {add = true} : memref<64x1024xf32, #tpu.memory_space<vmem>>[vector<16xi32>, vector<16xi32>], vector<16xf32>,
      %parallel_loop3A_1099 = arith.addi %sub3A_23, %parallel_loop3A_1091 : vector<16xi32>
      tpu.vector_store_idx %arg6[%parallel_loop3A_44, %parallel_loop3A_1099], %broadcast_in_dim3A_30 masked %parallel_loop3A_1097 {add = true} : memref<64x1024xf32, #tpu.memory_space<vmem>>[vector<16xi32>, vector<16xi32>], vector<16xf32>, vector<16xi1>
      %parallel_loop3A_1100 = arith.addi %sub3A_26, %parallel_loop3A_1091 : vector<16xi32>
      tpu.vector_store_idx %arg6[%parallel_loop3A_44, %parallel_loop3A_1100], %broadcast_in_dim3A_30 masked %parallel_loop3A_1094 {add = true} : memref<64x1024xf32, #tpu.memory_space<vmem>>[vector<16xi32>, vector<16xi32>], vector<16xf32>, vector<16xi1>
      %parallel_loop3A_1101 = arith.addi %sub3A_29, %parallel_loop3A_1091 : vector<16xi32>
      %parallel_loop3A_1102 = arith.andi %parallel_loop3A_1094, %parallel_loop3A_1097 : vector<16xi1>
      tpu.vector_store_idx %arg6[%parallel_loop3A_44, %parallel_loop3A_1101], %broadcast_in_dim3A_30 masked %parallel_loop3A_1102 {add = true} : memref<64x1024xf32, #tpu.memory_space<vmem>>[vector<16xi32>, vector<16xi32>], vector<16xf32>, vector<16xi1>
      %parallel_loop3A_1103 = arith.constant 0 : i32
      %parallel_loop3A_1104 = vector.broadcast %parallel_loop3A_1103 : i32 to vector<16xi32>
      %parallel_loop3A_1105 = arith.addi %parallel_loop3A_914, %parallel_loop3A_1104 : vector<16xi32>
      %parallel_loop3A_1106 = arith.constant 0 : i32
      %parallel_loop3A_1107 = arith.constant 225 : i32
      %parallel_loop3A_1108 = vector.broadcast %parallel_loop3A_1106 : i32 to vector<16xi32>
      %parallel_loop3A_1109 = arith.maxsi %parallel_loop3A_1108, %parallel_loop3A_1105 : vector<16xi32>
      %parallel_loop3A_1110 = vector.broadcast %parallel_loop3A_1107 : i32 to vector<16xi32>
      %parallel_loop3A_1111 = arith.minsi %parallel_loop3A_1110, %parallel_loop3A_1109 : vector<16xi32>
      %parallel_loop3A_1112 = arith.constant 4 : i32
      %parallel_loop3A_1113 = vector.broadcast %parallel_loop3A_1112 : i32 to vector<16xi32>
      %parallel_loop3A_1114 = arith.shrsi %parallel_loop3A_1111, %parallel_loop3A_1113 : vector<16xi32>
      %parallel_loop3A_1115 = arith.constant 15 : i32
      %parallel_loop3A_1116 = vector.broadcast %parallel_loop3A_1115 : i32 to vector<16xi32>
      %parallel_loop3A_1117 = arith.andi %parallel_loop3A_1111, %parallel_loop3A_1116 : vector<16xi32>
      %parallel_loop3A_1118 = arith.constant 36 : i32
      %parallel_loop3A_1119 = vector.broadcast %parallel_loop3A_1118 : i32 to vector<16xi32>
      %parallel_loop3A_1120 = arith.addi %mul3A_18, %parallel_loop3A_1119 : vector<16xi32>
      %parallel_loop3A_1121 = arith.sitofp %parallel_loop3A_1114 : vector<16xi32> to vector<16xf32>
      %parallel_loop3A_1122 = arith.constant 6.250000e-02 : f32
      %parallel_loop3A_1123 = vector.broadcast %parallel_loop3A_1122 : f32 to vector<16xf32>
      %parallel_loop3A_1124 = arith.mulf %parallel_loop3A_1121, %parallel_loop3A_1123 : vector<16xf32>
      tpu.vector_store_idx %arg7[%parallel_loop3A_44, %parallel_loop3A_1120], %parallel_loop3A_1124 : memref<64x288xf32, #tpu.memory_space<vmem>>[vector<16xi32>, vector<16xi32>], vector<16xf32>,
      %parallel_loop3A_1125 = arith.constant 36 : i32
      %parallel_loop3A_1126 = vector.broadcast %parallel_loop3A_1125 : i32 to vector<16xi32>
      %parallel_loop3A_1127 = arith.addi %mul3A_18, %parallel_loop3A_1126 : vector<16xi32>
      %parallel_loop3A_1128 = arith.constant 1 : i32
      %parallel_loop3A_1129 = vector.broadcast %parallel_loop3A_1128 : i32 to vector<16xi32>
      %parallel_loop3A_1130 = arith.addi %parallel_loop3A_1127, %parallel_loop3A_1129 : vector<16xi32>
      %parallel_loop3A_1131 = arith.sitofp %parallel_loop3A_1117 : vector<16xi32> to vector<16xf32>
      %parallel_loop3A_1132 = arith.constant 6.250000e-02 : f32
      %parallel_loop3A_1133 = vector.broadcast %parallel_loop3A_1132 : f32 to vector<16xf32>
      %parallel_loop3A_1134 = arith.mulf %parallel_loop3A_1131, %parallel_loop3A_1133 : vector<16xf32>
      tpu.vector_store_idx %arg7[%parallel_loop3A_44, %parallel_loop3A_1130], %parallel_loop3A_1134 : memref<64x288xf32, #tpu.memory_space<vmem>>[vector<16xi32>, vector<16xi32>], vector<16xf32>,
      %parallel_loop3A_1135 = arith.constant 4 : i32
      %parallel_loop3A_1136 = vector.broadcast %parallel_loop3A_1135 : i32 to vector<16xi32>
      %parallel_loop3A_1137 = arith.shli %parallel_loop3A_1117, %parallel_loop3A_1136 : vector<16xi32>
      %parallel_loop3A_1138 = arith.addi %parallel_loop3A_1137, %parallel_loop3A_1114 : vector<16xi32>
      %parallel_loop3A_1139 = arith.constant 1 : i32
      %parallel_loop3A_1140 = vector.broadcast %parallel_loop3A_1139 : i32 to vector<16xi32>
      %parallel_loop3A_1141 = arith.cmpi sge, %parallel_loop3A_1114, %parallel_loop3A_1140 : vector<16xi32>
      %parallel_loop3A_1142 = arith.constant 1 : i32
      %parallel_loop3A_1143 = vector.broadcast %parallel_loop3A_1142 : i32 to vector<16xi32>
      %parallel_loop3A_1144 = arith.cmpi sge, %parallel_loop3A_1117, %parallel_loop3A_1143 : vector<16xi32>
      %parallel_loop3A_1145 = arith.addi %mul3A_21, %parallel_loop3A_1138 : vector<16xi32>
      tpu.vector_store_idx %arg6[%parallel_loop3A_44, %parallel_loop3A_1145], %broadcast_in_dim3A_30 {add = true} : memref<64x1024xf32, #tpu.memory_space<vmem>>[vector<16xi32>, vector<16xi32>], vector<16xf32>,
      %parallel_loop3A_1146 = arith.addi %sub3A_23, %parallel_loop3A_1138 : vector<16xi32>
      tpu.vector_store_idx %arg6[%parallel_loop3A_44, %parallel_loop3A_1146], %broadcast_in_dim3A_30 masked %parallel_loop3A_1144 {add = true} : memref<64x1024xf32, #tpu.memory_space<vmem>>[vector<16xi32>, vector<16xi32>], vector<16xf32>, vector<16xi1>
      %parallel_loop3A_1147 = arith.addi %sub3A_26, %parallel_loop3A_1138 : vector<16xi32>
      tpu.vector_store_idx %arg6[%parallel_loop3A_44, %parallel_loop3A_1147], %broadcast_in_dim3A_30 masked %parallel_loop3A_1141 {add = true} : memref<64x1024xf32, #tpu.memory_space<vmem>>[vector<16xi32>, vector<16xi32>], vector<16xf32>, vector<16xi1>
      %parallel_loop3A_1148 = arith.addi %sub3A_29, %parallel_loop3A_1138 : vector<16xi32>
      %parallel_loop3A_1149 = arith.andi %parallel_loop3A_1141, %parallel_loop3A_1144 : vector<16xi1>
      tpu.vector_store_idx %arg6[%parallel_loop3A_44, %parallel_loop3A_1148], %broadcast_in_dim3A_30 masked %parallel_loop3A_1149 {add = true} : memref<64x1024xf32, #tpu.memory_space<vmem>>[vector<16xi32>, vector<16xi32>], vector<16xf32>, vector<16xi1>
      %parallel_loop3A_1150 = arith.constant 1 : i32
      %parallel_loop3A_1151 = vector.broadcast %parallel_loop3A_1150 : i32 to vector<16xi32>
      %parallel_loop3A_1152 = arith.addi %parallel_loop3A_914, %parallel_loop3A_1151 : vector<16xi32>
      %parallel_loop3A_1153 = arith.constant 0 : i32
      %parallel_loop3A_1154 = arith.constant 225 : i32
      %parallel_loop3A_1155 = vector.broadcast %parallel_loop3A_1153 : i32 to vector<16xi32>
      %parallel_loop3A_1156 = arith.maxsi %parallel_loop3A_1155, %parallel_loop3A_1152 : vector<16xi32>
      %parallel_loop3A_1157 = vector.broadcast %parallel_loop3A_1154 : i32 to vector<16xi32>
      %parallel_loop3A_1158 = arith.minsi %parallel_loop3A_1157, %parallel_loop3A_1156 : vector<16xi32>
      %parallel_loop3A_1159 = arith.constant 4 : i32
      %parallel_loop3A_1160 = vector.broadcast %parallel_loop3A_1159 : i32 to vector<16xi32>
      %parallel_loop3A_1161 = arith.shrsi %parallel_loop3A_1158, %parallel_loop3A_1160 : vector<16xi32>
      %parallel_loop3A_1162 = arith.constant 15 : i32
      %parallel_loop3A_1163 = vector.broadcast %parallel_loop3A_1162 : i32 to vector<16xi32>
      %parallel_loop3A_1164 = arith.andi %parallel_loop3A_1158, %parallel_loop3A_1163 : vector<16xi32>
      %parallel_loop3A_1165 = arith.constant 44 : i32
      %parallel_loop3A_1166 = vector.broadcast %parallel_loop3A_1165 : i32 to vector<16xi32>
      %parallel_loop3A_1167 = arith.addi %mul3A_18, %parallel_loop3A_1166 : vector<16xi32>
      %parallel_loop3A_1168 = arith.sitofp %parallel_loop3A_1161 : vector<16xi32> to vector<16xf32>
      %parallel_loop3A_1169 = arith.constant 6.250000e-02 : f32
      %parallel_loop3A_1170 = vector.broadcast %parallel_loop3A_1169 : f32 to vector<16xf32>
      %parallel_loop3A_1171 = arith.mulf %parallel_loop3A_1168, %parallel_loop3A_1170 : vector<16xf32>
      tpu.vector_store_idx %arg7[%parallel_loop3A_44, %parallel_loop3A_1167], %parallel_loop3A_1171 : memref<64x288xf32, #tpu.memory_space<vmem>>[vector<16xi32>, vector<16xi32>], vector<16xf32>,
      %parallel_loop3A_1172 = arith.constant 44 : i32
      %parallel_loop3A_1173 = vector.broadcast %parallel_loop3A_1172 : i32 to vector<16xi32>
      %parallel_loop3A_1174 = arith.addi %mul3A_18, %parallel_loop3A_1173 : vector<16xi32>
      %parallel_loop3A_1175 = arith.constant 1 : i32
      %parallel_loop3A_1176 = vector.broadcast %parallel_loop3A_1175 : i32 to vector<16xi32>
      %parallel_loop3A_1177 = arith.addi %parallel_loop3A_1174, %parallel_loop3A_1176 : vector<16xi32>
      %parallel_loop3A_1178 = arith.sitofp %parallel_loop3A_1164 : vector<16xi32> to vector<16xf32>
      %parallel_loop3A_1179 = arith.constant 6.250000e-02 : f32
      %parallel_loop3A_1180 = vector.broadcast %parallel_loop3A_1179 : f32 to vector<16xf32>
      %parallel_loop3A_1181 = arith.mulf %parallel_loop3A_1178, %parallel_loop3A_1180 : vector<16xf32>
      tpu.vector_store_idx %arg7[%parallel_loop3A_44, %parallel_loop3A_1177], %parallel_loop3A_1181 : memref<64x288xf32, #tpu.memory_space<vmem>>[vector<16xi32>, vector<16xi32>], vector<16xf32>,
      %parallel_loop3A_1182 = arith.constant 4 : i32
      %parallel_loop3A_1183 = vector.broadcast %parallel_loop3A_1182 : i32 to vector<16xi32>
      %parallel_loop3A_1184 = arith.shli %parallel_loop3A_1164, %parallel_loop3A_1183 : vector<16xi32>
      %parallel_loop3A_1185 = arith.addi %parallel_loop3A_1184, %parallel_loop3A_1161 : vector<16xi32>
      %parallel_loop3A_1186 = arith.constant 1 : i32
      %parallel_loop3A_1187 = vector.broadcast %parallel_loop3A_1186 : i32 to vector<16xi32>
      %parallel_loop3A_1188 = arith.cmpi sge, %parallel_loop3A_1161, %parallel_loop3A_1187 : vector<16xi32>
      %parallel_loop3A_1189 = arith.constant 1 : i32
      %parallel_loop3A_1190 = vector.broadcast %parallel_loop3A_1189 : i32 to vector<16xi32>
      %parallel_loop3A_1191 = arith.cmpi sge, %parallel_loop3A_1164, %parallel_loop3A_1190 : vector<16xi32>
      %parallel_loop3A_1192 = arith.addi %mul3A_21, %parallel_loop3A_1185 : vector<16xi32>
      tpu.vector_store_idx %arg6[%parallel_loop3A_44, %parallel_loop3A_1192], %broadcast_in_dim3A_30 {add = true} : memref<64x1024xf32, #tpu.memory_space<vmem>>[vector<16xi32>, vector<16xi32>], vector<16xf32>,
      %parallel_loop3A_1193 = arith.addi %sub3A_23, %parallel_loop3A_1185 : vector<16xi32>
      tpu.vector_store_idx %arg6[%parallel_loop3A_44, %parallel_loop3A_1193], %broadcast_in_dim3A_30 masked %parallel_loop3A_1191 {add = true} : memref<64x1024xf32, #tpu.memory_space<vmem>>[vector<16xi32>, vector<16xi32>], vector<16xf32>, vector<16xi1>
      %parallel_loop3A_1194 = arith.addi %sub3A_26, %parallel_loop3A_1185 : vector<16xi32>
      tpu.vector_store_idx %arg6[%parallel_loop3A_44, %parallel_loop3A_1194], %broadcast_in_dim3A_30 masked %parallel_loop3A_1188 {add = true} : memref<64x1024xf32, #tpu.memory_space<vmem>>[vector<16xi32>, vector<16xi32>], vector<16xf32>, vector<16xi1>
      %parallel_loop3A_1195 = arith.addi %sub3A_29, %parallel_loop3A_1185 : vector<16xi32>
      %parallel_loop3A_1196 = arith.andi %parallel_loop3A_1188, %parallel_loop3A_1191 : vector<16xi1>
      tpu.vector_store_idx %arg6[%parallel_loop3A_44, %parallel_loop3A_1195], %broadcast_in_dim3A_30 masked %parallel_loop3A_1196 {add = true} : memref<64x1024xf32, #tpu.memory_space<vmem>>[vector<16xi32>, vector<16xi32>], vector<16xf32>, vector<16xi1>
      %parallel_loop3A_1197 = arith.constant 15 : i32
      %parallel_loop3A_1198 = vector.broadcast %parallel_loop3A_1197 : i32 to vector<16xi32>
      %parallel_loop3A_1199 = arith.addi %parallel_loop3A_914, %parallel_loop3A_1198 : vector<16xi32>
      %parallel_loop3A_1200 = arith.constant 0 : i32
      %parallel_loop3A_1201 = arith.constant 225 : i32
      %parallel_loop3A_1202 = vector.broadcast %parallel_loop3A_1200 : i32 to vector<16xi32>
      %parallel_loop3A_1203 = arith.maxsi %parallel_loop3A_1202, %parallel_loop3A_1199 : vector<16xi32>
      %parallel_loop3A_1204 = vector.broadcast %parallel_loop3A_1201 : i32 to vector<16xi32>
      %parallel_loop3A_1205 = arith.minsi %parallel_loop3A_1204, %parallel_loop3A_1203 : vector<16xi32>
      %parallel_loop3A_1206 = arith.constant 4 : i32
      %parallel_loop3A_1207 = vector.broadcast %parallel_loop3A_1206 : i32 to vector<16xi32>
      %parallel_loop3A_1208 = arith.shrsi %parallel_loop3A_1205, %parallel_loop3A_1207 : vector<16xi32>
      %parallel_loop3A_1209 = arith.constant 15 : i32
      %parallel_loop3A_1210 = vector.broadcast %parallel_loop3A_1209 : i32 to vector<16xi32>
      %parallel_loop3A_1211 = arith.andi %parallel_loop3A_1205, %parallel_loop3A_1210 : vector<16xi32>
      %parallel_loop3A_1212 = arith.constant 52 : i32
      %parallel_loop3A_1213 = vector.broadcast %parallel_loop3A_1212 : i32 to vector<16xi32>
      %parallel_loop3A_1214 = arith.addi %mul3A_18, %parallel_loop3A_1213 : vector<16xi32>
      %parallel_loop3A_1215 = arith.sitofp %parallel_loop3A_1208 : vector<16xi32> to vector<16xf32>
      %parallel_loop3A_1216 = arith.constant 6.250000e-02 : f32
      %parallel_loop3A_1217 = vector.broadcast %parallel_loop3A_1216 : f32 to vector<16xf32>
      %parallel_loop3A_1218 = arith.mulf %parallel_loop3A_1215, %parallel_loop3A_1217 : vector<16xf32>
      tpu.vector_store_idx %arg7[%parallel_loop3A_44, %parallel_loop3A_1214], %parallel_loop3A_1218 : memref<64x288xf32, #tpu.memory_space<vmem>>[vector<16xi32>, vector<16xi32>], vector<16xf32>,
      %parallel_loop3A_1219 = arith.constant 52 : i32
      %parallel_loop3A_1220 = vector.broadcast %parallel_loop3A_1219 : i32 to vector<16xi32>
      %parallel_loop3A_1221 = arith.addi %mul3A_18, %parallel_loop3A_1220 : vector<16xi32>
      %parallel_loop3A_1222 = arith.constant 1 : i32
      %parallel_loop3A_1223 = vector.broadcast %parallel_loop3A_1222 : i32 to vector<16xi32>
      %parallel_loop3A_1224 = arith.addi %parallel_loop3A_1221, %parallel_loop3A_1223 : vector<16xi32>
      %parallel_loop3A_1225 = arith.sitofp %parallel_loop3A_1211 : vector<16xi32> to vector<16xf32>
      %parallel_loop3A_1226 = arith.constant 6.250000e-02 : f32
      %parallel_loop3A_1227 = vector.broadcast %parallel_loop3A_1226 : f32 to vector<16xf32>
      %parallel_loop3A_1228 = arith.mulf %parallel_loop3A_1225, %parallel_loop3A_1227 : vector<16xf32>
      tpu.vector_store_idx %arg7[%parallel_loop3A_44, %parallel_loop3A_1224], %parallel_loop3A_1228 : memref<64x288xf32, #tpu.memory_space<vmem>>[vector<16xi32>, vector<16xi32>], vector<16xf32>,
      %parallel_loop3A_1229 = arith.constant 4 : i32
      %parallel_loop3A_1230 = vector.broadcast %parallel_loop3A_1229 : i32 to vector<16xi32>
      %parallel_loop3A_1231 = arith.shli %parallel_loop3A_1211, %parallel_loop3A_1230 : vector<16xi32>
      %parallel_loop3A_1232 = arith.addi %parallel_loop3A_1231, %parallel_loop3A_1208 : vector<16xi32>
      %parallel_loop3A_1233 = arith.constant 1 : i32
      %parallel_loop3A_1234 = vector.broadcast %parallel_loop3A_1233 : i32 to vector<16xi32>
      %parallel_loop3A_1235 = arith.cmpi sge, %parallel_loop3A_1208, %parallel_loop3A_1234 : vector<16xi32>
      %parallel_loop3A_1236 = arith.constant 1 : i32
      %parallel_loop3A_1237 = vector.broadcast %parallel_loop3A_1236 : i32 to vector<16xi32>
      %parallel_loop3A_1238 = arith.cmpi sge, %parallel_loop3A_1211, %parallel_loop3A_1237 : vector<16xi32>
      %parallel_loop3A_1239 = arith.addi %mul3A_21, %parallel_loop3A_1232 : vector<16xi32>
      tpu.vector_store_idx %arg6[%parallel_loop3A_44, %parallel_loop3A_1239], %broadcast_in_dim3A_30 {add = true} : memref<64x1024xf32, #tpu.memory_space<vmem>>[vector<16xi32>, vector<16xi32>], vector<16xf32>,
      %parallel_loop3A_1240 = arith.addi %sub3A_23, %parallel_loop3A_1232 : vector<16xi32>
      tpu.vector_store_idx %arg6[%parallel_loop3A_44, %parallel_loop3A_1240], %broadcast_in_dim3A_30 masked %parallel_loop3A_1238 {add = true} : memref<64x1024xf32, #tpu.memory_space<vmem>>[vector<16xi32>, vector<16xi32>], vector<16xf32>, vector<16xi1>
      %parallel_loop3A_1241 = arith.addi %sub3A_26, %parallel_loop3A_1232 : vector<16xi32>
      tpu.vector_store_idx %arg6[%parallel_loop3A_44, %parallel_loop3A_1241], %broadcast_in_dim3A_30 masked %parallel_loop3A_1235 {add = true} : memref<64x1024xf32, #tpu.memory_space<vmem>>[vector<16xi32>, vector<16xi32>], vector<16xf32>, vector<16xi1>
      %parallel_loop3A_1242 = arith.addi %sub3A_29, %parallel_loop3A_1232 : vector<16xi32>
      %parallel_loop3A_1243 = arith.andi %parallel_loop3A_1235, %parallel_loop3A_1238 : vector<16xi1>
      tpu.vector_store_idx %arg6[%parallel_loop3A_44, %parallel_loop3A_1242], %broadcast_in_dim3A_30 masked %parallel_loop3A_1243 {add = true} : memref<64x1024xf32, #tpu.memory_space<vmem>>[vector<16xi32>, vector<16xi32>], vector<16xf32>, vector<16xi1>
      %parallel_loop3A_1244 = arith.constant 16 : i32
      %parallel_loop3A_1245 = vector.broadcast %parallel_loop3A_1244 : i32 to vector<16xi32>
      %parallel_loop3A_1246 = arith.addi %parallel_loop3A_914, %parallel_loop3A_1245 : vector<16xi32>
      %parallel_loop3A_1247 = arith.constant 0 : i32
      %parallel_loop3A_1248 = arith.constant 225 : i32
      %parallel_loop3A_1249 = vector.broadcast %parallel_loop3A_1247 : i32 to vector<16xi32>
      %parallel_loop3A_1250 = arith.maxsi %parallel_loop3A_1249, %parallel_loop3A_1246 : vector<16xi32>
      %parallel_loop3A_1251 = vector.broadcast %parallel_loop3A_1248 : i32 to vector<16xi32>
      %parallel_loop3A_1252 = arith.minsi %parallel_loop3A_1251, %parallel_loop3A_1250 : vector<16xi32>
      %parallel_loop3A_1253 = arith.constant 4 : i32
      %parallel_loop3A_1254 = vector.broadcast %parallel_loop3A_1253 : i32 to vector<16xi32>
      %parallel_loop3A_1255 = arith.shrsi %parallel_loop3A_1252, %parallel_loop3A_1254 : vector<16xi32>
      %parallel_loop3A_1256 = arith.constant 15 : i32
      %parallel_loop3A_1257 = vector.broadcast %parallel_loop3A_1256 : i32 to vector<16xi32>
      %parallel_loop3A_1258 = arith.andi %parallel_loop3A_1252, %parallel_loop3A_1257 : vector<16xi32>
      %parallel_loop3A_1259 = arith.constant 60 : i32
      %parallel_loop3A_1260 = vector.broadcast %parallel_loop3A_1259 : i32 to vector<16xi32>
      %parallel_loop3A_1261 = arith.addi %mul3A_18, %parallel_loop3A_1260 : vector<16xi32>
      %parallel_loop3A_1262 = arith.sitofp %parallel_loop3A_1255 : vector<16xi32> to vector<16xf32>
      %parallel_loop3A_1263 = arith.constant 6.250000e-02 : f32
      %parallel_loop3A_1264 = vector.broadcast %parallel_loop3A_1263 : f32 to vector<16xf32>
      %parallel_loop3A_1265 = arith.mulf %parallel_loop3A_1262, %parallel_loop3A_1264 : vector<16xf32>
      tpu.vector_store_idx %arg7[%parallel_loop3A_44, %parallel_loop3A_1261], %parallel_loop3A_1265 : memref<64x288xf32, #tpu.memory_space<vmem>>[vector<16xi32>, vector<16xi32>], vector<16xf32>,
      %parallel_loop3A_1266 = arith.constant 60 : i32
      %parallel_loop3A_1267 = vector.broadcast %parallel_loop3A_1266 : i32 to vector<16xi32>
      %parallel_loop3A_1268 = arith.addi %mul3A_18, %parallel_loop3A_1267 : vector<16xi32>
      %parallel_loop3A_1269 = arith.constant 1 : i32
      %parallel_loop3A_1270 = vector.broadcast %parallel_loop3A_1269 : i32 to vector<16xi32>
      %parallel_loop3A_1271 = arith.addi %parallel_loop3A_1268, %parallel_loop3A_1270 : vector<16xi32>
      %parallel_loop3A_1272 = arith.sitofp %parallel_loop3A_1258 : vector<16xi32> to vector<16xf32>
      %parallel_loop3A_1273 = arith.constant 6.250000e-02 : f32
      %parallel_loop3A_1274 = vector.broadcast %parallel_loop3A_1273 : f32 to vector<16xf32>
      %parallel_loop3A_1275 = arith.mulf %parallel_loop3A_1272, %parallel_loop3A_1274 : vector<16xf32>
      tpu.vector_store_idx %arg7[%parallel_loop3A_44, %parallel_loop3A_1271], %parallel_loop3A_1275 : memref<64x288xf32, #tpu.memory_space<vmem>>[vector<16xi32>, vector<16xi32>], vector<16xf32>,
      %parallel_loop3A_1276 = arith.constant 4 : i32
      %parallel_loop3A_1277 = vector.broadcast %parallel_loop3A_1276 : i32 to vector<16xi32>
      %parallel_loop3A_1278 = arith.shli %parallel_loop3A_1258, %parallel_loop3A_1277 : vector<16xi32>
      %parallel_loop3A_1279 = arith.addi %parallel_loop3A_1278, %parallel_loop3A_1255 : vector<16xi32>
      %parallel_loop3A_1280 = arith.constant 1 : i32
      %parallel_loop3A_1281 = vector.broadcast %parallel_loop3A_1280 : i32 to vector<16xi32>
      %parallel_loop3A_1282 = arith.cmpi sge, %parallel_loop3A_1255, %parallel_loop3A_1281 : vector<16xi32>
      %parallel_loop3A_1283 = arith.constant 1 : i32
      %parallel_loop3A_1284 = vector.broadcast %parallel_loop3A_1283 : i32 to vector<16xi32>
      %parallel_loop3A_1285 = arith.cmpi sge, %parallel_loop3A_1258, %parallel_loop3A_1284 : vector<16xi32>
      %parallel_loop3A_1286 = arith.addi %mul3A_21, %parallel_loop3A_1279 : vector<16xi32>
      tpu.vector_store_idx %arg6[%parallel_loop3A_44, %parallel_loop3A_1286], %broadcast_in_dim3A_30 {add = true} : memref<64x1024xf32, #tpu.memory_space<vmem>>[vector<16xi32>, vector<16xi32>], vector<16xf32>,
      %parallel_loop3A_1287 = arith.addi %sub3A_23, %parallel_loop3A_1279 : vector<16xi32>
      tpu.vector_store_idx %arg6[%parallel_loop3A_44, %parallel_loop3A_1287], %broadcast_in_dim3A_30 masked %parallel_loop3A_1285 {add = true} : memref<64x1024xf32, #tpu.memory_space<vmem>>[vector<16xi32>, vector<16xi32>], vector<16xf32>, vector<16xi1>
      %parallel_loop3A_1288 = arith.addi %sub3A_26, %parallel_loop3A_1279 : vector<16xi32>
      tpu.vector_store_idx %arg6[%parallel_loop3A_44, %parallel_loop3A_1288], %broadcast_in_dim3A_30 masked %parallel_loop3A_1282 {add = true} : memref<64x1024xf32, #tpu.memory_space<vmem>>[vector<16xi32>, vector<16xi32>], vector<16xf32>, vector<16xi1>
      %parallel_loop3A_1289 = arith.addi %sub3A_29, %parallel_loop3A_1279 : vector<16xi32>
      %parallel_loop3A_1290 = arith.andi %parallel_loop3A_1282, %parallel_loop3A_1285 : vector<16xi1>
      tpu.vector_store_idx %arg6[%parallel_loop3A_44, %parallel_loop3A_1289], %broadcast_in_dim3A_30 masked %parallel_loop3A_1290 {add = true} : memref<64x1024xf32, #tpu.memory_space<vmem>>[vector<16xi32>, vector<16xi32>], vector<16xf32>, vector<16xi1>
      %parallel_loop3A_1291 = arith.constant 17 : i32
      %parallel_loop3A_1292 = vector.broadcast %parallel_loop3A_1291 : i32 to vector<16xi32>
      %parallel_loop3A_1293 = arith.addi %parallel_loop3A_914, %parallel_loop3A_1292 : vector<16xi32>
      %parallel_loop3A_1294 = arith.constant 0 : i32
      %parallel_loop3A_1295 = arith.constant 225 : i32
      %parallel_loop3A_1296 = vector.broadcast %parallel_loop3A_1294 : i32 to vector<16xi32>
      %parallel_loop3A_1297 = arith.maxsi %parallel_loop3A_1296, %parallel_loop3A_1293 : vector<16xi32>
      %parallel_loop3A_1298 = vector.broadcast %parallel_loop3A_1295 : i32 to vector<16xi32>
      %parallel_loop3A_1299 = arith.minsi %parallel_loop3A_1298, %parallel_loop3A_1297 : vector<16xi32>
      %parallel_loop3A_1300 = arith.constant 4 : i32
      %parallel_loop3A_1301 = vector.broadcast %parallel_loop3A_1300 : i32 to vector<16xi32>
      %parallel_loop3A_1302 = arith.shrsi %parallel_loop3A_1299, %parallel_loop3A_1301 : vector<16xi32>
      %parallel_loop3A_1303 = arith.constant 15 : i32
      %parallel_loop3A_1304 = vector.broadcast %parallel_loop3A_1303 : i32 to vector<16xi32>
      %parallel_loop3A_1305 = arith.andi %parallel_loop3A_1299, %parallel_loop3A_1304 : vector<16xi32>
      %parallel_loop3A_1306 = arith.constant 68 : i32
      %parallel_loop3A_1307 = vector.broadcast %parallel_loop3A_1306 : i32 to vector<16xi32>
      %parallel_loop3A_1308 = arith.addi %mul3A_18, %parallel_loop3A_1307 : vector<16xi32>
      %parallel_loop3A_1309 = arith.sitofp %parallel_loop3A_1302 : vector<16xi32> to vector<16xf32>
      %parallel_loop3A_1310 = arith.constant 6.250000e-02 : f32
      %parallel_loop3A_1311 = vector.broadcast %parallel_loop3A_1310 : f32 to vector<16xf32>
      %parallel_loop3A_1312 = arith.mulf %parallel_loop3A_1309, %parallel_loop3A_1311 : vector<16xf32>
      tpu.vector_store_idx %arg7[%parallel_loop3A_44, %parallel_loop3A_1308], %parallel_loop3A_1312 : memref<64x288xf32, #tpu.memory_space<vmem>>[vector<16xi32>, vector<16xi32>], vector<16xf32>,
      %parallel_loop3A_1313 = arith.constant 68 : i32
      %parallel_loop3A_1314 = vector.broadcast %parallel_loop3A_1313 : i32 to vector<16xi32>
      %parallel_loop3A_1315 = arith.addi %mul3A_18, %parallel_loop3A_1314 : vector<16xi32>
      %parallel_loop3A_1316 = arith.constant 1 : i32
      %parallel_loop3A_1317 = vector.broadcast %parallel_loop3A_1316 : i32 to vector<16xi32>
      %parallel_loop3A_1318 = arith.addi %parallel_loop3A_1315, %parallel_loop3A_1317 : vector<16xi32>
      %parallel_loop3A_1319 = arith.sitofp %parallel_loop3A_1305 : vector<16xi32> to vector<16xf32>
      %parallel_loop3A_1320 = arith.constant 6.250000e-02 : f32
      %parallel_loop3A_1321 = vector.broadcast %parallel_loop3A_1320 : f32 to vector<16xf32>
      %parallel_loop3A_1322 = arith.mulf %parallel_loop3A_1319, %parallel_loop3A_1321 : vector<16xf32>
      tpu.vector_store_idx %arg7[%parallel_loop3A_44, %parallel_loop3A_1318], %parallel_loop3A_1322 : memref<64x288xf32, #tpu.memory_space<vmem>>[vector<16xi32>, vector<16xi32>], vector<16xf32>,
      %parallel_loop3A_1323 = arith.constant 4 : i32
      %parallel_loop3A_1324 = vector.broadcast %parallel_loop3A_1323 : i32 to vector<16xi32>
      %parallel_loop3A_1325 = arith.shli %parallel_loop3A_1305, %parallel_loop3A_1324 : vector<16xi32>
      %parallel_loop3A_1326 = arith.addi %parallel_loop3A_1325, %parallel_loop3A_1302 : vector<16xi32>
      %parallel_loop3A_1327 = arith.constant 1 : i32
      %parallel_loop3A_1328 = vector.broadcast %parallel_loop3A_1327 : i32 to vector<16xi32>
      %parallel_loop3A_1329 = arith.cmpi sge, %parallel_loop3A_1302, %parallel_loop3A_1328 : vector<16xi32>
      %parallel_loop3A_1330 = arith.constant 1 : i32
      %parallel_loop3A_1331 = vector.broadcast %parallel_loop3A_1330 : i32 to vector<16xi32>
      %parallel_loop3A_1332 = arith.cmpi sge, %parallel_loop3A_1305, %parallel_loop3A_1331 : vector<16xi32>
      %parallel_loop3A_1333 = arith.addi %mul3A_21, %parallel_loop3A_1326 : vector<16xi32>
      tpu.vector_store_idx %arg6[%parallel_loop3A_44, %parallel_loop3A_1333], %broadcast_in_dim3A_30 {add = true} : memref<64x1024xf32, #tpu.memory_space<vmem>>[vector<16xi32>, vector<16xi32>], vector<16xf32>,
      %parallel_loop3A_1334 = arith.addi %sub3A_23, %parallel_loop3A_1326 : vector<16xi32>
      tpu.vector_store_idx %arg6[%parallel_loop3A_44, %parallel_loop3A_1334], %broadcast_in_dim3A_30 masked %parallel_loop3A_1332 {add = true} : memref<64x1024xf32, #tpu.memory_space<vmem>>[vector<16xi32>, vector<16xi32>], vector<16xf32>, vector<16xi1>
      %parallel_loop3A_1335 = arith.addi %sub3A_26, %parallel_loop3A_1326 : vector<16xi32>
      tpu.vector_store_idx %arg6[%parallel_loop3A_44, %parallel_loop3A_1335], %broadcast_in_dim3A_30 masked %parallel_loop3A_1329 {add = true} : memref<64x1024xf32, #tpu.memory_space<vmem>>[vector<16xi32>, vector<16xi32>], vector<16xf32>, vector<16xi1>
      %parallel_loop3A_1336 = arith.addi %sub3A_29, %parallel_loop3A_1326 : vector<16xi32>
      %parallel_loop3A_1337 = arith.andi %parallel_loop3A_1329, %parallel_loop3A_1332 : vector<16xi1>
      tpu.vector_store_idx %arg6[%parallel_loop3A_44, %parallel_loop3A_1336], %broadcast_in_dim3A_30 masked %parallel_loop3A_1337 {add = true} : memref<64x1024xf32, #tpu.memory_space<vmem>>[vector<16xi32>, vector<16xi32>], vector<16xf32>, vector<16xi1>
      %parallel_loop3A_1338 = arith.constant 512 : i32
      %parallel_loop3A_1339 = arith.muli %parallel_loop3A_40, %parallel_loop3A_1338 : i32
      %parallel_loop3A_1340 = vector.broadcast %parallel_loop3A_1339 : i32 to vector<16xi32>
      %parallel_loop3A_1341 = arith.addi %parallel_loop3A_1340, %add3A_15 : vector<16xi32>
      %parallel_loop3A_1342 = arith.constant 3 : i32
      %parallel_loop3A_1343 = vector.broadcast %parallel_loop3A_1342 : i32 to vector<16xi32>
      %parallel_loop3A_1344 = arith.addi %parallel_loop3A_1341, %parallel_loop3A_1343 : vector<16xi32>
      %parallel_loop3A_1345 = tpu.vector_load_idx %arg5[%parallel_loop3A_1344] : memref<8192xi32, #tpu.memory_space<vmem>>[vector<16xi32>], vector<16xi32>,
      %parallel_loop3A_1346 = arith.constant -17 : i32
      %parallel_loop3A_1347 = vector.broadcast %parallel_loop3A_1346 : i32 to vector<16xi32>
      %parallel_loop3A_1348 = arith.addi %parallel_loop3A_1345, %parallel_loop3A_1347 : vector<16xi32>
      %parallel_loop3A_1349 = arith.constant 0 : i32
      %parallel_loop3A_1350 = arith.constant 225 : i32
      %parallel_loop3A_1351 = vector.broadcast %parallel_loop3A_1349 : i32 to vector<16xi32>
      %parallel_loop3A_1352 = arith.maxsi %parallel_loop3A_1351, %parallel_loop3A_1348 : vector<16xi32>
      %parallel_loop3A_1353 = vector.broadcast %parallel_loop3A_1350 : i32 to vector<16xi32>
      %parallel_loop3A_1354 = arith.minsi %parallel_loop3A_1353, %parallel_loop3A_1352 : vector<16xi32>
      %parallel_loop3A_1355 = arith.constant 4 : i32
      %parallel_loop3A_1356 = vector.broadcast %parallel_loop3A_1355 : i32 to vector<16xi32>
      %parallel_loop3A_1357 = arith.shrsi %parallel_loop3A_1354, %parallel_loop3A_1356 : vector<16xi32>
      %parallel_loop3A_1358 = arith.constant 15 : i32
      %parallel_loop3A_1359 = vector.broadcast %parallel_loop3A_1358 : i32 to vector<16xi32>
      %parallel_loop3A_1360 = arith.andi %parallel_loop3A_1354, %parallel_loop3A_1359 : vector<16xi32>
      %parallel_loop3A_1361 = arith.constant 6 : i32
      %parallel_loop3A_1362 = vector.broadcast %parallel_loop3A_1361 : i32 to vector<16xi32>
      %parallel_loop3A_1363 = arith.addi %mul3A_18, %parallel_loop3A_1362 : vector<16xi32>
      %parallel_loop3A_1364 = arith.sitofp %parallel_loop3A_1357 : vector<16xi32> to vector<16xf32>
      %parallel_loop3A_1365 = arith.constant 6.250000e-02 : f32
      %parallel_loop3A_1366 = vector.broadcast %parallel_loop3A_1365 : f32 to vector<16xf32>
      %parallel_loop3A_1367 = arith.mulf %parallel_loop3A_1364, %parallel_loop3A_1366 : vector<16xf32>
      tpu.vector_store_idx %arg7[%parallel_loop3A_44, %parallel_loop3A_1363], %parallel_loop3A_1367 : memref<64x288xf32, #tpu.memory_space<vmem>>[vector<16xi32>, vector<16xi32>], vector<16xf32>,
      %parallel_loop3A_1368 = arith.constant 6 : i32
      %parallel_loop3A_1369 = vector.broadcast %parallel_loop3A_1368 : i32 to vector<16xi32>
      %parallel_loop3A_1370 = arith.addi %mul3A_18, %parallel_loop3A_1369 : vector<16xi32>
      %parallel_loop3A_1371 = arith.constant 1 : i32
      %parallel_loop3A_1372 = vector.broadcast %parallel_loop3A_1371 : i32 to vector<16xi32>
      %parallel_loop3A_1373 = arith.addi %parallel_loop3A_1370, %parallel_loop3A_1372 : vector<16xi32>
      %parallel_loop3A_1374 = arith.sitofp %parallel_loop3A_1360 : vector<16xi32> to vector<16xf32>
      %parallel_loop3A_1375 = arith.constant 6.250000e-02 : f32
      %parallel_loop3A_1376 = vector.broadcast %parallel_loop3A_1375 : f32 to vector<16xf32>
      %parallel_loop3A_1377 = arith.mulf %parallel_loop3A_1374, %parallel_loop3A_1376 : vector<16xf32>
      tpu.vector_store_idx %arg7[%parallel_loop3A_44, %parallel_loop3A_1373], %parallel_loop3A_1377 : memref<64x288xf32, #tpu.memory_space<vmem>>[vector<16xi32>, vector<16xi32>], vector<16xf32>,
      %parallel_loop3A_1378 = arith.constant 4 : i32
      %parallel_loop3A_1379 = vector.broadcast %parallel_loop3A_1378 : i32 to vector<16xi32>
      %parallel_loop3A_1380 = arith.shli %parallel_loop3A_1360, %parallel_loop3A_1379 : vector<16xi32>
      %parallel_loop3A_1381 = arith.addi %parallel_loop3A_1380, %parallel_loop3A_1357 : vector<16xi32>
      %parallel_loop3A_1382 = arith.constant 1 : i32
      %parallel_loop3A_1383 = vector.broadcast %parallel_loop3A_1382 : i32 to vector<16xi32>
      %parallel_loop3A_1384 = arith.cmpi sge, %parallel_loop3A_1357, %parallel_loop3A_1383 : vector<16xi32>
      %parallel_loop3A_1385 = arith.constant 1 : i32
      %parallel_loop3A_1386 = vector.broadcast %parallel_loop3A_1385 : i32 to vector<16xi32>
      %parallel_loop3A_1387 = arith.cmpi sge, %parallel_loop3A_1360, %parallel_loop3A_1386 : vector<16xi32>
      %parallel_loop3A_1388 = arith.addi %mul3A_21, %parallel_loop3A_1381 : vector<16xi32>
      tpu.vector_store_idx %arg6[%parallel_loop3A_44, %parallel_loop3A_1388], %broadcast_in_dim3A_30 {add = true} : memref<64x1024xf32, #tpu.memory_space<vmem>>[vector<16xi32>, vector<16xi32>], vector<16xf32>,
      %parallel_loop3A_1389 = arith.addi %sub3A_23, %parallel_loop3A_1381 : vector<16xi32>
      tpu.vector_store_idx %arg6[%parallel_loop3A_44, %parallel_loop3A_1389], %broadcast_in_dim3A_30 masked %parallel_loop3A_1387 {add = true} : memref<64x1024xf32, #tpu.memory_space<vmem>>[vector<16xi32>, vector<16xi32>], vector<16xf32>, vector<16xi1>
      %parallel_loop3A_1390 = arith.addi %sub3A_26, %parallel_loop3A_1381 : vector<16xi32>
      tpu.vector_store_idx %arg6[%parallel_loop3A_44, %parallel_loop3A_1390], %broadcast_in_dim3A_30 masked %parallel_loop3A_1384 {add = true} : memref<64x1024xf32, #tpu.memory_space<vmem>>[vector<16xi32>, vector<16xi32>], vector<16xf32>, vector<16xi1>
      %parallel_loop3A_1391 = arith.addi %sub3A_29, %parallel_loop3A_1381 : vector<16xi32>
      %parallel_loop3A_1392 = arith.andi %parallel_loop3A_1384, %parallel_loop3A_1387 : vector<16xi1>
      tpu.vector_store_idx %arg6[%parallel_loop3A_44, %parallel_loop3A_1391], %broadcast_in_dim3A_30 masked %parallel_loop3A_1392 {add = true} : memref<64x1024xf32, #tpu.memory_space<vmem>>[vector<16xi32>, vector<16xi32>], vector<16xf32>, vector<16xi1>
      %parallel_loop3A_1393 = arith.constant -16 : i32
      %parallel_loop3A_1394 = vector.broadcast %parallel_loop3A_1393 : i32 to vector<16xi32>
      %parallel_loop3A_1395 = arith.addi %parallel_loop3A_1345, %parallel_loop3A_1394 : vector<16xi32>
      %parallel_loop3A_1396 = arith.constant 0 : i32
      %parallel_loop3A_1397 = arith.constant 225 : i32
      %parallel_loop3A_1398 = vector.broadcast %parallel_loop3A_1396 : i32 to vector<16xi32>
      %parallel_loop3A_1399 = arith.maxsi %parallel_loop3A_1398, %parallel_loop3A_1395 : vector<16xi32>
      %parallel_loop3A_1400 = vector.broadcast %parallel_loop3A_1397 : i32 to vector<16xi32>
      %parallel_loop3A_1401 = arith.minsi %parallel_loop3A_1400, %parallel_loop3A_1399 : vector<16xi32>
      %parallel_loop3A_1402 = arith.constant 4 : i32
      %parallel_loop3A_1403 = vector.broadcast %parallel_loop3A_1402 : i32 to vector<16xi32>
      %parallel_loop3A_1404 = arith.shrsi %parallel_loop3A_1401, %parallel_loop3A_1403 : vector<16xi32>
      %parallel_loop3A_1405 = arith.constant 15 : i32
      %parallel_loop3A_1406 = vector.broadcast %parallel_loop3A_1405 : i32 to vector<16xi32>
      %parallel_loop3A_1407 = arith.andi %parallel_loop3A_1401, %parallel_loop3A_1406 : vector<16xi32>
      %parallel_loop3A_1408 = arith.constant 14 : i32
      %parallel_loop3A_1409 = vector.broadcast %parallel_loop3A_1408 : i32 to vector<16xi32>
      %parallel_loop3A_1410 = arith.addi %mul3A_18, %parallel_loop3A_1409 : vector<16xi32>
      %parallel_loop3A_1411 = arith.sitofp %parallel_loop3A_1404 : vector<16xi32> to vector<16xf32>
      %parallel_loop3A_1412 = arith.constant 6.250000e-02 : f32
      %parallel_loop3A_1413 = vector.broadcast %parallel_loop3A_1412 : f32 to vector<16xf32>
      %parallel_loop3A_1414 = arith.mulf %parallel_loop3A_1411, %parallel_loop3A_1413 : vector<16xf32>
      tpu.vector_store_idx %arg7[%parallel_loop3A_44, %parallel_loop3A_1410], %parallel_loop3A_1414 : memref<64x288xf32, #tpu.memory_space<vmem>>[vector<16xi32>, vector<16xi32>], vector<16xf32>,
      %parallel_loop3A_1415 = arith.constant 14 : i32
      %parallel_loop3A_1416 = vector.broadcast %parallel_loop3A_1415 : i32 to vector<16xi32>
      %parallel_loop3A_1417 = arith.addi %mul3A_18, %parallel_loop3A_1416 : vector<16xi32>
      %parallel_loop3A_1418 = arith.constant 1 : i32
      %parallel_loop3A_1419 = vector.broadcast %parallel_loop3A_1418 : i32 to vector<16xi32>
      %parallel_loop3A_1420 = arith.addi %parallel_loop3A_1417, %parallel_loop3A_1419 : vector<16xi32>
      %parallel_loop3A_1421 = arith.sitofp %parallel_loop3A_1407 : vector<16xi32> to vector<16xf32>
      %parallel_loop3A_1422 = arith.constant 6.250000e-02 : f32
      %parallel_loop3A_1423 = vector.broadcast %parallel_loop3A_1422 : f32 to vector<16xf32>
      %parallel_loop3A_1424 = arith.mulf %parallel_loop3A_1421, %parallel_loop3A_1423 : vector<16xf32>
      tpu.vector_store_idx %arg7[%parallel_loop3A_44, %parallel_loop3A_1420], %parallel_loop3A_1424 : memref<64x288xf32, #tpu.memory_space<vmem>>[vector<16xi32>, vector<16xi32>], vector<16xf32>,
      %parallel_loop3A_1425 = arith.constant 4 : i32
      %parallel_loop3A_1426 = vector.broadcast %parallel_loop3A_1425 : i32 to vector<16xi32>
      %parallel_loop3A_1427 = arith.shli %parallel_loop3A_1407, %parallel_loop3A_1426 : vector<16xi32>
      %parallel_loop3A_1428 = arith.addi %parallel_loop3A_1427, %parallel_loop3A_1404 : vector<16xi32>
      %parallel_loop3A_1429 = arith.constant 1 : i32
      %parallel_loop3A_1430 = vector.broadcast %parallel_loop3A_1429 : i32 to vector<16xi32>
      %parallel_loop3A_1431 = arith.cmpi sge, %parallel_loop3A_1404, %parallel_loop3A_1430 : vector<16xi32>
      %parallel_loop3A_1432 = arith.constant 1 : i32
      %parallel_loop3A_1433 = vector.broadcast %parallel_loop3A_1432 : i32 to vector<16xi32>
      %parallel_loop3A_1434 = arith.cmpi sge, %parallel_loop3A_1407, %parallel_loop3A_1433 : vector<16xi32>
      %parallel_loop3A_1435 = arith.addi %mul3A_21, %parallel_loop3A_1428 : vector<16xi32>
      tpu.vector_store_idx %arg6[%parallel_loop3A_44, %parallel_loop3A_1435], %broadcast_in_dim3A_30 {add = true} : memref<64x1024xf32, #tpu.memory_space<vmem>>[vector<16xi32>, vector<16xi32>], vector<16xf32>,
      %parallel_loop3A_1436 = arith.addi %sub3A_23, %parallel_loop3A_1428 : vector<16xi32>
      tpu.vector_store_idx %arg6[%parallel_loop3A_44, %parallel_loop3A_1436], %broadcast_in_dim3A_30 masked %parallel_loop3A_1434 {add = true} : memref<64x1024xf32, #tpu.memory_space<vmem>>[vector<16xi32>, vector<16xi32>], vector<16xf32>, vector<16xi1>
      %parallel_loop3A_1437 = arith.addi %sub3A_26, %parallel_loop3A_1428 : vector<16xi32>
      tpu.vector_store_idx %arg6[%parallel_loop3A_44, %parallel_loop3A_1437], %broadcast_in_dim3A_30 masked %parallel_loop3A_1431 {add = true} : memref<64x1024xf32, #tpu.memory_space<vmem>>[vector<16xi32>, vector<16xi32>], vector<16xf32>, vector<16xi1>
      %parallel_loop3A_1438 = arith.addi %sub3A_29, %parallel_loop3A_1428 : vector<16xi32>
      %parallel_loop3A_1439 = arith.andi %parallel_loop3A_1431, %parallel_loop3A_1434 : vector<16xi1>
      tpu.vector_store_idx %arg6[%parallel_loop3A_44, %parallel_loop3A_1438], %broadcast_in_dim3A_30 masked %parallel_loop3A_1439 {add = true} : memref<64x1024xf32, #tpu.memory_space<vmem>>[vector<16xi32>, vector<16xi32>], vector<16xf32>, vector<16xi1>
      %parallel_loop3A_1440 = arith.constant -15 : i32
      %parallel_loop3A_1441 = vector.broadcast %parallel_loop3A_1440 : i32 to vector<16xi32>
      %parallel_loop3A_1442 = arith.addi %parallel_loop3A_1345, %parallel_loop3A_1441 : vector<16xi32>
      %parallel_loop3A_1443 = arith.constant 0 : i32
      %parallel_loop3A_1444 = arith.constant 225 : i32
      %parallel_loop3A_1445 = vector.broadcast %parallel_loop3A_1443 : i32 to vector<16xi32>
      %parallel_loop3A_1446 = arith.maxsi %parallel_loop3A_1445, %parallel_loop3A_1442 : vector<16xi32>
      %parallel_loop3A_1447 = vector.broadcast %parallel_loop3A_1444 : i32 to vector<16xi32>
      %parallel_loop3A_1448 = arith.minsi %parallel_loop3A_1447, %parallel_loop3A_1446 : vector<16xi32>
      %parallel_loop3A_1449 = arith.constant 4 : i32
      %parallel_loop3A_1450 = vector.broadcast %parallel_loop3A_1449 : i32 to vector<16xi32>
      %parallel_loop3A_1451 = arith.shrsi %parallel_loop3A_1448, %parallel_loop3A_1450 : vector<16xi32>
      %parallel_loop3A_1452 = arith.constant 15 : i32
      %parallel_loop3A_1453 = vector.broadcast %parallel_loop3A_1452 : i32 to vector<16xi32>
      %parallel_loop3A_1454 = arith.andi %parallel_loop3A_1448, %parallel_loop3A_1453 : vector<16xi32>
      %parallel_loop3A_1455 = arith.constant 22 : i32
      %parallel_loop3A_1456 = vector.broadcast %parallel_loop3A_1455 : i32 to vector<16xi32>
      %parallel_loop3A_1457 = arith.addi %mul3A_18, %parallel_loop3A_1456 : vector<16xi32>
      %parallel_loop3A_1458 = arith.sitofp %parallel_loop3A_1451 : vector<16xi32> to vector<16xf32>
      %parallel_loop3A_1459 = arith.constant 6.250000e-02 : f32
      %parallel_loop3A_1460 = vector.broadcast %parallel_loop3A_1459 : f32 to vector<16xf32>
      %parallel_loop3A_1461 = arith.mulf %parallel_loop3A_1458, %parallel_loop3A_1460 : vector<16xf32>
      tpu.vector_store_idx %arg7[%parallel_loop3A_44, %parallel_loop3A_1457], %parallel_loop3A_1461 : memref<64x288xf32, #tpu.memory_space<vmem>>[vector<16xi32>, vector<16xi32>], vector<16xf32>,
      %parallel_loop3A_1462 = arith.constant 22 : i32
      %parallel_loop3A_1463 = vector.broadcast %parallel_loop3A_1462 : i32 to vector<16xi32>
      %parallel_loop3A_1464 = arith.addi %mul3A_18, %parallel_loop3A_1463 : vector<16xi32>
      %parallel_loop3A_1465 = arith.constant 1 : i32
      %parallel_loop3A_1466 = vector.broadcast %parallel_loop3A_1465 : i32 to vector<16xi32>
      %parallel_loop3A_1467 = arith.addi %parallel_loop3A_1464, %parallel_loop3A_1466 : vector<16xi32>
      %parallel_loop3A_1468 = arith.sitofp %parallel_loop3A_1454 : vector<16xi32> to vector<16xf32>
      %parallel_loop3A_1469 = arith.constant 6.250000e-02 : f32
      %parallel_loop3A_1470 = vector.broadcast %parallel_loop3A_1469 : f32 to vector<16xf32>
      %parallel_loop3A_1471 = arith.mulf %parallel_loop3A_1468, %parallel_loop3A_1470 : vector<16xf32>
      tpu.vector_store_idx %arg7[%parallel_loop3A_44, %parallel_loop3A_1467], %parallel_loop3A_1471 : memref<64x288xf32, #tpu.memory_space<vmem>>[vector<16xi32>, vector<16xi32>], vector<16xf32>,
      %parallel_loop3A_1472 = arith.constant 4 : i32
      %parallel_loop3A_1473 = vector.broadcast %parallel_loop3A_1472 : i32 to vector<16xi32>
      %parallel_loop3A_1474 = arith.shli %parallel_loop3A_1454, %parallel_loop3A_1473 : vector<16xi32>
      %parallel_loop3A_1475 = arith.addi %parallel_loop3A_1474, %parallel_loop3A_1451 : vector<16xi32>
      %parallel_loop3A_1476 = arith.constant 1 : i32
      %parallel_loop3A_1477 = vector.broadcast %parallel_loop3A_1476 : i32 to vector<16xi32>
      %parallel_loop3A_1478 = arith.cmpi sge, %parallel_loop3A_1451, %parallel_loop3A_1477 : vector<16xi32>
      %parallel_loop3A_1479 = arith.constant 1 : i32
      %parallel_loop3A_1480 = vector.broadcast %parallel_loop3A_1479 : i32 to vector<16xi32>
      %parallel_loop3A_1481 = arith.cmpi sge, %parallel_loop3A_1454, %parallel_loop3A_1480 : vector<16xi32>
      %parallel_loop3A_1482 = arith.addi %mul3A_21, %parallel_loop3A_1475 : vector<16xi32>
      tpu.vector_store_idx %arg6[%parallel_loop3A_44, %parallel_loop3A_1482], %broadcast_in_dim3A_30 {add = true} : memref<64x1024xf32, #tpu.memory_space<vmem>>[vector<16xi32>, vector<16xi32>], vector<16xf32>,
      %parallel_loop3A_1483 = arith.addi %sub3A_23, %parallel_loop3A_1475 : vector<16xi32>
      tpu.vector_store_idx %arg6[%parallel_loop3A_44, %parallel_loop3A_1483], %broadcast_in_dim3A_30 masked %parallel_loop3A_1481 {add = true} : memref<64x1024xf32, #tpu.memory_space<vmem>>[vector<16xi32>, vector<16xi32>], vector<16xf32>, vector<16xi1>
      %parallel_loop3A_1484 = arith.addi %sub3A_26, %parallel_loop3A_1475 : vector<16xi32>
      tpu.vector_store_idx %arg6[%parallel_loop3A_44, %parallel_loop3A_1484], %broadcast_in_dim3A_30 masked %parallel_loop3A_1478 {add = true} : memref<64x1024xf32, #tpu.memory_space<vmem>>[vector<16xi32>, vector<16xi32>], vector<16xf32>, vector<16xi1>
      %parallel_loop3A_1485 = arith.addi %sub3A_29, %parallel_loop3A_1475 : vector<16xi32>
      %parallel_loop3A_1486 = arith.andi %parallel_loop3A_1478, %parallel_loop3A_1481 : vector<16xi1>
      tpu.vector_store_idx %arg6[%parallel_loop3A_44, %parallel_loop3A_1485], %broadcast_in_dim3A_30 masked %parallel_loop3A_1486 {add = true} : memref<64x1024xf32, #tpu.memory_space<vmem>>[vector<16xi32>, vector<16xi32>], vector<16xf32>, vector<16xi1>
      %parallel_loop3A_1487 = arith.constant -1 : i32
      %parallel_loop3A_1488 = vector.broadcast %parallel_loop3A_1487 : i32 to vector<16xi32>
      %parallel_loop3A_1489 = arith.addi %parallel_loop3A_1345, %parallel_loop3A_1488 : vector<16xi32>
      %parallel_loop3A_1490 = arith.constant 0 : i32
      %parallel_loop3A_1491 = arith.constant 225 : i32
      %parallel_loop3A_1492 = vector.broadcast %parallel_loop3A_1490 : i32 to vector<16xi32>
      %parallel_loop3A_1493 = arith.maxsi %parallel_loop3A_1492, %parallel_loop3A_1489 : vector<16xi32>
      %parallel_loop3A_1494 = vector.broadcast %parallel_loop3A_1491 : i32 to vector<16xi32>
      %parallel_loop3A_1495 = arith.minsi %parallel_loop3A_1494, %parallel_loop3A_1493 : vector<16xi32>
      %parallel_loop3A_1496 = arith.constant 4 : i32
      %parallel_loop3A_1497 = vector.broadcast %parallel_loop3A_1496 : i32 to vector<16xi32>
      %parallel_loop3A_1498 = arith.shrsi %parallel_loop3A_1495, %parallel_loop3A_1497 : vector<16xi32>
      %parallel_loop3A_1499 = arith.constant 15 : i32
      %parallel_loop3A_1500 = vector.broadcast %parallel_loop3A_1499 : i32 to vector<16xi32>
      %parallel_loop3A_1501 = arith.andi %parallel_loop3A_1495, %parallel_loop3A_1500 : vector<16xi32>
      %parallel_loop3A_1502 = arith.constant 30 : i32
      %parallel_loop3A_1503 = vector.broadcast %parallel_loop3A_1502 : i32 to vector<16xi32>
      %parallel_loop3A_1504 = arith.addi %mul3A_18, %parallel_loop3A_1503 : vector<16xi32>
      %parallel_loop3A_1505 = arith.sitofp %parallel_loop3A_1498 : vector<16xi32> to vector<16xf32>
      %parallel_loop3A_1506 = arith.constant 6.250000e-02 : f32
      %parallel_loop3A_1507 = vector.broadcast %parallel_loop3A_1506 : f32 to vector<16xf32>
      %parallel_loop3A_1508 = arith.mulf %parallel_loop3A_1505, %parallel_loop3A_1507 : vector<16xf32>
      tpu.vector_store_idx %arg7[%parallel_loop3A_44, %parallel_loop3A_1504], %parallel_loop3A_1508 : memref<64x288xf32, #tpu.memory_space<vmem>>[vector<16xi32>, vector<16xi32>], vector<16xf32>,
      %parallel_loop3A_1509 = arith.constant 30 : i32
      %parallel_loop3A_1510 = vector.broadcast %parallel_loop3A_1509 : i32 to vector<16xi32>
      %parallel_loop3A_1511 = arith.addi %mul3A_18, %parallel_loop3A_1510 : vector<16xi32>
      %parallel_loop3A_1512 = arith.constant 1 : i32
      %parallel_loop3A_1513 = vector.broadcast %parallel_loop3A_1512 : i32 to vector<16xi32>
      %parallel_loop3A_1514 = arith.addi %parallel_loop3A_1511, %parallel_loop3A_1513 : vector<16xi32>
      %parallel_loop3A_1515 = arith.sitofp %parallel_loop3A_1501 : vector<16xi32> to vector<16xf32>
      %parallel_loop3A_1516 = arith.constant 6.250000e-02 : f32
      %parallel_loop3A_1517 = vector.broadcast %parallel_loop3A_1516 : f32 to vector<16xf32>
      %parallel_loop3A_1518 = arith.mulf %parallel_loop3A_1515, %parallel_loop3A_1517 : vector<16xf32>
      tpu.vector_store_idx %arg7[%parallel_loop3A_44, %parallel_loop3A_1514], %parallel_loop3A_1518 : memref<64x288xf32, #tpu.memory_space<vmem>>[vector<16xi32>, vector<16xi32>], vector<16xf32>,
      %parallel_loop3A_1519 = arith.constant 4 : i32
      %parallel_loop3A_1520 = vector.broadcast %parallel_loop3A_1519 : i32 to vector<16xi32>
      %parallel_loop3A_1521 = arith.shli %parallel_loop3A_1501, %parallel_loop3A_1520 : vector<16xi32>
      %parallel_loop3A_1522 = arith.addi %parallel_loop3A_1521, %parallel_loop3A_1498 : vector<16xi32>
      %parallel_loop3A_1523 = arith.constant 1 : i32
      %parallel_loop3A_1524 = vector.broadcast %parallel_loop3A_1523 : i32 to vector<16xi32>
      %parallel_loop3A_1525 = arith.cmpi sge, %parallel_loop3A_1498, %parallel_loop3A_1524 : vector<16xi32>
      %parallel_loop3A_1526 = arith.constant 1 : i32
      %parallel_loop3A_1527 = vector.broadcast %parallel_loop3A_1526 : i32 to vector<16xi32>
      %parallel_loop3A_1528 = arith.cmpi sge, %parallel_loop3A_1501, %parallel_loop3A_1527 : vector<16xi32>
      %parallel_loop3A_1529 = arith.addi %mul3A_21, %parallel_loop3A_1522 : vector<16xi32>
      tpu.vector_store_idx %arg6[%parallel_loop3A_44, %parallel_loop3A_1529], %broadcast_in_dim3A_30 {add = true} : memref<64x1024xf32, #tpu.memory_space<vmem>>[vector<16xi32>, vector<16xi32>], vector<16xf32>,
      %parallel_loop3A_1530 = arith.addi %sub3A_23, %parallel_loop3A_1522 : vector<16xi32>
      tpu.vector_store_idx %arg6[%parallel_loop3A_44, %parallel_loop3A_1530], %broadcast_in_dim3A_30 masked %parallel_loop3A_1528 {add = true} : memref<64x1024xf32, #tpu.memory_space<vmem>>[vector<16xi32>, vector<16xi32>], vector<16xf32>, vector<16xi1>
      %parallel_loop3A_1531 = arith.addi %sub3A_26, %parallel_loop3A_1522 : vector<16xi32>
      tpu.vector_store_idx %arg6[%parallel_loop3A_44, %parallel_loop3A_1531], %broadcast_in_dim3A_30 masked %parallel_loop3A_1525 {add = true} : memref<64x1024xf32, #tpu.memory_space<vmem>>[vector<16xi32>, vector<16xi32>], vector<16xf32>, vector<16xi1>
      %parallel_loop3A_1532 = arith.addi %sub3A_29, %parallel_loop3A_1522 : vector<16xi32>
      %parallel_loop3A_1533 = arith.andi %parallel_loop3A_1525, %parallel_loop3A_1528 : vector<16xi1>
      tpu.vector_store_idx %arg6[%parallel_loop3A_44, %parallel_loop3A_1532], %broadcast_in_dim3A_30 masked %parallel_loop3A_1533 {add = true} : memref<64x1024xf32, #tpu.memory_space<vmem>>[vector<16xi32>, vector<16xi32>], vector<16xf32>, vector<16xi1>
      %parallel_loop3A_1534 = arith.constant 0 : i32
      %parallel_loop3A_1535 = vector.broadcast %parallel_loop3A_1534 : i32 to vector<16xi32>
      %parallel_loop3A_1536 = arith.addi %parallel_loop3A_1345, %parallel_loop3A_1535 : vector<16xi32>
      %parallel_loop3A_1537 = arith.constant 0 : i32
      %parallel_loop3A_1538 = arith.constant 225 : i32
      %parallel_loop3A_1539 = vector.broadcast %parallel_loop3A_1537 : i32 to vector<16xi32>
      %parallel_loop3A_1540 = arith.maxsi %parallel_loop3A_1539, %parallel_loop3A_1536 : vector<16xi32>
      %parallel_loop3A_1541 = vector.broadcast %parallel_loop3A_1538 : i32 to vector<16xi32>
      %parallel_loop3A_1542 = arith.minsi %parallel_loop3A_1541, %parallel_loop3A_1540 : vector<16xi32>
      %parallel_loop3A_1543 = arith.constant 4 : i32
      %parallel_loop3A_1544 = vector.broadcast %parallel_loop3A_1543 : i32 to vector<16xi32>
      %parallel_loop3A_1545 = arith.shrsi %parallel_loop3A_1542, %parallel_loop3A_1544 : vector<16xi32>
      %parallel_loop3A_1546 = arith.constant 15 : i32
      %parallel_loop3A_1547 = vector.broadcast %parallel_loop3A_1546 : i32 to vector<16xi32>
      %parallel_loop3A_1548 = arith.andi %parallel_loop3A_1542, %parallel_loop3A_1547 : vector<16xi32>
      %parallel_loop3A_1549 = arith.constant 38 : i32
      %parallel_loop3A_1550 = vector.broadcast %parallel_loop3A_1549 : i32 to vector<16xi32>
      %parallel_loop3A_1551 = arith.addi %mul3A_18, %parallel_loop3A_1550 : vector<16xi32>
      %parallel_loop3A_1552 = arith.sitofp %parallel_loop3A_1545 : vector<16xi32> to vector<16xf32>
      %parallel_loop3A_1553 = arith.constant 6.250000e-02 : f32
      %parallel_loop3A_1554 = vector.broadcast %parallel_loop3A_1553 : f32 to vector<16xf32>
      %parallel_loop3A_1555 = arith.mulf %parallel_loop3A_1552, %parallel_loop3A_1554 : vector<16xf32>
      tpu.vector_store_idx %arg7[%parallel_loop3A_44, %parallel_loop3A_1551], %parallel_loop3A_1555 : memref<64x288xf32, #tpu.memory_space<vmem>>[vector<16xi32>, vector<16xi32>], vector<16xf32>,
      %parallel_loop3A_1556 = arith.constant 38 : i32
      %parallel_loop3A_1557 = vector.broadcast %parallel_loop3A_1556 : i32 to vector<16xi32>
      %parallel_loop3A_1558 = arith.addi %mul3A_18, %parallel_loop3A_1557 : vector<16xi32>
      %parallel_loop3A_1559 = arith.constant 1 : i32
      %parallel_loop3A_1560 = vector.broadcast %parallel_loop3A_1559 : i32 to vector<16xi32>
      %parallel_loop3A_1561 = arith.addi %parallel_loop3A_1558, %parallel_loop3A_1560 : vector<16xi32>
      %parallel_loop3A_1562 = arith.sitofp %parallel_loop3A_1548 : vector<16xi32> to vector<16xf32>
      %parallel_loop3A_1563 = arith.constant 6.250000e-02 : f32
      %parallel_loop3A_1564 = vector.broadcast %parallel_loop3A_1563 : f32 to vector<16xf32>
      %parallel_loop3A_1565 = arith.mulf %parallel_loop3A_1562, %parallel_loop3A_1564 : vector<16xf32>
      tpu.vector_store_idx %arg7[%parallel_loop3A_44, %parallel_loop3A_1561], %parallel_loop3A_1565 : memref<64x288xf32, #tpu.memory_space<vmem>>[vector<16xi32>, vector<16xi32>], vector<16xf32>,
      %parallel_loop3A_1566 = arith.constant 4 : i32
      %parallel_loop3A_1567 = vector.broadcast %parallel_loop3A_1566 : i32 to vector<16xi32>
      %parallel_loop3A_1568 = arith.shli %parallel_loop3A_1548, %parallel_loop3A_1567 : vector<16xi32>
      %parallel_loop3A_1569 = arith.addi %parallel_loop3A_1568, %parallel_loop3A_1545 : vector<16xi32>
      %parallel_loop3A_1570 = arith.constant 1 : i32
      %parallel_loop3A_1571 = vector.broadcast %parallel_loop3A_1570 : i32 to vector<16xi32>
      %parallel_loop3A_1572 = arith.cmpi sge, %parallel_loop3A_1545, %parallel_loop3A_1571 : vector<16xi32>
      %parallel_loop3A_1573 = arith.constant 1 : i32
      %parallel_loop3A_1574 = vector.broadcast %parallel_loop3A_1573 : i32 to vector<16xi32>
      %parallel_loop3A_1575 = arith.cmpi sge, %parallel_loop3A_1548, %parallel_loop3A_1574 : vector<16xi32>
      %parallel_loop3A_1576 = arith.addi %mul3A_21, %parallel_loop3A_1569 : vector<16xi32>
      tpu.vector_store_idx %arg6[%parallel_loop3A_44, %parallel_loop3A_1576], %broadcast_in_dim3A_30 {add = true} : memref<64x1024xf32, #tpu.memory_space<vmem>>[vector<16xi32>, vector<16xi32>], vector<16xf32>,
      %parallel_loop3A_1577 = arith.addi %sub3A_23, %parallel_loop3A_1569 : vector<16xi32>
      tpu.vector_store_idx %arg6[%parallel_loop3A_44, %parallel_loop3A_1577], %broadcast_in_dim3A_30 masked %parallel_loop3A_1575 {add = true} : memref<64x1024xf32, #tpu.memory_space<vmem>>[vector<16xi32>, vector<16xi32>], vector<16xf32>, vector<16xi1>
      %parallel_loop3A_1578 = arith.addi %sub3A_26, %parallel_loop3A_1569 : vector<16xi32>
      tpu.vector_store_idx %arg6[%parallel_loop3A_44, %parallel_loop3A_1578], %broadcast_in_dim3A_30 masked %parallel_loop3A_1572 {add = true} : memref<64x1024xf32, #tpu.memory_space<vmem>>[vector<16xi32>, vector<16xi32>], vector<16xf32>, vector<16xi1>
      %parallel_loop3A_1579 = arith.addi %sub3A_29, %parallel_loop3A_1569 : vector<16xi32>
      %parallel_loop3A_1580 = arith.andi %parallel_loop3A_1572, %parallel_loop3A_1575 : vector<16xi1>
      tpu.vector_store_idx %arg6[%parallel_loop3A_44, %parallel_loop3A_1579], %broadcast_in_dim3A_30 masked %parallel_loop3A_1580 {add = true} : memref<64x1024xf32, #tpu.memory_space<vmem>>[vector<16xi32>, vector<16xi32>], vector<16xf32>, vector<16xi1>
      %parallel_loop3A_1581 = arith.constant 1 : i32
      %parallel_loop3A_1582 = vector.broadcast %parallel_loop3A_1581 : i32 to vector<16xi32>
      %parallel_loop3A_1583 = arith.addi %parallel_loop3A_1345, %parallel_loop3A_1582 : vector<16xi32>
      %parallel_loop3A_1584 = arith.constant 0 : i32
      %parallel_loop3A_1585 = arith.constant 225 : i32
      %parallel_loop3A_1586 = vector.broadcast %parallel_loop3A_1584 : i32 to vector<16xi32>
      %parallel_loop3A_1587 = arith.maxsi %parallel_loop3A_1586, %parallel_loop3A_1583 : vector<16xi32>
      %parallel_loop3A_1588 = vector.broadcast %parallel_loop3A_1585 : i32 to vector<16xi32>
      %parallel_loop3A_1589 = arith.minsi %parallel_loop3A_1588, %parallel_loop3A_1587 : vector<16xi32>
      %parallel_loop3A_1590 = arith.constant 4 : i32
      %parallel_loop3A_1591 = vector.broadcast %parallel_loop3A_1590 : i32 to vector<16xi32>
      %parallel_loop3A_1592 = arith.shrsi %parallel_loop3A_1589, %parallel_loop3A_1591 : vector<16xi32>
      %parallel_loop3A_1593 = arith.constant 15 : i32
      %parallel_loop3A_1594 = vector.broadcast %parallel_loop3A_1593 : i32 to vector<16xi32>
      %parallel_loop3A_1595 = arith.andi %parallel_loop3A_1589, %parallel_loop3A_1594 : vector<16xi32>
      %parallel_loop3A_1596 = arith.constant 46 : i32
      %parallel_loop3A_1597 = vector.broadcast %parallel_loop3A_1596 : i32 to vector<16xi32>
      %parallel_loop3A_1598 = arith.addi %mul3A_18, %parallel_loop3A_1597 : vector<16xi32>
      %parallel_loop3A_1599 = arith.sitofp %parallel_loop3A_1592 : vector<16xi32> to vector<16xf32>
      %parallel_loop3A_1600 = arith.constant 6.250000e-02 : f32
      %parallel_loop3A_1601 = vector.broadcast %parallel_loop3A_1600 : f32 to vector<16xf32>
      %parallel_loop3A_1602 = arith.mulf %parallel_loop3A_1599, %parallel_loop3A_1601 : vector<16xf32>
      tpu.vector_store_idx %arg7[%parallel_loop3A_44, %parallel_loop3A_1598], %parallel_loop3A_1602 : memref<64x288xf32, #tpu.memory_space<vmem>>[vector<16xi32>, vector<16xi32>], vector<16xf32>,
      %parallel_loop3A_1603 = arith.constant 46 : i32
      %parallel_loop3A_1604 = vector.broadcast %parallel_loop3A_1603 : i32 to vector<16xi32>
      %parallel_loop3A_1605 = arith.addi %mul3A_18, %parallel_loop3A_1604 : vector<16xi32>
      %parallel_loop3A_1606 = arith.constant 1 : i32
      %parallel_loop3A_1607 = vector.broadcast %parallel_loop3A_1606 : i32 to vector<16xi32>
      %parallel_loop3A_1608 = arith.addi %parallel_loop3A_1605, %parallel_loop3A_1607 : vector<16xi32>
      %parallel_loop3A_1609 = arith.sitofp %parallel_loop3A_1595 : vector<16xi32> to vector<16xf32>
      %parallel_loop3A_1610 = arith.constant 6.250000e-02 : f32
      %parallel_loop3A_1611 = vector.broadcast %parallel_loop3A_1610 : f32 to vector<16xf32>
      %parallel_loop3A_1612 = arith.mulf %parallel_loop3A_1609, %parallel_loop3A_1611 : vector<16xf32>
      tpu.vector_store_idx %arg7[%parallel_loop3A_44, %parallel_loop3A_1608], %parallel_loop3A_1612 : memref<64x288xf32, #tpu.memory_space<vmem>>[vector<16xi32>, vector<16xi32>], vector<16xf32>,
      %parallel_loop3A_1613 = arith.constant 4 : i32
      %parallel_loop3A_1614 = vector.broadcast %parallel_loop3A_1613 : i32 to vector<16xi32>
      %parallel_loop3A_1615 = arith.shli %parallel_loop3A_1595, %parallel_loop3A_1614 : vector<16xi32>
      %parallel_loop3A_1616 = arith.addi %parallel_loop3A_1615, %parallel_loop3A_1592 : vector<16xi32>
      %parallel_loop3A_1617 = arith.constant 1 : i32
      %parallel_loop3A_1618 = vector.broadcast %parallel_loop3A_1617 : i32 to vector<16xi32>
      %parallel_loop3A_1619 = arith.cmpi sge, %parallel_loop3A_1592, %parallel_loop3A_1618 : vector<16xi32>
      %parallel_loop3A_1620 = arith.constant 1 : i32
      %parallel_loop3A_1621 = vector.broadcast %parallel_loop3A_1620 : i32 to vector<16xi32>
      %parallel_loop3A_1622 = arith.cmpi sge, %parallel_loop3A_1595, %parallel_loop3A_1621 : vector<16xi32>
      %parallel_loop3A_1623 = arith.addi %mul3A_21, %parallel_loop3A_1616 : vector<16xi32>
      tpu.vector_store_idx %arg6[%parallel_loop3A_44, %parallel_loop3A_1623], %broadcast_in_dim3A_30 {add = true} : memref<64x1024xf32, #tpu.memory_space<vmem>>[vector<16xi32>, vector<16xi32>], vector<16xf32>,
      %parallel_loop3A_1624 = arith.addi %sub3A_23, %parallel_loop3A_1616 : vector<16xi32>
      tpu.vector_store_idx %arg6[%parallel_loop3A_44, %parallel_loop3A_1624], %broadcast_in_dim3A_30 masked %parallel_loop3A_1622 {add = true} : memref<64x1024xf32, #tpu.memory_space<vmem>>[vector<16xi32>, vector<16xi32>], vector<16xf32>, vector<16xi1>
      %parallel_loop3A_1625 = arith.addi %sub3A_26, %parallel_loop3A_1616 : vector<16xi32>
      tpu.vector_store_idx %arg6[%parallel_loop3A_44, %parallel_loop3A_1625], %broadcast_in_dim3A_30 masked %parallel_loop3A_1619 {add = true} : memref<64x1024xf32, #tpu.memory_space<vmem>>[vector<16xi32>, vector<16xi32>], vector<16xf32>, vector<16xi1>
      %parallel_loop3A_1626 = arith.addi %sub3A_29, %parallel_loop3A_1616 : vector<16xi32>
      %parallel_loop3A_1627 = arith.andi %parallel_loop3A_1619, %parallel_loop3A_1622 : vector<16xi1>
      tpu.vector_store_idx %arg6[%parallel_loop3A_44, %parallel_loop3A_1626], %broadcast_in_dim3A_30 masked %parallel_loop3A_1627 {add = true} : memref<64x1024xf32, #tpu.memory_space<vmem>>[vector<16xi32>, vector<16xi32>], vector<16xf32>, vector<16xi1>
      %parallel_loop3A_1628 = arith.constant 15 : i32
      %parallel_loop3A_1629 = vector.broadcast %parallel_loop3A_1628 : i32 to vector<16xi32>
      %parallel_loop3A_1630 = arith.addi %parallel_loop3A_1345, %parallel_loop3A_1629 : vector<16xi32>
      %parallel_loop3A_1631 = arith.constant 0 : i32
      %parallel_loop3A_1632 = arith.constant 225 : i32
      %parallel_loop3A_1633 = vector.broadcast %parallel_loop3A_1631 : i32 to vector<16xi32>
      %parallel_loop3A_1634 = arith.maxsi %parallel_loop3A_1633, %parallel_loop3A_1630 : vector<16xi32>
      %parallel_loop3A_1635 = vector.broadcast %parallel_loop3A_1632 : i32 to vector<16xi32>
      %parallel_loop3A_1636 = arith.minsi %parallel_loop3A_1635, %parallel_loop3A_1634 : vector<16xi32>
      %parallel_loop3A_1637 = arith.constant 4 : i32
      %parallel_loop3A_1638 = vector.broadcast %parallel_loop3A_1637 : i32 to vector<16xi32>
      %parallel_loop3A_1639 = arith.shrsi %parallel_loop3A_1636, %parallel_loop3A_1638 : vector<16xi32>
      %parallel_loop3A_1640 = arith.constant 15 : i32
      %parallel_loop3A_1641 = vector.broadcast %parallel_loop3A_1640 : i32 to vector<16xi32>
      %parallel_loop3A_1642 = arith.andi %parallel_loop3A_1636, %parallel_loop3A_1641 : vector<16xi32>
      %parallel_loop3A_1643 = arith.constant 54 : i32
      %parallel_loop3A_1644 = vector.broadcast %parallel_loop3A_1643 : i32 to vector<16xi32>
      %parallel_loop3A_1645 = arith.addi %mul3A_18, %parallel_loop3A_1644 : vector<16xi32>
      %parallel_loop3A_1646 = arith.sitofp %parallel_loop3A_1639 : vector<16xi32> to vector<16xf32>
      %parallel_loop3A_1647 = arith.constant 6.250000e-02 : f32
      %parallel_loop3A_1648 = vector.broadcast %parallel_loop3A_1647 : f32 to vector<16xf32>
      %parallel_loop3A_1649 = arith.mulf %parallel_loop3A_1646, %parallel_loop3A_1648 : vector<16xf32>
      tpu.vector_store_idx %arg7[%parallel_loop3A_44, %parallel_loop3A_1645], %parallel_loop3A_1649 : memref<64x288xf32, #tpu.memory_space<vmem>>[vector<16xi32>, vector<16xi32>], vector<16xf32>,
      %parallel_loop3A_1650 = arith.constant 54 : i32
      %parallel_loop3A_1651 = vector.broadcast %parallel_loop3A_1650 : i32 to vector<16xi32>
      %parallel_loop3A_1652 = arith.addi %mul3A_18, %parallel_loop3A_1651 : vector<16xi32>
      %parallel_loop3A_1653 = arith.constant 1 : i32
      %parallel_loop3A_1654 = vector.broadcast %parallel_loop3A_1653 : i32 to vector<16xi32>
      %parallel_loop3A_1655 = arith.addi %parallel_loop3A_1652, %parallel_loop3A_1654 : vector<16xi32>
      %parallel_loop3A_1656 = arith.sitofp %parallel_loop3A_1642 : vector<16xi32> to vector<16xf32>
      %parallel_loop3A_1657 = arith.constant 6.250000e-02 : f32
      %parallel_loop3A_1658 = vector.broadcast %parallel_loop3A_1657 : f32 to vector<16xf32>
      %parallel_loop3A_1659 = arith.mulf %parallel_loop3A_1656, %parallel_loop3A_1658 : vector<16xf32>
      tpu.vector_store_idx %arg7[%parallel_loop3A_44, %parallel_loop3A_1655], %parallel_loop3A_1659 : memref<64x288xf32, #tpu.memory_space<vmem>>[vector<16xi32>, vector<16xi32>], vector<16xf32>,
      %parallel_loop3A_1660 = arith.constant 4 : i32
      %parallel_loop3A_1661 = vector.broadcast %parallel_loop3A_1660 : i32 to vector<16xi32>
      %parallel_loop3A_1662 = arith.shli %parallel_loop3A_1642, %parallel_loop3A_1661 : vector<16xi32>
      %parallel_loop3A_1663 = arith.addi %parallel_loop3A_1662, %parallel_loop3A_1639 : vector<16xi32>
      %parallel_loop3A_1664 = arith.constant 1 : i32
      %parallel_loop3A_1665 = vector.broadcast %parallel_loop3A_1664 : i32 to vector<16xi32>
      %parallel_loop3A_1666 = arith.cmpi sge, %parallel_loop3A_1639, %parallel_loop3A_1665 : vector<16xi32>
      %parallel_loop3A_1667 = arith.constant 1 : i32
      %parallel_loop3A_1668 = vector.broadcast %parallel_loop3A_1667 : i32 to vector<16xi32>
      %parallel_loop3A_1669 = arith.cmpi sge, %parallel_loop3A_1642, %parallel_loop3A_1668 : vector<16xi32>
      %parallel_loop3A_1670 = arith.addi %mul3A_21, %parallel_loop3A_1663 : vector<16xi32>
      tpu.vector_store_idx %arg6[%parallel_loop3A_44, %parallel_loop3A_1670], %broadcast_in_dim3A_30 {add = true} : memref<64x1024xf32, #tpu.memory_space<vmem>>[vector<16xi32>, vector<16xi32>], vector<16xf32>,
      %parallel_loop3A_1671 = arith.addi %sub3A_23, %parallel_loop3A_1663 : vector<16xi32>
      tpu.vector_store_idx %arg6[%parallel_loop3A_44, %parallel_loop3A_1671], %broadcast_in_dim3A_30 masked %parallel_loop3A_1669 {add = true} : memref<64x1024xf32, #tpu.memory_space<vmem>>[vector<16xi32>, vector<16xi32>], vector<16xf32>, vector<16xi1>
      %parallel_loop3A_1672 = arith.addi %sub3A_26, %parallel_loop3A_1663 : vector<16xi32>
      tpu.vector_store_idx %arg6[%parallel_loop3A_44, %parallel_loop3A_1672], %broadcast_in_dim3A_30 masked %parallel_loop3A_1666 {add = true} : memref<64x1024xf32, #tpu.memory_space<vmem>>[vector<16xi32>, vector<16xi32>], vector<16xf32>, vector<16xi1>
      %parallel_loop3A_1673 = arith.addi %sub3A_29, %parallel_loop3A_1663 : vector<16xi32>
      %parallel_loop3A_1674 = arith.andi %parallel_loop3A_1666, %parallel_loop3A_1669 : vector<16xi1>
      tpu.vector_store_idx %arg6[%parallel_loop3A_44, %parallel_loop3A_1673], %broadcast_in_dim3A_30 masked %parallel_loop3A_1674 {add = true} : memref<64x1024xf32, #tpu.memory_space<vmem>>[vector<16xi32>, vector<16xi32>], vector<16xf32>, vector<16xi1>
      %parallel_loop3A_1675 = arith.constant 16 : i32
      %parallel_loop3A_1676 = vector.broadcast %parallel_loop3A_1675 : i32 to vector<16xi32>
      %parallel_loop3A_1677 = arith.addi %parallel_loop3A_1345, %parallel_loop3A_1676 : vector<16xi32>
      %parallel_loop3A_1678 = arith.constant 0 : i32
      %parallel_loop3A_1679 = arith.constant 225 : i32
      %parallel_loop3A_1680 = vector.broadcast %parallel_loop3A_1678 : i32 to vector<16xi32>
      %parallel_loop3A_1681 = arith.maxsi %parallel_loop3A_1680, %parallel_loop3A_1677 : vector<16xi32>
      %parallel_loop3A_1682 = vector.broadcast %parallel_loop3A_1679 : i32 to vector<16xi32>
      %parallel_loop3A_1683 = arith.minsi %parallel_loop3A_1682, %parallel_loop3A_1681 : vector<16xi32>
      %parallel_loop3A_1684 = arith.constant 4 : i32
      %parallel_loop3A_1685 = vector.broadcast %parallel_loop3A_1684 : i32 to vector<16xi32>
      %parallel_loop3A_1686 = arith.shrsi %parallel_loop3A_1683, %parallel_loop3A_1685 : vector<16xi32>
      %parallel_loop3A_1687 = arith.constant 15 : i32
      %parallel_loop3A_1688 = vector.broadcast %parallel_loop3A_1687 : i32 to vector<16xi32>
      %parallel_loop3A_1689 = arith.andi %parallel_loop3A_1683, %parallel_loop3A_1688 : vector<16xi32>
      %parallel_loop3A_1690 = arith.constant 62 : i32
      %parallel_loop3A_1691 = vector.broadcast %parallel_loop3A_1690 : i32 to vector<16xi32>
      %parallel_loop3A_1692 = arith.addi %mul3A_18, %parallel_loop3A_1691 : vector<16xi32>
      %parallel_loop3A_1693 = arith.sitofp %parallel_loop3A_1686 : vector<16xi32> to vector<16xf32>
      %parallel_loop3A_1694 = arith.constant 6.250000e-02 : f32
      %parallel_loop3A_1695 = vector.broadcast %parallel_loop3A_1694 : f32 to vector<16xf32>
      %parallel_loop3A_1696 = arith.mulf %parallel_loop3A_1693, %parallel_loop3A_1695 : vector<16xf32>
      tpu.vector_store_idx %arg7[%parallel_loop3A_44, %parallel_loop3A_1692], %parallel_loop3A_1696 : memref<64x288xf32, #tpu.memory_space<vmem>>[vector<16xi32>, vector<16xi32>], vector<16xf32>,
      %parallel_loop3A_1697 = arith.constant 62 : i32
      %parallel_loop3A_1698 = vector.broadcast %parallel_loop3A_1697 : i32 to vector<16xi32>
      %parallel_loop3A_1699 = arith.addi %mul3A_18, %parallel_loop3A_1698 : vector<16xi32>
      %parallel_loop3A_1700 = arith.constant 1 : i32
      %parallel_loop3A_1701 = vector.broadcast %parallel_loop3A_1700 : i32 to vector<16xi32>
      %parallel_loop3A_1702 = arith.addi %parallel_loop3A_1699, %parallel_loop3A_1701 : vector<16xi32>
      %parallel_loop3A_1703 = arith.sitofp %parallel_loop3A_1689 : vector<16xi32> to vector<16xf32>
      %parallel_loop3A_1704 = arith.constant 6.250000e-02 : f32
      %parallel_loop3A_1705 = vector.broadcast %parallel_loop3A_1704 : f32 to vector<16xf32>
      %parallel_loop3A_1706 = arith.mulf %parallel_loop3A_1703, %parallel_loop3A_1705 : vector<16xf32>
      tpu.vector_store_idx %arg7[%parallel_loop3A_44, %parallel_loop3A_1702], %parallel_loop3A_1706 : memref<64x288xf32, #tpu.memory_space<vmem>>[vector<16xi32>, vector<16xi32>], vector<16xf32>,
      %parallel_loop3A_1707 = arith.constant 4 : i32
      %parallel_loop3A_1708 = vector.broadcast %parallel_loop3A_1707 : i32 to vector<16xi32>
      %parallel_loop3A_1709 = arith.shli %parallel_loop3A_1689, %parallel_loop3A_1708 : vector<16xi32>
      %parallel_loop3A_1710 = arith.addi %parallel_loop3A_1709, %parallel_loop3A_1686 : vector<16xi32>
      %parallel_loop3A_1711 = arith.constant 1 : i32
      %parallel_loop3A_1712 = vector.broadcast %parallel_loop3A_1711 : i32 to vector<16xi32>
      %parallel_loop3A_1713 = arith.cmpi sge, %parallel_loop3A_1686, %parallel_loop3A_1712 : vector<16xi32>
      %parallel_loop3A_1714 = arith.constant 1 : i32
      %parallel_loop3A_1715 = vector.broadcast %parallel_loop3A_1714 : i32 to vector<16xi32>
      %parallel_loop3A_1716 = arith.cmpi sge, %parallel_loop3A_1689, %parallel_loop3A_1715 : vector<16xi32>
      %parallel_loop3A_1717 = arith.addi %mul3A_21, %parallel_loop3A_1710 : vector<16xi32>
      tpu.vector_store_idx %arg6[%parallel_loop3A_44, %parallel_loop3A_1717], %broadcast_in_dim3A_30 {add = true} : memref<64x1024xf32, #tpu.memory_space<vmem>>[vector<16xi32>, vector<16xi32>], vector<16xf32>,
      %parallel_loop3A_1718 = arith.addi %sub3A_23, %parallel_loop3A_1710 : vector<16xi32>
      tpu.vector_store_idx %arg6[%parallel_loop3A_44, %parallel_loop3A_1718], %broadcast_in_dim3A_30 masked %parallel_loop3A_1716 {add = true} : memref<64x1024xf32, #tpu.memory_space<vmem>>[vector<16xi32>, vector<16xi32>], vector<16xf32>, vector<16xi1>
      %parallel_loop3A_1719 = arith.addi %sub3A_26, %parallel_loop3A_1710 : vector<16xi32>
      tpu.vector_store_idx %arg6[%parallel_loop3A_44, %parallel_loop3A_1719], %broadcast_in_dim3A_30 masked %parallel_loop3A_1713 {add = true} : memref<64x1024xf32, #tpu.memory_space<vmem>>[vector<16xi32>, vector<16xi32>], vector<16xf32>, vector<16xi1>
      %parallel_loop3A_1720 = arith.addi %sub3A_29, %parallel_loop3A_1710 : vector<16xi32>
      %parallel_loop3A_1721 = arith.andi %parallel_loop3A_1713, %parallel_loop3A_1716 : vector<16xi1>
      tpu.vector_store_idx %arg6[%parallel_loop3A_44, %parallel_loop3A_1720], %broadcast_in_dim3A_30 masked %parallel_loop3A_1721 {add = true} : memref<64x1024xf32, #tpu.memory_space<vmem>>[vector<16xi32>, vector<16xi32>], vector<16xf32>, vector<16xi1>
      %parallel_loop3A_1722 = arith.constant 17 : i32
      %parallel_loop3A_1723 = vector.broadcast %parallel_loop3A_1722 : i32 to vector<16xi32>
      %parallel_loop3A_1724 = arith.addi %parallel_loop3A_1345, %parallel_loop3A_1723 : vector<16xi32>
      %parallel_loop3A_1725 = arith.constant 0 : i32
      %parallel_loop3A_1726 = arith.constant 225 : i32
      %parallel_loop3A_1727 = vector.broadcast %parallel_loop3A_1725 : i32 to vector<16xi32>
      %parallel_loop3A_1728 = arith.maxsi %parallel_loop3A_1727, %parallel_loop3A_1724 : vector<16xi32>
      %parallel_loop3A_1729 = vector.broadcast %parallel_loop3A_1726 : i32 to vector<16xi32>
      %parallel_loop3A_1730 = arith.minsi %parallel_loop3A_1729, %parallel_loop3A_1728 : vector<16xi32>
      %parallel_loop3A_1731 = arith.constant 4 : i32
      %parallel_loop3A_1732 = vector.broadcast %parallel_loop3A_1731 : i32 to vector<16xi32>
      %parallel_loop3A_1733 = arith.shrsi %parallel_loop3A_1730, %parallel_loop3A_1732 : vector<16xi32>
      %parallel_loop3A_1734 = arith.constant 15 : i32
      %parallel_loop3A_1735 = vector.broadcast %parallel_loop3A_1734 : i32 to vector<16xi32>
      %parallel_loop3A_1736 = arith.andi %parallel_loop3A_1730, %parallel_loop3A_1735 : vector<16xi32>
      %parallel_loop3A_1737 = arith.constant 70 : i32
      %parallel_loop3A_1738 = vector.broadcast %parallel_loop3A_1737 : i32 to vector<16xi32>
      %parallel_loop3A_1739 = arith.addi %mul3A_18, %parallel_loop3A_1738 : vector<16xi32>
      %parallel_loop3A_1740 = arith.sitofp %parallel_loop3A_1733 : vector<16xi32> to vector<16xf32>
      %parallel_loop3A_1741 = arith.constant 6.250000e-02 : f32
      %parallel_loop3A_1742 = vector.broadcast %parallel_loop3A_1741 : f32 to vector<16xf32>
      %parallel_loop3A_1743 = arith.mulf %parallel_loop3A_1740, %parallel_loop3A_1742 : vector<16xf32>
      tpu.vector_store_idx %arg7[%parallel_loop3A_44, %parallel_loop3A_1739], %parallel_loop3A_1743 : memref<64x288xf32, #tpu.memory_space<vmem>>[vector<16xi32>, vector<16xi32>], vector<16xf32>,
      %parallel_loop3A_1744 = arith.constant 70 : i32
      %parallel_loop3A_1745 = vector.broadcast %parallel_loop3A_1744 : i32 to vector<16xi32>
      %parallel_loop3A_1746 = arith.addi %mul3A_18, %parallel_loop3A_1745 : vector<16xi32>
      %parallel_loop3A_1747 = arith.constant 1 : i32
      %parallel_loop3A_1748 = vector.broadcast %parallel_loop3A_1747 : i32 to vector<16xi32>
      %parallel_loop3A_1749 = arith.addi %parallel_loop3A_1746, %parallel_loop3A_1748 : vector<16xi32>
      %parallel_loop3A_1750 = arith.sitofp %parallel_loop3A_1736 : vector<16xi32> to vector<16xf32>
      %parallel_loop3A_1751 = arith.constant 6.250000e-02 : f32
      %parallel_loop3A_1752 = vector.broadcast %parallel_loop3A_1751 : f32 to vector<16xf32>
      %parallel_loop3A_1753 = arith.mulf %parallel_loop3A_1750, %parallel_loop3A_1752 : vector<16xf32>
      tpu.vector_store_idx %arg7[%parallel_loop3A_44, %parallel_loop3A_1749], %parallel_loop3A_1753 : memref<64x288xf32, #tpu.memory_space<vmem>>[vector<16xi32>, vector<16xi32>], vector<16xf32>,
      %parallel_loop3A_1754 = arith.constant 4 : i32
      %parallel_loop3A_1755 = vector.broadcast %parallel_loop3A_1754 : i32 to vector<16xi32>
      %parallel_loop3A_1756 = arith.shli %parallel_loop3A_1736, %parallel_loop3A_1755 : vector<16xi32>
      %parallel_loop3A_1757 = arith.addi %parallel_loop3A_1756, %parallel_loop3A_1733 : vector<16xi32>
      %parallel_loop3A_1758 = arith.constant 1 : i32
      %parallel_loop3A_1759 = vector.broadcast %parallel_loop3A_1758 : i32 to vector<16xi32>
      %parallel_loop3A_1760 = arith.cmpi sge, %parallel_loop3A_1733, %parallel_loop3A_1759 : vector<16xi32>
      %parallel_loop3A_1761 = arith.constant 1 : i32
      %parallel_loop3A_1762 = vector.broadcast %parallel_loop3A_1761 : i32 to vector<16xi32>
      %parallel_loop3A_1763 = arith.cmpi sge, %parallel_loop3A_1736, %parallel_loop3A_1762 : vector<16xi32>
      %parallel_loop3A_1764 = arith.addi %mul3A_21, %parallel_loop3A_1757 : vector<16xi32>
      tpu.vector_store_idx %arg6[%parallel_loop3A_44, %parallel_loop3A_1764], %broadcast_in_dim3A_30 {add = true} : memref<64x1024xf32, #tpu.memory_space<vmem>>[vector<16xi32>, vector<16xi32>], vector<16xf32>,
      %parallel_loop3A_1765 = arith.addi %sub3A_23, %parallel_loop3A_1757 : vector<16xi32>
      tpu.vector_store_idx %arg6[%parallel_loop3A_44, %parallel_loop3A_1765], %broadcast_in_dim3A_30 masked %parallel_loop3A_1763 {add = true} : memref<64x1024xf32, #tpu.memory_space<vmem>>[vector<16xi32>, vector<16xi32>], vector<16xf32>, vector<16xi1>
      %parallel_loop3A_1766 = arith.addi %sub3A_26, %parallel_loop3A_1757 : vector<16xi32>
      tpu.vector_store_idx %arg6[%parallel_loop3A_44, %parallel_loop3A_1766], %broadcast_in_dim3A_30 masked %parallel_loop3A_1760 {add = true} : memref<64x1024xf32, #tpu.memory_space<vmem>>[vector<16xi32>, vector<16xi32>], vector<16xf32>, vector<16xi1>
      %parallel_loop3A_1767 = arith.addi %sub3A_29, %parallel_loop3A_1757 : vector<16xi32>
      %parallel_loop3A_1768 = arith.andi %parallel_loop3A_1760, %parallel_loop3A_1763 : vector<16xi1>
      tpu.vector_store_idx %arg6[%parallel_loop3A_44, %parallel_loop3A_1767], %broadcast_in_dim3A_30 masked %parallel_loop3A_1768 {add = true} : memref<64x1024xf32, #tpu.memory_space<vmem>>[vector<16xi32>, vector<16xi32>], vector<16xf32>, vector<16xi1>
    } {sc.loop_unroll_factor = 1 : i64, sc.parallel_access}
    "tpu.region"() ({
      %run_scoped3A = tpu.sem_alloc : memref<!tpu.dma_semaphore, #tpu.memory_space<semaphore_mem>>
      %dma_start3A = arith.constant 0 : i32
      %dma_start3A_40 = tpu.memref_slice %arg3[%mul3A_2, %dma_start3A] : memref<2048x1024xf32, #tpu.memory_space<hbm>> -> memref<64x1024xf32, #tpu.memory_space<hbm>>
      %dma_start3A_41 = arith.constant 0 : i32
      %dma_start3A_42 = tpu.memref_slice %arg3[%mul3A_2, %dma_start3A_41] : memref<2048x1024xf32, #tpu.memory_space<hbm>> -> memref<64x1024xf32, #tpu.memory_space<hbm>>
      tpu.enqueue_dma source(%arg6 : memref<64x1024xf32, #tpu.memory_space<vmem>>) target(%dma_start3A_42 : memref<64x1024xf32, #tpu.memory_space<hbm>>) target_semaphore(%run_scoped3A : memref<!tpu.dma_semaphore, #tpu.memory_space<semaphore_mem>>)
      %dma_wait3A = arith.constant 0 : i32
      %dma_wait3A_43 = tpu.memref_slice %arg3[%mul3A_2, %dma_wait3A] : memref<2048x1024xf32, #tpu.memory_space<hbm>> -> memref<64x1024xf32, #tpu.memory_space<hbm>>
      %dma_wait3A_44 = arith.constant 0 : i32
      %dma_wait3A_45 = tpu.memref_slice %arg3[%mul3A_2, %dma_wait3A_44] : memref<2048x1024xf32, #tpu.memory_space<hbm>> -> memref<64x1024xf32, #tpu.memory_space<hbm>>
      tpu.wait_dma2 semaphore(%run_scoped3A : memref<!tpu.dma_semaphore, #tpu.memory_space<semaphore_mem>>) src(%arg6 : memref<64x1024xf32, #tpu.memory_space<vmem>>) dst(%dma_wait3A_45 : memref<64x1024xf32, #tpu.memory_space<hbm>>)
      tpu.yield
    }) : () -> ()
    "tpu.region"() ({
      %run_scoped3A = tpu.sem_alloc : memref<!tpu.dma_semaphore, #tpu.memory_space<semaphore_mem>>
      %dma_start3A = arith.constant 0 : i32
      %dma_start3A_40 = tpu.memref_slice %arg4[%mul3A_2, %dma_start3A] : memref<2048x288xf32, #tpu.memory_space<hbm>> -> memref<64x288xf32, #tpu.memory_space<hbm>>
      %dma_start3A_41 = arith.constant 0 : i32
      %dma_start3A_42 = tpu.memref_slice %arg4[%mul3A_2, %dma_start3A_41] : memref<2048x288xf32, #tpu.memory_space<hbm>> -> memref<64x288xf32, #tpu.memory_space<hbm>>
      tpu.enqueue_dma source(%arg7 : memref<64x288xf32, #tpu.memory_space<vmem>>) target(%dma_start3A_42 : memref<64x288xf32, #tpu.memory_space<hbm>>) target_semaphore(%run_scoped3A : memref<!tpu.dma_semaphore, #tpu.memory_space<semaphore_mem>>)
      %dma_wait3A = arith.constant 0 : i32
      %dma_wait3A_43 = tpu.memref_slice %arg4[%mul3A_2, %dma_wait3A] : memref<2048x288xf32, #tpu.memory_space<hbm>> -> memref<64x288xf32, #tpu.memory_space<hbm>>
      %dma_wait3A_44 = arith.constant 0 : i32
      %dma_wait3A_45 = tpu.memref_slice %arg4[%mul3A_2, %dma_wait3A_44] : memref<2048x288xf32, #tpu.memory_space<hbm>> -> memref<64x288xf32, #tpu.memory_space<hbm>>
      tpu.wait_dma2 semaphore(%run_scoped3A : memref<!tpu.dma_semaphore, #tpu.memory_space<semaphore_mem>>) src(%arg7 : memref<64x288xf32, #tpu.memory_space<vmem>>) dst(%dma_wait3A_45 : memref<64x288xf32, #tpu.memory_space<hbm>>)
      tpu.yield
    }) : () -> ()
    return
  }
}

module attributes {stable_mosaic.version = 14 : i64} {
  func.func @_corr_topk_body(%arg0: i32, %arg1: memref<1x1024x256xf32, #tpu.memory_space<vmem>>, %arg2: memref<1x1024x256xf32, #tpu.memory_space<vmem>>, %arg3: memref<1x1024x128xi32, #tpu.memory_space<vmem>>) attributes {dimension_semantics = [#tpu.dimension_semantics<arbitrary>], iteration_bounds = array<i64: 2>, scalar_prefetch = 0 : i64, scratch_operands = 0 : i64, tpu.core_type = #tpu.core_type<tc>, window_params = [{transform_indices = @transform_0, window_bounds = array<i64: 1, 1024, 256>}, {transform_indices = @transform_1, window_bounds = array<i64: 1, 1024, 256>}, {transform_indices = @transform_2, window_bounds = array<i64: 1, 1024, 128>}]} {
    %get3A = arith.constant 0 : index
    %get3A_0 = arith.constant 0 : index
    %get3A_1 = arith.constant 0 : index
    %get3A_2 = vector.load %arg1[%get3A, %get3A_0, %get3A_1] : memref<1x1024x256xf32, #tpu.memory_space<vmem>>, vector<1x1024x256xf32>
    %get3A_3 = vector.shape_cast %get3A_2 : vector<1x1024x256xf32> to vector<1024x256xf32>
    %get3A_4 = arith.constant 0 : index
    %get3A_5 = arith.constant 0 : index
    %get3A_6 = arith.constant 0 : index
    %get3A_7 = vector.load %arg2[%get3A_4, %get3A_5, %get3A_6] : memref<1x1024x256xf32, #tpu.memory_space<vmem>>, vector<1x1024x256xf32>
    %get3A_8 = vector.shape_cast %get3A_7 : vector<1x1024x256xf32> to vector<1024x256xf32>
    %iota3A = tpu.iota {dimensions = array<i32: 0>} : vector<1024x1xi32>
    %jit3A = arith.constant 16 : i32
    %div3A = vector.broadcast %jit3A : i32 to vector<1024x1xi32>
    %div3A_9 = arith.divsi %iota3A, %div3A : vector<1024x1xi32>
    %sign3A = arith.constant 0 : i32
    %sign3A_10 = vector.broadcast %sign3A : i32 to vector<1024x1xi32>
    %sign3A_11 = arith.cmpi sgt, %iota3A, %sign3A_10 : vector<1024x1xi32>
    %sign3A_12 = arith.extui %sign3A_11 : vector<1024x1xi1> to vector<1024x1xi32>
    %sign3A_13 = arith.constant 0 : i32
    %sign3A_14 = vector.broadcast %sign3A_13 : i32 to vector<1024x1xi32>
    %sign3A_15 = arith.cmpi slt, %iota3A, %sign3A_14 : vector<1024x1xi32>
    %sign3A_16 = arith.extui %sign3A_15 : vector<1024x1xi1> to vector<1024x1xi32>
    %sign3A_17 = arith.subi %sign3A_12, %sign3A_16 : vector<1024x1xi32>
    %sign3A_18 = arith.constant 0 : i32
    %sign3A_19 = arith.cmpi sgt, %jit3A, %sign3A_18 : i32
    %sign3A_20 = arith.extui %sign3A_19 : i1 to i32
    %sign3A_21 = arith.constant 0 : i32
    %sign3A_22 = arith.cmpi slt, %jit3A, %sign3A_21 : i32
    %sign3A_23 = arith.extui %sign3A_22 : i1 to i32
    %sign3A_24 = arith.subi %sign3A_20, %sign3A_23 : i32
    %ne3A = vector.broadcast %sign3A_24 : i32 to vector<1024x1xi32>
    %ne3A_25 = arith.cmpi ne, %sign3A_17, %ne3A : vector<1024x1xi32>
    %rem3A = vector.broadcast %jit3A : i32 to vector<1024x1xi32>
    %rem3A_26 = arith.remsi %iota3A, %rem3A : vector<1024x1xi32>
    %ne3A_27 = arith.constant 0 : i32
    %ne3A_28 = vector.broadcast %ne3A_27 : i32 to vector<1024x1xi32>
    %ne3A_29 = arith.cmpi ne, %rem3A_26, %ne3A_28 : vector<1024x1xi32>
    %and3A = arith.andi %ne3A_25, %ne3A_29 : vector<1024x1xi1>
    %sub3A = arith.constant 1 : i32
    %sub3A_30 = vector.broadcast %sub3A : i32 to vector<1024x1xi32>
    %sub3A_31 = arith.subi %div3A_9, %sub3A_30 : vector<1024x1xi32>
    %select_n3A = arith.select %and3A, %sub3A_31, %div3A_9 : vector<1024x1xi1>, vector<1024x1xi32>
    %jit3A_32 = arith.constant 16 : i32
    %eq3A = arith.constant 0 : i32
    %eq3A_33 = arith.cmpi eq, %jit3A_32, %eq3A : i32
    %jit3A_34 = arith.constant 1 : i32
    %select_n3A_35 = arith.select %eq3A_33, %jit3A_34, %jit3A_32 : i32
    %rem3A_36 = vector.broadcast %select_n3A_35 : i32 to vector<1024x1xi32>
    %rem3A_37 = arith.remsi %select_n3A, %rem3A_36 : vector<1024x1xi32>
    %ne3A_38 = arith.constant 0 : i32
    %ne3A_39 = vector.broadcast %ne3A_38 : i32 to vector<1024x1xi32>
    %ne3A_40 = arith.cmpi ne, %rem3A_37, %ne3A_39 : vector<1024x1xi32>
    %lt3A = arith.constant 0 : i32
    %lt3A_41 = vector.broadcast %lt3A : i32 to vector<1024x1xi32>
    %lt3A_42 = arith.cmpi slt, %rem3A_37, %lt3A_41 : vector<1024x1xi32>
    %lt3A_43 = arith.constant 0 : i32
    %lt3A_44 = arith.cmpi slt, %select_n3A_35, %lt3A_43 : i32
    %ne3A_45 = vector.broadcast %lt3A_44 : i1 to vector<1024x1xi1>
    %ne3A_46 = vector.broadcast %ne3A_45 : vector<1024x1xi1> to vector<1024x1xi1>
    %ne3A_47 = arith.xori %lt3A_42, %ne3A_46 : vector<1024x1xi1>
    %and3A_48 = arith.andi %ne3A_47, %ne3A_40 : vector<1024x1xi1>
    %add3A = vector.broadcast %select_n3A_35 : i32 to vector<1024x1xi32>
    %add3A_49 = arith.addi %rem3A_37, %add3A : vector<1024x1xi32>
    %select_n3A_50 = arith.select %and3A_48, %add3A_49, %rem3A_37 : vector<1024x1xi1>, vector<1024x1xi32>
    %jit3A_51 = arith.constant 16 : i32
    %eq3A_52 = arith.constant 0 : i32
    %eq3A_53 = arith.cmpi eq, %jit3A_51, %eq3A_52 : i32
    %jit3A_54 = arith.constant 1 : i32
    %select_n3A_55 = arith.select %eq3A_53, %jit3A_54, %jit3A_51 : i32
    %rem3A_56 = vector.broadcast %select_n3A_55 : i32 to vector<1024x1xi32>
    %rem3A_57 = arith.remsi %iota3A, %rem3A_56 : vector<1024x1xi32>
    %ne3A_58 = arith.constant 0 : i32
    %ne3A_59 = vector.broadcast %ne3A_58 : i32 to vector<1024x1xi32>
    %ne3A_60 = arith.cmpi ne, %rem3A_57, %ne3A_59 : vector<1024x1xi32>
    %lt3A_61 = arith.constant 0 : i32
    %lt3A_62 = vector.broadcast %lt3A_61 : i32 to vector<1024x1xi32>
    %lt3A_63 = arith.cmpi slt, %rem3A_57, %lt3A_62 : vector<1024x1xi32>
    %lt3A_64 = arith.constant 0 : i32
    %lt3A_65 = arith.cmpi slt, %select_n3A_55, %lt3A_64 : i32
    %ne3A_66 = vector.broadcast %lt3A_65 : i1 to vector<1024x1xi1>
    %ne3A_67 = vector.broadcast %ne3A_66 : vector<1024x1xi1> to vector<1024x1xi1>
    %ne3A_68 = arith.xori %lt3A_63, %ne3A_67 : vector<1024x1xi1>
    %and3A_69 = arith.andi %ne3A_68, %ne3A_60 : vector<1024x1xi1>
    %add3A_70 = vector.broadcast %select_n3A_55 : i32 to vector<1024x1xi32>
    %add3A_71 = arith.addi %rem3A_57, %add3A_70 : vector<1024x1xi32>
    %select_n3A_72 = arith.select %and3A_69, %add3A_71, %rem3A_57 : vector<1024x1xi1>, vector<1024x1xi32>
    %broadcast_in_dim3A = arith.constant 0.000000e+00 : f32
    %broadcast_in_dim3A_73 = vector.broadcast %broadcast_in_dim3A : f32 to vector<1024x1024xf32>
    %add3A_74 = arith.constant -1 : i32
    %add3A_75 = vector.broadcast %add3A_74 : i32 to vector<1024x1xi32>
    %add3A_76 = arith.addi %select_n3A_50, %add3A_75 : vector<1024x1xi32>
    %ge3A = arith.constant 0 : i32
    %ge3A_77 = vector.broadcast %ge3A : i32 to vector<1024x1xi32>
    %ge3A_78 = arith.cmpi sge, %add3A_76, %ge3A_77 : vector<1024x1xi32>
    %add3A_79 = arith.constant -1 : i32
    %add3A_80 = vector.broadcast %add3A_79 : i32 to vector<1024x1xi32>
    %add3A_81 = arith.addi %select_n3A_50, %add3A_80 : vector<1024x1xi32>
    %lt3A_82 = arith.constant 16 : i32
    %lt3A_83 = vector.broadcast %lt3A_82 : i32 to vector<1024x1xi32>
    %lt3A_84 = arith.cmpi slt, %add3A_81, %lt3A_83 : vector<1024x1xi32>
    %and3A_85 = arith.andi %ge3A_78, %lt3A_84 : vector<1024x1xi1>
    %add3A_86 = arith.constant -1 : i32
    %add3A_87 = vector.broadcast %add3A_86 : i32 to vector<1024x1xi32>
    %add3A_88 = arith.addi %select_n3A_72, %add3A_87 : vector<1024x1xi32>
    %ge3A_89 = arith.constant 0 : i32
    %ge3A_90 = vector.broadcast %ge3A_89 : i32 to vector<1024x1xi32>
    %ge3A_91 = arith.cmpi sge, %add3A_88, %ge3A_90 : vector<1024x1xi32>
    %and3A_92 = arith.andi %and3A_85, %ge3A_91 : vector<1024x1xi1>
    %add3A_93 = arith.constant -1 : i32
    %add3A_94 = vector.broadcast %add3A_93 : i32 to vector<1024x1xi32>
    %add3A_95 = arith.addi %select_n3A_72, %add3A_94 : vector<1024x1xi32>
    %lt3A_96 = arith.constant 16 : i32
    %lt3A_97 = vector.broadcast %lt3A_96 : i32 to vector<1024x1xi32>
    %lt3A_98 = arith.cmpi slt, %add3A_95, %lt3A_97 : vector<1024x1xi32>
    %and3A_99 = arith.andi %and3A_92, %lt3A_98 : vector<1024x1xi1>
    %convert_element_type3A = arith.extui %and3A_99 : vector<1024x1xi1> to vector<1024x1xi32>
    %convert_element_type3A_100 = arith.sitofp %convert_element_type3A : vector<1024x1xi32> to vector<1024x1xf32>
    %broadcast_in_dim3A_101 = arith.constant 0.000000e+00 : f32
    %broadcast_in_dim3A_102 = vector.broadcast %broadcast_in_dim3A_101 : f32 to vector<17x256xf32>
    %slice3A = vector.extract_strided_slice %get3A_3 {offsets = [0, 0], sizes = [1007, 256], strides = [1, 1]} : vector<1024x256xf32> to vector<1007x256xf32>
    %concatenate3A = tpu.concatenate %broadcast_in_dim3A_102, %slice3A in 0 : vector<17x256xf32>, vector<1007x256xf32> -> vector<1024x256xf32>
    %mul3A = vector.broadcast %convert_element_type3A_100 : vector<1024x1xf32> to vector<1024x256xf32>
    %mul3A_103 = arith.mulf %concatenate3A, %mul3A : vector<1024x256xf32>
    %broadcast_in_dim3A_104 = arith.constant 0.000000e+00 : f32
    %broadcast_in_dim3A_105 = vector.broadcast %broadcast_in_dim3A_104 : f32 to vector<17x256xf32>
    %slice3A_106 = vector.extract_strided_slice %get3A_8 {offsets = [0, 0], sizes = [1007, 256], strides = [1, 1]} : vector<1024x256xf32> to vector<1007x256xf32>
    %concatenate3A_107 = tpu.concatenate %broadcast_in_dim3A_105, %slice3A_106 in 0 : vector<17x256xf32>, vector<1007x256xf32> -> vector<1024x256xf32>
    %mul3A_108 = vector.broadcast %convert_element_type3A_100 : vector<1024x1xf32> to vector<1024x256xf32>
    %mul3A_109 = arith.mulf %concatenate3A_107, %mul3A_108 : vector<1024x256xf32>
    %dot_general3A = arith.constant dense<0.000000e+00> : vector<1024x1024xf32>
    %dot_general3A_110 = tpu.matmul %mul3A_103, %mul3A_109, %dot_general3A {dimension_numbers = #tpu.dot_dimension_numbers<[1], [1], [0], [0], [0, 0, 1, 0], [], []>, transpose_lhs_hint = false} : vector<1024x256xf32>, vector<1024x256xf32>, vector<1024x1024xf32> -> vector<1024x1024xf32>
    %add3A_111 = arith.addf %broadcast_in_dim3A_73, %dot_general3A_110 : vector<1024x1024xf32>
    %add3A_112 = arith.constant -1 : i32
    %add3A_113 = vector.broadcast %add3A_112 : i32 to vector<1024x1xi32>
    %add3A_114 = arith.addi %select_n3A_50, %add3A_113 : vector<1024x1xi32>
    %ge3A_115 = arith.constant 0 : i32
    %ge3A_116 = vector.broadcast %ge3A_115 : i32 to vector<1024x1xi32>
    %ge3A_117 = arith.cmpi sge, %add3A_114, %ge3A_116 : vector<1024x1xi32>
    %add3A_118 = arith.constant -1 : i32
    %add3A_119 = vector.broadcast %add3A_118 : i32 to vector<1024x1xi32>
    %add3A_120 = arith.addi %select_n3A_50, %add3A_119 : vector<1024x1xi32>
    %lt3A_121 = arith.constant 16 : i32
    %lt3A_122 = vector.broadcast %lt3A_121 : i32 to vector<1024x1xi32>
    %lt3A_123 = arith.cmpi slt, %add3A_120, %lt3A_122 : vector<1024x1xi32>
    %and3A_124 = arith.andi %ge3A_117, %lt3A_123 : vector<1024x1xi1>
    %add3A_125 = arith.constant 0 : i32
    %add3A_126 = vector.broadcast %add3A_125 : i32 to vector<1024x1xi32>
    %add3A_127 = arith.addi %select_n3A_72, %add3A_126 : vector<1024x1xi32>
    %ge3A_128 = arith.constant 0 : i32
    %ge3A_129 = vector.broadcast %ge3A_128 : i32 to vector<1024x1xi32>
    %ge3A_130 = arith.cmpi sge, %add3A_127, %ge3A_129 : vector<1024x1xi32>
    %and3A_131 = arith.andi %and3A_124, %ge3A_130 : vector<1024x1xi1>
    %add3A_132 = arith.constant 0 : i32
    %add3A_133 = vector.broadcast %add3A_132 : i32 to vector<1024x1xi32>
    %add3A_134 = arith.addi %select_n3A_72, %add3A_133 : vector<1024x1xi32>
    %lt3A_135 = arith.constant 16 : i32
    %lt3A_136 = vector.broadcast %lt3A_135 : i32 to vector<1024x1xi32>
    %lt3A_137 = arith.cmpi slt, %add3A_134, %lt3A_136 : vector<1024x1xi32>
    %and3A_138 = arith.andi %and3A_131, %lt3A_137 : vector<1024x1xi1>
    %convert_element_type3A_139 = arith.extui %and3A_138 : vector<1024x1xi1> to vector<1024x1xi32>
    %convert_element_type3A_140 = arith.sitofp %convert_element_type3A_139 : vector<1024x1xi32> to vector<1024x1xf32>
    %broadcast_in_dim3A_141 = arith.constant 0.000000e+00 : f32
    %broadcast_in_dim3A_142 = vector.broadcast %broadcast_in_dim3A_141 : f32 to vector<16x256xf32>
    %slice3A_143 = vector.extract_strided_slice %get3A_3 {offsets = [0, 0], sizes = [1008, 256], strides = [1, 1]} : vector<1024x256xf32> to vector<1008x256xf32>
    %concatenate3A_144 = tpu.concatenate %broadcast_in_dim3A_142, %slice3A_143 in 0 : vector<16x256xf32>, vector<1008x256xf32> -> vector<1024x256xf32>
    %mul3A_145 = vector.broadcast %convert_element_type3A_140 : vector<1024x1xf32> to vector<1024x256xf32>
    %mul3A_146 = arith.mulf %concatenate3A_144, %mul3A_145 : vector<1024x256xf32>
    %broadcast_in_dim3A_147 = arith.constant 0.000000e+00 : f32
    %broadcast_in_dim3A_148 = vector.broadcast %broadcast_in_dim3A_147 : f32 to vector<16x256xf32>
    %slice3A_149 = vector.extract_strided_slice %get3A_8 {offsets = [0, 0], sizes = [1008, 256], strides = [1, 1]} : vector<1024x256xf32> to vector<1008x256xf32>
    %concatenate3A_150 = tpu.concatenate %broadcast_in_dim3A_148, %slice3A_149 in 0 : vector<16x256xf32>, vector<1008x256xf32> -> vector<1024x256xf32>
    %mul3A_151 = vector.broadcast %convert_element_type3A_140 : vector<1024x1xf32> to vector<1024x256xf32>
    %mul3A_152 = arith.mulf %concatenate3A_150, %mul3A_151 : vector<1024x256xf32>
    %dot_general3A_153 = arith.constant dense<0.000000e+00> : vector<1024x1024xf32>
    %dot_general3A_154 = tpu.matmul %mul3A_146, %mul3A_152, %dot_general3A_153 {dimension_numbers = #tpu.dot_dimension_numbers<[1], [1], [0], [0], [0, 0, 1, 0], [], []>, transpose_lhs_hint = false} : vector<1024x256xf32>, vector<1024x256xf32>, vector<1024x1024xf32> -> vector<1024x1024xf32>
    %add3A_155 = arith.addf %add3A_111, %dot_general3A_154 : vector<1024x1024xf32>
    %add3A_156 = arith.constant -1 : i32
    %add3A_157 = vector.broadcast %add3A_156 : i32 to vector<1024x1xi32>
    %add3A_158 = arith.addi %select_n3A_50, %add3A_157 : vector<1024x1xi32>
    %ge3A_159 = arith.constant 0 : i32
    %ge3A_160 = vector.broadcast %ge3A_159 : i32 to vector<1024x1xi32>
    %ge3A_161 = arith.cmpi sge, %add3A_158, %ge3A_160 : vector<1024x1xi32>
    %add3A_162 = arith.constant -1 : i32
    %add3A_163 = vector.broadcast %add3A_162 : i32 to vector<1024x1xi32>
    %add3A_164 = arith.addi %select_n3A_50, %add3A_163 : vector<1024x1xi32>
    %lt3A_165 = arith.constant 16 : i32
    %lt3A_166 = vector.broadcast %lt3A_165 : i32 to vector<1024x1xi32>
    %lt3A_167 = arith.cmpi slt, %add3A_164, %lt3A_166 : vector<1024x1xi32>
    %and3A_168 = arith.andi %ge3A_161, %lt3A_167 : vector<1024x1xi1>
    %add3A_169 = arith.constant 1 : i32
    %add3A_170 = vector.broadcast %add3A_169 : i32 to vector<1024x1xi32>
    %add3A_171 = arith.addi %select_n3A_72, %add3A_170 : vector<1024x1xi32>
    %ge3A_172 = arith.constant 0 : i32
    %ge3A_173 = vector.broadcast %ge3A_172 : i32 to vector<1024x1xi32>
    %ge3A_174 = arith.cmpi sge, %add3A_171, %ge3A_173 : vector<1024x1xi32>
    %and3A_175 = arith.andi %and3A_168, %ge3A_174 : vector<1024x1xi1>
    %add3A_176 = arith.constant 1 : i32
    %add3A_177 = vector.broadcast %add3A_176 : i32 to vector<1024x1xi32>
    %add3A_178 = arith.addi %select_n3A_72, %add3A_177 : vector<1024x1xi32>
    %lt3A_179 = arith.constant 16 : i32
    %lt3A_180 = vector.broadcast %lt3A_179 : i32 to vector<1024x1xi32>
    %lt3A_181 = arith.cmpi slt, %add3A_178, %lt3A_180 : vector<1024x1xi32>
    %and3A_182 = arith.andi %and3A_175, %lt3A_181 : vector<1024x1xi1>
    %convert_element_type3A_183 = arith.extui %and3A_182 : vector<1024x1xi1> to vector<1024x1xi32>
    %convert_element_type3A_184 = arith.sitofp %convert_element_type3A_183 : vector<1024x1xi32> to vector<1024x1xf32>
    %broadcast_in_dim3A_185 = arith.constant 0.000000e+00 : f32
    %broadcast_in_dim3A_186 = vector.broadcast %broadcast_in_dim3A_185 : f32 to vector<15x256xf32>
    %slice3A_187 = vector.extract_strided_slice %get3A_3 {offsets = [0, 0], sizes = [1009, 256], strides = [1, 1]} : vector<1024x256xf32> to vector<1009x256xf32>
    %concatenate3A_188 = tpu.concatenate %broadcast_in_dim3A_186, %slice3A_187 in 0 : vector<15x256xf32>, vector<1009x256xf32> -> vector<1024x256xf32>
    %mul3A_189 = vector.broadcast %convert_element_type3A_184 : vector<1024x1xf32> to vector<1024x256xf32>
    %mul3A_190 = arith.mulf %concatenate3A_188, %mul3A_189 : vector<1024x256xf32>
    %broadcast_in_dim3A_191 = arith.constant 0.000000e+00 : f32
    %broadcast_in_dim3A_192 = vector.broadcast %broadcast_in_dim3A_191 : f32 to vector<15x256xf32>
    %slice3A_193 = vector.extract_strided_slice %get3A_8 {offsets = [0, 0], sizes = [1009, 256], strides = [1, 1]} : vector<1024x256xf32> to vector<1009x256xf32>
    %concatenate3A_194 = tpu.concatenate %broadcast_in_dim3A_192, %slice3A_193 in 0 : vector<15x256xf32>, vector<1009x256xf32> -> vector<1024x256xf32>
    %mul3A_195 = vector.broadcast %convert_element_type3A_184 : vector<1024x1xf32> to vector<1024x256xf32>
    %mul3A_196 = arith.mulf %concatenate3A_194, %mul3A_195 : vector<1024x256xf32>
    %dot_general3A_197 = arith.constant dense<0.000000e+00> : vector<1024x1024xf32>
    %dot_general3A_198 = tpu.matmul %mul3A_190, %mul3A_196, %dot_general3A_197 {dimension_numbers = #tpu.dot_dimension_numbers<[1], [1], [0], [0], [0, 0, 1, 0], [], []>, transpose_lhs_hint = false} : vector<1024x256xf32>, vector<1024x256xf32>, vector<1024x1024xf32> -> vector<1024x1024xf32>
    %add3A_199 = arith.addf %add3A_155, %dot_general3A_198 : vector<1024x1024xf32>
    %add3A_200 = arith.constant 0 : i32
    %add3A_201 = vector.broadcast %add3A_200 : i32 to vector<1024x1xi32>
    %add3A_202 = arith.addi %select_n3A_50, %add3A_201 : vector<1024x1xi32>
    %ge3A_203 = arith.constant 0 : i32
    %ge3A_204 = vector.broadcast %ge3A_203 : i32 to vector<1024x1xi32>
    %ge3A_205 = arith.cmpi sge, %add3A_202, %ge3A_204 : vector<1024x1xi32>
    %add3A_206 = arith.constant 0 : i32
    %add3A_207 = vector.broadcast %add3A_206 : i32 to vector<1024x1xi32>
    %add3A_208 = arith.addi %select_n3A_50, %add3A_207 : vector<1024x1xi32>
    %lt3A_209 = arith.constant 16 : i32
    %lt3A_210 = vector.broadcast %lt3A_209 : i32 to vector<1024x1xi32>
    %lt3A_211 = arith.cmpi slt, %add3A_208, %lt3A_210 : vector<1024x1xi32>
    %and3A_212 = arith.andi %ge3A_205, %lt3A_211 : vector<1024x1xi1>
    %add3A_213 = arith.constant -1 : i32
    %add3A_214 = vector.broadcast %add3A_213 : i32 to vector<1024x1xi32>
    %add3A_215 = arith.addi %select_n3A_72, %add3A_214 : vector<1024x1xi32>
    %ge3A_216 = arith.constant 0 : i32
    %ge3A_217 = vector.broadcast %ge3A_216 : i32 to vector<1024x1xi32>
    %ge3A_218 = arith.cmpi sge, %add3A_215, %ge3A_217 : vector<1024x1xi32>
    %and3A_219 = arith.andi %and3A_212, %ge3A_218 : vector<1024x1xi1>
    %add3A_220 = arith.constant -1 : i32
    %add3A_221 = vector.broadcast %add3A_220 : i32 to vector<1024x1xi32>
    %add3A_222 = arith.addi %select_n3A_72, %add3A_221 : vector<1024x1xi32>
    %lt3A_223 = arith.constant 16 : i32
    %lt3A_224 = vector.broadcast %lt3A_223 : i32 to vector<1024x1xi32>
    %lt3A_225 = arith.cmpi slt, %add3A_222, %lt3A_224 : vector<1024x1xi32>
    %and3A_226 = arith.andi %and3A_219, %lt3A_225 : vector<1024x1xi1>
    %convert_element_type3A_227 = arith.extui %and3A_226 : vector<1024x1xi1> to vector<1024x1xi32>
    %convert_element_type3A_228 = arith.sitofp %convert_element_type3A_227 : vector<1024x1xi32> to vector<1024x1xf32>
    %broadcast_in_dim3A_229 = arith.constant 0.000000e+00 : f32
    %broadcast_in_dim3A_230 = vector.broadcast %broadcast_in_dim3A_229 : f32 to vector<1x256xf32>
    %slice3A_231 = vector.extract_strided_slice %get3A_3 {offsets = [0, 0], sizes = [1023, 256], strides = [1, 1]} : vector<1024x256xf32> to vector<1023x256xf32>
    %concatenate3A_232 = tpu.concatenate %broadcast_in_dim3A_230, %slice3A_231 in 0 : vector<1x256xf32>, vector<1023x256xf32> -> vector<1024x256xf32>
    %mul3A_233 = vector.broadcast %convert_element_type3A_228 : vector<1024x1xf32> to vector<1024x256xf32>
    %mul3A_234 = arith.mulf %concatenate3A_232, %mul3A_233 : vector<1024x256xf32>
    %broadcast_in_dim3A_235 = arith.constant 0.000000e+00 : f32
    %broadcast_in_dim3A_236 = vector.broadcast %broadcast_in_dim3A_235 : f32 to vector<1x256xf32>
    %slice3A_237 = vector.extract_strided_slice %get3A_8 {offsets = [0, 0], sizes = [1023, 256], strides = [1, 1]} : vector<1024x256xf32> to vector<1023x256xf32>
    %concatenate3A_238 = tpu.concatenate %broadcast_in_dim3A_236, %slice3A_237 in 0 : vector<1x256xf32>, vector<1023x256xf32> -> vector<1024x256xf32>
    %mul3A_239 = vector.broadcast %convert_element_type3A_228 : vector<1024x1xf32> to vector<1024x256xf32>
    %mul3A_240 = arith.mulf %concatenate3A_238, %mul3A_239 : vector<1024x256xf32>
    %dot_general3A_241 = arith.constant dense<0.000000e+00> : vector<1024x1024xf32>
    %dot_general3A_242 = tpu.matmul %mul3A_234, %mul3A_240, %dot_general3A_241 {dimension_numbers = #tpu.dot_dimension_numbers<[1], [1], [0], [0], [0, 0, 1, 0], [], []>, transpose_lhs_hint = false} : vector<1024x256xf32>, vector<1024x256xf32>, vector<1024x1024xf32> -> vector<1024x1024xf32>
    %add3A_243 = arith.addf %add3A_199, %dot_general3A_242 : vector<1024x1024xf32>
    %add3A_244 = arith.constant 0 : i32
    %add3A_245 = vector.broadcast %add3A_244 : i32 to vector<1024x1xi32>
    %add3A_246 = arith.addi %select_n3A_50, %add3A_245 : vector<1024x1xi32>
    %ge3A_247 = arith.constant 0 : i32
    %ge3A_248 = vector.broadcast %ge3A_247 : i32 to vector<1024x1xi32>
    %ge3A_249 = arith.cmpi sge, %add3A_246, %ge3A_248 : vector<1024x1xi32>
    %add3A_250 = arith.constant 0 : i32
    %add3A_251 = vector.broadcast %add3A_250 : i32 to vector<1024x1xi32>
    %add3A_252 = arith.addi %select_n3A_50, %add3A_251 : vector<1024x1xi32>
    %lt3A_253 = arith.constant 16 : i32
    %lt3A_254 = vector.broadcast %lt3A_253 : i32 to vector<1024x1xi32>
    %lt3A_255 = arith.cmpi slt, %add3A_252, %lt3A_254 : vector<1024x1xi32>
    %and3A_256 = arith.andi %ge3A_249, %lt3A_255 : vector<1024x1xi1>
    %add3A_257 = arith.constant 0 : i32
    %add3A_258 = vector.broadcast %add3A_257 : i32 to vector<1024x1xi32>
    %add3A_259 = arith.addi %select_n3A_72, %add3A_258 : vector<1024x1xi32>
    %ge3A_260 = arith.constant 0 : i32
    %ge3A_261 = vector.broadcast %ge3A_260 : i32 to vector<1024x1xi32>
    %ge3A_262 = arith.cmpi sge, %add3A_259, %ge3A_261 : vector<1024x1xi32>
    %and3A_263 = arith.andi %and3A_256, %ge3A_262 : vector<1024x1xi1>
    %add3A_264 = arith.constant 0 : i32
    %add3A_265 = vector.broadcast %add3A_264 : i32 to vector<1024x1xi32>
    %add3A_266 = arith.addi %select_n3A_72, %add3A_265 : vector<1024x1xi32>
    %lt3A_267 = arith.constant 16 : i32
    %lt3A_268 = vector.broadcast %lt3A_267 : i32 to vector<1024x1xi32>
    %lt3A_269 = arith.cmpi slt, %add3A_266, %lt3A_268 : vector<1024x1xi32>
    %and3A_270 = arith.andi %and3A_263, %lt3A_269 : vector<1024x1xi1>
    %convert_element_type3A_271 = arith.extui %and3A_270 : vector<1024x1xi1> to vector<1024x1xi32>
    %convert_element_type3A_272 = arith.sitofp %convert_element_type3A_271 : vector<1024x1xi32> to vector<1024x1xf32>
    %mul3A_273 = vector.broadcast %convert_element_type3A_272 : vector<1024x1xf32> to vector<1024x256xf32>
    %mul3A_274 = arith.mulf %get3A_3, %mul3A_273 : vector<1024x256xf32>
    %mul3A_275 = vector.broadcast %convert_element_type3A_272 : vector<1024x1xf32> to vector<1024x256xf32>
    %mul3A_276 = arith.mulf %get3A_8, %mul3A_275 : vector<1024x256xf32>
    %dot_general3A_277 = arith.constant dense<0.000000e+00> : vector<1024x1024xf32>
    %dot_general3A_278 = tpu.matmul %mul3A_274, %mul3A_276, %dot_general3A_277 {dimension_numbers = #tpu.dot_dimension_numbers<[1], [1], [0], [0], [0, 0, 1, 0], [], []>, transpose_lhs_hint = false} : vector<1024x256xf32>, vector<1024x256xf32>, vector<1024x1024xf32> -> vector<1024x1024xf32>
    %add3A_279 = arith.addf %add3A_243, %dot_general3A_278 : vector<1024x1024xf32>
    %add3A_280 = arith.constant 0 : i32
    %add3A_281 = vector.broadcast %add3A_280 : i32 to vector<1024x1xi32>
    %add3A_282 = arith.addi %select_n3A_50, %add3A_281 : vector<1024x1xi32>
    %ge3A_283 = arith.constant 0 : i32
    %ge3A_284 = vector.broadcast %ge3A_283 : i32 to vector<1024x1xi32>
    %ge3A_285 = arith.cmpi sge, %add3A_282, %ge3A_284 : vector<1024x1xi32>
    %add3A_286 = arith.constant 0 : i32
    %add3A_287 = vector.broadcast %add3A_286 : i32 to vector<1024x1xi32>
    %add3A_288 = arith.addi %select_n3A_50, %add3A_287 : vector<1024x1xi32>
    %lt3A_289 = arith.constant 16 : i32
    %lt3A_290 = vector.broadcast %lt3A_289 : i32 to vector<1024x1xi32>
    %lt3A_291 = arith.cmpi slt, %add3A_288, %lt3A_290 : vector<1024x1xi32>
    %and3A_292 = arith.andi %ge3A_285, %lt3A_291 : vector<1024x1xi1>
    %add3A_293 = arith.constant 1 : i32
    %add3A_294 = vector.broadcast %add3A_293 : i32 to vector<1024x1xi32>
    %add3A_295 = arith.addi %select_n3A_72, %add3A_294 : vector<1024x1xi32>
    %ge3A_296 = arith.constant 0 : i32
    %ge3A_297 = vector.broadcast %ge3A_296 : i32 to vector<1024x1xi32>
    %ge3A_298 = arith.cmpi sge, %add3A_295, %ge3A_297 : vector<1024x1xi32>
    %and3A_299 = arith.andi %and3A_292, %ge3A_298 : vector<1024x1xi1>
    %add3A_300 = arith.constant 1 : i32
    %add3A_301 = vector.broadcast %add3A_300 : i32 to vector<1024x1xi32>
    %add3A_302 = arith.addi %select_n3A_72, %add3A_301 : vector<1024x1xi32>
    %lt3A_303 = arith.constant 16 : i32
    %lt3A_304 = vector.broadcast %lt3A_303 : i32 to vector<1024x1xi32>
    %lt3A_305 = arith.cmpi slt, %add3A_302, %lt3A_304 : vector<1024x1xi32>
    %and3A_306 = arith.andi %and3A_299, %lt3A_305 : vector<1024x1xi1>
    %convert_element_type3A_307 = arith.extui %and3A_306 : vector<1024x1xi1> to vector<1024x1xi32>
    %convert_element_type3A_308 = arith.sitofp %convert_element_type3A_307 : vector<1024x1xi32> to vector<1024x1xf32>
    %broadcast_in_dim3A_309 = arith.constant 0.000000e+00 : f32
    %broadcast_in_dim3A_310 = vector.broadcast %broadcast_in_dim3A_309 : f32 to vector<1x256xf32>
    %slice3A_311 = vector.extract_strided_slice %get3A_3 {offsets = [1, 0], sizes = [1023, 256], strides = [1, 1]} : vector<1024x256xf32> to vector<1023x256xf32>
    %concatenate3A_312 = tpu.concatenate %slice3A_311, %broadcast_in_dim3A_310 in 0 : vector<1023x256xf32>, vector<1x256xf32> -> vector<1024x256xf32>
    %mul3A_313 = vector.broadcast %convert_element_type3A_308 : vector<1024x1xf32> to vector<1024x256xf32>
    %mul3A_314 = arith.mulf %concatenate3A_312, %mul3A_313 : vector<1024x256xf32>
    %broadcast_in_dim3A_315 = arith.constant 0.000000e+00 : f32
    %broadcast_in_dim3A_316 = vector.broadcast %broadcast_in_dim3A_315 : f32 to vector<1x256xf32>
    %slice3A_317 = vector.extract_strided_slice %get3A_8 {offsets = [1, 0], sizes = [1023, 256], strides = [1, 1]} : vector<1024x256xf32> to vector<1023x256xf32>
    %concatenate3A_318 = tpu.concatenate %slice3A_317, %broadcast_in_dim3A_316 in 0 : vector<1023x256xf32>, vector<1x256xf32> -> vector<1024x256xf32>
    %mul3A_319 = vector.broadcast %convert_element_type3A_308 : vector<1024x1xf32> to vector<1024x256xf32>
    %mul3A_320 = arith.mulf %concatenate3A_318, %mul3A_319 : vector<1024x256xf32>
    %dot_general3A_321 = arith.constant dense<0.000000e+00> : vector<1024x1024xf32>
    %dot_general3A_322 = tpu.matmul %mul3A_314, %mul3A_320, %dot_general3A_321 {dimension_numbers = #tpu.dot_dimension_numbers<[1], [1], [0], [0], [0, 0, 1, 0], [], []>, transpose_lhs_hint = false} : vector<1024x256xf32>, vector<1024x256xf32>, vector<1024x1024xf32> -> vector<1024x1024xf32>
    %add3A_323 = arith.addf %add3A_279, %dot_general3A_322 : vector<1024x1024xf32>
    %add3A_324 = arith.constant 1 : i32
    %add3A_325 = vector.broadcast %add3A_324 : i32 to vector<1024x1xi32>
    %add3A_326 = arith.addi %select_n3A_50, %add3A_325 : vector<1024x1xi32>
    %ge3A_327 = arith.constant 0 : i32
    %ge3A_328 = vector.broadcast %ge3A_327 : i32 to vector<1024x1xi32>
    %ge3A_329 = arith.cmpi sge, %add3A_326, %ge3A_328 : vector<1024x1xi32>
    %add3A_330 = arith.constant 1 : i32
    %add3A_331 = vector.broadcast %add3A_330 : i32 to vector<1024x1xi32>
    %add3A_332 = arith.addi %select_n3A_50, %add3A_331 : vector<1024x1xi32>
    %lt3A_333 = arith.constant 16 : i32
    %lt3A_334 = vector.broadcast %lt3A_333 : i32 to vector<1024x1xi32>
    %lt3A_335 = arith.cmpi slt, %add3A_332, %lt3A_334 : vector<1024x1xi32>
    %and3A_336 = arith.andi %ge3A_329, %lt3A_335 : vector<1024x1xi1>
    %add3A_337 = arith.constant -1 : i32
    %add3A_338 = vector.broadcast %add3A_337 : i32 to vector<1024x1xi32>
    %add3A_339 = arith.addi %select_n3A_72, %add3A_338 : vector<1024x1xi32>
    %ge3A_340 = arith.constant 0 : i32
    %ge3A_341 = vector.broadcast %ge3A_340 : i32 to vector<1024x1xi32>
    %ge3A_342 = arith.cmpi sge, %add3A_339, %ge3A_341 : vector<1024x1xi32>
    %and3A_343 = arith.andi %and3A_336, %ge3A_342 : vector<1024x1xi1>
    %add3A_344 = arith.constant -1 : i32
    %add3A_345 = vector.broadcast %add3A_344 : i32 to vector<1024x1xi32>
    %add3A_346 = arith.addi %select_n3A_72, %add3A_345 : vector<1024x1xi32>
    %lt3A_347 = arith.constant 16 : i32
    %lt3A_348 = vector.broadcast %lt3A_347 : i32 to vector<1024x1xi32>
    %lt3A_349 = arith.cmpi slt, %add3A_346, %lt3A_348 : vector<1024x1xi32>
    %and3A_350 = arith.andi %and3A_343, %lt3A_349 : vector<1024x1xi1>
    %convert_element_type3A_351 = arith.extui %and3A_350 : vector<1024x1xi1> to vector<1024x1xi32>
    %convert_element_type3A_352 = arith.sitofp %convert_element_type3A_351 : vector<1024x1xi32> to vector<1024x1xf32>
    %broadcast_in_dim3A_353 = arith.constant 0.000000e+00 : f32
    %broadcast_in_dim3A_354 = vector.broadcast %broadcast_in_dim3A_353 : f32 to vector<15x256xf32>
    %slice3A_355 = vector.extract_strided_slice %get3A_3 {offsets = [15, 0], sizes = [1009, 256], strides = [1, 1]} : vector<1024x256xf32> to vector<1009x256xf32>
    %concatenate3A_356 = tpu.concatenate %slice3A_355, %broadcast_in_dim3A_354 in 0 : vector<1009x256xf32>, vector<15x256xf32> -> vector<1024x256xf32>
    %mul3A_357 = vector.broadcast %convert_element_type3A_352 : vector<1024x1xf32> to vector<1024x256xf32>
    %mul3A_358 = arith.mulf %concatenate3A_356, %mul3A_357 : vector<1024x256xf32>
    %broadcast_in_dim3A_359 = arith.constant 0.000000e+00 : f32
    %broadcast_in_dim3A_360 = vector.broadcast %broadcast_in_dim3A_359 : f32 to vector<15x256xf32>
    %slice3A_361 = vector.extract_strided_slice %get3A_8 {offsets = [15, 0], sizes = [1009, 256], strides = [1, 1]} : vector<1024x256xf32> to vector<1009x256xf32>
    %concatenate3A_362 = tpu.concatenate %slice3A_361, %broadcast_in_dim3A_360 in 0 : vector<1009x256xf32>, vector<15x256xf32> -> vector<1024x256xf32>
    %mul3A_363 = vector.broadcast %convert_element_type3A_352 : vector<1024x1xf32> to vector<1024x256xf32>
    %mul3A_364 = arith.mulf %concatenate3A_362, %mul3A_363 : vector<1024x256xf32>
    %dot_general3A_365 = arith.constant dense<0.000000e+00> : vector<1024x1024xf32>
    %dot_general3A_366 = tpu.matmul %mul3A_358, %mul3A_364, %dot_general3A_365 {dimension_numbers = #tpu.dot_dimension_numbers<[1], [1], [0], [0], [0, 0, 1, 0], [], []>, transpose_lhs_hint = false} : vector<1024x256xf32>, vector<1024x256xf32>, vector<1024x1024xf32> -> vector<1024x1024xf32>
    %add3A_367 = arith.addf %add3A_323, %dot_general3A_366 : vector<1024x1024xf32>
    %add3A_368 = arith.constant 1 : i32
    %add3A_369 = vector.broadcast %add3A_368 : i32 to vector<1024x1xi32>
    %add3A_370 = arith.addi %select_n3A_50, %add3A_369 : vector<1024x1xi32>
    %ge3A_371 = arith.constant 0 : i32
    %ge3A_372 = vector.broadcast %ge3A_371 : i32 to vector<1024x1xi32>
    %ge3A_373 = arith.cmpi sge, %add3A_370, %ge3A_372 : vector<1024x1xi32>
    %add3A_374 = arith.constant 1 : i32
    %add3A_375 = vector.broadcast %add3A_374 : i32 to vector<1024x1xi32>
    %add3A_376 = arith.addi %select_n3A_50, %add3A_375 : vector<1024x1xi32>
    %lt3A_377 = arith.constant 16 : i32
    %lt3A_378 = vector.broadcast %lt3A_377 : i32 to vector<1024x1xi32>
    %lt3A_379 = arith.cmpi slt, %add3A_376, %lt3A_378 : vector<1024x1xi32>
    %and3A_380 = arith.andi %ge3A_373, %lt3A_379 : vector<1024x1xi1>
    %add3A_381 = arith.constant 0 : i32
    %add3A_382 = vector.broadcast %add3A_381 : i32 to vector<1024x1xi32>
    %add3A_383 = arith.addi %select_n3A_72, %add3A_382 : vector<1024x1xi32>
    %ge3A_384 = arith.constant 0 : i32
    %ge3A_385 = vector.broadcast %ge3A_384 : i32 to vector<1024x1xi32>
    %ge3A_386 = arith.cmpi sge, %add3A_383, %ge3A_385 : vector<1024x1xi32>
    %and3A_387 = arith.andi %and3A_380, %ge3A_386 : vector<1024x1xi1>
    %add3A_388 = arith.constant 0 : i32
    %add3A_389 = vector.broadcast %add3A_388 : i32 to vector<1024x1xi32>
    %add3A_390 = arith.addi %select_n3A_72, %add3A_389 : vector<1024x1xi32>
    %lt3A_391 = arith.constant 16 : i32
    %lt3A_392 = vector.broadcast %lt3A_391 : i32 to vector<1024x1xi32>
    %lt3A_393 = arith.cmpi slt, %add3A_390, %lt3A_392 : vector<1024x1xi32>
    %and3A_394 = arith.andi %and3A_387, %lt3A_393 : vector<1024x1xi1>
    %convert_element_type3A_395 = arith.extui %and3A_394 : vector<1024x1xi1> to vector<1024x1xi32>
    %convert_element_type3A_396 = arith.sitofp %convert_element_type3A_395 : vector<1024x1xi32> to vector<1024x1xf32>
    %broadcast_in_dim3A_397 = arith.constant 0.000000e+00 : f32
    %broadcast_in_dim3A_398 = vector.broadcast %broadcast_in_dim3A_397 : f32 to vector<16x256xf32>
    %slice3A_399 = vector.extract_strided_slice %get3A_3 {offsets = [16, 0], sizes = [1008, 256], strides = [1, 1]} : vector<1024x256xf32> to vector<1008x256xf32>
    %concatenate3A_400 = tpu.concatenate %slice3A_399, %broadcast_in_dim3A_398 in 0 : vector<1008x256xf32>, vector<16x256xf32> -> vector<1024x256xf32>
    %mul3A_401 = vector.broadcast %convert_element_type3A_396 : vector<1024x1xf32> to vector<1024x256xf32>
    %mul3A_402 = arith.mulf %concatenate3A_400, %mul3A_401 : vector<1024x256xf32>
    %broadcast_in_dim3A_403 = arith.constant 0.000000e+00 : f32
    %broadcast_in_dim3A_404 = vector.broadcast %broadcast_in_dim3A_403 : f32 to vector<16x256xf32>
    %slice3A_405 = vector.extract_strided_slice %get3A_8 {offsets = [16, 0], sizes = [1008, 256], strides = [1, 1]} : vector<1024x256xf32> to vector<1008x256xf32>
    %concatenate3A_406 = tpu.concatenate %slice3A_405, %broadcast_in_dim3A_404 in 0 : vector<1008x256xf32>, vector<16x256xf32> -> vector<1024x256xf32>
    %mul3A_407 = vector.broadcast %convert_element_type3A_396 : vector<1024x1xf32> to vector<1024x256xf32>
    %mul3A_408 = arith.mulf %concatenate3A_406, %mul3A_407 : vector<1024x256xf32>
    %dot_general3A_409 = arith.constant dense<0.000000e+00> : vector<1024x1024xf32>
    %dot_general3A_410 = tpu.matmul %mul3A_402, %mul3A_408, %dot_general3A_409 {dimension_numbers = #tpu.dot_dimension_numbers<[1], [1], [0], [0], [0, 0, 1, 0], [], []>, transpose_lhs_hint = false} : vector<1024x256xf32>, vector<1024x256xf32>, vector<1024x1024xf32> -> vector<1024x1024xf32>
    %add3A_411 = arith.addf %add3A_367, %dot_general3A_410 : vector<1024x1024xf32>
    %add3A_412 = arith.constant 1 : i32
    %add3A_413 = vector.broadcast %add3A_412 : i32 to vector<1024x1xi32>
    %add3A_414 = arith.addi %select_n3A_50, %add3A_413 : vector<1024x1xi32>
    %ge3A_415 = arith.constant 0 : i32
    %ge3A_416 = vector.broadcast %ge3A_415 : i32 to vector<1024x1xi32>
    %ge3A_417 = arith.cmpi sge, %add3A_414, %ge3A_416 : vector<1024x1xi32>
    %add3A_418 = arith.constant 1 : i32
    %add3A_419 = vector.broadcast %add3A_418 : i32 to vector<1024x1xi32>
    %add3A_420 = arith.addi %select_n3A_50, %add3A_419 : vector<1024x1xi32>
    %lt3A_421 = arith.constant 16 : i32
    %lt3A_422 = vector.broadcast %lt3A_421 : i32 to vector<1024x1xi32>
    %lt3A_423 = arith.cmpi slt, %add3A_420, %lt3A_422 : vector<1024x1xi32>
    %and3A_424 = arith.andi %ge3A_417, %lt3A_423 : vector<1024x1xi1>
    %add3A_425 = arith.constant 1 : i32
    %add3A_426 = vector.broadcast %add3A_425 : i32 to vector<1024x1xi32>
    %add3A_427 = arith.addi %select_n3A_72, %add3A_426 : vector<1024x1xi32>
    %ge3A_428 = arith.constant 0 : i32
    %ge3A_429 = vector.broadcast %ge3A_428 : i32 to vector<1024x1xi32>
    %ge3A_430 = arith.cmpi sge, %add3A_427, %ge3A_429 : vector<1024x1xi32>
    %and3A_431 = arith.andi %and3A_424, %ge3A_430 : vector<1024x1xi1>
    %add3A_432 = arith.constant 1 : i32
    %add3A_433 = vector.broadcast %add3A_432 : i32 to vector<1024x1xi32>
    %add3A_434 = arith.addi %select_n3A_72, %add3A_433 : vector<1024x1xi32>
    %lt3A_435 = arith.constant 16 : i32
    %lt3A_436 = vector.broadcast %lt3A_435 : i32 to vector<1024x1xi32>
    %lt3A_437 = arith.cmpi slt, %add3A_434, %lt3A_436 : vector<1024x1xi32>
    %and3A_438 = arith.andi %and3A_431, %lt3A_437 : vector<1024x1xi1>
    %convert_element_type3A_439 = arith.extui %and3A_438 : vector<1024x1xi1> to vector<1024x1xi32>
    %convert_element_type3A_440 = arith.sitofp %convert_element_type3A_439 : vector<1024x1xi32> to vector<1024x1xf32>
    %broadcast_in_dim3A_441 = arith.constant 0.000000e+00 : f32
    %broadcast_in_dim3A_442 = vector.broadcast %broadcast_in_dim3A_441 : f32 to vector<17x256xf32>
    %slice3A_443 = vector.extract_strided_slice %get3A_3 {offsets = [17, 0], sizes = [1007, 256], strides = [1, 1]} : vector<1024x256xf32> to vector<1007x256xf32>
    %concatenate3A_444 = tpu.concatenate %slice3A_443, %broadcast_in_dim3A_442 in 0 : vector<1007x256xf32>, vector<17x256xf32> -> vector<1024x256xf32>
    %mul3A_445 = vector.broadcast %convert_element_type3A_440 : vector<1024x1xf32> to vector<1024x256xf32>
    %mul3A_446 = arith.mulf %concatenate3A_444, %mul3A_445 : vector<1024x256xf32>
    %broadcast_in_dim3A_447 = arith.constant 0.000000e+00 : f32
    %broadcast_in_dim3A_448 = vector.broadcast %broadcast_in_dim3A_447 : f32 to vector<17x256xf32>
    %slice3A_449 = vector.extract_strided_slice %get3A_8 {offsets = [17, 0], sizes = [1007, 256], strides = [1, 1]} : vector<1024x256xf32> to vector<1007x256xf32>
    %concatenate3A_450 = tpu.concatenate %slice3A_449, %broadcast_in_dim3A_448 in 0 : vector<1007x256xf32>, vector<17x256xf32> -> vector<1024x256xf32>
    %mul3A_451 = vector.broadcast %convert_element_type3A_440 : vector<1024x1xf32> to vector<1024x256xf32>
    %mul3A_452 = arith.mulf %concatenate3A_450, %mul3A_451 : vector<1024x256xf32>
    %dot_general3A_453 = arith.constant dense<0.000000e+00> : vector<1024x1024xf32>
    %dot_general3A_454 = tpu.matmul %mul3A_446, %mul3A_452, %dot_general3A_453 {dimension_numbers = #tpu.dot_dimension_numbers<[1], [1], [0], [0], [0, 0, 1, 0], [], []>, transpose_lhs_hint = false} : vector<1024x256xf32>, vector<1024x256xf32>, vector<1024x1024xf32> -> vector<1024x1024xf32>
    %add3A_455 = arith.addf %add3A_411, %dot_general3A_454 : vector<1024x1024xf32>
    %iota3A_456 = tpu.iota {dimensions = array<i32: 1>} : vector<1024x128xi32>
    %iota3A_457 = tpu.iota {dimensions = array<i32: 1>} : vector<1024x256xi32>
    %broadcast_in_dim3A_458 = arith.constant 0 : i32
    %broadcast_in_dim3A_459 = vector.broadcast %broadcast_in_dim3A_458 : i32 to vector<1024x128xi32>
    %slice3A_460 = vector.extract_strided_slice %add3A_455 {offsets = [0, 0], sizes = [1024, 256], strides = [1, 1]} : vector<1024x1024xf32> to vector<1024x256xf32>
    %mul3A_461 = arith.constant 3.906250e-03 : f32
    %mul3A_462 = vector.broadcast %mul3A_461 : f32 to vector<1024x256xf32>
    %mul3A_463 = arith.mulf %slice3A_460, %mul3A_462 : vector<1024x256xf32>
    %mul3A_464 = arith.constant 1.000000e+01 : f32
    %mul3A_465 = vector.broadcast %mul3A_464 : f32 to vector<1024x256xf32>
    %mul3A_466 = arith.mulf %mul3A_463, %mul3A_465 : vector<1024x256xf32>
    %reduce_max3A = arith.constant dense<0xFF800000> : vector<1024xf32>
    %reduce_max3A_467 = vector.multi_reduction <maximumf>, %mul3A_466, %reduce_max3A [1] : vector<1024x256xf32> to vector<1024xf32>
    %broadcast_in_dim3A_468 = vector.shape_cast %reduce_max3A_467 : vector<1024xf32> to vector<1024x1xf32>
    %sub3A_469 = vector.broadcast %broadcast_in_dim3A_468 : vector<1024x1xf32> to vector<1024x256xf32>
    %sub3A_470 = arith.subf %mul3A_466, %sub3A_469 : vector<1024x256xf32>
    %exp3A = math.exp %sub3A_470 : vector<1024x256xf32>
    %reduce_sum3A = arith.constant dense<0.000000e+00> : vector<1024xf32>
    %reduce_sum3A_471 = vector.multi_reduction <add>, %exp3A, %reduce_sum3A [1] : vector<1024x256xf32> to vector<1024xf32>
    %broadcast_in_dim3A_472 = vector.shape_cast %reduce_sum3A_471 : vector<1024xf32> to vector<1024x1xf32>
    %div3A_473 = vector.broadcast %broadcast_in_dim3A_472 : vector<1024x1xf32> to vector<1024x256xf32>
    %div3A_474 = arith.divf %exp3A, %div3A_473 : vector<1024x256xf32>
    %reduce_max3A_475 = arith.constant dense<0xFF800000> : vector<1024xf32>
    %reduce_max3A_476 = vector.multi_reduction <maximumf>, %div3A_474, %reduce_max3A_475 [1] : vector<1024x256xf32> to vector<1024xf32>
    %broadcast_in_dim3A_477 = vector.shape_cast %reduce_max3A_476 : vector<1024xf32> to vector<1024x1xf32>
    %eq3A_478 = vector.broadcast %broadcast_in_dim3A_477 : vector<1024x1xf32> to vector<1024x256xf32>
    %eq3A_479 = arith.cmpf oeq, %div3A_474, %eq3A_478 : vector<1024x256xf32>
    %jit3A_480 = arith.constant 256 : i32
    %broadcast_in_dim3A_481 = vector.broadcast %jit3A_480 : i32 to vector<1024x256xi32>
    %select_n3A_482 = arith.select %eq3A_479, %iota3A_457, %broadcast_in_dim3A_481 : vector<1024x256xi1>, vector<1024x256xi32>
    %reduce_min3A = arith.constant dense<2147483647> : vector<1024xi32>
    %reduce_min3A_483 = vector.multi_reduction <minsi>, %select_n3A_482, %reduce_min3A [1] : vector<1024x256xi32> to vector<1024xi32>
    %broadcast_in_dim3A_484 = vector.shape_cast %reduce_min3A_483 : vector<1024xi32> to vector<1024x1xi32>
    %eq3A_485 = arith.constant 0 : i32
    %eq3A_486 = vector.broadcast %eq3A_485 : i32 to vector<1024x128xi32>
    %eq3A_487 = arith.cmpi eq, %iota3A_456, %eq3A_486 : vector<1024x128xi32>
    %broadcast_in_dim3A_488 = vector.shape_cast %broadcast_in_dim3A_484 : vector<1024x1xi32> to vector<1024x1xi32>
    %broadcast_in_dim3A_489 = vector.broadcast %broadcast_in_dim3A_488 : vector<1024x1xi32> to vector<1024x128xi32>
    %select_n3A_490 = arith.select %eq3A_487, %broadcast_in_dim3A_489, %broadcast_in_dim3A_459 : vector<1024x128xi1>, vector<1024x128xi32>
    %eq3A_491 = vector.broadcast %broadcast_in_dim3A_484 : vector<1024x1xi32> to vector<1024x256xi32>
    %eq3A_492 = arith.cmpi eq, %iota3A_457, %eq3A_491 : vector<1024x256xi32>
    %jit3A_493 = arith.constant -1.000000e+00 : f32
    %broadcast_in_dim3A_494 = vector.broadcast %jit3A_493 : f32 to vector<1024x256xf32>
    %select_n3A_495 = arith.select %eq3A_492, %broadcast_in_dim3A_494, %div3A_474 : vector<1024x256xi1>, vector<1024x256xf32>
    %reduce_max3A_496 = arith.constant dense<0xFF800000> : vector<1024xf32>
    %reduce_max3A_497 = vector.multi_reduction <maximumf>, %select_n3A_495, %reduce_max3A_496 [1] : vector<1024x256xf32> to vector<1024xf32>
    %broadcast_in_dim3A_498 = vector.shape_cast %reduce_max3A_497 : vector<1024xf32> to vector<1024x1xf32>
    %eq3A_499 = vector.broadcast %broadcast_in_dim3A_498 : vector<1024x1xf32> to vector<1024x256xf32>
    %eq3A_500 = arith.cmpf oeq, %select_n3A_495, %eq3A_499 : vector<1024x256xf32>
    %jit3A_501 = arith.constant 256 : i32
    %broadcast_in_dim3A_502 = vector.broadcast %jit3A_501 : i32 to vector<1024x256xi32>
    %select_n3A_503 = arith.select %eq3A_500, %iota3A_457, %broadcast_in_dim3A_502 : vector<1024x256xi1>, vector<1024x256xi32>
    %reduce_min3A_504 = arith.constant dense<2147483647> : vector<1024xi32>
    %reduce_min3A_505 = vector.multi_reduction <minsi>, %select_n3A_503, %reduce_min3A_504 [1] : vector<1024x256xi32> to vector<1024xi32>
    %broadcast_in_dim3A_506 = vector.shape_cast %reduce_min3A_505 : vector<1024xi32> to vector<1024x1xi32>
    %eq3A_507 = arith.constant 1 : i32
    %eq3A_508 = vector.broadcast %eq3A_507 : i32 to vector<1024x128xi32>
    %eq3A_509 = arith.cmpi eq, %iota3A_456, %eq3A_508 : vector<1024x128xi32>
    %broadcast_in_dim3A_510 = vector.shape_cast %broadcast_in_dim3A_506 : vector<1024x1xi32> to vector<1024x1xi32>
    %broadcast_in_dim3A_511 = vector.broadcast %broadcast_in_dim3A_510 : vector<1024x1xi32> to vector<1024x128xi32>
    %select_n3A_512 = arith.select %eq3A_509, %broadcast_in_dim3A_511, %select_n3A_490 : vector<1024x128xi1>, vector<1024x128xi32>
    %eq3A_513 = vector.broadcast %broadcast_in_dim3A_506 : vector<1024x1xi32> to vector<1024x256xi32>
    %eq3A_514 = arith.cmpi eq, %iota3A_457, %eq3A_513 : vector<1024x256xi32>
    %jit3A_515 = arith.constant -1.000000e+00 : f32
    %broadcast_in_dim3A_516 = vector.broadcast %jit3A_515 : f32 to vector<1024x256xf32>
    %select_n3A_517 = arith.select %eq3A_514, %broadcast_in_dim3A_516, %select_n3A_495 : vector<1024x256xi1>, vector<1024x256xf32>
    %reduce_max3A_518 = arith.constant dense<0xFF800000> : vector<1024xf32>
    %reduce_max3A_519 = vector.multi_reduction <maximumf>, %select_n3A_517, %reduce_max3A_518 [1] : vector<1024x256xf32> to vector<1024xf32>
    %broadcast_in_dim3A_520 = vector.shape_cast %reduce_max3A_519 : vector<1024xf32> to vector<1024x1xf32>
    %eq3A_521 = vector.broadcast %broadcast_in_dim3A_520 : vector<1024x1xf32> to vector<1024x256xf32>
    %eq3A_522 = arith.cmpf oeq, %select_n3A_517, %eq3A_521 : vector<1024x256xf32>
    %jit3A_523 = arith.constant 256 : i32
    %broadcast_in_dim3A_524 = vector.broadcast %jit3A_523 : i32 to vector<1024x256xi32>
    %select_n3A_525 = arith.select %eq3A_522, %iota3A_457, %broadcast_in_dim3A_524 : vector<1024x256xi1>, vector<1024x256xi32>
    %reduce_min3A_526 = arith.constant dense<2147483647> : vector<1024xi32>
    %reduce_min3A_527 = vector.multi_reduction <minsi>, %select_n3A_525, %reduce_min3A_526 [1] : vector<1024x256xi32> to vector<1024xi32>
    %broadcast_in_dim3A_528 = vector.shape_cast %reduce_min3A_527 : vector<1024xi32> to vector<1024x1xi32>
    %eq3A_529 = arith.constant 2 : i32
    %eq3A_530 = vector.broadcast %eq3A_529 : i32 to vector<1024x128xi32>
    %eq3A_531 = arith.cmpi eq, %iota3A_456, %eq3A_530 : vector<1024x128xi32>
    %broadcast_in_dim3A_532 = vector.shape_cast %broadcast_in_dim3A_528 : vector<1024x1xi32> to vector<1024x1xi32>
    %broadcast_in_dim3A_533 = vector.broadcast %broadcast_in_dim3A_532 : vector<1024x1xi32> to vector<1024x128xi32>
    %select_n3A_534 = arith.select %eq3A_531, %broadcast_in_dim3A_533, %select_n3A_512 : vector<1024x128xi1>, vector<1024x128xi32>
    %eq3A_535 = vector.broadcast %broadcast_in_dim3A_528 : vector<1024x1xi32> to vector<1024x256xi32>
    %eq3A_536 = arith.cmpi eq, %iota3A_457, %eq3A_535 : vector<1024x256xi32>
    %jit3A_537 = arith.constant -1.000000e+00 : f32
    %broadcast_in_dim3A_538 = vector.broadcast %jit3A_537 : f32 to vector<1024x256xf32>
    %select_n3A_539 = arith.select %eq3A_536, %broadcast_in_dim3A_538, %select_n3A_517 : vector<1024x256xi1>, vector<1024x256xf32>
    %reduce_max3A_540 = arith.constant dense<0xFF800000> : vector<1024xf32>
    %reduce_max3A_541 = vector.multi_reduction <maximumf>, %select_n3A_539, %reduce_max3A_540 [1] : vector<1024x256xf32> to vector<1024xf32>
    %broadcast_in_dim3A_542 = vector.shape_cast %reduce_max3A_541 : vector<1024xf32> to vector<1024x1xf32>
    %eq3A_543 = vector.broadcast %broadcast_in_dim3A_542 : vector<1024x1xf32> to vector<1024x256xf32>
    %eq3A_544 = arith.cmpf oeq, %select_n3A_539, %eq3A_543 : vector<1024x256xf32>
    %jit3A_545 = arith.constant 256 : i32
    %broadcast_in_dim3A_546 = vector.broadcast %jit3A_545 : i32 to vector<1024x256xi32>
    %select_n3A_547 = arith.select %eq3A_544, %iota3A_457, %broadcast_in_dim3A_546 : vector<1024x256xi1>, vector<1024x256xi32>
    %reduce_min3A_548 = arith.constant dense<2147483647> : vector<1024xi32>
    %reduce_min3A_549 = vector.multi_reduction <minsi>, %select_n3A_547, %reduce_min3A_548 [1] : vector<1024x256xi32> to vector<1024xi32>
    %broadcast_in_dim3A_550 = vector.shape_cast %reduce_min3A_549 : vector<1024xi32> to vector<1024x1xi32>
    %eq3A_551 = arith.constant 3 : i32
    %eq3A_552 = vector.broadcast %eq3A_551 : i32 to vector<1024x128xi32>
    %eq3A_553 = arith.cmpi eq, %iota3A_456, %eq3A_552 : vector<1024x128xi32>
    %broadcast_in_dim3A_554 = vector.shape_cast %broadcast_in_dim3A_550 : vector<1024x1xi32> to vector<1024x1xi32>
    %broadcast_in_dim3A_555 = vector.broadcast %broadcast_in_dim3A_554 : vector<1024x1xi32> to vector<1024x128xi32>
    %select_n3A_556 = arith.select %eq3A_553, %broadcast_in_dim3A_555, %select_n3A_534 : vector<1024x128xi1>, vector<1024x128xi32>
    %slice3A_557 = vector.extract_strided_slice %add3A_455 {offsets = [0, 256], sizes = [1024, 256], strides = [1, 1]} : vector<1024x1024xf32> to vector<1024x256xf32>
    %mul3A_558 = arith.constant 3.906250e-03 : f32
    %mul3A_559 = vector.broadcast %mul3A_558 : f32 to vector<1024x256xf32>
    %mul3A_560 = arith.mulf %slice3A_557, %mul3A_559 : vector<1024x256xf32>
    %mul3A_561 = arith.constant 1.000000e+01 : f32
    %mul3A_562 = vector.broadcast %mul3A_561 : f32 to vector<1024x256xf32>
    %mul3A_563 = arith.mulf %mul3A_560, %mul3A_562 : vector<1024x256xf32>
    %reduce_max3A_564 = arith.constant dense<0xFF800000> : vector<1024xf32>
    %reduce_max3A_565 = vector.multi_reduction <maximumf>, %mul3A_563, %reduce_max3A_564 [1] : vector<1024x256xf32> to vector<1024xf32>
    %broadcast_in_dim3A_566 = vector.shape_cast %reduce_max3A_565 : vector<1024xf32> to vector<1024x1xf32>
    %sub3A_567 = vector.broadcast %broadcast_in_dim3A_566 : vector<1024x1xf32> to vector<1024x256xf32>
    %sub3A_568 = arith.subf %mul3A_563, %sub3A_567 : vector<1024x256xf32>
    %exp3A_569 = math.exp %sub3A_568 : vector<1024x256xf32>
    %reduce_sum3A_570 = arith.constant dense<0.000000e+00> : vector<1024xf32>
    %reduce_sum3A_571 = vector.multi_reduction <add>, %exp3A_569, %reduce_sum3A_570 [1] : vector<1024x256xf32> to vector<1024xf32>
    %broadcast_in_dim3A_572 = vector.shape_cast %reduce_sum3A_571 : vector<1024xf32> to vector<1024x1xf32>
    %div3A_573 = vector.broadcast %broadcast_in_dim3A_572 : vector<1024x1xf32> to vector<1024x256xf32>
    %div3A_574 = arith.divf %exp3A_569, %div3A_573 : vector<1024x256xf32>
    %reduce_max3A_575 = arith.constant dense<0xFF800000> : vector<1024xf32>
    %reduce_max3A_576 = vector.multi_reduction <maximumf>, %div3A_574, %reduce_max3A_575 [1] : vector<1024x256xf32> to vector<1024xf32>
    %broadcast_in_dim3A_577 = vector.shape_cast %reduce_max3A_576 : vector<1024xf32> to vector<1024x1xf32>
    %eq3A_578 = vector.broadcast %broadcast_in_dim3A_577 : vector<1024x1xf32> to vector<1024x256xf32>
    %eq3A_579 = arith.cmpf oeq, %div3A_574, %eq3A_578 : vector<1024x256xf32>
    %jit3A_580 = arith.constant 256 : i32
    %broadcast_in_dim3A_581 = vector.broadcast %jit3A_580 : i32 to vector<1024x256xi32>
    %select_n3A_582 = arith.select %eq3A_579, %iota3A_457, %broadcast_in_dim3A_581 : vector<1024x256xi1>, vector<1024x256xi32>
    %reduce_min3A_583 = arith.constant dense<2147483647> : vector<1024xi32>
    %reduce_min3A_584 = vector.multi_reduction <minsi>, %select_n3A_582, %reduce_min3A_583 [1] : vector<1024x256xi32> to vector<1024xi32>
    %broadcast_in_dim3A_585 = vector.shape_cast %reduce_min3A_584 : vector<1024xi32> to vector<1024x1xi32>
    %eq3A_586 = arith.constant 4 : i32
    %eq3A_587 = vector.broadcast %eq3A_586 : i32 to vector<1024x128xi32>
    %eq3A_588 = arith.cmpi eq, %iota3A_456, %eq3A_587 : vector<1024x128xi32>
    %broadcast_in_dim3A_589 = vector.shape_cast %broadcast_in_dim3A_585 : vector<1024x1xi32> to vector<1024x1xi32>
    %broadcast_in_dim3A_590 = vector.broadcast %broadcast_in_dim3A_589 : vector<1024x1xi32> to vector<1024x128xi32>
    %select_n3A_591 = arith.select %eq3A_588, %broadcast_in_dim3A_590, %select_n3A_556 : vector<1024x128xi1>, vector<1024x128xi32>
    %eq3A_592 = vector.broadcast %broadcast_in_dim3A_585 : vector<1024x1xi32> to vector<1024x256xi32>
    %eq3A_593 = arith.cmpi eq, %iota3A_457, %eq3A_592 : vector<1024x256xi32>
    %jit3A_594 = arith.constant -1.000000e+00 : f32
    %broadcast_in_dim3A_595 = vector.broadcast %jit3A_594 : f32 to vector<1024x256xf32>
    %select_n3A_596 = arith.select %eq3A_593, %broadcast_in_dim3A_595, %div3A_574 : vector<1024x256xi1>, vector<1024x256xf32>
    %reduce_max3A_597 = arith.constant dense<0xFF800000> : vector<1024xf32>
    %reduce_max3A_598 = vector.multi_reduction <maximumf>, %select_n3A_596, %reduce_max3A_597 [1] : vector<1024x256xf32> to vector<1024xf32>
    %broadcast_in_dim3A_599 = vector.shape_cast %reduce_max3A_598 : vector<1024xf32> to vector<1024x1xf32>
    %eq3A_600 = vector.broadcast %broadcast_in_dim3A_599 : vector<1024x1xf32> to vector<1024x256xf32>
    %eq3A_601 = arith.cmpf oeq, %select_n3A_596, %eq3A_600 : vector<1024x256xf32>
    %jit3A_602 = arith.constant 256 : i32
    %broadcast_in_dim3A_603 = vector.broadcast %jit3A_602 : i32 to vector<1024x256xi32>
    %select_n3A_604 = arith.select %eq3A_601, %iota3A_457, %broadcast_in_dim3A_603 : vector<1024x256xi1>, vector<1024x256xi32>
    %reduce_min3A_605 = arith.constant dense<2147483647> : vector<1024xi32>
    %reduce_min3A_606 = vector.multi_reduction <minsi>, %select_n3A_604, %reduce_min3A_605 [1] : vector<1024x256xi32> to vector<1024xi32>
    %broadcast_in_dim3A_607 = vector.shape_cast %reduce_min3A_606 : vector<1024xi32> to vector<1024x1xi32>
    %eq3A_608 = arith.constant 5 : i32
    %eq3A_609 = vector.broadcast %eq3A_608 : i32 to vector<1024x128xi32>
    %eq3A_610 = arith.cmpi eq, %iota3A_456, %eq3A_609 : vector<1024x128xi32>
    %broadcast_in_dim3A_611 = vector.shape_cast %broadcast_in_dim3A_607 : vector<1024x1xi32> to vector<1024x1xi32>
    %broadcast_in_dim3A_612 = vector.broadcast %broadcast_in_dim3A_611 : vector<1024x1xi32> to vector<1024x128xi32>
    %select_n3A_613 = arith.select %eq3A_610, %broadcast_in_dim3A_612, %select_n3A_591 : vector<1024x128xi1>, vector<1024x128xi32>
    %eq3A_614 = vector.broadcast %broadcast_in_dim3A_607 : vector<1024x1xi32> to vector<1024x256xi32>
    %eq3A_615 = arith.cmpi eq, %iota3A_457, %eq3A_614 : vector<1024x256xi32>
    %jit3A_616 = arith.constant -1.000000e+00 : f32
    %broadcast_in_dim3A_617 = vector.broadcast %jit3A_616 : f32 to vector<1024x256xf32>
    %select_n3A_618 = arith.select %eq3A_615, %broadcast_in_dim3A_617, %select_n3A_596 : vector<1024x256xi1>, vector<1024x256xf32>
    %reduce_max3A_619 = arith.constant dense<0xFF800000> : vector<1024xf32>
    %reduce_max3A_620 = vector.multi_reduction <maximumf>, %select_n3A_618, %reduce_max3A_619 [1] : vector<1024x256xf32> to vector<1024xf32>
    %broadcast_in_dim3A_621 = vector.shape_cast %reduce_max3A_620 : vector<1024xf32> to vector<1024x1xf32>
    %eq3A_622 = vector.broadcast %broadcast_in_dim3A_621 : vector<1024x1xf32> to vector<1024x256xf32>
    %eq3A_623 = arith.cmpf oeq, %select_n3A_618, %eq3A_622 : vector<1024x256xf32>
    %jit3A_624 = arith.constant 256 : i32
    %broadcast_in_dim3A_625 = vector.broadcast %jit3A_624 : i32 to vector<1024x256xi32>
    %select_n3A_626 = arith.select %eq3A_623, %iota3A_457, %broadcast_in_dim3A_625 : vector<1024x256xi1>, vector<1024x256xi32>
    %reduce_min3A_627 = arith.constant dense<2147483647> : vector<1024xi32>
    %reduce_min3A_628 = vector.multi_reduction <minsi>, %select_n3A_626, %reduce_min3A_627 [1] : vector<1024x256xi32> to vector<1024xi32>
    %broadcast_in_dim3A_629 = vector.shape_cast %reduce_min3A_628 : vector<1024xi32> to vector<1024x1xi32>
    %eq3A_630 = arith.constant 6 : i32
    %eq3A_631 = vector.broadcast %eq3A_630 : i32 to vector<1024x128xi32>
    %eq3A_632 = arith.cmpi eq, %iota3A_456, %eq3A_631 : vector<1024x128xi32>
    %broadcast_in_dim3A_633 = vector.shape_cast %broadcast_in_dim3A_629 : vector<1024x1xi32> to vector<1024x1xi32>
    %broadcast_in_dim3A_634 = vector.broadcast %broadcast_in_dim3A_633 : vector<1024x1xi32> to vector<1024x128xi32>
    %select_n3A_635 = arith.select %eq3A_632, %broadcast_in_dim3A_634, %select_n3A_613 : vector<1024x128xi1>, vector<1024x128xi32>
    %eq3A_636 = vector.broadcast %broadcast_in_dim3A_629 : vector<1024x1xi32> to vector<1024x256xi32>
    %eq3A_637 = arith.cmpi eq, %iota3A_457, %eq3A_636 : vector<1024x256xi32>
    %jit3A_638 = arith.constant -1.000000e+00 : f32
    %broadcast_in_dim3A_639 = vector.broadcast %jit3A_638 : f32 to vector<1024x256xf32>
    %select_n3A_640 = arith.select %eq3A_637, %broadcast_in_dim3A_639, %select_n3A_618 : vector<1024x256xi1>, vector<1024x256xf32>
    %reduce_max3A_641 = arith.constant dense<0xFF800000> : vector<1024xf32>
    %reduce_max3A_642 = vector.multi_reduction <maximumf>, %select_n3A_640, %reduce_max3A_641 [1] : vector<1024x256xf32> to vector<1024xf32>
    %broadcast_in_dim3A_643 = vector.shape_cast %reduce_max3A_642 : vector<1024xf32> to vector<1024x1xf32>
    %eq3A_644 = vector.broadcast %broadcast_in_dim3A_643 : vector<1024x1xf32> to vector<1024x256xf32>
    %eq3A_645 = arith.cmpf oeq, %select_n3A_640, %eq3A_644 : vector<1024x256xf32>
    %jit3A_646 = arith.constant 256 : i32
    %broadcast_in_dim3A_647 = vector.broadcast %jit3A_646 : i32 to vector<1024x256xi32>
    %select_n3A_648 = arith.select %eq3A_645, %iota3A_457, %broadcast_in_dim3A_647 : vector<1024x256xi1>, vector<1024x256xi32>
    %reduce_min3A_649 = arith.constant dense<2147483647> : vector<1024xi32>
    %reduce_min3A_650 = vector.multi_reduction <minsi>, %select_n3A_648, %reduce_min3A_649 [1] : vector<1024x256xi32> to vector<1024xi32>
    %broadcast_in_dim3A_651 = vector.shape_cast %reduce_min3A_650 : vector<1024xi32> to vector<1024x1xi32>
    %eq3A_652 = arith.constant 7 : i32
    %eq3A_653 = vector.broadcast %eq3A_652 : i32 to vector<1024x128xi32>
    %eq3A_654 = arith.cmpi eq, %iota3A_456, %eq3A_653 : vector<1024x128xi32>
    %broadcast_in_dim3A_655 = vector.shape_cast %broadcast_in_dim3A_651 : vector<1024x1xi32> to vector<1024x1xi32>
    %broadcast_in_dim3A_656 = vector.broadcast %broadcast_in_dim3A_655 : vector<1024x1xi32> to vector<1024x128xi32>
    %select_n3A_657 = arith.select %eq3A_654, %broadcast_in_dim3A_656, %select_n3A_635 : vector<1024x128xi1>, vector<1024x128xi32>
    %slice3A_658 = vector.extract_strided_slice %add3A_455 {offsets = [0, 512], sizes = [1024, 256], strides = [1, 1]} : vector<1024x1024xf32> to vector<1024x256xf32>
    %mul3A_659 = arith.constant 3.906250e-03 : f32
    %mul3A_660 = vector.broadcast %mul3A_659 : f32 to vector<1024x256xf32>
    %mul3A_661 = arith.mulf %slice3A_658, %mul3A_660 : vector<1024x256xf32>
    %mul3A_662 = arith.constant 1.000000e+01 : f32
    %mul3A_663 = vector.broadcast %mul3A_662 : f32 to vector<1024x256xf32>
    %mul3A_664 = arith.mulf %mul3A_661, %mul3A_663 : vector<1024x256xf32>
    %reduce_max3A_665 = arith.constant dense<0xFF800000> : vector<1024xf32>
    %reduce_max3A_666 = vector.multi_reduction <maximumf>, %mul3A_664, %reduce_max3A_665 [1] : vector<1024x256xf32> to vector<1024xf32>
    %broadcast_in_dim3A_667 = vector.shape_cast %reduce_max3A_666 : vector<1024xf32> to vector<1024x1xf32>
    %sub3A_668 = vector.broadcast %broadcast_in_dim3A_667 : vector<1024x1xf32> to vector<1024x256xf32>
    %sub3A_669 = arith.subf %mul3A_664, %sub3A_668 : vector<1024x256xf32>
    %exp3A_670 = math.exp %sub3A_669 : vector<1024x256xf32>
    %reduce_sum3A_671 = arith.constant dense<0.000000e+00> : vector<1024xf32>
    %reduce_sum3A_672 = vector.multi_reduction <add>, %exp3A_670, %reduce_sum3A_671 [1] : vector<1024x256xf32> to vector<1024xf32>
    %broadcast_in_dim3A_673 = vector.shape_cast %reduce_sum3A_672 : vector<1024xf32> to vector<1024x1xf32>
    %div3A_674 = vector.broadcast %broadcast_in_dim3A_673 : vector<1024x1xf32> to vector<1024x256xf32>
    %div3A_675 = arith.divf %exp3A_670, %div3A_674 : vector<1024x256xf32>
    %reduce_max3A_676 = arith.constant dense<0xFF800000> : vector<1024xf32>
    %reduce_max3A_677 = vector.multi_reduction <maximumf>, %div3A_675, %reduce_max3A_676 [1] : vector<1024x256xf32> to vector<1024xf32>
    %broadcast_in_dim3A_678 = vector.shape_cast %reduce_max3A_677 : vector<1024xf32> to vector<1024x1xf32>
    %eq3A_679 = vector.broadcast %broadcast_in_dim3A_678 : vector<1024x1xf32> to vector<1024x256xf32>
    %eq3A_680 = arith.cmpf oeq, %div3A_675, %eq3A_679 : vector<1024x256xf32>
    %jit3A_681 = arith.constant 256 : i32
    %broadcast_in_dim3A_682 = vector.broadcast %jit3A_681 : i32 to vector<1024x256xi32>
    %select_n3A_683 = arith.select %eq3A_680, %iota3A_457, %broadcast_in_dim3A_682 : vector<1024x256xi1>, vector<1024x256xi32>
    %reduce_min3A_684 = arith.constant dense<2147483647> : vector<1024xi32>
    %reduce_min3A_685 = vector.multi_reduction <minsi>, %select_n3A_683, %reduce_min3A_684 [1] : vector<1024x256xi32> to vector<1024xi32>
    %broadcast_in_dim3A_686 = vector.shape_cast %reduce_min3A_685 : vector<1024xi32> to vector<1024x1xi32>
    %eq3A_687 = arith.constant 8 : i32
    %eq3A_688 = vector.broadcast %eq3A_687 : i32 to vector<1024x128xi32>
    %eq3A_689 = arith.cmpi eq, %iota3A_456, %eq3A_688 : vector<1024x128xi32>
    %broadcast_in_dim3A_690 = vector.shape_cast %broadcast_in_dim3A_686 : vector<1024x1xi32> to vector<1024x1xi32>
    %broadcast_in_dim3A_691 = vector.broadcast %broadcast_in_dim3A_690 : vector<1024x1xi32> to vector<1024x128xi32>
    %select_n3A_692 = arith.select %eq3A_689, %broadcast_in_dim3A_691, %select_n3A_657 : vector<1024x128xi1>, vector<1024x128xi32>
    %eq3A_693 = vector.broadcast %broadcast_in_dim3A_686 : vector<1024x1xi32> to vector<1024x256xi32>
    %eq3A_694 = arith.cmpi eq, %iota3A_457, %eq3A_693 : vector<1024x256xi32>
    %jit3A_695 = arith.constant -1.000000e+00 : f32
    %broadcast_in_dim3A_696 = vector.broadcast %jit3A_695 : f32 to vector<1024x256xf32>
    %select_n3A_697 = arith.select %eq3A_694, %broadcast_in_dim3A_696, %div3A_675 : vector<1024x256xi1>, vector<1024x256xf32>
    %reduce_max3A_698 = arith.constant dense<0xFF800000> : vector<1024xf32>
    %reduce_max3A_699 = vector.multi_reduction <maximumf>, %select_n3A_697, %reduce_max3A_698 [1] : vector<1024x256xf32> to vector<1024xf32>
    %broadcast_in_dim3A_700 = vector.shape_cast %reduce_max3A_699 : vector<1024xf32> to vector<1024x1xf32>
    %eq3A_701 = vector.broadcast %broadcast_in_dim3A_700 : vector<1024x1xf32> to vector<1024x256xf32>
    %eq3A_702 = arith.cmpf oeq, %select_n3A_697, %eq3A_701 : vector<1024x256xf32>
    %jit3A_703 = arith.constant 256 : i32
    %broadcast_in_dim3A_704 = vector.broadcast %jit3A_703 : i32 to vector<1024x256xi32>
    %select_n3A_705 = arith.select %eq3A_702, %iota3A_457, %broadcast_in_dim3A_704 : vector<1024x256xi1>, vector<1024x256xi32>
    %reduce_min3A_706 = arith.constant dense<2147483647> : vector<1024xi32>
    %reduce_min3A_707 = vector.multi_reduction <minsi>, %select_n3A_705, %reduce_min3A_706 [1] : vector<1024x256xi32> to vector<1024xi32>
    %broadcast_in_dim3A_708 = vector.shape_cast %reduce_min3A_707 : vector<1024xi32> to vector<1024x1xi32>
    %eq3A_709 = arith.constant 9 : i32
    %eq3A_710 = vector.broadcast %eq3A_709 : i32 to vector<1024x128xi32>
    %eq3A_711 = arith.cmpi eq, %iota3A_456, %eq3A_710 : vector<1024x128xi32>
    %broadcast_in_dim3A_712 = vector.shape_cast %broadcast_in_dim3A_708 : vector<1024x1xi32> to vector<1024x1xi32>
    %broadcast_in_dim3A_713 = vector.broadcast %broadcast_in_dim3A_712 : vector<1024x1xi32> to vector<1024x128xi32>
    %select_n3A_714 = arith.select %eq3A_711, %broadcast_in_dim3A_713, %select_n3A_692 : vector<1024x128xi1>, vector<1024x128xi32>
    %eq3A_715 = vector.broadcast %broadcast_in_dim3A_708 : vector<1024x1xi32> to vector<1024x256xi32>
    %eq3A_716 = arith.cmpi eq, %iota3A_457, %eq3A_715 : vector<1024x256xi32>
    %jit3A_717 = arith.constant -1.000000e+00 : f32
    %broadcast_in_dim3A_718 = vector.broadcast %jit3A_717 : f32 to vector<1024x256xf32>
    %select_n3A_719 = arith.select %eq3A_716, %broadcast_in_dim3A_718, %select_n3A_697 : vector<1024x256xi1>, vector<1024x256xf32>
    %reduce_max3A_720 = arith.constant dense<0xFF800000> : vector<1024xf32>
    %reduce_max3A_721 = vector.multi_reduction <maximumf>, %select_n3A_719, %reduce_max3A_720 [1] : vector<1024x256xf32> to vector<1024xf32>
    %broadcast_in_dim3A_722 = vector.shape_cast %reduce_max3A_721 : vector<1024xf32> to vector<1024x1xf32>
    %eq3A_723 = vector.broadcast %broadcast_in_dim3A_722 : vector<1024x1xf32> to vector<1024x256xf32>
    %eq3A_724 = arith.cmpf oeq, %select_n3A_719, %eq3A_723 : vector<1024x256xf32>
    %jit3A_725 = arith.constant 256 : i32
    %broadcast_in_dim3A_726 = vector.broadcast %jit3A_725 : i32 to vector<1024x256xi32>
    %select_n3A_727 = arith.select %eq3A_724, %iota3A_457, %broadcast_in_dim3A_726 : vector<1024x256xi1>, vector<1024x256xi32>
    %reduce_min3A_728 = arith.constant dense<2147483647> : vector<1024xi32>
    %reduce_min3A_729 = vector.multi_reduction <minsi>, %select_n3A_727, %reduce_min3A_728 [1] : vector<1024x256xi32> to vector<1024xi32>
    %broadcast_in_dim3A_730 = vector.shape_cast %reduce_min3A_729 : vector<1024xi32> to vector<1024x1xi32>
    %eq3A_731 = arith.constant 10 : i32
    %eq3A_732 = vector.broadcast %eq3A_731 : i32 to vector<1024x128xi32>
    %eq3A_733 = arith.cmpi eq, %iota3A_456, %eq3A_732 : vector<1024x128xi32>
    %broadcast_in_dim3A_734 = vector.shape_cast %broadcast_in_dim3A_730 : vector<1024x1xi32> to vector<1024x1xi32>
    %broadcast_in_dim3A_735 = vector.broadcast %broadcast_in_dim3A_734 : vector<1024x1xi32> to vector<1024x128xi32>
    %select_n3A_736 = arith.select %eq3A_733, %broadcast_in_dim3A_735, %select_n3A_714 : vector<1024x128xi1>, vector<1024x128xi32>
    %eq3A_737 = vector.broadcast %broadcast_in_dim3A_730 : vector<1024x1xi32> to vector<1024x256xi32>
    %eq3A_738 = arith.cmpi eq, %iota3A_457, %eq3A_737 : vector<1024x256xi32>
    %jit3A_739 = arith.constant -1.000000e+00 : f32
    %broadcast_in_dim3A_740 = vector.broadcast %jit3A_739 : f32 to vector<1024x256xf32>
    %select_n3A_741 = arith.select %eq3A_738, %broadcast_in_dim3A_740, %select_n3A_719 : vector<1024x256xi1>, vector<1024x256xf32>
    %reduce_max3A_742 = arith.constant dense<0xFF800000> : vector<1024xf32>
    %reduce_max3A_743 = vector.multi_reduction <maximumf>, %select_n3A_741, %reduce_max3A_742 [1] : vector<1024x256xf32> to vector<1024xf32>
    %broadcast_in_dim3A_744 = vector.shape_cast %reduce_max3A_743 : vector<1024xf32> to vector<1024x1xf32>
    %eq3A_745 = vector.broadcast %broadcast_in_dim3A_744 : vector<1024x1xf32> to vector<1024x256xf32>
    %eq3A_746 = arith.cmpf oeq, %select_n3A_741, %eq3A_745 : vector<1024x256xf32>
    %jit3A_747 = arith.constant 256 : i32
    %broadcast_in_dim3A_748 = vector.broadcast %jit3A_747 : i32 to vector<1024x256xi32>
    %select_n3A_749 = arith.select %eq3A_746, %iota3A_457, %broadcast_in_dim3A_748 : vector<1024x256xi1>, vector<1024x256xi32>
    %reduce_min3A_750 = arith.constant dense<2147483647> : vector<1024xi32>
    %reduce_min3A_751 = vector.multi_reduction <minsi>, %select_n3A_749, %reduce_min3A_750 [1] : vector<1024x256xi32> to vector<1024xi32>
    %broadcast_in_dim3A_752 = vector.shape_cast %reduce_min3A_751 : vector<1024xi32> to vector<1024x1xi32>
    %eq3A_753 = arith.constant 11 : i32
    %eq3A_754 = vector.broadcast %eq3A_753 : i32 to vector<1024x128xi32>
    %eq3A_755 = arith.cmpi eq, %iota3A_456, %eq3A_754 : vector<1024x128xi32>
    %broadcast_in_dim3A_756 = vector.shape_cast %broadcast_in_dim3A_752 : vector<1024x1xi32> to vector<1024x1xi32>
    %broadcast_in_dim3A_757 = vector.broadcast %broadcast_in_dim3A_756 : vector<1024x1xi32> to vector<1024x128xi32>
    %select_n3A_758 = arith.select %eq3A_755, %broadcast_in_dim3A_757, %select_n3A_736 : vector<1024x128xi1>, vector<1024x128xi32>
    %slice3A_759 = vector.extract_strided_slice %add3A_455 {offsets = [0, 768], sizes = [1024, 256], strides = [1, 1]} : vector<1024x1024xf32> to vector<1024x256xf32>
    %mul3A_760 = arith.constant 3.906250e-03 : f32
    %mul3A_761 = vector.broadcast %mul3A_760 : f32 to vector<1024x256xf32>
    %mul3A_762 = arith.mulf %slice3A_759, %mul3A_761 : vector<1024x256xf32>
    %mul3A_763 = arith.constant 1.000000e+01 : f32
    %mul3A_764 = vector.broadcast %mul3A_763 : f32 to vector<1024x256xf32>
    %mul3A_765 = arith.mulf %mul3A_762, %mul3A_764 : vector<1024x256xf32>
    %reduce_max3A_766 = arith.constant dense<0xFF800000> : vector<1024xf32>
    %reduce_max3A_767 = vector.multi_reduction <maximumf>, %mul3A_765, %reduce_max3A_766 [1] : vector<1024x256xf32> to vector<1024xf32>
    %broadcast_in_dim3A_768 = vector.shape_cast %reduce_max3A_767 : vector<1024xf32> to vector<1024x1xf32>
    %sub3A_769 = vector.broadcast %broadcast_in_dim3A_768 : vector<1024x1xf32> to vector<1024x256xf32>
    %sub3A_770 = arith.subf %mul3A_765, %sub3A_769 : vector<1024x256xf32>
    %exp3A_771 = math.exp %sub3A_770 : vector<1024x256xf32>
    %reduce_sum3A_772 = arith.constant dense<0.000000e+00> : vector<1024xf32>
    %reduce_sum3A_773 = vector.multi_reduction <add>, %exp3A_771, %reduce_sum3A_772 [1] : vector<1024x256xf32> to vector<1024xf32>
    %broadcast_in_dim3A_774 = vector.shape_cast %reduce_sum3A_773 : vector<1024xf32> to vector<1024x1xf32>
    %div3A_775 = vector.broadcast %broadcast_in_dim3A_774 : vector<1024x1xf32> to vector<1024x256xf32>
    %div3A_776 = arith.divf %exp3A_771, %div3A_775 : vector<1024x256xf32>
    %reduce_max3A_777 = arith.constant dense<0xFF800000> : vector<1024xf32>
    %reduce_max3A_778 = vector.multi_reduction <maximumf>, %div3A_776, %reduce_max3A_777 [1] : vector<1024x256xf32> to vector<1024xf32>
    %broadcast_in_dim3A_779 = vector.shape_cast %reduce_max3A_778 : vector<1024xf32> to vector<1024x1xf32>
    %eq3A_780 = vector.broadcast %broadcast_in_dim3A_779 : vector<1024x1xf32> to vector<1024x256xf32>
    %eq3A_781 = arith.cmpf oeq, %div3A_776, %eq3A_780 : vector<1024x256xf32>
    %jit3A_782 = arith.constant 256 : i32
    %broadcast_in_dim3A_783 = vector.broadcast %jit3A_782 : i32 to vector<1024x256xi32>
    %select_n3A_784 = arith.select %eq3A_781, %iota3A_457, %broadcast_in_dim3A_783 : vector<1024x256xi1>, vector<1024x256xi32>
    %reduce_min3A_785 = arith.constant dense<2147483647> : vector<1024xi32>
    %reduce_min3A_786 = vector.multi_reduction <minsi>, %select_n3A_784, %reduce_min3A_785 [1] : vector<1024x256xi32> to vector<1024xi32>
    %broadcast_in_dim3A_787 = vector.shape_cast %reduce_min3A_786 : vector<1024xi32> to vector<1024x1xi32>
    %eq3A_788 = arith.constant 12 : i32
    %eq3A_789 = vector.broadcast %eq3A_788 : i32 to vector<1024x128xi32>
    %eq3A_790 = arith.cmpi eq, %iota3A_456, %eq3A_789 : vector<1024x128xi32>
    %broadcast_in_dim3A_791 = vector.shape_cast %broadcast_in_dim3A_787 : vector<1024x1xi32> to vector<1024x1xi32>
    %broadcast_in_dim3A_792 = vector.broadcast %broadcast_in_dim3A_791 : vector<1024x1xi32> to vector<1024x128xi32>
    %select_n3A_793 = arith.select %eq3A_790, %broadcast_in_dim3A_792, %select_n3A_758 : vector<1024x128xi1>, vector<1024x128xi32>
    %eq3A_794 = vector.broadcast %broadcast_in_dim3A_787 : vector<1024x1xi32> to vector<1024x256xi32>
    %eq3A_795 = arith.cmpi eq, %iota3A_457, %eq3A_794 : vector<1024x256xi32>
    %jit3A_796 = arith.constant -1.000000e+00 : f32
    %broadcast_in_dim3A_797 = vector.broadcast %jit3A_796 : f32 to vector<1024x256xf32>
    %select_n3A_798 = arith.select %eq3A_795, %broadcast_in_dim3A_797, %div3A_776 : vector<1024x256xi1>, vector<1024x256xf32>
    %reduce_max3A_799 = arith.constant dense<0xFF800000> : vector<1024xf32>
    %reduce_max3A_800 = vector.multi_reduction <maximumf>, %select_n3A_798, %reduce_max3A_799 [1] : vector<1024x256xf32> to vector<1024xf32>
    %broadcast_in_dim3A_801 = vector.shape_cast %reduce_max3A_800 : vector<1024xf32> to vector<1024x1xf32>
    %eq3A_802 = vector.broadcast %broadcast_in_dim3A_801 : vector<1024x1xf32> to vector<1024x256xf32>
    %eq3A_803 = arith.cmpf oeq, %select_n3A_798, %eq3A_802 : vector<1024x256xf32>
    %jit3A_804 = arith.constant 256 : i32
    %broadcast_in_dim3A_805 = vector.broadcast %jit3A_804 : i32 to vector<1024x256xi32>
    %select_n3A_806 = arith.select %eq3A_803, %iota3A_457, %broadcast_in_dim3A_805 : vector<1024x256xi1>, vector<1024x256xi32>
    %reduce_min3A_807 = arith.constant dense<2147483647> : vector<1024xi32>
    %reduce_min3A_808 = vector.multi_reduction <minsi>, %select_n3A_806, %reduce_min3A_807 [1] : vector<1024x256xi32> to vector<1024xi32>
    %broadcast_in_dim3A_809 = vector.shape_cast %reduce_min3A_808 : vector<1024xi32> to vector<1024x1xi32>
    %eq3A_810 = arith.constant 13 : i32
    %eq3A_811 = vector.broadcast %eq3A_810 : i32 to vector<1024x128xi32>
    %eq3A_812 = arith.cmpi eq, %iota3A_456, %eq3A_811 : vector<1024x128xi32>
    %broadcast_in_dim3A_813 = vector.shape_cast %broadcast_in_dim3A_809 : vector<1024x1xi32> to vector<1024x1xi32>
    %broadcast_in_dim3A_814 = vector.broadcast %broadcast_in_dim3A_813 : vector<1024x1xi32> to vector<1024x128xi32>
    %select_n3A_815 = arith.select %eq3A_812, %broadcast_in_dim3A_814, %select_n3A_793 : vector<1024x128xi1>, vector<1024x128xi32>
    %eq3A_816 = vector.broadcast %broadcast_in_dim3A_809 : vector<1024x1xi32> to vector<1024x256xi32>
    %eq3A_817 = arith.cmpi eq, %iota3A_457, %eq3A_816 : vector<1024x256xi32>
    %jit3A_818 = arith.constant -1.000000e+00 : f32
    %broadcast_in_dim3A_819 = vector.broadcast %jit3A_818 : f32 to vector<1024x256xf32>
    %select_n3A_820 = arith.select %eq3A_817, %broadcast_in_dim3A_819, %select_n3A_798 : vector<1024x256xi1>, vector<1024x256xf32>
    %reduce_max3A_821 = arith.constant dense<0xFF800000> : vector<1024xf32>
    %reduce_max3A_822 = vector.multi_reduction <maximumf>, %select_n3A_820, %reduce_max3A_821 [1] : vector<1024x256xf32> to vector<1024xf32>
    %broadcast_in_dim3A_823 = vector.shape_cast %reduce_max3A_822 : vector<1024xf32> to vector<1024x1xf32>
    %eq3A_824 = vector.broadcast %broadcast_in_dim3A_823 : vector<1024x1xf32> to vector<1024x256xf32>
    %eq3A_825 = arith.cmpf oeq, %select_n3A_820, %eq3A_824 : vector<1024x256xf32>
    %jit3A_826 = arith.constant 256 : i32
    %broadcast_in_dim3A_827 = vector.broadcast %jit3A_826 : i32 to vector<1024x256xi32>
    %select_n3A_828 = arith.select %eq3A_825, %iota3A_457, %broadcast_in_dim3A_827 : vector<1024x256xi1>, vector<1024x256xi32>
    %reduce_min3A_829 = arith.constant dense<2147483647> : vector<1024xi32>
    %reduce_min3A_830 = vector.multi_reduction <minsi>, %select_n3A_828, %reduce_min3A_829 [1] : vector<1024x256xi32> to vector<1024xi32>
    %broadcast_in_dim3A_831 = vector.shape_cast %reduce_min3A_830 : vector<1024xi32> to vector<1024x1xi32>
    %eq3A_832 = arith.constant 14 : i32
    %eq3A_833 = vector.broadcast %eq3A_832 : i32 to vector<1024x128xi32>
    %eq3A_834 = arith.cmpi eq, %iota3A_456, %eq3A_833 : vector<1024x128xi32>
    %broadcast_in_dim3A_835 = vector.shape_cast %broadcast_in_dim3A_831 : vector<1024x1xi32> to vector<1024x1xi32>
    %broadcast_in_dim3A_836 = vector.broadcast %broadcast_in_dim3A_835 : vector<1024x1xi32> to vector<1024x128xi32>
    %select_n3A_837 = arith.select %eq3A_834, %broadcast_in_dim3A_836, %select_n3A_815 : vector<1024x128xi1>, vector<1024x128xi32>
    %eq3A_838 = vector.broadcast %broadcast_in_dim3A_831 : vector<1024x1xi32> to vector<1024x256xi32>
    %eq3A_839 = arith.cmpi eq, %iota3A_457, %eq3A_838 : vector<1024x256xi32>
    %jit3A_840 = arith.constant -1.000000e+00 : f32
    %broadcast_in_dim3A_841 = vector.broadcast %jit3A_840 : f32 to vector<1024x256xf32>
    %select_n3A_842 = arith.select %eq3A_839, %broadcast_in_dim3A_841, %select_n3A_820 : vector<1024x256xi1>, vector<1024x256xf32>
    %reduce_max3A_843 = arith.constant dense<0xFF800000> : vector<1024xf32>
    %reduce_max3A_844 = vector.multi_reduction <maximumf>, %select_n3A_842, %reduce_max3A_843 [1] : vector<1024x256xf32> to vector<1024xf32>
    %broadcast_in_dim3A_845 = vector.shape_cast %reduce_max3A_844 : vector<1024xf32> to vector<1024x1xf32>
    %eq3A_846 = vector.broadcast %broadcast_in_dim3A_845 : vector<1024x1xf32> to vector<1024x256xf32>
    %eq3A_847 = arith.cmpf oeq, %select_n3A_842, %eq3A_846 : vector<1024x256xf32>
    %jit3A_848 = arith.constant 256 : i32
    %broadcast_in_dim3A_849 = vector.broadcast %jit3A_848 : i32 to vector<1024x256xi32>
    %select_n3A_850 = arith.select %eq3A_847, %iota3A_457, %broadcast_in_dim3A_849 : vector<1024x256xi1>, vector<1024x256xi32>
    %reduce_min3A_851 = arith.constant dense<2147483647> : vector<1024xi32>
    %reduce_min3A_852 = vector.multi_reduction <minsi>, %select_n3A_850, %reduce_min3A_851 [1] : vector<1024x256xi32> to vector<1024xi32>
    %broadcast_in_dim3A_853 = vector.shape_cast %reduce_min3A_852 : vector<1024xi32> to vector<1024x1xi32>
    %eq3A_854 = arith.constant 15 : i32
    %eq3A_855 = vector.broadcast %eq3A_854 : i32 to vector<1024x128xi32>
    %eq3A_856 = arith.cmpi eq, %iota3A_456, %eq3A_855 : vector<1024x128xi32>
    %broadcast_in_dim3A_857 = vector.shape_cast %broadcast_in_dim3A_853 : vector<1024x1xi32> to vector<1024x1xi32>
    %broadcast_in_dim3A_858 = vector.broadcast %broadcast_in_dim3A_857 : vector<1024x1xi32> to vector<1024x128xi32>
    %select_n3A_859 = arith.select %eq3A_856, %broadcast_in_dim3A_858, %select_n3A_837 : vector<1024x128xi1>, vector<1024x128xi32>
    %swap3A = arith.constant 0 : index
    %swap3A_860 = arith.constant 0 : index
    %swap3A_861 = arith.constant 0 : index
    %swap3A_862 = vector.load %arg3[%swap3A, %swap3A_860, %swap3A_861] : memref<1x1024x128xi32, #tpu.memory_space<vmem>>, vector<1x1024x128xi32>
    %swap3A_863 = vector.shape_cast %swap3A_862 : vector<1x1024x128xi32> to vector<1024x128xi32>
    %swap3A_864 = vector.shape_cast %select_n3A_859 : vector<1024x128xi32> to vector<1x1024x128xi32>
    tpu.vector_store %arg3[%swap3A, %swap3A_860, %swap3A_861], %swap3A_864 {strides = array<i32>} : memref<1x1024x128xi32, #tpu.memory_space<vmem>>, vector<1x1024x128xi32>,
    return
  }
  func.func @transform_0(%arg0: i32) -> (i32, i32, i32) {
    %c0_i32 = arith.constant 0 : i32
    %c0_i32_0 = arith.constant 0 : i32
    %c0_i32_1 = arith.constant 0 : i32
    return %arg0, %c0_i32, %c0_i32_0 : i32, i32, i32
  }
  func.func @transform_1(%arg0: i32) -> (i32, i32, i32) {
    %c0_i32 = arith.constant 0 : i32
    %c0_i32_0 = arith.constant 0 : i32
    %c0_i32_1 = arith.constant 0 : i32
    return %arg0, %c0_i32, %c0_i32_0 : i32, i32, i32
  }
  func.func @transform_2(%arg0: i32) -> (i32, i32, i32) {
    %c0_i32 = arith.constant 0 : i32
    %c0_i32_0 = arith.constant 0 : i32
    %c0_i32_1 = arith.constant 0 : i32
    return %arg0, %c0_i32, %c0_i32_0 : i32, i32, i32
  }
}

module attributes {stable_mosaic.version = 14 : i64} {
  func.func @_apply_body(%arg0: i32, %arg1: memref<1024x1024xf32, #tpu.memory_space<vmem>>, %arg2: memref<1x1024x256xf32, #tpu.memory_space<vmem>>, %arg3: memref<256x256xf32, #tpu.memory_space<vmem>>, %arg4: memref<1x256xf32, #tpu.memory_space<vmem>>, %arg5: memref<1x1024x256xf32, #tpu.memory_space<vmem>>) attributes {dimension_semantics = [#tpu.dimension_semantics<arbitrary>], iteration_bounds = array<i64: 2>, scalar_prefetch = 0 : i64, scratch_operands = 0 : i64, tpu.core_type = #tpu.core_type<tc>, window_params = [{transform_indices = @transform_0, window_bounds = array<i64: 1024, 1024>}, {transform_indices = @transform_1, window_bounds = array<i64: 1, 1024, 256>}, {pipeline_mode = #tpu.pipeline_mode<synchronous>, transform_indices = @transform_2, window_bounds = array<i64: 256, 256>}, {pipeline_mode = #tpu.pipeline_mode<synchronous>, transform_indices = @transform_3, window_bounds = array<i64: 1, 256>}, {transform_indices = @transform_4, window_bounds = array<i64: 1, 1024, 256>}]} {
    %get3A = arith.constant 0 : index
    %get3A_0 = arith.constant 0 : index
    %get3A_1 = vector.load %arg1[%get3A, %get3A_0] : memref<1024x1024xf32, #tpu.memory_space<vmem>>, vector<1024x1024xf32>
    %get3A_2 = arith.constant 0 : index
    %get3A_3 = arith.constant 0 : index
    %get3A_4 = arith.constant 0 : index
    %get3A_5 = vector.load %arg2[%get3A_2, %get3A_3, %get3A_4] : memref<1x1024x256xf32, #tpu.memory_space<vmem>>, vector<1x1024x256xf32>
    %get3A_6 = vector.shape_cast %get3A_5 : vector<1x1024x256xf32> to vector<1024x256xf32>
    %dot_general3A = arith.constant dense<0.000000e+00> : vector<1024x256xf32>
    %dot_general3A_7 = tpu.matmul %get3A_1, %get3A_6, %dot_general3A {dimension_numbers = #tpu.dot_dimension_numbers<[1], [0], [0], [1], [0, 0, 1, 1], [], []>, transpose_lhs_hint = false} : vector<1024x1024xf32>, vector<1024x256xf32>, vector<1024x256xf32> -> vector<1024x256xf32>
    %get3A_8 = arith.constant 0 : index
    %get3A_9 = arith.constant 0 : index
    %get3A_10 = vector.load %arg3[%get3A_8, %get3A_9] : memref<256x256xf32, #tpu.memory_space<vmem>>, vector<256x256xf32>
    %dot_general3A_11 = arith.constant dense<0.000000e+00> : vector<1024x256xf32>
    %dot_general3A_12 = tpu.matmul %dot_general3A_7, %get3A_10, %dot_general3A_11 {dimension_numbers = #tpu.dot_dimension_numbers<[1], [1], [0], [0], [0, 0, 1, 0], [], []>, transpose_lhs_hint = false} : vector<1024x256xf32>, vector<256x256xf32>, vector<1024x256xf32> -> vector<1024x256xf32>
    %get3A_13 = arith.constant 0 : index
    %get3A_14 = arith.constant 0 : index
    %get3A_15 = vector.load %arg4[%get3A_13, %get3A_14] : memref<1x256xf32, #tpu.memory_space<vmem>>, vector<1x256xf32>
    %add3A = vector.broadcast %get3A_15 : vector<1x256xf32> to vector<1024x256xf32>
    %add3A_16 = arith.addf %dot_general3A_12, %add3A : vector<1024x256xf32>
    %swap3A = arith.constant 0 : index
    %swap3A_17 = arith.constant 0 : index
    %swap3A_18 = arith.constant 0 : index
    %swap3A_19 = vector.load %arg5[%swap3A, %swap3A_17, %swap3A_18] : memref<1x1024x256xf32, #tpu.memory_space<vmem>>, vector<1x1024x256xf32>
    %swap3A_20 = vector.shape_cast %swap3A_19 : vector<1x1024x256xf32> to vector<1024x256xf32>
    %swap3A_21 = vector.shape_cast %add3A_16 : vector<1024x256xf32> to vector<1x1024x256xf32>
    tpu.vector_store %arg5[%swap3A, %swap3A_17, %swap3A_18], %swap3A_21 {strides = array<i32>} : memref<1x1024x256xf32, #tpu.memory_space<vmem>>, vector<1x1024x256xf32>,
    return
  }
  func.func @transform_0(%arg0: i32) -> (i32, i32) {
    %c0_i32 = arith.constant 0 : i32
    %c0_i32_0 = arith.constant 0 : i32
    return %arg0, %c0_i32 : i32, i32
  }
  func.func @transform_1(%arg0: i32) -> (i32, i32, i32) {
    %c0_i32 = arith.constant 0 : i32
    %c0_i32_0 = arith.constant 0 : i32
    %c0_i32_1 = arith.constant 0 : i32
    return %arg0, %c0_i32, %c0_i32_0 : i32, i32, i32
  }
  func.func @transform_2(%arg0: i32) -> (i32, i32) {
    %c0_i32 = arith.constant 0 : i32
    %c0_i32_0 = arith.constant 0 : i32
    %c0_i32_1 = arith.constant 0 : i32
    return %c0_i32, %c0_i32_0 : i32, i32
  }
  func.func @transform_3(%arg0: i32) -> (i32, i32) {
    %c0_i32 = arith.constant 0 : i32
    %c0_i32_0 = arith.constant 0 : i32
    %c0_i32_1 = arith.constant 0 : i32
    return %c0_i32, %c0_i32_0 : i32, i32
  }
  func.func @transform_4(%arg0: i32) -> (i32, i32, i32) {
    %c0_i32 = arith.constant 0 : i32
    %c0_i32_0 = arith.constant 0 : i32
    %c0_i32_1 = arith.constant 0 : i32
    return %arg0, %c0_i32, %c0_i32_0 : i32, i32, i32
  }
}

</mosaic_0001>

<sc_bundles>
// kernel: kernel.5.cloned.1.call-start
scs
__scs_entry_jumppad:
0x0: {  	(pc) =	sbr.rel $0x88, $3  }
0x1: {  	(tag) =	ssettag $0x0;
	lr =	simm.s32 $0x1  }
0x2: {  	[smem:$0x3F9D] =	sst lr;
	_ =	strace $0xD0000000  }
0x3: {  	_ = 	snop  }
0x4: {  	_ = 	snop  }
0x5: {  	_ = 	snop  }
0x6: {  	_ = 	snop  }
0x7: {  	_ = 	snop  }
__scs_overlays_trampoline_lowered:
0x8: {  	[smem:$0x3FAC] =	sst s0  }
0x9: {  	[smem:$0x3FAD] =	sst s1  }
0xa: {  	[smem:$0x3FAE] =	sst s2  }
0xb: {  	[smem:$0x3FAF] =	sst s3  }
0xc: {  	[smem:$0x3FB0] =	sst s4  }
0xd: {  	[smem:$0x3FB1] =	sst s5  }
0xe: {  	[smem:$0x3FB2] =	sst s6  }
0xf: {  	[smem:$0x3FB3] =	sst s7  }
0x10: {  	[smem:$0x3FB4] =	sst s8  }
0x11: {  	[smem:$0x3FB5] =	sst s9;
	s0 =	simm.s32 @!p0 $0x0  }
0x12: {  	s1 =	sld [smem:$0x3F9B];
	s0 =	simm.s32 @p0 $0x1  }
0x13: {  	[smem:$0x3FB6] =	sst s0;
	s0 =	simm.s32 @!p1 $0x0  }
0x14: {  	s2 =	sld [smem:$0x3F9A];
	s0 =	simm.s32 @p1 $0x1  }
0x15: {  	[smem:$0x3FB7] =	sst s0;
	s0 =	simm.s32 @!p2 $0x0  }
0x16: {  	s3 =	sld [smem:$0x3FDB];
	s0 =	simm.s32 @p2 $0x1  }
0x17: {  	s4 =	simm.s32 $0x1BF5;
	[smem:$0x3FB9] =	sst s0  }
0x18: {  	s0 =	sld [smem:$0x3F9C];
	_ =	swait.ge [sflag:s4], $0x0  }
0x19: {  	s7 =	sld [smem:$0x3F9D]  }
0x1a: {  	s8 =	sadd.s32 $0xFFFFE003, lr  }
0x1b: {  	s9 =	sadd.s32 $0xFFFFFEF7, lr;
	s5 =	simm.s32 $0xFFFFFFFF;
	p2 =	slt.u32 s8, $0xFFFFF086  }
0x1c: {  	p1 =	slt.u32 s9, $0xF7A;
	s5 =	simm.s32 @!p2 $0x0  }
0x1d: {  	s5 =	simm.s32 @p1 $0x1;
	p0 =	seq.s32 s7, s2  }
0x1e: {  	s7 =	smul.u32 @!p0 $0xF7A, s2;
	p2 =	seq.s32 @!p0 s5, $0x0  }
0x1f: {  	s9 =	smul.u32 $0xF7A, s1;
	s8 =	simm.s32 @!p0 $0x1BF5;
	p2 =	por !p2, p0  }
0x20: {  	[sflag:s8] =	ssyncset.s32 @!p0 $0xFFFFF086;
	s6 =	sadd.s32 @!p0 s3, s7;
	s7 =	simm.s32 @!p0 $0x108  }
0x21: {  	s3 =	sadd.s32 s3, s9;
	s6 =	sadd.s32 @!p0 $0x88, s6;
	s7 =	simm.s32 @p2 $0x1082  }
0x22: {  	[simem:s7], [sflag:s8] =	dma.local @!p0 [hbm:s6], $0xF7A  }
0x23: {  	s9 =	sor.u32 $0xD0000000, s2;
	s6 =	simm.s32 $0x108;
	_ =	swait.ge @!p0 [sflag:s8], $0x0  }
0x24: {  	s3 =	sadd.s32 $0x88, s3;
	s6 =	simm.s32 @!p1 $0x1082;
	[sflag:s4] =	ssyncset.s32 $0xFFFFF086  }
0x25: {  	[simem:s6], [sflag:s4] =	dma.local [hbm:s3], $0xF7A  }
0x26: {  	[smem:$0x3F9D] =	sst s1;
	(tag) =	ssettag s2;
	_ =	strace s9  }
0x27: {  	s1 =	sld [smem:$0x3FAD]  }
0x28: {  	s2 =	sld [smem:$0x3FAE]  }
0x29: {  	s4 =	sld [smem:$0x3FB0]  }
0x2a: {  	p0 =	seq.s32 s5, $0x0;
	s5 =	sld [smem:$0x3FB1]  }
0x2b: {  	s6 =	sld [smem:$0x3FB2]  }
0x2c: {  	s7 =	sld [smem:$0x3FB3]  }
0x2d: {  	s3 =	simm.s32 $0x108;
	s8 =	sld [smem:$0x3FB4]  }
0x2e: {  	s3 =	simm.s32 @!p0 $0x1082;
	s9 =	sld [smem:$0x3FB5]  }
0x2f: {  	lr =	sadd.s32 s0, s3;
	s0 =	sld [smem:$0x3FAC]  }
0x30: {  	s3 =	sld [smem:$0x3FAF]  }
0x31: {  	[smem:$0x3FB8] =	sst s10  }
0x32: {  	s10 =	sld [smem:$0x3FB6];
	_ =	sdelay $0x3  }
0x33: {  	p0 =	seq.s32 s10, $0x1;
	s10 =	sld [smem:$0x3FB8];
	_ =	sdelay $0x3  }
0x34: {  	[smem:$0x3FB8] =	sst s10  }
0x35: {  	s10 =	sld [smem:$0x3FB7];
	_ =	sdelay $0x3  }
0x36: {  	p1 =	seq.s32 s10, $0x1;
	s10 =	sld [smem:$0x3FB8];
	_ =	sdelay $0x3  }
0x37: {  	[smem:$0x3FB8] =	sst s10  }
0x38: {  	s10 =	sld [smem:$0x3FB9]  }
0x39: {  	_ = 	snop;
	(pc) =	sbr.ind lr, $3  }
0x3a: {  	_ = 	snop  }
0x3b: {  	_ = 	snop  }
0x3c: {  	p2 =	seq.s32 s10, $0x1;
	s10 =	sld [smem:$0x3FB8]  }
0x3d: {  	_ =	shalt  }
0x3e: {  	_ =	shalt  }
0x3f: {  	_ =	shalt  }
0x40: {  	_ =	shalt  }
0x41: {  	_ =	shalt  }
0x42: {  	_ =	shalt  }
0x43: {  	_ =	shalt  }
0x44: {  	_ =	shalt  }
0x45: {  	_ =	shalt  }
0x46: {  	_ =	shalt  }
0x47: {  	_ =	shalt  }
0x48: {  	_ =	shalt  }
0x49: {  	_ =	shalt  }
0x4a: {  	_ =	shalt  }
0x4b: {  	_ =	shalt  }
0x4c: {  	_ =	shalt  }
0x4d: {  	_ =	shalt  }
0x4e: {  	_ =	shalt  }
0x4f: {  	_ =	shalt  }
0x50: {  	_ =	shalt  }
0x51: {  	_ =	shalt  }
0x52: {  	_ =	shalt  }
0x53: {  	_ =	shalt  }
0x54: {  	_ =	shalt  }
0x55: {  	_ =	shalt  }
0x56: {  	_ =	shalt  }
0x57: {  	_ =	shalt  }
0x58: {  	_ =	shalt  }
0x59: {  	_ =	shalt  }
0x5a: {  	_ =	shalt  }
0x5b: {  	_ =	shalt  }
0x5c: {  	_ =	shalt  }
0x5d: {  	_ =	shalt  }
0x5e: {  	_ =	shalt  }
0x5f: {  	_ =	shalt  }
0x60: {  	_ =	shalt  }
0x61: {  	_ =	shalt  }
0x62: {  	_ =	shalt  }
0x63: {  	_ =	shalt  }
0x64: {  	_ =	shalt  }
0x65: {  	_ =	shalt  }
0x66: {  	_ =	shalt  }
0x67: {  	_ =	shalt  }
0x68: {  	_ =	shalt  }
0x69: {  	_ =	shalt  }
0x6a: {  	_ =	shalt  }
0x6b: {  	_ =	shalt  }
0x6c: {  	_ =	shalt  }
0x6d: {  	_ =	shalt  }
0x6e: {  	_ =	shalt  }
0x6f: {  	_ =	shalt  }
0x70: {  	_ =	shalt  }
0x71: {  	_ =	shalt  }
0x72: {  	_ =	shalt  }
0x73: {  	_ =	shalt  }
0x74: {  	_ =	shalt  }
0x75: {  	_ =	shalt  }
0x76: {  	_ =	shalt  }
0x77: {  	_ =	shalt  }
0x78: {  	_ =	shalt  }
0x79: {  	_ =	shalt  }
0x7a: {  	_ =	shalt  }
0x7b: {  	_ =	shalt  }
0x7c: {  	_ =	shalt  }
0x7d: {  	_ =	shalt  }
0x7e: {  	_ =	shalt  }
0x7f: {  	_ =	shalt  }
0x80: {  	_ =	shalt  }
0x81: {  	_ =	shalt  }
0x82: {  	_ =	shalt  }
0x83: {  	_ =	shalt  }
0x84: {  	_ =	shalt  }
0x85: {  	_ =	shalt  }
0x86: {  	_ =	shalt  }
0x87: {  	_ =	shalt  }
.Lfunc_end0:
.L_simem_size_0:
called_computation_lowered:
.L_overlay_start_0:
0x88: {  	s2 =	sld [smem:$0x3FD9]  }
0x89: {  	s3 =	sld [smem:$0x3FFE];
	_ =	sdelay $0x1  }
0x8a: {  	s1 =	srdreg.scid  }
0x8b: {  	s0 =	sand.u32 $0x1, s1  }
0x8c: {  	s14 =	sshll.u32 s0, $0xA;
	s2 =	sadd.s32 s3, s2  }
0x8d: {  	s2 =	sadd.s32 s2, s14  }
0x8e: {  	[smem:$0x3FC4] =	sst s2  }
0x8f: {  	_ = 	snop  }
0x90: {  	s2 =	sld [smem:$0x3FD0];
	_ =	sdelay $0x2  }
0x91: {  	s15 =	simm.s32 $0xA;
	s4 =	simm.s32 $0x10  }
0x92: {  	[smem:s4], [sflag:s15] =	dma.local [hbm:s2], $0x1  }
0x93: {  	_ =	swait.eq [sflag:s15], $0x1  }
0x94: {  	[sflag:s15] =	ssyncset.done $0x0  }
0x95: {  	[sflag:s15] =	ssyncadd.s32 $0xFFFFFFFF  }
0x96: {  	s16 =	sld [smem:$0x10];
	(tm) =	ssettm $0x1  }
0x97: {  	s17 =	sld [smem:$0x3FFB];
	_ =	sdelay $0x3  }
0x98: {  	_ =	strace s17  }
0x99: {  	s3 =	sld [smem:$0x3FFC];
	_ =	sdelay $0x3  }
0x9a: {  	_ =	strace s3  }
0x9b: {  	s3 =	sld [smem:$0x3FFD];
	_ =	sdelay $0x3  }
0x9c: {  	_ =	strace s3  }
0x9d: {  	_ =	strace $0x8FFFFFFF  }
0x9e: {  	s18 =	sld [smem:$0x3FDB];
	_ =	sdelay $0x1  }
0x9f: {  	s19 =	simm.s32 $_scs_section_size  }
0xa0: {  	s5 =	simm.s32 $_size__tile_overlayer_lowered;
	s6 =	simm.s32 $_tile_overlayer_lowered  }
0xa1: {  	s22 =	simm.s32 $0x1BFF;
	s21 =	sshll.u32 s6, $0x1;
	s3 =	sadd.s32 s19, s18  }
0xa2: {  	s7 =	simm.s32 $0x0;
	s20 =	sshll.u32 s5, $0x1;
	s5 =	sadd.s32 s21, s3  }
0xa3: {  	[timem:s7], [sflag:s22] =	dma.local [hbm:s5], s20  }
0xa4: {  	_ =	swait.ge [sflag:s22], s20  }
0xa5: {  	s4 =	ssub.s32 $0x0, s20;
	[sflag:s22] =	ssyncset.done $0x0  }
0xa6: {  	[sflag:s22] =	ssyncadd.s32 s4;
	_ =	sdelay $0x1  }
0xa7: {  	s23 =	simm.s32 $0x1B8B  }
0xa8: {  	_ =	swait.ge [sflag:s23], $0x1  }
0xa9: {  	[sflag:s23] =	ssyncset.done $0x0  }
0xaa: {  	s25 =	simm.s32 $0x1B8E;
	s24 =	sld [smem:$0x3FFE];
	[sflag:s23] =	ssyncadd.s32 $0xFFFFFFFF  }
0xab: {  	s26 =	simm.s32 $execute0_lowered;
	[smem:$0x3FD2] =	sst s25  }
0xac: {  	s5 =	sshll.u32 s26, $0x1;
	_ =	strace $0x80000046;
	[dreg:$0x1] =	wrdreg $0xFFFFFFFF  }
0xad: {  	s28 =	simm.s32 $_size_execute0_lowered;
	s3 =	sadd.s32 s3, s5;
	[dreg:$0x0] =	wrdreg $0x0  }
0xae: {  	s5 =	sshll.u32 s28, $0x1;
	[dreg:$0x2] =	wrdreg s3  }
0xaf: {  	[dreg:$0x3] =	wrdreg s5  }
0xb0: {  	[dreg:$0x4] =	wrdreg $0xC0  }
0xb1: {  	_ =	task [dreg:s7], $0x5FFFF  }
0xb2: {  	[dreg:$0x1] =	wrdreg $0xFFFFFFFF  }
0xb3: {  	[dreg:$0x0] =	wrdreg $0x60  }
0xb4: {  	[dreg:$0x2] =	wrdreg s16  }
0xb5: {  	[dreg:$0x3] =	wrdreg s24  }
0xb6: {  	[dreg:$0x4] =	wrdreg $0x9  }
0xb7: {  	_ =	task.clear_ibuf [dreg:s7], $0x5FFFF;
	_ =	strace $0x90000046  }
0xb8: {  	s29 =	simm.s32 $0x9;
	_ =	strace $0x80000048  }
0xb9: {  	_ =	swait.ge [sflag:s29], $0x1  }
0xba: {  	[sflag:s29] =	ssyncadd.s32 $0xFFFFFFFF  }
0xbb: {  	_ =	strace $0x90000048  }
0xbc: {  	_ =	sfence  }
0xbd: {  	s30 =	sld [smem:$0x0];
	_ =	sdelay $0x2  }
0xbe: {  	s31 =	sshll.u32 s1, $0xD;
	s1 =	sshrl.u32 s1, $0x2  }
0xbf: {  	s3 =	sand.u32 $0x4000, s31;
	s1 =	sadd.s32 s1, s30  }
0xc0: {  	s0 =	sor.u32 s3, s0;
	s1 =	sshll.u32 s1, $0x11  }
0xc1: {  	s0 =	sor.u32 s1, s0  }
0xc2: {  	s0 =	sadd.s32 $0x8F2B, s0  }
0xc3: {  	[sflag:s0] =	ssyncadd.remote.s32 $0x1  }
0xc4: {  	_ =	sfence.sel $0xFFFF  }
0xc5: {  	[dreg:$0x0] =	wrdreg $0xFFFFFFFF;
	(pc) =	sbr.abs _section_cstart, $3  }
0xc6: {  	[dreg:$0x1] =	wrdreg $0xFFFFFFFF  }
0xc7: {  	_ =	task.clear_ibuf [dreg:s7], $0x2FFFF;
	_ =	strace $0x9FFFFFFF  }
0xc8: {  	(tm) =	ssettm $0x7FFFFFFF  }
0xc9: {  	_ =	shalt  }
tec
execute0_lowered:
.L_overlay_start_1:
0x0: {  	(tag) =	ssettag $0x1  }
0x1: {  	v0 =	vimm.s32 $0xC080400  }
0x2: {  	v1 =	vimm.s32 $0x8C888480;
	vm8 =	vcmask $0xF00;
	vm7 =	vcmask $0x1F10  }
0x3: {  	vm6 =	vcmask $0x2320;
	vm4 =	vcmask $0x2724;
	v0 =	vunpack.c.0.s8.s32 v0  }
0x4: {  	vm5 =	vcmask $0x2B28;
	vm1 =	vcmask $0x2F2C;
	v1 =	vunpack.c.0.s8.s32 v1  }
0x5: {  	vm2 =	vcmask $0x3330;
	vm0 =	vcmask $0x3734;
	v0 =	vand.u32 $0xFF, v0  }
0x6: {  	v36 =	vlaneseq.u32;
	v1 =	vand.u32 $0xFF, v1;
	v0 =	vnsel vm8, $0x18C, v0  }
0x7: {  	vm3 =	vcmask $0x3B38;
	vm9 =	vcmask $0x700;
	v0 =	vsel vm7, v1, v0  }
0x8: {  	v44 =	vimm.s32 $0x800;
	vm13 =	vcmask $0xB08;
	v0 =	vsel vm6, $0x100, v0  }
0x9: {  	vm14 =	vcmask $0x1710;
	vm15 =	vcmask $0x1B18;
	v0 =	vsel vm4, $0x104, v0  }
0xa: {  	vm12 =	vcmask $0x2720;
	v52 =	vimm.s32 $0xD090501;
	v0 =	vsel vm5, $0x108, v0  }
0xb: {  	v53 =	vimm.s32 $0x8D898581;
	v2 =	vand.u32 $0x3, v36;
	v0 =	vsel vm1, $0x10C, v0  }
0xc: {  	v4 =	vshrl.u32 v36, $0x1;
	v45 =	vsel vm9, $0x0, v44;
	v0 =	vsel vm2, $0x180, v0  }
0xd: {  	v3 =	vmul.u32 $0x4, v2;
	v37 =	vand.u32 $0x1, v4;
	v0 =	vsel vm0, $0x184, v0  }
0xe: {  	v6 =	vmul.u32 $0x800, v2;
	v5 =	vsel vm3, $0x188, v0;
	v0 =	vsel vm13, $0x400, v45  }
0xf: {  	v4 =	vor.u32 $0xFFFFFF80, v3;
	v3 =	vmul.u32 $0x100, v2;
	v0 =	vsel vm14, $0x0, v0  }
0x10: {  	v2 =	vunpack.c.0.s8.s32 v53;
	v1 =	vshrl.u32 v36, $0x2;
	v0 =	vsel vm15, $0x400, v0  }
0x11: {  	v12 =	vmul.u32 $0x80, v1;
	v1 =	vunpack.c.0.s8.s32 v52;
	v0 =	vsel vm12, $0x0, v0  }
0x12: {  	vm13 =	vcmask $0x3730;
	vm14 =	vcmask $0x300;
	v0 =	vsel vm5, $0x400, v0  }
0x13: {  	v50 =	vsel vm14, $0x0, v44;
	vm15 =	vcmask $0xB04;
	v0 =	vsel vm13, $0x0, v0  }
0x14: {  	vm12 =	vcmask $0x1310;
	v21 =	vsel vm3, $0x400, v0;
	v0 =	vsel vm15, $0x400, v50  }
0x15: {  	vm13 =	vcmask $0x1B14;
	v0 =	vsel vm12, $0x0, v0  }
0x16: {  	v2 =	vand.u32 $0xFF, v2;
	v1 =	vand.u32 $0xFF, v1;
	v0 =	vsel vm13, $0x400, v0  }
0x17: {  	v1 =	vnsel vm8, $0x18D, v1;
	vm14 =	vcmask $0x2B24;
	v0 =	vsel vm6, $0x0, v0  }
0x18: {  	v1 =	vsel vm7, v2, v1;
	v0 =	vsel vm14, $0x400, v0  }
0x19: {  	v1 =	vsel vm6, $0x101, v1;
	vm15 =	vcmask $0x3B34;
	v0 =	vsel vm2, $0x0, v0  }
0x1a: {  	v55 =	vsel vm4, $0x105, v1;
	v0 =	vsel vm15, $0x400, v0  }
0x1b: {  	v38 =	vimm.s32 $0x58104800;
	[tilespmem:$0x1FB20] =	vst v0;
	v0 =	vsel vm5, $0x109, v55  }
0x1c: {  	v39 =	vimm.s32 $0x59114901;
	v40 =	vimm.s32 $0x60185008;
	v0 =	vsel vm1, $0x10D, v0  }
0x1d: {  	v41 =	vimm.s32 $0x61195109;
	v42 =	vimm.s32 $0x68205810;
	v0 =	vsel vm2, $0x181, v0  }
0x1e: {  	v43 =	vimm.s32 $0x69215911;
	v46 =	vimm.s32 $0x70286018;
	v0 =	vsel vm0, $0x185, v0  }
0x1f: {  	v47 =	vimm.s32 $0x71296119;
	v62 =	vimm.s32 $0x5A124A02;
	v0 =	vsel vm3, $0x189, v0  }
0x20: {  	v48 =	vimm.s32 $0x78306820;
	v56 =	vimm.s32 $0x10480038;
	[tilespmem:$0x1FB70] =	vst v0;
	v0 =	vunpack.c.0.s8.s32 v62  }
0x21: {  	v57 =	vimm.s32 $0x11490139;
	v60 =	vimm.s32 $0x19510941;
	v29 =	vimm.s32 $0x621A520A  }
0x22: {  	v63 =	vimm.s32 $0x5B134B03;
	v30 =	vimm.s32 $0x631B530B;
	[tilespmem:$0x1FB80] =	vst v0;
	v0 =	vunpack.c.0.s8.s32 v29  }
0x23: {  	v31 =	vimm.s32 $0x6A225A12;
	v33 =	vimm.s32 $0x6B235B13;
	v34 =	vimm.s32 $0x722A621A  }
0x24: {  	v15 =	vunpack.c.0.s8.s32 v39;
	v19 =	vunpack.c.0.s8.s32 v47;
	[tilespmem:$0x1FBA0] =	vst v0;
	v0 =	vunpack.c.0.s8.s32 v30  }
0x25: {  	v24 =	vunpack.c.0.s8.s32 v48;
	v58 =	vunpack.c.0.s8.s32 v57;
	v61 =	vunpack.c.0.s8.s32 v60  }
0x26: {  	v28 =	vunpack.c.0.s8.s32 v63;
	v39 =	vimm.s32 $0x8E8A8682;
	[tilespmem:$0x1FBB0] =	vst v0;
	v0 =	vunpack.c.0.s8.s32 v33  }
0x27: {  	v32 =	vunpack.c.0.s8.s32 v31;
	v47 =	vimm.s32 $0x134B033B;
	v57 =	vimm.s32 $0x6C245C14;
	[tilespmem:$0x1FB40] =	vst v58  }
0x28: {  	v48 =	vunpack.c.0.s8.s32 v47;
	v47 =	vimm.s32 $0x6E265E16;
	[tilespmem:$0x1FBD0] =	vst v0;
	v0 =	vunpack.c.0.s8.s32 v34  }
0x29: {  	v10 =	vmul.u32 $0x400, v37;
	[tilespmem:$0x1FB60] =	vst v61;
	v37 =	vimm.s32 $0xE0A0602;
	v58 =	vunpack.c.0.s8.s32 v57  }
0x2a: {  	v7 =	vadd.s32 $0xFFFFFFF0, v3;
	v8 =	vadd.s32 $0xFFFFFFFF, v3;
	[tilespmem:$0x1FBE0] =	vst v0;
	v0 =	vunpack.c.0.s8.s32 v37  }
0x2b: {  	[tilespmem:$0x1FB90] =	vst v28;
	v9 =	vadd.s32 $0xFFFFFFEF, v3;
	v3 =	vimm.s32 $0x79316921;
	v2 =	vunpack.c.0.s8.s32 v39  }
0x2c: {  	[tilespmem:$0x1FBC0] =	vst v32;
	v20 =	vunpack.c.0.s8.s32 v3;
	v3 =	vimm.s32 $0x8407830;
	v0 =	vand.u32 $0xFF, v0  }
0x2d: {  	[tilespmem:$0x1FC70] =	vst v48;
	v3 =	vunpack.c.0.s8.s32 v3;
	v2 =	vand.u32 $0xFF, v2;
	v0 =	vnsel vm8, $0x18E, v0  }
0x2e: {  	v35 =	vimm.s32 $0x732B631B;
	v48 =	vunpack.c.0.s8.s32 v47;
	[tilespmem:$0x1FCF0] =	vst v58;
	v0 =	vsel vm7, v2, v0  }
0x2f: {  	v36 =	vunpack.c.0.s8.s32 v35;
	[tilespmem:$0x1FB00] =	vst v3;
	v3 =	vimm.s32 $0x9417931;
	v0 =	vsel vm6, $0x102, v0  }
0x30: {  	v17 =	vunpack.c.0.s8.s32 v42;
	[tilespmem:$0x1FE20] =	vst v48;
	v54 =	vunpack.c.0.s8.s32 v3;
	v0 =	vsel vm4, $0x106, v0  }
0x31: {  	[tilespmem:$0x1FBF0] =	vst v36;
	v3 =	vimm.s32 $0x33B732B;
	v1 =	vunpack.c.0.s8.s32 v56;
	v0 =	vsel vm5, $0x10A, v0  }
0x32: {  	v53 =	vimm.s32 $0x5D154D05;
	v42 =	vunpack.c.0.s8.s32 v3;
	[tilespmem:$0x1FB10] =	vst v54;
	v0 =	vsel vm1, $0x10E, v0  }
0x33: {  	v49 =	vimm.s32 $0x387028;
	v54 =	vunpack.c.0.s8.s32 v53;
	[tilespmem:$0x1FB30] =	vst v1;
	v0 =	vsel vm2, $0x182, v0  }
0x34: {  	v51 =	vimm.s32 $0x1397129;
	v3 =	vimm.s32 $0x53D752D;
	[tilespmem:$0x1FC30] =	vst v42;
	v0 =	vsel vm0, $0x186, v0  }
0x35: {  	v52 =	vimm.s32 $0x5C144C04;
	v32 =	vunpack.c.0.s8.s32 v3;
	[tilespmem:$0x1FCC0] =	vst v54;
	v0 =	vsel vm3, $0x18A, v0  }
0x36: {  	v59 =	vimm.s32 $0x18500840;
	v11 =	vunpack.c.0.s8.s32 v38;
	[tilespmem:$0x1FCA0] =	vst v0;
	v0 =	vunpack.c.0.s8.s32 v52  }
0x37: {  	v13 =	vunpack.c.0.s8.s32 v40;
	v1 =	vunpack.c.0.s8.s32 v59;
	[tilespmem:$0x1FD60] =	vst v32;
	v55 =	vimm.s32 $0x641C540C  }
0x38: {  	v14 =	vunpack.c.0.s8.s32 v41;
	v38 =	vimm.s32 $0x7A326A22;
	[tilespmem:$0x1FCB0] =	vst v0;
	v0 =	vunpack.c.0.s8.s32 v55  }
0x39: {  	v16 =	vunpack.c.0.s8.s32 v43;
	v56 =	vimm.s32 $0x651D550D;
	[tilespmem:$0x1FB50] =	vst v1;
	v1 =	vunpack.c.0.s8.s32 v38  }
0x3a: {  	v18 =	vunpack.c.0.s8.s32 v46;
	v40 =	vimm.s32 $0x7B336B23;
	[tilespmem:$0x1FCD0] =	vst v0;
	v0 =	vunpack.c.0.s8.s32 v56  }
0x3b: {  	v22 =	vunpack.c.0.s8.s32 v49;
	v59 =	vimm.s32 $0x6D255D15;
	[tilespmem:$0x1FC00] =	vst v1;
	v1 =	vunpack.c.0.s8.s32 v40  }
0x3c: {  	v23 =	vunpack.c.0.s8.s32 v51;
	v41 =	vimm.s32 $0x23A722A;
	[tilespmem:$0x1FCE0] =	vst v0;
	v0 =	vunpack.c.0.s8.s32 v59  }
0x3d: {  	v43 =	vimm.s32 $0xA427A32;
	v60 =	vimm.s32 $0x742C641C;
	[tilespmem:$0x1FC10] =	vst v1;
	v1 =	vunpack.c.0.s8.s32 v41  }
0x3e: {  	v46 =	vimm.s32 $0x124A023A;
	v49 =	vimm.s32 $0x1A520A42;
	[tilespmem:$0x1FD00] =	vst v0;
	v0 =	vunpack.c.0.s8.s32 v60  }
0x3f: {  	v63 =	vimm.s32 $0xF0B0703;
	v44 =	vimm.s32 $0xB437B33;
	[tilespmem:$0x1FC20] =	vst v1;
	v1 =	vunpack.c.0.s8.s32 v43  }
0x40: {  	v45 =	vunpack.c.0.s8.s32 v44;
	v29 =	vimm.s32 $0x8F8B8783;
	[tilespmem:$0x1FD10] =	vst v0;
	v0 =	vunpack.c.0.s8.s32 v63  }
0x41: {  	v50 =	vimm.s32 $0x1B530B43;
	[tilespmem:$0x1FC40] =	vst v1;
	v1 =	vunpack.c.0.s8.s32 v46;
	v2 =	vunpack.c.0.s8.s32 v29  }
0x42: {  	[tilespmem:$0x1FC50] =	vst v45;
	v40 =	vimm.s32 $0x1D550D45;
	v51 =	vunpack.c.0.s8.s32 v50;
	v0 =	vand.u32 $0xFF, v0  }
0x43: {  	[tilespmem:$0x1FC60] =	vst v1;
	v1 =	vunpack.c.0.s8.s32 v49;
	v2 =	vand.u32 $0xFF, v2;
	v0 =	vnsel vm8, $0x18F, v0  }
0x44: {  	v28 =	vimm.s32 $0x7C346C24;
	v41 =	vunpack.c.0.s8.s32 v40;
	[tilespmem:$0x1FC90] =	vst v51;
	v0 =	vsel vm7, v2, v0  }
0x45: {  	v43 =	vimm.s32 $0x5F174F07;
	[tilespmem:$0x1FC80] =	vst v1;
	v1 =	vunpack.c.0.s8.s32 v28;
	v0 =	vsel vm6, $0x103, v0  }
0x46: {  	[tilespmem:$0x1FDC0] =	vst v41;
	v44 =	vunpack.c.0.s8.s32 v43;
	v30 =	vimm.s32 $0x7D356D25;
	v0 =	vsel vm4, $0x107, v0  }
0x47: {  	v61 =	vimm.s32 $0x752D651D;
	[tilespmem:$0x1FD30] =	vst v1;
	v1 =	vunpack.c.0.s8.s32 v30;
	v0 =	vsel vm5, $0x10B, v0  }
0x48: {  	v31 =	vimm.s32 $0x43C742C;
	[tilespmem:$0x1FDF0] =	vst v44;
	v62 =	vunpack.c.0.s8.s32 v61;
	v0 =	vsel vm1, $0x10F, v0  }
0x49: {  	[tilespmem:$0x1FD40] =	vst v1;
	v1 =	vunpack.c.0.s8.s32 v31;
	v0 =	vsel vm2, $0x183, v0  }
0x4a: {  	[tilespmem:$0x1FD20] =	vst v62;
	v33 =	vimm.s32 $0xC447C34;
	v0 =	vsel vm0, $0x187, v0  }
0x4b: {  	v42 =	vimm.s32 $0x5E164E06;
	[tilespmem:$0x1FD50] =	vst v1;
	v1 =	vunpack.c.0.s8.s32 v33;
	v0 =	vsel vm3, $0x18B, v0  }
0x4c: {  	v34 =	vimm.s32 $0xD457D35;
	[tilespmem:$0x1FDD0] =	vst v0;
	v0 =	vunpack.c.0.s8.s32 v42  }
0x4d: {  	v45 =	vimm.s32 $0x661E560E;
	v35 =	vunpack.c.0.s8.s32 v34;
	[tilespmem:$0x1FD70] =	vst v1  }
0x4e: {  	v36 =	vimm.s32 $0x144C043C;
	[tilespmem:$0x1FDE0] =	vst v0;
	v0 =	vunpack.c.0.s8.s32 v45  }
0x4f: {  	v46 =	vimm.s32 $0x671F570F;
	[tilespmem:$0x1FD80] =	vst v35;
	v1 =	vunpack.c.0.s8.s32 v36  }
0x50: {  	v37 =	vimm.s32 $0x154D053D;
	[tilespmem:$0x1FE00] =	vst v0;
	v0 =	vunpack.c.0.s8.s32 v46  }
0x51: {  	v49 =	vimm.s32 $0x6F275F17;
	v38 =	vunpack.c.0.s8.s32 v37;
	[tilespmem:$0x1FD90] =	vst v1  }
0x52: {  	v39 =	vimm.s32 $0x1C540C44;
	[tilespmem:$0x1FE10] =	vst v0;
	v0 =	vunpack.c.0.s8.s32 v49  }
0x53: {  	v50 =	vimm.s32 $0x762E661E;
	[tilespmem:$0x1FDA0] =	vst v38;
	v1 =	vunpack.c.0.s8.s32 v39  }
0x54: {  	v51 =	vimm.s32 $0x772F671F;
	[tilespmem:$0x1FE30] =	vst v0;
	v0 =	vunpack.c.0.s8.s32 v50  }
0x55: {  	v53 =	vimm.s32 $0x7E366E26;
	[tilespmem:$0x1FDB0] =	vst v1;
	v52 =	vunpack.c.0.s8.s32 v51  }
0x56: {  	v55 =	vimm.s32 $0x63E762E;
	[tilespmem:$0x1FE40] =	vst v0;
	v0 =	vunpack.c.0.s8.s32 v53  }
0x57: {  	v54 =	vimm.s32 $0x7F376F27;
	[tilespmem:$0x1FE50] =	vst v52;
	v56 =	vunpack.c.0.s8.s32 v55  }
0x58: {  	s3 =	rddreg [dreg:$0x0];
	[tilespmem:$0x1FE60] =	vst v0;
	v0 =	vunpack.c.0.s8.s32 v54  }
0x59: {  	s4 =	rddreg [dreg:$0x1];
	s2 =	simm.s32 $0x0;
	[tilespmem:$0x1FE80] =	vst v56  }
0x5a: {  	s1 =	srdreg.scid;
	[smem:$0x7FF] =	sst s2;
	[tilespmem:$0x1FE70] =	vst v0  }
0x5b: {  	s5 =	sand.u32 $0x1, s1;
	s1 =	rddreg [dreg:$0x2];
	_ =	strace $0x80000047;
	[tilespmem:$0x1FEA0] =	vst v4  }
0x5c: {  	[tilespmem:$0x1FEB0] =	vst v5  }
0x5d: {  	[tilespmem:$0x1FEC0] =	vst v10  }
0x5e: {  	[tilespmem:$0x1FED0] =	vst v11  }
0x5f: {  	[tilespmem:$0x1FEE0] =	vst v12  }
0x60: {  	[tilespmem:$0x1FEF0] =	vst v13  }
0x61: {  	[tilespmem:$0x1FF00] =	vst v14  }
0x62: {  	[tilespmem:$0x1FF10] =	vst v15  }
0x63: {  	[tilespmem:$0x1FF20] =	vst v16  }
0x64: {  	[tilespmem:$0x1FF30] =	vst v17  }
0x65: {  	[tilespmem:$0x1FF40] =	vst v18  }
0x66: {  	[tilespmem:$0x1FF50] =	vst v19  }
0x67: {  	[tilespmem:$0x1FF60] =	vst v20  }
0x68: {  	v58 =	vimm.s32 $0xE467E36;
	[tilespmem:$0x1FF70] =	vst v21  }
0x69: {  	v41 =	vunpack.c.0.s8.s32 v58;
	v59 =	vimm.s32 $0xF477F37;
	[tilespmem:$0x1FF80] =	vst v22  }
0x6a: {  	s0 =	stileid.u32;
	v60 =	vimm.s32 $0x164E063E;
	v42 =	vunpack.c.0.s8.s32 v59;
	[tilespmem:$0x1FF90] =	vst v23  }
0x6b: {  	s6 =	sshll.u32 s0, $0x1;
	v61 =	vimm.s32 $0x174F073F;
	v43 =	vunpack.c.0.s8.s32 v60;
	[tilespmem:$0x1FFA0] =	vst v41  }
0x6c: {  	s10 =	simm.s32 $0x0;
	s6 =	sor.u32 s5, s6;
	v62 =	vimm.s32 $0x1E560E46;
	v29 =	vunpack.c.0.s8.s32 v61;
	[tilespmem:$0x1FFB0] =	vst v42  }
0x6d: {  	s5 =	ssub.s32 $0x2, s5;
	s7 =	sshll.u32 s6, $0xD;
	s8 =	smul.u32 $0xC00, s6;
	v28 =	vunpack.c.0.s8.s32 v62;
	v63 =	vimm.s32 $0x1F570F47;
	[tilespmem:$0x1FFC0] =	vst v43  }
0x6e: {  	v57 =	vimm.s32 $0x73F772F;
	s31 =	sshrl.u32 s5, $0x1;
	s6 =	sshll.u32 s6, $0xA;
	s7 =	sadd.s32 s7, s4;
	v30 =	vunpack.c.0.s8.s32 v63;
	[tilespmem:$0x1FFD0] =	vst v29  }
0x6f: {  	s9 =	ssub.s32 s5, s31;
	s3 =	sadd.s32 s3, s6;
	s8 =	sadd.s32 s8, s4;
	v0 =	vunpack.c.0.s8.s32 v57;
	[tilespmem:$0x1FFE0] =	vst v28  }
0x70: {  	v26 =	vimm.f32 $1.736111120e-03;
	s4 =	sadd.s32 $0x19600, s7;
	s6 =	smax.u32 s9, $0x1;
	s7 =	simm.s32 $0x1;
	[tilespmem:$0x1FFF0] =	vst v30  }
0x71: {  	v25 =	vimm.f32 $0.0e+00;
	s9 =	simm.s32 $0x2000;
	s5 =	sadd.s32 $0x1600, s8;
	s8 =	simm.s32 $0x12000;
	[tilespmem:$0x1FE90] =	vst v0  }
.LBB2_1:
0x72: {  	[tilespmem:s2], [sflag:$0x1] =	stream.linear.gather [hbm4b:s3+s2], $0x2000, $0x38;
	[tilespmem:$0x18000] =	vst v63  }
0x73: {  	_ =	swait.ge [sflag:s7], $0x2000  }
0x74: {  	s11 =	simm.s32 $0xFFFF0000;
	s12 =	simm.s32 $0x0;
	[sflag:s7] =	ssyncset.done $0x0  }
0x75: {  	s13 =	simm.s32 $0x0;
	s14 =	simm.s32 $0x0;
	[sflag:s7] =	ssyncadd.s32 $0xFFFFE000  }
.LBB2_2:
0x76: {  	s15 =	sadd.s32 $0x10000, s11  }
0x77: {  	s16 =	sand.u32 $0x380, s14;
	s15 =	sand.u32 $0xE000, s15  }
0x78: {  	s15 =	sor.u32 s16, s15  }
0x79: {  	[tilespmem:s15+$0x2000] =	vst v25  }
0x7a: {  	[tilespmem:s15+$0x2010] =	vst v25  }
0x7b: {  	[tilespmem:s15+$0x2020] =	vst v25  }
0x7c: {  	[tilespmem:s15+$0x2030] =	vst v25  }
0x7d: {  	[tilespmem:s15+$0x2040] =	vst v25  }
0x7e: {  	[tilespmem:s15+$0x2050] =	vst v25  }
0x7f: {  	[tilespmem:s15+$0x2060] =	vst v25  }
0x80: {  	[tilespmem:s15+$0x2070] =	vst v25  }
0x81: {  	[tilespmem:s15+$0x2400] =	vst v25  }
0x82: {  	[tilespmem:s15+$0x2410] =	vst v25  }
0x83: {  	[tilespmem:s15+$0x2420] =	vst v25  }
0x84: {  	[tilespmem:s15+$0x2430] =	vst v25  }
0x85: {  	[tilespmem:s15+$0x2440] =	vst v25  }
0x86: {  	[tilespmem:s15+$0x2450] =	vst v25  }
0x87: {  	[tilespmem:s15+$0x2460] =	vst v25  }
0x88: {  	[tilespmem:s15+$0x2470] =	vst v25  }
0x89: {  	[tilespmem:s15+$0x2800] =	vst v25  }
0x8a: {  	[tilespmem:s15+$0x2810] =	vst v25  }
0x8b: {  	[tilespmem:s15+$0x2820] =	vst v25  }
0x8c: {  	[tilespmem:s15+$0x2830] =	vst v25  }
0x8d: {  	[tilespmem:s15+$0x2840] =	vst v25  }
0x8e: {  	[tilespmem:s15+$0x2850] =	vst v25  }
0x8f: {  	[tilespmem:s15+$0x2860] =	vst v25  }
0x90: {  	[tilespmem:s15+$0x2870] =	vst v25  }
0x91: {  	[tilespmem:s15+$0x2C00] =	vst v25  }
0x92: {  	[tilespmem:s15+$0x2C10] =	vst v25  }
0x93: {  	[tilespmem:s15+$0x2C20] =	vst v25  }
0x94: {  	[tilespmem:s15+$0x2C30] =	vst v25  }
0x95: {  	[tilespmem:s15+$0x2C40] =	vst v25  }
0x96: {  	[tilespmem:s15+$0x2C50] =	vst v25  }
0x97: {  	[tilespmem:s15+$0x2C60] =	vst v25  }
0x98: {  	[tilespmem:s15+$0x2C70] =	vst v25  }
0x99: {  	[tilespmem:s15+$0x3000] =	vst v25  }
0x9a: {  	[tilespmem:s15+$0x3010] =	vst v25  }
0x9b: {  	[tilespmem:s15+$0x3020] =	vst v25  }
0x9c: {  	[tilespmem:s15+$0x3030] =	vst v25  }
0x9d: {  	[tilespmem:s15+$0x3040] =	vst v25  }
0x9e: {  	[tilespmem:s15+$0x3050] =	vst v25  }
0x9f: {  	[tilespmem:s15+$0x3060] =	vst v25  }
0xa0: {  	[tilespmem:s15+$0x3070] =	vst v25  }
0xa1: {  	[tilespmem:s15+$0x3400] =	vst v25  }
0xa2: {  	[tilespmem:s15+$0x3410] =	vst v25  }
0xa3: {  	[tilespmem:s15+$0x3420] =	vst v25  }
0xa4: {  	[tilespmem:s15+$0x3430] =	vst v25  }
0xa5: {  	[tilespmem:s15+$0x3440] =	vst v25  }
0xa6: {  	[tilespmem:s15+$0x3450] =	vst v25  }
0xa7: {  	[tilespmem:s15+$0x3460] =	vst v25  }
0xa8: {  	[tilespmem:s15+$0x3470] =	vst v25  }
0xa9: {  	[tilespmem:s15+$0x3800] =	vst v25  }
0xaa: {  	[tilespmem:s15+$0x3810] =	vst v25  }
0xab: {  	[tilespmem:s15+$0x3820] =	vst v25  }
0xac: {  	[tilespmem:s15+$0x3830] =	vst v25  }
0xad: {  	s22 =	sand.u32 $0x7, s12;
	[tilespmem:s15+$0x3840] =	vst v25  }
0xae: {  	s16 =	sshll.u32 s22, $0x7;
	[tilespmem:s15+$0x3850] =	vst v25  }
0xaf: {  	s16 =	sadd.s32 s16, s13;
	[tilespmem:s15+$0x3860] =	vst v25  }
0xb0: {  	[tilespmem:s15+$0x3870] =	vst v25;
	s23 =	sor.u32 $0x1C00, s16  }
0xb1: {  	s24 =	sor.u32 $0x1C10, s16;
	[tilespmem:s23+$0x2000] =	vst v25  }
0xb2: {  	s25 =	sor.u32 $0x1C20, s16;
	[tilespmem:s24+$0x2000] =	vst v25  }
0xb3: {  	p0 =	sne.s32 s14, $0x1F80;
	s26 =	sor.u32 $0x1C30, s16;
	[tilespmem:s25+$0x2000] =	vst v25  }
.Ltmp0:
0xb4: {  	s28 =	sor.u32 $0x1C40, s16;
	[tilespmem:s26+$0x2000] =	vst v25;
	(pc) =	sbr.rel @p0 .LBB2_2-.Ltmp0, $4  }
0xb5: {  	s29 =	sor.u32 $0x1C50, s16;
	[tilespmem:s28+$0x2000] =	vst v25  }
0xb6: {  	s30 =	sor.u32 $0x1C60, s16;
	[tilespmem:s29+$0x2000] =	vst v25  }
0xb7: {  	s12 =	sadd.s32 $0x1, s12;
	s31 =	sor.u32 $0x1C70, s16;
	[tilespmem:s30+$0x2000] =	vst v25  }
0xb8: {  	s11 =	sadd.s32 $0x400, s11;
	s14 =	sadd.s32 $0x80, s14;
	s13 =	sadd.s32 $0x400, s13;
	[tilespmem:s31+$0x2000] =	vst v25  }
0xb9: {  	s11 =	simm.s32 $0x0;
	s12 =	simm.s32 $0x0  }
.LBB2_4:
0xba: {  	_ = 	snop  }
0xbb: {  	v0 =	vor.u32 s11, v5  }
0xbc: {  	v0 =	vand.u32 v4, v0;
	_ =	sdelay $0x4  }
0xbd: {  	v32 =	vld.idx.msk [tilespmem:v0+s2+$0x0], $0xffff  }
0xbe: {  	v1 =	vmov s12  }
0xbf: {  	v2 =	vshll.u32 v1, $0x7;
	v1 =	vshrl.u32 v1, $0x3  }
0xc0: {  	v3 =	vmul.u32 $0xC00, v1;
	v2 =	vor.u32 v12, v2  }
0xc1: {  	v27 =	vand.u32 $0x380, v2  }
0xc2: {  	v30 =	vor.u32 v27, v3;
	v0 =	vadd.s32 $0xFFFFFFEF, v32  }
0xc3: {  	v48 =	vimm.s32 $0x0;
	v29 =	vadd.s32 v10, v30;
	vm0 =	vgt.s32 v0, $0x0  }
0xc4: {  	v28 =	vshll.u32 v1, $0xD;
	v36 =	vor.u32 v11, v29;
	v0 =	vnsel vm0, $0x0, v0  }
0xc5: {  	v34 =	vor.u32 v15, v29;
	v42 =	vor.u32 v13, v29;
	v0 =	vmin.u32 v0, $0xE1  }
0xc6: {  	v41 =	vor.u32 v14, v29;
	v4 =	vshrl.u32 v0, $0x4;
	v0 =	vand.u32 $0xF, v0  }
0xc7: {  	vm13 =	vgt.s32 v32, $0x0;
	v55 =	vcvt.s32.f32 v4;
	v3 =	vcvt.s32.f32 v0  }
0xc8: {  	v56 =	vshll.u32 v0, $0x4;
	vm4 =	vne.s32 v4, $0x0;
	vm1 =	vne.s32 v0, $0x0  }
0xc9: {  	v2 =	vor.u32 v4, v56;
	vm10 =	vmand vm4, vm1;
	v35 =	vmul.f32 $6.250000000e-02, v55  }
0xca: {  	v33 =	vmul.f32 $6.250000000e-02, v3;
	v3 =	vshll.u32 v0, $0x7;
	v4 =	vand.u32 $0x7F, v2  }
0xcb: {  	v60 =	vadd.s32 v8, v2;
	v57 =	vor.u32 v6, v3;
	v3 =	vadd.s32 v7, v2  }
0xcc: {  	v61 =	vshll.u32 v60, $0x3;
	v2 =	vadd.s32 v9, v2;
	v0 =	vand.u32 $0x1C00, v57  }
0xcd: {  	v5 =	vshll.u32 v3, $0x3;
	v3 =	vand.u32 $0x7F, v3;
	v0 =	vor.u32 v0, v4  }
0xce: {  	v62 =	vshll.u32 v2, $0x3;
	v58 =	vand.u32 $0xFFFFFC00, v5;
	v0 =	vor.u32 v28, v0  }
0xcf: {  	v2 =	vand.u32 $0x7F, v2;
	v1 =	vadd.s32 v28, v58;
	v38 =	vor.u32 v27, v0  }
0xd0: {  	v59 =	vor.u32 v3, v1;
	v3 =	vadd.s32 $0xFFFFFFF0, v32;
	v0 =	vand.u32 $0xFFFFFC00, v61  }
0xd1: {  	v1 =	vand.u32 $0x7F, v60;
	vm9 =	vgt.s32 v3, $0x0;
	v0 =	vadd.s32 v28, v0  }
0xd2: {  	v3 =	vnsel vm9, $0x0, v3;
	v0 =	vor.u32 v1, v0;
	v1 =	vand.u32 $0xFFFFFC00, v62  }
0xd3: {  	v37 =	vor.u32 v27, v59;
	v3 =	vmin.u32 v3, $0xE1;
	v1 =	vadd.s32 v28, v1  }
0xd4: {  	v43 =	vor.u32 v27, v0;
	v4 =	vshrl.u32 v3, $0x4;
	v3 =	vand.u32 $0xF, v3  }
0xd5: {  	v63 =	vor.u32 v2, v1;
	v2 =	vsel vm10, $0xFFFFFFFF, v48;
	v5 =	vcvt.s32.f32 v4  }
0xd6: {  	v31 =	vcvt.s32.f32 v3;
	v44 =	vor.u32 v27, v63;
	v49 =	vshll.u32 v3, $0x4  }
0xd7: {  	v50 =	vshll.u32 v3, $0x7;
	vm2 =	vne.s32 v4, $0x0;
	vm3 =	vne.s32 v3, $0x0  }
0xd8: {  	v0 =	vor.u32 v4, v49;
	v1 =	vor.u32 v6, v50;
	v50 =	vor.u32 v17, v29  }
0xd9: {  	v49 =	vor.u32 v16, v29;
	v40 =	vmul.f32 $6.250000000e-02, v5;
	v39 =	vmul.f32 $6.250000000e-02, v31  }
0xda: {  	v51 =	vadd.s32 v7, v0;
	v4 =	vand.u32 $0x7F, v0;
	v1 =	vand.u32 $0x1C00, v1  }
0xdb: {  	v53 =	vadd.s32 v8, v0;
	v0 =	vadd.s32 v9, v0;
	v5 =	vshll.u32 v51, $0x3  }
0xdc: {  	[tilespmem:$0x1FAB0] =	vst v2;
	v1 =	vor.u32 v1, v4;
	v2 =	vand.u32 $0x7F, v51;
	v54 =	vshll.u32 v53, $0x3  }
0xdd: {  	v55 =	vshll.u32 v0, $0x3;
	v3 =	vand.u32 $0xFFFFFC00, v5;
	v1 =	vor.u32 v28, v1  }
0xde: {  	v0 =	vand.u32 $0x7F, v0;
	v3 =	vadd.s32 v28, v3;
	v46 =	vor.u32 v27, v1  }
0xdf: {  	v1 =	vand.u32 $0xFFFFFC00, v54;
	v52 =	vor.u32 v2, v3;
	v3 =	vadd.s32 $0xFFFFFFF1, v32  }
0xe0: {  	v2 =	vand.u32 $0x7F, v53;
	v1 =	vadd.s32 v28, v1;
	vm11 =	vgt.s32 v3, $0x0  }
0xe1: {  	v1 =	vor.u32 v2, v1;
	v2 =	vand.u32 $0xFFFFFC00, v55;
	v3 =	vnsel vm11, $0x0, v3  }
0xe2: {  	v45 =	vor.u32 v27, v52;
	v2 =	vadd.s32 v28, v2;
	v3 =	vmin.u32 v3, $0xE1  }
0xe3: {  	v51 =	vor.u32 v27, v1;
	v0 =	vor.u32 v0, v2;
	v4 =	vshrl.u32 v3, $0x4  }
0xe4: {  	v3 =	vand.u32 $0xF, v3;
	v52 =	vor.u32 v27, v0;
	v5 =	vcvt.s32.f32 v4  }
0xe5: {  	v56 =	vcvt.s32.f32 v3;
	v57 =	vshll.u32 v3, $0x4;
	v58 =	vshll.u32 v3, $0x7  }
0xe6: {  	vm5 =	vne.s32 v4, $0x0;
	vm6 =	vne.s32 v3, $0x0;
	v0 =	vor.u32 v4, v57  }
0xe7: {  	v1 =	vor.u32 v6, v58;
	v48 =	vmul.f32 $6.250000000e-02, v5;
	v47 =	vmul.f32 $6.250000000e-02, v56  }
0xe8: {  	v59 =	vadd.s32 v7, v0;
	v4 =	vand.u32 $0x7F, v0;
	v1 =	vand.u32 $0x1C00, v1  }
0xe9: {  	v61 =	vadd.s32 v8, v0;
	v0 =	vadd.s32 v9, v0;
	v5 =	vshll.u32 v59, $0x3  }
0xea: {  	v1 =	vor.u32 v1, v4;
	v2 =	vand.u32 $0x7F, v59;
	v62 =	vshll.u32 v61, $0x3  }
0xeb: {  	v63 =	vshll.u32 v0, $0x3;
	v3 =	vand.u32 $0xFFFFFC00, v5;
	v1 =	vor.u32 v28, v1  }
0xec: {  	v0 =	vand.u32 $0x7F, v0;
	v3 =	vadd.s32 v28, v3;
	v54 =	vor.u32 v27, v1  }
0xed: {  	v1 =	vand.u32 $0xFFFFFC00, v62;
	v60 =	vor.u32 v2, v3;
	v3 =	vadd.s32 $0xFFFFFFFF, v32  }
0xee: {  	v2 =	vand.u32 $0x7F, v61;
	v1 =	vadd.s32 v28, v1;
	vm12 =	vgt.s32 v3, $0x0  }
0xef: {  	v1 =	vor.u32 v2, v1;
	v2 =	vand.u32 $0xFFFFFC00, v63;
	v3 =	vnsel vm12, $0x0, v3  }
0xf0: {  	v53 =	vor.u32 v27, v60;
	v2 =	vadd.s32 v28, v2;
	v3 =	vmin.u32 v3, $0xE1  }
0xf1: {  	v59 =	vor.u32 v27, v1;
	v0 =	vor.u32 v0, v2;
	v4 =	vshrl.u32 v3, $0x4  }
0xf2: {  	v3 =	vand.u32 $0xF, v3;
	v60 =	vor.u32 v27, v0;
	v5 =	vcvt.s32.f32 v4  }
0xf3: {  	v31 =	vcvt.s32.f32 v3;
	v63 =	vshll.u32 v3, $0x4;
	vm8 =	vne.s32 v4, $0x0  }
0xf4: {  	vm9 =	vne.s32 v3, $0x0;
	v1 =	vor.u32 v4, v63;
	v56 =	vmul.f32 $6.250000000e-02, v5  }
0xf5: {  	v55 =	vmul.f32 $6.250000000e-02, v31;
	v31 =	vshll.u32 v3, $0x7;
	v61 =	vadd.s32 v7, v1  }
0xf6: {  	v4 =	vand.u32 $0x7F, v1;
	v0 =	vor.u32 v6, v31;
	v5 =	vshll.u32 v61, $0x3  }
0xf7: {  	v2 =	vand.u32 $0x7F, v61;
	v0 =	vand.u32 $0x1C00, v0;
	v3 =	vand.u32 $0xFFFFFC00, v5  }
0xf8: {  	v0 =	vor.u32 v0, v4;
	v3 =	vadd.s32 v28, v3;
	v4 =	vadd.s32 v8, v1  }
0xf9: {  	v58 =	vor.u32 v18, v29;
	v2 =	vor.u32 v2, v3;
	v3 =	vshll.u32 v4, $0x3  }
0xfa: {  	v57 =	vor.u32 v19, v29;
	v1 =	vadd.s32 v9, v1;
	v62 =	vand.u32 $0xFFFFFC00, v3  }
0xfb: {  	v61 =	vor.u32 v27, v2;
	v3 =	vand.u32 $0x7F, v4;
	v2 =	vadd.s32 v28, v62  }
0xfc: {  	v63 =	vshll.u32 v1, $0x3;
	v2 =	vor.u32 v3, v2;
	v3 =	vnsel vm13, $0x0, v32  }
0xfd: {  	v62 =	vor.u32 v27, v2;
	v3 =	vmin.u32 v3, $0xE1;
	v2 =	vand.u32 $0xFFFFFC00, v63  }
0xfe: {  	v1 =	vand.u32 $0x7F, v1;
	v5 =	vshrl.u32 v3, $0x4;
	v2 =	vadd.s32 v28, v2  }
0xff: {  	v10 =	vand.u32 $0xF, v3;
	v3 =	vcvt.s32.f32 v5;
	v1 =	vor.u32 v1, v2  }
0x100: {  	v31 =	vcvt.s32.f32 v10;
	v11 =	vshll.u32 v10, $0x4;
	v2 =	vor.u32 v20, v29  }
0x101: {  	v12 =	vshll.u32 v10, $0x7;
	vm11 =	vne.s32 v5, $0x0;
	vm13 =	vne.s32 v10, $0x0  }
0x102: {  	v4 =	vor.u32 v27, v1;
	v11 =	vor.u32 v5, v11;
	v5 =	vor.u32 v6, v12  }
0x103: {  	v1 =	vmul.f32 $6.250000000e-02, v31;
	v13 =	vadd.s32 v7, v11;
	v14 =	vand.u32 $0x7F, v11  }
0x104: {  	v5 =	vand.u32 $0x1C00, v5;
	v31 =	vadd.s32 v21, v30;
	v21 =	vadd.s32 $0xF, v32  }
0x105: {  	v12 =	vshll.u32 v13, $0x3;
	v5 =	vor.u32 v5, v14;
	v13 =	vand.u32 $0x7F, v13  }
0x106: {  	v14 =	vadd.s32 $0x1, v32;
	vm15 =	vgt.s32 v21, $0x0;
	v12 =	vand.u32 $0xFFFFFC00, v12  }
0x107: {  	v5 =	vor.u32 v28, v5;
	vm14 =	vgt.s32 v14, $0x0;
	v12 =	vadd.s32 v28, v12  }
0x108: {  	v21 =	vnsel vm15, $0x0, v21;
	v14 =	vnsel vm14, $0x0, v14;
	v12 =	vor.u32 v13, v12  }
0x109: {  	v10 =	vor.u32 v27, v5;
	v14 =	vmin.u32 v14, $0xE1;
	v5 =	vor.u32 v27, v12  }
0x10a: {  	v12 =	vadd.s32 v8, v11;
	v11 =	vadd.s32 v9, v11;
	v17 =	vshrl.u32 v14, $0x4  }
0x10b: {  	v18 =	vand.u32 $0xF, v14;
	v13 =	vand.u32 $0x7F, v12;
	v12 =	vshll.u32 v12, $0x3  }
0x10c: {  	v15 =	vshll.u32 v11, $0x3;
	v11 =	vand.u32 $0x7F, v11;
	v12 =	vand.u32 $0xFFFFFC00, v12  }
0x10d: {  	v14 =	vcvt.s32.f32 v18;
	v16 =	vshll.u32 v18, $0x4;
	v12 =	vadd.s32 v28, v12  }
0x10e: {  	v19 =	vshll.u32 v18, $0x7;
	v12 =	vor.u32 v13, v12;
	v13 =	vand.u32 $0xFFFFFC00, v15  }
0x10f: {  	vm15 =	vne.s32 v17, $0x0;
	v20 =	vor.u32 v17, v16;
	v13 =	vadd.s32 v28, v13  }
0x110: {  	v16 =	vor.u32 v6, v19;
	v15 =	vcvt.s32.f32 v17;
	v11 =	vor.u32 v11, v13  }
0x111: {  	v19 =	vand.u32 $0x7F, v20;
	v16 =	vand.u32 $0x1C00, v16;
	v13 =	vor.u32 v27, v11  }
0x112: {  	v11 =	vmul.f32 $6.250000000e-02, v15;
	v15 =	vor.u32 v22, v31;
	v22 =	vadd.s32 v7, v20  }
0x113: {  	v19 =	vor.u32 v16, v19;
	v16 =	vor.u32 v23, v31;
	v23 =	vshll.u32 v22, $0x3  }
0x114: {  	vm0 =	vne.s32 v18, $0x0;
	v17 =	vor.u32 v28, v19;
	v19 =	vand.u32 $0xFFFFFC00, v23  }
0x115: {  	v22 =	vand.u32 $0x7F, v22;
	v23 =	vadd.s32 v8, v20;
	v19 =	vadd.s32 v28, v19  }
0x116: {  	v18 =	vand.u32 $0x7F, v23;
	v19 =	vor.u32 v22, v19;
	v22 =	vshll.u32 v23, $0x3;
	v23 =	vld [tilespmem:$0x1FAB0]  }
0x117: {  	[tilespmem:v36+s8+$0x0] =	vst.idx.msk $0xffff, v35  }
0x118: {  	[tilespmem:v34+s8+$0x0] =	vst.idx.msk $0xffff, v33  }
0x119: {  	[tilespmem:v38+s9+$0x0] =	vst.idx.add.f32.msk $0xffff, v26  }
0x11a: {  	[tilespmem:v37+s9+$0x0] =	vst.idx.add.f32.msk vm1, v26  }
0x11b: {  	[tilespmem:v43+s9+$0x0] =	vst.idx.add.f32.msk vm4, v26;
	vm4 =	vnez.u8 v23;
	_ =	sdelay $0x2  }
0x11c: {  	vm7 =	vmand vm2, vm3;
	vm10 =	vmand vm5, vm6;
	v0 =	vor.u32 v28, v0  }
0x11d: {  	vm12 =	vmand vm8, vm9;
	v0 =	vor.u32 v27, v0;
	v63 =	vmul.f32 $6.250000000e-02, v3  }
0x11e: {  	v3 =	vor.u32 v24, v29;
	vm14 =	vmand vm11, vm13;
	v21 =	vmin.u32 v21, $0xE1  }
0x11f: {  	v12 =	vor.u32 v27, v12;
	v17 =	vor.u32 v27, v17;
	v22 =	vand.u32 $0xFFFFFC00, v22;
	[tilespmem:v44+s9+$0x0] =	vst.idx.add.f32.msk vm4, v26  }
0x120: {  	v14 =	vmul.f32 $6.250000000e-02, v14;
	v20 =	vadd.s32 v9, v20;
	v22 =	vadd.s32 v28, v22;
	[tilespmem:v42+s8+$0x0] =	vst.idx.msk $0xffff, v40  }
0x121: {  	v19 =	vor.u32 v27, v19;
	v18 =	vor.u32 v18, v22;
	v22 =	vshll.u32 v20, $0x3;
	v44 =	vld [tilespmem:$0x1FB00];
	[tilespmem:v41+s8+$0x0] =	vst.idx.msk $0xffff, v39  }
0x122: {  	v20 =	vand.u32 $0x7F, v20;
	v22 =	vand.u32 $0xFFFFFC00, v22;
	v23 =	vshrl.u32 v21, $0x4;
	[tilespmem:v46+s9+$0x0] =	vst.idx.add.f32.msk $0xffff, v26  }
0x123: {  	v22 =	vadd.s32 v28, v22;
	v21 =	vand.u32 $0xF, v21;
	v43 =	vcvt.s32.f32 v23;
	[tilespmem:v45+s9+$0x0] =	vst.idx.add.f32.msk vm3, v26  }
0x124: {  	v18 =	vor.u32 v27, v18;
	v20 =	vor.u32 v20, v22;
	v22 =	vcvt.s32.f32 v21;
	[tilespmem:v51+s9+$0x0] =	vst.idx.add.f32.msk vm2, v26  }
0x125: {  	vm1 =	vne.s32 v23, $0x0;
	v20 =	vor.u32 v27, v20;
	v33 =	vmul.f32 $6.250000000e-02, v43;
	[tilespmem:v52+s9+$0x0] =	vst.idx.add.f32.msk vm7, v26  }
0x126: {  	v22 =	vmul.f32 $6.250000000e-02, v22;
	vm4 =	vmand vm15, vm0;
	v46 =	vld [tilespmem:$0x1FB10];
	v45 =	vshll.u32 v21, $0x4;
	[tilespmem:v50+s8+$0x0] =	vst.idx.msk $0xffff, v48  }
0x127: {  	v34 =	vor.u32 v44, v31;
	v35 =	vor.u32 v23, v45;
	v51 =	vshll.u32 v21, $0x7;
	[tilespmem:v49+s8+$0x0] =	vst.idx.msk $0xffff, v47  }
0x128: {  	vm2 =	vne.s32 v21, $0x0;
	v23 =	vor.u32 v6, v51;
	v52 =	vadd.s32 v7, v35;
	[tilespmem:v54+s9+$0x0] =	vst.idx.add.f32.msk $0xffff, v26  }
0x129: {  	v42 =	vand.u32 $0x7F, v35;
	v44 =	vadd.s32 v8, v35;
	v35 =	vadd.s32 v9, v35;
	[tilespmem:v53+s9+$0x0] =	vst.idx.add.f32.msk vm6, v26  }
0x12a: {  	v23 =	vand.u32 $0x1C00, v23;
	v43 =	vshll.u32 v52, $0x3;
	v37 =	vand.u32 $0x7F, v52;
	[tilespmem:v59+s9+$0x0] =	vst.idx.add.f32.msk vm5, v26  }
0x12b: {  	v45 =	vshll.u32 v44, $0x3;
	v38 =	vand.u32 $0x7F, v44;
	v36 =	vor.u32 v46, v31;
	[tilespmem:v60+s9+$0x0] =	vst.idx.add.f32.msk vm10, v26  }
0x12c: {  	v21 =	vor.u32 v23, v42;
	v23 =	vand.u32 $0xFFFFFC00, v43;
	v46 =	vadd.s32 $0x10, v32;
	[tilespmem:v58+s8+$0x0] =	vst.idx.msk $0xffff, v56  }
0x12d: {  	v52 =	vld [tilespmem:$0x1FB30];
	v47 =	vshll.u32 v35, $0x3;
	v35 =	vand.u32 $0x7F, v35;
	v23 =	vadd.s32 v28, v23;
	[tilespmem:v57+s8+$0x0] =	vst.idx.msk $0xffff, v55  }
0x12e: {  	v21 =	vor.u32 v28, v21;
	vm7 =	vgt.s32 v46, $0x0;
	v48 =	vand.u32 $0xFFFFFC00, v47;
	[tilespmem:v0+s9+$0x0] =	vst.idx.add.f32.msk $0xffff, v26  }
0x12f: {  	v23 =	vor.u32 v37, v23;
	v37 =	vand.u32 $0xFFFFFC00, v45;
	v39 =	vnsel vm7, $0x0, v46;
	[tilespmem:v61+s9+$0x0] =	vst.idx.add.f32.msk vm9, v26  }
0x130: {  	v21 =	vor.u32 v27, v21;
	v37 =	vadd.s32 v28, v37;
	v49 =	vmin.u32 v39, $0xE1;
	[tilespmem:v62+s9+$0x0] =	vst.idx.add.f32.msk vm8, v26  }
0x131: {  	v23 =	vor.u32 v27, v23;
	v37 =	vor.u32 v38, v37;
	v50 =	vand.u32 $0xF, v49;
	[tilespmem:v4+s9+$0x0] =	vst.idx.add.f32.msk vm12, v26  }
0x132: {  	v39 =	vshrl.u32 v49, $0x4;
	v37 =	vor.u32 v27, v37;
	v53 =	vshll.u32 v50, $0x4;
	v4 =	vld [tilespmem:$0x1FB20];
	[tilespmem:v3+s8+$0x0] =	vst.idx.msk $0xffff, v63  }
0x133: {  	vm10 =	vmand vm1, vm2;
	v56 =	vld [tilespmem:$0x1FB40];
	v55 =	vor.u32 v39, v53;
	v0 =	vadd.s32 v28, v48;
	[tilespmem:v2+s8+$0x0] =	vst.idx.msk $0xffff, v1  }
0x134: {  	v51 =	vcvt.s32.f32 v39;
	v57 =	vadd.s32 v7, v55;
	v0 =	vor.u32 v35, v0;
	[tilespmem:v10+s9+$0x0] =	vst.idx.add.f32.msk $0xffff, v26  }
0x135: {  	v58 =	vshll.u32 v57, $0x3;
	v0 =	vor.u32 v27, v0;
	vm12 =	vne.s32 v39, $0x0;
	[tilespmem:v5+s9+$0x0] =	vst.idx.add.f32.msk vm13, v26  }
0x136: {  	v3 =	vmul.f32 $6.250000000e-02, v51;
	v2 =	vadd.s32 v9, v55;
	v10 =	vand.u32 $0x7F, v55;
	[tilespmem:v12+s9+$0x0] =	vst.idx.add.f32.msk vm11, v26  }
0x137: {  	v5 =	vand.u32 $0xFFFFFC00, v58;
	v30 =	vadd.s32 v4, v30;
	v4 =	vcvt.s32.f32 v50;
	[tilespmem:v13+s9+$0x0] =	vst.idx.add.f32.msk vm14, v26  }
0x138: {  	vm13 =	vne.s32 v50, $0x0;
	v5 =	vadd.s32 v28, v5;
	v38 =	vor.u32 v52, v30;
	[tilespmem:v15+s8+$0x0] =	vst.idx.msk $0xffff, v11  }
0x139: {  	v40 =	vor.u32 v56, v30;
	v54 =	vmul.f32 $6.250000000e-02, v4;
	v4 =	vshll.u32 v50, $0x7;
	[tilespmem:v16+s8+$0x0] =	vst.idx.msk $0xffff, v14  }
0x13a: {  	v13 =	vshll.u32 v2, $0x3;
	v11 =	vadd.s32 $0x11, v32;
	v4 =	vor.u32 v6, v4;
	[tilespmem:v17+s9+$0x0] =	vst.idx.add.f32.msk $0xffff, v26  }
0x13b: {  	v2 =	vand.u32 $0x7F, v2;
	vm14 =	vgt.s32 v11, $0x0;
	v4 =	vand.u32 $0x1C00, v4;
	v17 =	vld [tilespmem:$0x1FB50]  }
0x13c: {  	v11 =	vnsel vm14, $0x0, v11;
	v4 =	vor.u32 v4, v10;
	v10 =	vand.u32 $0x7F, v57  }
0x13d: {  	v11 =	vmin.u32 v11, $0xE1;
	v5 =	vor.u32 v10, v5;
	v10 =	vadd.s32 v8, v55  }
0x13e: {  	[tilespmem:v19+s9+$0x0] =	vst.idx.add.f32.msk vm0, v26;
	v4 =	vor.u32 v28, v4;
	v12 =	vand.u32 $0x7F, v10;
	v10 =	vshll.u32 v10, $0x3  }
0x13f: {  	[tilespmem:v18+s9+$0x0] =	vst.idx.add.f32.msk vm15, v26;
	vm15 =	vmand vm12, vm13;
	v4 =	vor.u32 v27, v4;
	v10 =	vand.u32 $0xFFFFFC00, v10  }
0x140: {  	v5 =	vor.u32 v27, v5;
	v10 =	vadd.s32 v28, v10;
	v17 =	vor.u32 v17, v30  }
0x141: {  	[tilespmem:v20+s9+$0x0] =	vst.idx.add.f32.msk vm4, v26;
	v10 =	vor.u32 v12, v10;
	v12 =	vand.u32 $0xFFFFFC00, v13;
	v13 =	vshrl.u32 v11, $0x4  }
0x142: {  	[tilespmem:v34+s8+$0x0] =	vst.idx.msk $0xffff, v33;
	v11 =	vand.u32 $0xF, v11;
	v12 =	vadd.s32 v28, v12;
	v14 =	vcvt.s32.f32 v13  }
0x143: {  	[tilespmem:v36+s8+$0x0] =	vst.idx.msk $0xffff, v22;
	v10 =	vor.u32 v27, v10;
	v15 =	vshll.u32 v11, $0x4;
	v16 =	vshll.u32 v11, $0x7  }
0x144: {  	[tilespmem:v21+s9+$0x0] =	vst.idx.add.f32.msk $0xffff, v26;
	vm4 =	vne.s32 v13, $0x0;
	v15 =	vor.u32 v13, v15;
	v16 =	vor.u32 v6, v16  }
0x145: {  	[tilespmem:v23+s9+$0x0] =	vst.idx.add.f32.msk vm2, v26;
	v2 =	vor.u32 v2, v12;
	v18 =	vand.u32 $0x7F, v15;
	v16 =	vand.u32 $0x1C00, v16  }
0x146: {  	vm7 =	vne.s32 v11, $0x0;
	[tilespmem:v37+s9+$0x0] =	vst.idx.add.f32.msk vm1, v26;
	v16 =	vor.u32 v16, v18;
	v18 =	vadd.s32 v7, v15  }
0x147: {  	v12 =	vmul.f32 $6.250000000e-02, v14;
	[tilespmem:v0+s9+$0x0] =	vst.idx.add.f32.msk vm10, v26;
	v13 =	vor.u32 v28, v16;
	v16 =	vshll.u32 v18, $0x3  }
0x148: {  	v14 =	vcvt.s32.f32 v11;
	[tilespmem:v38+s8+$0x0] =	vst.idx.msk $0xffff, v3;
	v3 =	vand.u32 $0x7F, v18;
	v11 =	vand.u32 $0xFFFFFC00, v16  }
0x149: {  	v19 =	vld [tilespmem:$0x1FB60];
	v59 =	vor.u32 v27, v13;
	v13 =	vadd.s32 v8, v15;
	v11 =	vadd.s32 v28, v11  }
0x14a: {  	[tilespmem:v40+s8+$0x0] =	vst.idx.msk $0xffff, v54;
	v60 =	vor.u32 v3, v11;
	v3 =	vshll.u32 v13, $0x3;
	v11 =	vadd.s32 v9, v15  }
0x14b: {  	v2 =	vor.u32 v27, v2;
	[tilespmem:v4+s9+$0x0] =	vst.idx.add.f32.msk $0xffff, v26;
	v3 =	vand.u32 $0xFFFFFC00, v3;
	v4 =	vshll.u32 v11, $0x3  }
0x14c: {  	[tilespmem:v5+s9+$0x0] =	vst.idx.add.f32.msk vm13, v26;
	v5 =	vand.u32 $0x7F, v13;
	v3 =	vadd.s32 v28, v3;
	v4 =	vand.u32 $0xFFFFFC00, v4  }
0x14d: {  	v3 =	vor.u32 v5, v3;
	v5 =	vand.u32 $0x7F, v11;
	v4 =	vadd.s32 v28, v4  }
0x14e: {  	v19 =	vor.u32 v19, v30;
	v61 =	vor.u32 v27, v3;
	v3 =	vor.u32 v5, v4;
	v4 =	vld [tilespmem:$0x1FB70];
	_ =	sdelay $0x1  }
0x14f: {  	[tilespmem:v10+s9+$0x0] =	vst.idx.add.f32.msk vm12, v26;
	v1 =	vor.u32 v27, v60  }
0x150: {  	vm8 =	vmand vm4, vm7;
	v14 =	vmul.f32 $6.250000000e-02, v14;
	[tilespmem:v2+s9+$0x0] =	vst.idx.add.f32.msk vm15, v26  }
0x151: {  	[tilespmem:v17+s8+$0x0] =	vst.idx.msk $0xffff, v12;
	v3 =	vor.u32 v27, v3  }
0x152: {  	[tilespmem:v19+s8+$0x0] =	vst.idx.msk $0xffff, v14;
	v4 =	vor.u32 s11, v4  }
0x153: {  	[tilespmem:v59+s9+$0x0] =	vst.idx.add.f32.msk $0xffff, v26  }
0x154: {  	[tilespmem:v1+s9+$0x0] =	vst.idx.add.f32.msk vm7, v26  }
0x155: {  	[tilespmem:v61+s9+$0x0] =	vst.idx.add.f32.msk vm4, v26  }
0x156: {  	[tilespmem:v3+s9+$0x0] =	vst.idx.add.f32.msk vm8, v26  }
0x157: {  	v32 =	vld.idx.msk [tilespmem:v4+s2+$0x0], $0xffff;
	_ =	sdelay $0x1  }
0x158: {  	v40 =	vld [tilespmem:$0x1FB80]  }
0x159: {  	v4 =	vld [tilespmem:$0x1FB90];
	_ =	sdelay $0x1  }
0x15a: {  	v62 =	vadd.s32 $0xFFFFFFEF, v32  }
0x15b: {  	vm9 =	vgt.s32 v62, $0x0  }
0x15c: {  	v35 =	vor.u32 v40, v29;
	v0 =	vnsel vm9, $0x0, v62  }
0x15d: {  	v36 =	vor.u32 v4, v29;
	v48 =	vadd.s32 $0xFFFFFFF0, v32;
	v0 =	vmin.u32 v0, $0xE1  }
0x15e: {  	v59 =	vadd.s32 $0xFFFFFFF1, v32;
	v63 =	vshrl.u32 v0, $0x4;
	v0 =	vand.u32 $0xF, v0  }
0x15f: {  	vm10 =	vgt.s32 v48, $0x0;
	vm12 =	vgt.s32 v59, $0x0;
	v3 =	vcvt.s32.f32 v0  }
0x160: {  	v39 =	vcvt.s32.f32 v63;
	v41 =	vshll.u32 v0, $0x4;
	vm3 =	vne.s32 v63, $0x0  }
0x161: {  	vm1 =	vne.s32 v0, $0x0;
	v33 =	vmul.f32 $6.250000000e-02, v3;
	v3 =	vshll.u32 v0, $0x7  }
0x162: {  	v2 =	vor.u32 v63, v41;
	vm11 =	vmand vm3, vm1;
	v3 =	vor.u32 v6, v3  }
0x163: {  	v4 =	vand.u32 $0x7F, v2;
	v5 =	vadd.s32 v7, v2;
	v3 =	vand.u32 $0x1C00, v3  }
0x164: {  	v34 =	vmul.f32 $6.250000000e-02, v39;
	v42 =	vor.u32 v3, v4;
	v3 =	vshll.u32 v5, $0x3  }
0x165: {  	v4 =	vadd.s32 v8, v2;
	v2 =	vadd.s32 v9, v2;
	v43 =	vor.u32 v28, v42  }
0x166: {  	v51 =	vld [tilespmem:$0x1FBA0];
	v44 =	vand.u32 $0xFFFFFC00, v3;
	v3 =	vand.u32 $0x7F, v5;
	v46 =	vshll.u32 v4, $0x3  }
0x167: {  	v49 =	vshll.u32 v2, $0x3;
	v2 =	vand.u32 $0x7F, v2;
	v1 =	vadd.s32 v28, v44  }
0x168: {  	v47 =	vand.u32 $0xFFFFFC00, v46;
	v45 =	vor.u32 v3, v1;
	v1 =	vnsel vm10, $0x0, v48  }
0x169: {  	v3 =	vand.u32 $0x7F, v4;
	v0 =	vadd.s32 v28, v47;
	v1 =	vmin.u32 v1, $0xE1  }
0x16a: {  	v5 =	vimm.s32 $0x0;
	v0 =	vor.u32 v3, v0;
	v3 =	vshrl.u32 v1, $0x4  }
0x16b: {  	v42 =	vor.u32 v51, v29;
	v38 =	vor.u32 v27, v43;
	v4 =	vcvt.s32.f32 v3  }
0x16c: {  	v5 =	vsel vm11, $0xFFFFFFFF, v5;
	v37 =	vor.u32 v27, v45;
	v39 =	vor.u32 v27, v0  }
0x16d: {  	v0 =	vand.u32 $0xFFFFFC00, v49;
	v1 =	vand.u32 $0xF, v1;
	v41 =	vmul.f32 $6.250000000e-02, v4;
	v4 =	vld [tilespmem:$0x1FBB0]  }
0x16e: {  	v0 =	vadd.s32 v28, v0;
	v50 =	vcvt.s32.f32 v1;
	v52 =	vshll.u32 v1, $0x4  }
0x16f: {  	v53 =	vshll.u32 v1, $0x7;
	vm2 =	vne.s32 v3, $0x0;
	v0 =	vor.u32 v2, v0  }
0x170: {  	v2 =	vor.u32 v6, v53;
	v44 =	vor.u32 v27, v0;
	v0 =	vor.u32 v3, v52  }
0x171: {  	[tilespmem:$0x1FAC0] =	vst v5;
	vm4 =	vne.s32 v1, $0x0;
	v2 =	vand.u32 $0x1C00, v2;
	v5 =	vadd.s32 v7, v0  }
0x172: {  	v3 =	vshll.u32 v5, $0x3;
	v43 =	vor.u32 v4, v29;
	v4 =	vand.u32 $0x7F, v0  }
0x173: {  	v55 =	vand.u32 $0xFFFFFC00, v3;
	v3 =	vand.u32 $0x7F, v5;
	v2 =	vor.u32 v2, v4  }
0x174: {  	v4 =	vadd.s32 v8, v0;
	v0 =	vadd.s32 v9, v0;
	v54 =	vor.u32 v28, v2  }
0x175: {  	v2 =	vadd.s32 v28, v55;
	v57 =	vshll.u32 v4, $0x3;
	v60 =	vshll.u32 v0, $0x3  }
0x176: {  	v0 =	vand.u32 $0x7F, v0;
	v46 =	vor.u32 v27, v54;
	v56 =	vor.u32 v3, v2  }
0x177: {  	v58 =	vand.u32 $0xFFFFFC00, v57;
	v3 =	vand.u32 $0x7F, v4;
	v2 =	vnsel vm12, $0x0, v59  }
0x178: {  	v59 =	vadd.s32 $0xFFFFFFFF, v32;
	v1 =	vadd.s32 v28, v58;
	v2 =	vmin.u32 v2, $0xE1  }
0x179: {  	v45 =	vor.u32 v27, v56;
	v1 =	vor.u32 v3, v1;
	v3 =	vshrl.u32 v2, $0x4  }
0x17a: {  	v47 =	vor.u32 v27, v1;
	v1 =	vand.u32 $0xFFFFFC00, v60;
	v4 =	vcvt.s32.f32 v3  }
0x17b: {  	vm13 =	vgt.s32 v59, $0x0;
	v2 =	vand.u32 $0xF, v2;
	v1 =	vadd.s32 v28, v1  }
0x17c: {  	v63 =	vshll.u32 v2, $0x4;
	v0 =	vor.u32 v0, v1;
	v49 =	vmul.f32 $6.250000000e-02, v4;
	v4 =	vld [tilespmem:$0x1FBD0]  }
0x17d: {  	v61 =	vcvt.s32.f32 v2;
	v52 =	vor.u32 v27, v0;
	v0 =	vor.u32 v3, v63  }
0x17e: {  	v54 =	vshll.u32 v2, $0x7;
	vm5 =	vne.s32 v3, $0x0;
	v5 =	vadd.s32 v7, v0  }
0x17f: {  	vm7 =	vne.s32 v2, $0x0;
	v1 =	vor.u32 v6, v54;
	v3 =	vshll.u32 v5, $0x3  }
0x180: {  	v48 =	vmul.f32 $6.250000000e-02, v61;
	v1 =	vand.u32 $0x1C00, v1;
	v55 =	vand.u32 $0xFFFFFC00, v3  }
0x181: {  	v3 =	vand.u32 $0x7F, v5;
	v51 =	vor.u32 v4, v29;
	v4 =	vand.u32 $0x7F, v0  }
0x182: {  	v2 =	vadd.s32 v28, v55;
	v1 =	vor.u32 v1, v4;
	v4 =	vadd.s32 v8, v0  }
0x183: {  	v62 =	vld [tilespmem:$0x1FBC0];
	v56 =	vor.u32 v3, v2;
	v2 =	vnsel vm13, $0x0, v59;
	v57 =	vshll.u32 v4, $0x3  }
0x184: {  	v61 =	vld [tilespmem:$0x1FBE0];
	v1 =	vor.u32 v28, v1;
	v3 =	vand.u32 $0x7F, v4;
	v58 =	vand.u32 $0xFFFFFC00, v57  }
0x185: {  	v2 =	vmin.u32 v2, $0xE1;
	v54 =	vor.u32 v27, v1;
	v1 =	vadd.s32 v28, v58  }
0x186: {  	vm14 =	vgt.s32 v32, $0x0;
	v1 =	vor.u32 v3, v1;
	v3 =	vshrl.u32 v2, $0x4  }
0x187: {  	v40 =	vmul.f32 $6.250000000e-02, v50;
	v0 =	vadd.s32 v9, v0;
	v4 =	vcvt.s32.f32 v3  }
0x188: {  	v50 =	vor.u32 v62, v29;
	v53 =	vor.u32 v27, v56;
	v60 =	vshll.u32 v0, $0x3  }
0x189: {  	v0 =	vand.u32 $0x7F, v0;
	v58 =	vor.u32 v61, v29;
	v57 =	vmul.f32 $6.250000000e-02, v4;
	v4 =	vld [tilespmem:$0x1FBF0]  }
0x18a: {  	v2 =	vand.u32 $0xF, v2;
	v55 =	vor.u32 v27, v1;
	v1 =	vand.u32 $0xFFFFFC00, v60  }
0x18b: {  	v62 =	vshll.u32 v2, $0x4;
	v63 =	vshll.u32 v2, $0x7;
	v1 =	vadd.s32 v28, v1  }
0x18c: {  	vm8 =	vne.s32 v3, $0x0;
	vm10 =	vne.s32 v2, $0x0;
	v0 =	vor.u32 v0, v1  }
0x18d: {  	v61 =	vor.u32 v6, v63;
	v1 =	vcvt.s32.f32 v2;
	v60 =	vor.u32 v27, v0  }
0x18e: {  	v0 =	vand.u32 $0x1C00, v61;
	v59 =	vor.u32 v4, v29;
	v4 =	vor.u32 v3, v62  }
0x18f: {  	v56 =	vmul.f32 $6.250000000e-02, v1;
	v62 =	vand.u32 $0x7F, v4;
	v5 =	vadd.s32 v7, v4  }
0x190: {  	v3 =	vadd.s32 v8, v4;
	v0 =	vor.u32 v0, v62;
	v63 =	vshll.u32 v5, $0x3  }
0x191: {  	v61 =	vand.u32 $0x7F, v5;
	v2 =	vshll.u32 v3, $0x3;
	v62 =	vand.u32 $0x7F, v3  }
0x192: {  	v3 =	vadd.s32 v9, v4;
	v4 =	vnsel vm14, $0x0, v32;
	v1 =	vand.u32 $0xFFFFFC00, v63  }
0x193: {  	v2 =	vand.u32 $0xFFFFFC00, v2;
	v63 =	vshll.u32 v3, $0x3;
	v4 =	vmin.u32 v4, $0xE1  }
0x194: {  	v3 =	vand.u32 $0x7F, v3;
	v1 =	vadd.s32 v28, v1;
	v2 =	vadd.s32 v28, v2  }
0x195: {  	v12 =	vld [tilespmem:$0x1FC10];
	v5 =	vshrl.u32 v4, $0x4;
	v10 =	vand.u32 $0xF, v4;
	v1 =	vor.u32 v61, v1  }
0x196: {  	v61 =	vor.u32 v27, v1;
	v1 =	vor.u32 v62, v2;
	v2 =	vand.u32 $0xFFFFFC00, v63  }
0x197: {  	v11 =	vshll.u32 v10, $0x4;
	vm11 =	vne.s32 v5, $0x0;
	v2 =	vadd.s32 v28, v2  }
0x198: {  	v62 =	vcvt.s32.f32 v10;
	v11 =	vor.u32 v5, v11;
	v2 =	vor.u32 v3, v2  }
0x199: {  	v3 =	vcvt.s32.f32 v5;
	v5 =	vshll.u32 v10, $0x7;
	v63 =	vor.u32 v27, v2  }
0x19a: {  	v2 =	vmul.f32 $6.250000000e-02, v62;
	v62 =	vor.u32 v12, v29;
	v12 =	vadd.s32 v7, v11  }
0x19b: {  	vm12 =	vne.s32 v10, $0x0;
	v5 =	vor.u32 v6, v5;
	v10 =	vshll.u32 v12, $0x3  }
0x19c: {  	v13 =	vand.u32 $0x7F, v11;
	v5 =	vand.u32 $0x1C00, v5;
	v10 =	vand.u32 $0xFFFFFC00, v10  }
0x19d: {  	v12 =	vand.u32 $0x7F, v12;
	v5 =	vor.u32 v5, v13;
	v10 =	vadd.s32 v28, v10  }
0x19e: {  	v13 =	vadd.s32 v8, v11;
	v5 =	vor.u32 v28, v5;
	v12 =	vor.u32 v12, v10  }
0x19f: {  	v10 =	vor.u32 v27, v5;
	v5 =	vor.u32 v27, v12;
	v12 =	vshll.u32 v13, $0x3  }
0x1a0: {  	v14 =	vadd.s32 $0x1, v32;
	v12 =	vand.u32 $0xFFFFFC00, v12  }
0x1a1: {  	vm15 =	vgt.s32 v14, $0x0;
	v13 =	vand.u32 $0x7F, v13;
	v12 =	vadd.s32 v28, v12  }
0x1a2: {  	v15 =	vadd.s32 v9, v11;
	v11 =	vor.u32 v13, v12;
	v13 =	vnsel vm15, $0x0, v14  }
0x1a3: {  	v13 =	vmin.u32 v13, $0xE1  }
0x1a4: {  	vm6 =	vmand vm2, vm4;
	v18 =	vand.u32 $0xF, v13  }
0x1a5: {  	vm9 =	vmand vm5, vm7;
	v17 =	vshrl.u32 v13, $0x4;
	v16 =	vshll.u32 v18, $0x4  }
0x1a6: {  	v12 =	vshll.u32 v15, $0x3;
	v20 =	vshll.u32 v18, $0x7;
	v19 =	vor.u32 v17, v16  }
0x1a7: {  	v13 =	vcvt.s32.f32 v17;
	v20 =	vor.u32 v6, v20;
	v21 =	vadd.s32 v7, v19  }
0x1a8: {  	v22 =	vand.u32 $0x7F, v19;
	v20 =	vand.u32 $0x1C00, v20;
	v23 =	vshll.u32 v21, $0x3  }
0x1a9: {  	v4 =	vld [tilespmem:$0x1FC00];
	vm14 =	vne.s32 v17, $0x0;
	v17 =	vor.u32 v20, v22;
	v20 =	vand.u32 $0xFFFFFC00, v23  }
0x1aa: {  	[tilespmem:v35+s8+$0x0] =	vst.idx.msk $0xffff, v34;
	v21 =	vand.u32 $0x7F, v21;
	v17 =	vor.u32 v28, v17;
	v20 =	vadd.s32 v28, v20  }
0x1ab: {  	[tilespmem:v36+s8+$0x0] =	vst.idx.msk $0xffff, v33;
	v12 =	vand.u32 $0xFFFFFC00, v12;
	v33 =	vor.u32 v27, v17;
	v17 =	vor.u32 v21, v20;
	v21 =	vld [tilespmem:$0x1FAC0]  }
0x1ac: {  	v0 =	vor.u32 v28, v0;
	v14 =	vand.u32 $0x7F, v15;
	v12 =	vadd.s32 v28, v12  }
0x1ad: {  	vm13 =	vmand vm8, vm10;
	v0 =	vor.u32 v27, v0;
	v12 =	vor.u32 v14, v12;
	v14 =	vld [tilespmem:$0x1FC20]  }
0x1ae: {  	[tilespmem:v38+s9+$0x0] =	vst.idx.add.f32.msk $0xffff, v26;
	v1 =	vor.u32 v27, v1;
	v4 =	vor.u32 v4, v29;
	v3 =	vmul.f32 $6.250000000e-02, v3  }
0x1af: {  	[tilespmem:v37+s9+$0x0] =	vst.idx.add.f32.msk vm1, v26;
	vm15 =	vmand vm11, vm12;
	v15 =	vor.u32 v27, v12;
	v12 =	vcvt.s32.f32 v18  }
0x1b0: {  	[tilespmem:v39+s9+$0x0] =	vst.idx.add.f32.msk vm3, v26;
	v11 =	vor.u32 v27, v11;
	vm0 =	vne.s32 v18, $0x0;
	vm3 =	vnez.u8 v21  }
0x1b1: {  	v16 =	vld [tilespmem:$0x1FC30];
	v13 =	vmul.f32 $6.250000000e-02, v13;
	v12 =	vmul.f32 $6.250000000e-02, v12;
	v20 =	vadd.s32 v8, v19  }
0x1b2: {  	v14 =	vor.u32 v14, v31;
	v34 =	vor.u32 v27, v17;
	v17 =	vshll.u32 v20, $0x3  }
0x1b3: {  	v18 =	vand.u32 $0x7F, v20;
	v20 =	vadd.s32 $0xF, v32;
	v17 =	vand.u32 $0xFFFFFC00, v17  }
0x1b4: {  	v23 =	vld [tilespmem:$0x1FC40];
	v19 =	vadd.s32 v9, v19;
	vm1 =	vgt.s32 v20, $0x0;
	v17 =	vadd.s32 v28, v17  }
0x1b5: {  	v20 =	vnsel vm1, $0x0, v20;
	v17 =	vor.u32 v18, v17;
	v18 =	vshll.u32 v19, $0x3  }
0x1b6: {  	v16 =	vor.u32 v16, v31;
	v20 =	vmin.u32 v20, $0xE1;
	v18 =	vand.u32 $0xFFFFFC00, v18;
	[tilespmem:v44+s9+$0x0] =	vst.idx.add.f32.msk vm3, v26  }
0x1b7: {  	v19 =	vand.u32 $0x7F, v19;
	v21 =	vshrl.u32 v20, $0x4;
	v18 =	vadd.s32 v28, v18;
	[tilespmem:v42+s8+$0x0] =	vst.idx.msk $0xffff, v41  }
0x1b8: {  	v18 =	vor.u32 v19, v18;
	v19 =	vand.u32 $0xF, v20;
	v20 =	vcvt.s32.f32 v21;
	[tilespmem:v43+s8+$0x0] =	vst.idx.msk $0xffff, v40;
	v40 =	vld [tilespmem:$0x1FC50]  }
0x1b9: {  	v23 =	vor.u32 v23, v31;
	v17 =	vor.u32 v27, v17;
	v22 =	vcvt.s32.f32 v19;
	[tilespmem:v46+s9+$0x0] =	vst.idx.add.f32.msk $0xffff, v26  }
0x1ba: {  	vm1 =	vne.s32 v21, $0x0;
	v18 =	vor.u32 v27, v18;
	v20 =	vmul.f32 $6.250000000e-02, v20;
	[tilespmem:v45+s9+$0x0] =	vst.idx.add.f32.msk vm4, v26  }
0x1bb: {  	v22 =	vmul.f32 $6.250000000e-02, v22;
	vm3 =	vmand vm14, vm0;
	[tilespmem:v47+s9+$0x0] =	vst.idx.add.f32.msk vm2, v26;
	v47 =	vshll.u32 v19, $0x4  }
0x1bc: {  	v45 =	vadd.s32 $0x10, v32;
	vm2 =	vne.s32 v19, $0x0;
	[tilespmem:v52+s9+$0x0] =	vst.idx.add.f32.msk vm6, v26;
	v35 =	vor.u32 v21, v47  }
0x1bd: {  	v21 =	vshll.u32 v19, $0x7;
	v36 =	vor.u32 v40, v31;
	[tilespmem:v50+s8+$0x0] =	vst.idx.msk $0xffff, v49;
	v41 =	vadd.s32 v7, v35  }
0x1be: {  	v19 =	vor.u32 v6, v21;
	v42 =	vand.u32 $0x7F, v35;
	v43 =	vadd.s32 v8, v35;
	[tilespmem:v51+s8+$0x0] =	vst.idx.msk $0xffff, v48  }
0x1bf: {  	v35 =	vadd.s32 v9, v35;
	v21 =	vshll.u32 v41, $0x3;
	v19 =	vand.u32 $0x1C00, v19;
	[tilespmem:v54+s9+$0x0] =	vst.idx.add.f32.msk $0xffff, v26  }
0x1c0: {  	v37 =	vand.u32 $0x7F, v41;
	v44 =	vshll.u32 v43, $0x3;
	v46 =	vshll.u32 v35, $0x3;
	[tilespmem:v53+s9+$0x0] =	vst.idx.add.f32.msk vm7, v26  }
0x1c1: {  	v35 =	vand.u32 $0x7F, v35;
	v21 =	vand.u32 $0xFFFFFC00, v21;
	v19 =	vor.u32 v19, v42;
	[tilespmem:v55+s9+$0x0] =	vst.idx.add.f32.msk vm5, v26  }
0x1c2: {  	v38 =	vand.u32 $0xFFFFFC00, v44;
	v21 =	vadd.s32 v28, v21;
	v19 =	vor.u32 v28, v19;
	[tilespmem:v60+s9+$0x0] =	vst.idx.add.f32.msk vm9, v26  }
0x1c3: {  	v48 =	vand.u32 $0xFFFFFC00, v46;
	v38 =	vadd.s32 v28, v38;
	v21 =	vor.u32 v37, v21;
	[tilespmem:v58+s8+$0x0] =	vst.idx.msk $0xffff, v57  }
0x1c4: {  	v19 =	vor.u32 v27, v19;
	v37 =	vand.u32 $0x7F, v43;
	vm9 =	vgt.s32 v45, $0x0;
	[tilespmem:v59+s8+$0x0] =	vst.idx.msk $0xffff, v56;
	v56 =	vld [tilespmem:$0x1FC70]  }
0x1c5: {  	v21 =	vor.u32 v27, v21;
	v37 =	vor.u32 v37, v38;
	v39 =	vnsel vm9, $0x0, v45;
	[tilespmem:v0+s9+$0x0] =	vst.idx.add.f32.msk $0xffff, v26  }
0x1c6: {  	v47 =	vor.u32 v27, v37;
	v37 =	vadd.s32 v28, v48;
	v49 =	vmin.u32 v39, $0xE1;
	[tilespmem:v61+s9+$0x0] =	vst.idx.add.f32.msk vm10, v26  }
0x1c7: {  	vm9 =	vmand vm1, vm2;
	v39 =	vshrl.u32 v49, $0x4;
	v51 =	vand.u32 $0xF, v49;
	[tilespmem:v1+s9+$0x0] =	vst.idx.add.f32.msk vm8, v26  }
0x1c8: {  	v50 =	vor.u32 v35, v37;
	v52 =	vcvt.s32.f32 v39;
	v38 =	vcvt.s32.f32 v51;
	[tilespmem:v63+s9+$0x0] =	vst.idx.add.f32.msk vm13, v26  }
0x1c9: {  	v53 =	vshll.u32 v51, $0x4;
	v55 =	vshll.u32 v51, $0x7;
	vm10 =	vne.s32 v39, $0x0;
	[tilespmem:v4+s8+$0x0] =	vst.idx.msk $0xffff, v3;
	v4 =	vld [tilespmem:$0x1FC60]  }
0x1ca: {  	v37 =	vor.u32 v39, v53;
	v54 =	vmul.f32 $6.250000000e-02, v38;
	v38 =	vor.u32 v6, v55;
	[tilespmem:v62+s8+$0x0] =	vst.idx.msk $0xffff, v2  }
0x1cb: {  	v57 =	vadd.s32 v7, v37;
	v38 =	vand.u32 $0x1C00, v38;
	[tilespmem:v10+s9+$0x0] =	vst.idx.add.f32.msk $0xffff, v26;
	v10 =	vand.u32 $0x7F, v37  }
0x1cc: {  	v1 =	vor.u32 v27, v50;
	v58 =	vshll.u32 v57, $0x3;
	[tilespmem:v5+s9+$0x0] =	vst.idx.add.f32.msk vm12, v26;
	v5 =	vor.u32 v38, v10  }
0x1cd: {  	v40 =	vor.u32 v56, v30;
	v10 =	vand.u32 $0xFFFFFC00, v58;
	[tilespmem:v11+s9+$0x0] =	vst.idx.add.f32.msk vm11, v26;
	v5 =	vor.u32 v28, v5  }
0x1ce: {  	v11 =	vand.u32 $0x7F, v57;
	v10 =	vadd.s32 v28, v10;
	v4 =	vor.u32 v4, v30;
	[tilespmem:v15+s9+$0x0] =	vst.idx.add.f32.msk vm15, v26  }
0x1cf: {  	v3 =	vmul.f32 $6.250000000e-02, v52;
	v5 =	vor.u32 v27, v5;
	v10 =	vor.u32 v11, v10;
	[tilespmem:v14+s8+$0x0] =	vst.idx.msk $0xffff, v13  }
0x1d0: {  	vm12 =	vne.s32 v51, $0x0;
	v11 =	vadd.s32 v8, v37;
	v10 =	vor.u32 v27, v10;
	[tilespmem:v16+s8+$0x0] =	vst.idx.msk $0xffff, v12  }
0x1d1: {  	v13 =	vadd.s32 $0x11, v32;
	v12 =	vand.u32 $0x7F, v11;
	v11 =	vshll.u32 v11, $0x3;
	[tilespmem:v33+s9+$0x0] =	vst.idx.add.f32.msk $0xffff, v26  }
0x1d2: {  	v14 =	vadd.s32 v9, v37;
	vm13 =	vgt.s32 v13, $0x0;
	v11 =	vand.u32 $0xFFFFFC00, v11;
	[tilespmem:v34+s9+$0x0] =	vst.idx.add.f32.msk vm0, v26  }
0x1d3: {  	v15 =	vshll.u32 v14, $0x3;
	v13 =	vnsel vm13, $0x0, v13;
	v11 =	vadd.s32 v28, v11;
	[tilespmem:v17+s9+$0x0] =	vst.idx.add.f32.msk vm14, v26  }
0x1d4: {  	v14 =	vand.u32 $0x7F, v14;
	v13 =	vmin.u32 v13, $0xE1;
	v11 =	vor.u32 v12, v11;
	[tilespmem:v18+s9+$0x0] =	vst.idx.add.f32.msk vm3, v26  }
0x1d5: {  	v12 =	vand.u32 $0xFFFFFC00, v15;
	v15 =	vshrl.u32 v13, $0x4;
	v13 =	vand.u32 $0xF, v13;
	[tilespmem:v23+s8+$0x0] =	vst.idx.msk $0xffff, v20  }
0x1d6: {  	v12 =	vadd.s32 v28, v12;
	v17 =	vshll.u32 v13, $0x4;
	v18 =	vshll.u32 v13, $0x7;
	[tilespmem:v36+s8+$0x0] =	vst.idx.msk $0xffff, v22  }
0x1d7: {  	vm14 =	vmand vm10, vm12;
	v17 =	vor.u32 v15, v17;
	v18 =	vor.u32 v6, v18;
	[tilespmem:v19+s9+$0x0] =	vst.idx.add.f32.msk $0xffff, v26  }
0x1d8: {  	v11 =	vor.u32 v27, v11;
	v20 =	vand.u32 $0x7F, v17;
	v18 =	vand.u32 $0x1C00, v18;
	v19 =	vld [tilespmem:$0x1FC80]  }
0x1d9: {  	v16 =	vcvt.s32.f32 v15;
	v18 =	vor.u32 v18, v20;
	v20 =	vadd.s32 v7, v17;
	[tilespmem:v21+s9+$0x0] =	vst.idx.add.f32.msk vm2, v26  }
0x1da: {  	vm15 =	vne.s32 v15, $0x0;
	v12 =	vor.u32 v14, v12;
	v15 =	vshll.u32 v20, $0x3;
	[tilespmem:v47+s9+$0x0] =	vst.idx.add.f32.msk vm1, v26  }
0x1db: {  	vm7 =	vne.s32 v13, $0x0;
	v12 =	vor.u32 v27, v12;
	v60 =	vand.u32 $0xFFFFFC00, v15;
	[tilespmem:v1+s9+$0x0] =	vst.idx.add.f32.msk vm9, v26  }
0x1dc: {  	v21 =	vld [tilespmem:$0x1FC90];
	v1 =	vadd.s32 v28, v60;
	[tilespmem:v4+s8+$0x0] =	vst.idx.msk $0xffff, v3;
	v3 =	vand.u32 $0x7F, v20;
	v4 =	vadd.s32 v8, v17  }
0x1dd: {  	[tilespmem:v40+s8+$0x0] =	vst.idx.msk $0xffff, v54;
	v1 =	vor.u32 v3, v1;
	v61 =	vshll.u32 v4, $0x3;
	v3 =	vadd.s32 v9, v17  }
0x1de: {  	v19 =	vor.u32 v19, v30;
	[tilespmem:v5+s9+$0x0] =	vst.idx.add.f32.msk $0xffff, v26;
	v2 =	vand.u32 $0xFFFFFC00, v61;
	v5 =	vshll.u32 v3, $0x3  }
0x1df: {  	v4 =	vand.u32 $0x7F, v4;
	v2 =	vadd.s32 v28, v2;
	v5 =	vand.u32 $0xFFFFFC00, v5  }
0x1e0: {  	v3 =	vand.u32 $0x7F, v3;
	v2 =	vor.u32 v4, v2;
	v4 =	vadd.s32 v28, v5  }
0x1e1: {  	v59 =	vor.u32 v28, v18;
	v21 =	vor.u32 v21, v30;
	v3 =	vor.u32 v3, v4;
	v4 =	vld [tilespmem:$0x1FCA0]  }
0x1e2: {  	v14 =	vmul.f32 $6.250000000e-02, v16;
	v16 =	vcvt.s32.f32 v13;
	v0 =	vor.u32 v27, v59;
	[tilespmem:v10+s9+$0x0] =	vst.idx.add.f32.msk vm12, v26  }
0x1e3: {  	v1 =	vor.u32 v27, v1;
	[tilespmem:v11+s9+$0x0] =	vst.idx.add.f32.msk vm10, v26  }
0x1e4: {  	vm8 =	vmand vm15, vm7;
	v16 =	vmul.f32 $6.250000000e-02, v16;
	[tilespmem:v12+s9+$0x0] =	vst.idx.add.f32.msk vm14, v26;
	v2 =	vor.u32 v27, v2  }
0x1e5: {  	[tilespmem:v19+s8+$0x0] =	vst.idx.msk $0xffff, v14;
	v3 =	vor.u32 v27, v3  }
0x1e6: {  	[tilespmem:v21+s8+$0x0] =	vst.idx.msk $0xffff, v16;
	v4 =	vor.u32 s11, v4  }
0x1e7: {  	[tilespmem:v0+s9+$0x0] =	vst.idx.add.f32.msk $0xffff, v26  }
0x1e8: {  	[tilespmem:v1+s9+$0x0] =	vst.idx.add.f32.msk vm7, v26  }
0x1e9: {  	[tilespmem:v2+s9+$0x0] =	vst.idx.add.f32.msk vm15, v26  }
0x1ea: {  	[tilespmem:v3+s9+$0x0] =	vst.idx.add.f32.msk vm8, v26  }
0x1eb: {  	v32 =	vld.idx.msk [tilespmem:v4+s2+$0x0], $0xffff;
	_ =	sdelay $0x1  }
0x1ec: {  	v40 =	vld [tilespmem:$0x1FCB0]  }
0x1ed: {  	v4 =	vld [tilespmem:$0x1FCC0];
	_ =	sdelay $0x1  }
0x1ee: {  	v62 =	vadd.s32 $0xFFFFFFEF, v32  }
0x1ef: {  	vm9 =	vgt.s32 v62, $0x0  }
0x1f0: {  	v35 =	vor.u32 v40, v29;
	v0 =	vnsel vm9, $0x0, v62  }
0x1f1: {  	v36 =	vor.u32 v4, v29;
	v48 =	vadd.s32 $0xFFFFFFF0, v32;
	v0 =	vmin.u32 v0, $0xE1  }
0x1f2: {  	v59 =	vadd.s32 $0xFFFFFFF1, v32;
	v63 =	vshrl.u32 v0, $0x4;
	v0 =	vand.u32 $0xF, v0  }
0x1f3: {  	vm10 =	vgt.s32 v48, $0x0;
	vm12 =	vgt.s32 v59, $0x0;
	v3 =	vcvt.s32.f32 v0  }
0x1f4: {  	v39 =	vcvt.s32.f32 v63;
	v41 =	vshll.u32 v0, $0x4;
	vm3 =	vne.s32 v63, $0x0  }
0x1f5: {  	vm1 =	vne.s32 v0, $0x0;
	v33 =	vmul.f32 $6.250000000e-02, v3;
	v3 =	vshll.u32 v0, $0x7  }
0x1f6: {  	v2 =	vor.u32 v63, v41;
	vm11 =	vmand vm3, vm1;
	v3 =	vor.u32 v6, v3  }
0x1f7: {  	v4 =	vand.u32 $0x7F, v2;
	v5 =	vadd.s32 v7, v2;
	v3 =	vand.u32 $0x1C00, v3  }
0x1f8: {  	v34 =	vmul.f32 $6.250000000e-02, v39;
	v42 =	vor.u32 v3, v4;
	v3 =	vshll.u32 v5, $0x3  }
0x1f9: {  	v4 =	vadd.s32 v8, v2;
	v2 =	vadd.s32 v9, v2;
	v43 =	vor.u32 v28, v42  }
0x1fa: {  	v51 =	vld [tilespmem:$0x1FCD0];
	v44 =	vand.u32 $0xFFFFFC00, v3;
	v3 =	vand.u32 $0x7F, v5;
	v46 =	vshll.u32 v4, $0x3  }
0x1fb: {  	v49 =	vshll.u32 v2, $0x3;
	v2 =	vand.u32 $0x7F, v2;
	v1 =	vadd.s32 v28, v44  }
0x1fc: {  	v47 =	vand.u32 $0xFFFFFC00, v46;
	v45 =	vor.u32 v3, v1;
	v1 =	vnsel vm10, $0x0, v48  }
0x1fd: {  	v3 =	vand.u32 $0x7F, v4;
	v0 =	vadd.s32 v28, v47;
	v1 =	vmin.u32 v1, $0xE1  }
0x1fe: {  	v5 =	vimm.s32 $0x0;
	v0 =	vor.u32 v3, v0;
	v3 =	vshrl.u32 v1, $0x4  }
0x1ff: {  	v42 =	vor.u32 v51, v29;
	v38 =	vor.u32 v27, v43;
	v4 =	vcvt.s32.f32 v3  }
0x200: {  	v5 =	vsel vm11, $0xFFFFFFFF, v5;
	v37 =	vor.u32 v27, v45;
	v39 =	vor.u32 v27, v0  }
0x201: {  	v0 =	vand.u32 $0xFFFFFC00, v49;
	v1 =	vand.u32 $0xF, v1;
	v41 =	vmul.f32 $6.250000000e-02, v4;
	v4 =	vld [tilespmem:$0x1FCE0]  }
0x202: {  	v0 =	vadd.s32 v28, v0;
	v50 =	vcvt.s32.f32 v1;
	v52 =	vshll.u32 v1, $0x4  }
0x203: {  	v53 =	vshll.u32 v1, $0x7;
	vm2 =	vne.s32 v3, $0x0;
	v0 =	vor.u32 v2, v0  }
0x204: {  	v2 =	vor.u32 v6, v53;
	v44 =	vor.u32 v27, v0;
	v0 =	vor.u32 v3, v52  }
0x205: {  	[tilespmem:$0x1FAD0] =	vst v5;
	vm4 =	vne.s32 v1, $0x0;
	v2 =	vand.u32 $0x1C00, v2;
	v5 =	vadd.s32 v7, v0  }
0x206: {  	v3 =	vshll.u32 v5, $0x3;
	v43 =	vor.u32 v4, v29;
	v4 =	vand.u32 $0x7F, v0  }
0x207: {  	v55 =	vand.u32 $0xFFFFFC00, v3;
	v3 =	vand.u32 $0x7F, v5;
	v2 =	vor.u32 v2, v4  }
0x208: {  	v4 =	vadd.s32 v8, v0;
	v0 =	vadd.s32 v9, v0;
	v54 =	vor.u32 v28, v2  }
0x209: {  	v2 =	vadd.s32 v28, v55;
	v57 =	vshll.u32 v4, $0x3;
	v60 =	vshll.u32 v0, $0x3  }
0x20a: {  	v0 =	vand.u32 $0x7F, v0;
	v46 =	vor.u32 v27, v54;
	v56 =	vor.u32 v3, v2  }
0x20b: {  	v58 =	vand.u32 $0xFFFFFC00, v57;
	v3 =	vand.u32 $0x7F, v4;
	v2 =	vnsel vm12, $0x0, v59  }
0x20c: {  	v59 =	vadd.s32 $0xFFFFFFFF, v32;
	v1 =	vadd.s32 v28, v58;
	v2 =	vmin.u32 v2, $0xE1  }
0x20d: {  	v45 =	vor.u32 v27, v56;
	v1 =	vor.u32 v3, v1;
	v3 =	vshrl.u32 v2, $0x4  }
0x20e: {  	v47 =	vor.u32 v27, v1;
	v1 =	vand.u32 $0xFFFFFC00, v60;
	v4 =	vcvt.s32.f32 v3  }
0x20f: {  	vm13 =	vgt.s32 v59, $0x0;
	v2 =	vand.u32 $0xF, v2;
	v1 =	vadd.s32 v28, v1  }
0x210: {  	v63 =	vshll.u32 v2, $0x4;
	v0 =	vor.u32 v0, v1;
	v49 =	vmul.f32 $6.250000000e-02, v4;
	v4 =	vld [tilespmem:$0x1FD00]  }
0x211: {  	v61 =	vcvt.s32.f32 v2;
	v52 =	vor.u32 v27, v0;
	v0 =	vor.u32 v3, v63  }
0x212: {  	v54 =	vshll.u32 v2, $0x7;
	vm5 =	vne.s32 v3, $0x0;
	v5 =	vadd.s32 v7, v0  }
0x213: {  	vm7 =	vne.s32 v2, $0x0;
	v1 =	vor.u32 v6, v54;
	v3 =	vshll.u32 v5, $0x3  }
0x214: {  	v48 =	vmul.f32 $6.250000000e-02, v61;
	v1 =	vand.u32 $0x1C00, v1;
	v55 =	vand.u32 $0xFFFFFC00, v3  }
0x215: {  	v3 =	vand.u32 $0x7F, v5;
	v51 =	vor.u32 v4, v29;
	v4 =	vand.u32 $0x7F, v0  }
0x216: {  	v2 =	vadd.s32 v28, v55;
	v1 =	vor.u32 v1, v4;
	v4 =	vadd.s32 v8, v0  }
0x217: {  	v62 =	vld [tilespmem:$0x1FCF0];
	v56 =	vor.u32 v3, v2;
	v2 =	vnsel vm13, $0x0, v59;
	v57 =	vshll.u32 v4, $0x3  }
0x218: {  	v61 =	vld [tilespmem:$0x1FD10];
	v1 =	vor.u32 v28, v1;
	v3 =	vand.u32 $0x7F, v4;
	v58 =	vand.u32 $0xFFFFFC00, v57  }
0x219: {  	v2 =	vmin.u32 v2, $0xE1;
	v54 =	vor.u32 v27, v1;
	v1 =	vadd.s32 v28, v58  }
0x21a: {  	vm14 =	vgt.s32 v32, $0x0;
	v1 =	vor.u32 v3, v1;
	v3 =	vshrl.u32 v2, $0x4  }
0x21b: {  	v40 =	vmul.f32 $6.250000000e-02, v50;
	v0 =	vadd.s32 v9, v0;
	v4 =	vcvt.s32.f32 v3  }
0x21c: {  	v50 =	vor.u32 v62, v29;
	v53 =	vor.u32 v27, v56;
	v60 =	vshll.u32 v0, $0x3  }
0x21d: {  	v0 =	vand.u32 $0x7F, v0;
	v58 =	vor.u32 v61, v29;
	v57 =	vmul.f32 $6.250000000e-02, v4;
	v4 =	vld [tilespmem:$0x1FD20]  }
0x21e: {  	v2 =	vand.u32 $0xF, v2;
	v55 =	vor.u32 v27, v1;
	v1 =	vand.u32 $0xFFFFFC00, v60  }
0x21f: {  	v62 =	vshll.u32 v2, $0x4;
	v63 =	vshll.u32 v2, $0x7;
	v1 =	vadd.s32 v28, v1  }
0x220: {  	vm8 =	vne.s32 v3, $0x0;
	vm10 =	vne.s32 v2, $0x0;
	v0 =	vor.u32 v0, v1  }
0x221: {  	v61 =	vor.u32 v6, v63;
	v1 =	vcvt.s32.f32 v2;
	v60 =	vor.u32 v27, v0  }
0x222: {  	v0 =	vand.u32 $0x1C00, v61;
	v59 =	vor.u32 v4, v29;
	v4 =	vor.u32 v3, v62  }
0x223: {  	v56 =	vmul.f32 $6.250000000e-02, v1;
	v62 =	vand.u32 $0x7F, v4;
	v5 =	vadd.s32 v7, v4  }
0x224: {  	v3 =	vadd.s32 v8, v4;
	v0 =	vor.u32 v0, v62;
	v63 =	vshll.u32 v5, $0x3  }
0x225: {  	v61 =	vand.u32 $0x7F, v5;
	v2 =	vshll.u32 v3, $0x3;
	v62 =	vand.u32 $0x7F, v3  }
0x226: {  	v3 =	vadd.s32 v9, v4;
	v4 =	vnsel vm14, $0x0, v32;
	v1 =	vand.u32 $0xFFFFFC00, v63  }
0x227: {  	v2 =	vand.u32 $0xFFFFFC00, v2;
	v63 =	vshll.u32 v3, $0x3;
	v4 =	vmin.u32 v4, $0xE1  }
0x228: {  	v3 =	vand.u32 $0x7F, v3;
	v1 =	vadd.s32 v28, v1;
	v2 =	vadd.s32 v28, v2  }
0x229: {  	v12 =	vld [tilespmem:$0x1FD40];
	v5 =	vshrl.u32 v4, $0x4;
	v10 =	vand.u32 $0xF, v4;
	v1 =	vor.u32 v61, v1  }
0x22a: {  	v61 =	vor.u32 v27, v1;
	v1 =	vor.u32 v62, v2;
	v2 =	vand.u32 $0xFFFFFC00, v63  }
0x22b: {  	v11 =	vshll.u32 v10, $0x4;
	vm11 =	vne.s32 v5, $0x0;
	v2 =	vadd.s32 v28, v2  }
0x22c: {  	v62 =	vcvt.s32.f32 v10;
	v11 =	vor.u32 v5, v11;
	v2 =	vor.u32 v3, v2  }
0x22d: {  	v3 =	vcvt.s32.f32 v5;
	v5 =	vshll.u32 v10, $0x7;
	v63 =	vor.u32 v27, v2  }
0x22e: {  	v2 =	vmul.f32 $6.250000000e-02, v62;
	v62 =	vor.u32 v12, v29;
	v12 =	vadd.s32 v7, v11  }
0x22f: {  	vm12 =	vne.s32 v10, $0x0;
	v5 =	vor.u32 v6, v5;
	v10 =	vshll.u32 v12, $0x3  }
0x230: {  	v13 =	vand.u32 $0x7F, v11;
	v5 =	vand.u32 $0x1C00, v5;
	v10 =	vand.u32 $0xFFFFFC00, v10  }
0x231: {  	v12 =	vand.u32 $0x7F, v12;
	v5 =	vor.u32 v5, v13;
	v10 =	vadd.s32 v28, v10  }
0x232: {  	v13 =	vadd.s32 v8, v11;
	v5 =	vor.u32 v28, v5;
	v12 =	vor.u32 v12, v10  }
0x233: {  	v10 =	vor.u32 v27, v5;
	v5 =	vor.u32 v27, v12;
	v12 =	vshll.u32 v13, $0x3  }
0x234: {  	v14 =	vadd.s32 $0x1, v32;
	v12 =	vand.u32 $0xFFFFFC00, v12  }
0x235: {  	vm15 =	vgt.s32 v14, $0x0;
	v13 =	vand.u32 $0x7F, v13;
	v12 =	vadd.s32 v28, v12  }
0x236: {  	v15 =	vadd.s32 v9, v11;
	v11 =	vor.u32 v13, v12;
	v13 =	vnsel vm15, $0x0, v14  }
0x237: {  	v23 =	vld [tilespmem:$0x1FD70];
	v13 =	vmin.u32 v13, $0xE1  }
0x238: {  	v17 =	vand.u32 $0xF, v13  }
0x239: {  	v16 =	vshrl.u32 v13, $0x4;
	v18 =	vshll.u32 v17, $0x4  }
0x23a: {  	v13 =	vcvt.s32.f32 v16;
	v19 =	vshll.u32 v17, $0x7;
	v18 =	vor.u32 v16, v18  }
0x23b: {  	v4 =	vld [tilespmem:$0x1FD30];
	vm14 =	vne.s32 v16, $0x0;
	v16 =	vor.u32 v6, v19;
	v19 =	vadd.s32 v7, v18  }
0x23c: {  	v23 =	vor.u32 v23, v31;
	vm6 =	vmand vm2, vm4;
	v21 =	vshll.u32 v19, $0x3  }
0x23d: {  	vm9 =	vmand vm5, vm7;
	vm13 =	vmand vm8, vm10;
	v21 =	vand.u32 $0xFFFFFC00, v21  }
0x23e: {  	v0 =	vor.u32 v28, v0;
	v19 =	vand.u32 $0x7F, v19;
	v21 =	vadd.s32 v28, v21  }
0x23f: {  	[tilespmem:v35+s8+$0x0] =	vst.idx.msk $0xffff, v34;
	v0 =	vor.u32 v27, v0;
	v12 =	vshll.u32 v15, $0x3;
	v19 =	vor.u32 v19, v21;
	v21 =	vld [tilespmem:$0x1FAD0]  }
0x240: {  	[tilespmem:v36+s8+$0x0] =	vst.idx.msk $0xffff, v33;
	v1 =	vor.u32 v27, v1;
	v4 =	vor.u32 v4, v29;
	v12 =	vand.u32 $0xFFFFFC00, v12  }
0x241: {  	[tilespmem:v38+s9+$0x0] =	vst.idx.add.f32.msk $0xffff, v26;
	v3 =	vmul.f32 $6.250000000e-02, v3;
	v14 =	vand.u32 $0x7F, v15;
	v12 =	vadd.s32 v28, v12  }
0x242: {  	vm15 =	vmand vm11, vm12;
	v11 =	vor.u32 v27, v11;
	v12 =	vor.u32 v14, v12;
	v14 =	vld [tilespmem:$0x1FD50]  }
0x243: {  	[tilespmem:v37+s9+$0x0] =	vst.idx.add.f32.msk vm1, v26;
	v15 =	vor.u32 v27, v12;
	v20 =	vand.u32 $0x7F, v18;
	v16 =	vand.u32 $0x1C00, v16  }
0x244: {  	[tilespmem:v39+s9+$0x0] =	vst.idx.add.f32.msk vm3, v26;
	v12 =	vcvt.s32.f32 v17;
	v20 =	vor.u32 v16, v20;
	vm3 =	vnez.u8 v21  }
0x245: {  	vm0 =	vne.s32 v17, $0x0;
	v13 =	vmul.f32 $6.250000000e-02, v13;
	v20 =	vor.u32 v28, v20  }
0x246: {  	v12 =	vmul.f32 $6.250000000e-02, v12;
	v16 =	vld [tilespmem:$0x1FD60];
	v33 =	vor.u32 v27, v20;
	v20 =	vadd.s32 v8, v18  }
0x247: {  	v14 =	vor.u32 v14, v31;
	v34 =	vor.u32 v27, v19;
	v19 =	vshll.u32 v20, $0x3  }
0x248: {  	v17 =	vand.u32 $0x7F, v20;
	v20 =	vadd.s32 $0xF, v32;
	v19 =	vand.u32 $0xFFFFFC00, v19  }
0x249: {  	v18 =	vadd.s32 v9, v18;
	vm1 =	vgt.s32 v20, $0x0;
	v19 =	vadd.s32 v28, v19  }
0x24a: {  	v20 =	vnsel vm1, $0x0, v20;
	v17 =	vor.u32 v17, v19;
	v19 =	vshll.u32 v18, $0x3;
	[tilespmem:v44+s9+$0x0] =	vst.idx.add.f32.msk vm3, v26  }
0x24b: {  	v16 =	vor.u32 v16, v31;
	v20 =	vmin.u32 v20, $0xE1;
	v19 =	vand.u32 $0xFFFFFC00, v19;
	[tilespmem:v42+s8+$0x0] =	vst.idx.msk $0xffff, v41  }
0x24c: {  	v18 =	vand.u32 $0x7F, v18;
	v21 =	vshrl.u32 v20, $0x4;
	v19 =	vadd.s32 v28, v19;
	v44 =	vld [tilespmem:$0x1FDA0];
	[tilespmem:v43+s8+$0x0] =	vst.idx.msk $0xffff, v40  }
0x24d: {  	v18 =	vor.u32 v18, v19;
	v19 =	vand.u32 $0xF, v20;
	v20 =	vcvt.s32.f32 v21;
	[tilespmem:v46+s9+$0x0] =	vst.idx.add.f32.msk $0xffff, v26  }
0x24e: {  	v17 =	vor.u32 v27, v17;
	vm1 =	vne.s32 v21, $0x0;
	v22 =	vcvt.s32.f32 v19;
	[tilespmem:v45+s9+$0x0] =	vst.idx.add.f32.msk vm4, v26  }
0x24f: {  	v18 =	vor.u32 v27, v18;
	v20 =	vmul.f32 $6.250000000e-02, v20;
	v46 =	vshll.u32 v19, $0x4;
	[tilespmem:v47+s9+$0x0] =	vst.idx.add.f32.msk vm2, v26  }
0x250: {  	v22 =	vmul.f32 $6.250000000e-02, v22;
	v35 =	vor.u32 v21, v46;
	v21 =	vshll.u32 v19, $0x7;
	v47 =	vld [tilespmem:$0x1FD80]  }
0x251: {  	vm3 =	vmand vm14, vm0;
	vm2 =	vne.s32 v19, $0x0;
	v19 =	vor.u32 v6, v21;
	[tilespmem:v52+s9+$0x0] =	vst.idx.add.f32.msk vm6, v26  }
0x252: {  	v19 =	vand.u32 $0x1C00, v19;
	[tilespmem:v50+s8+$0x0] =	vst.idx.msk $0xffff, v49;
	v49 =	vadd.s32 v7, v35;
	v50 =	vand.u32 $0x7F, v35  }
0x253: {  	v40 =	vor.u32 v44, v30;
	[tilespmem:v51+s8+$0x0] =	vst.idx.msk $0xffff, v48;
	v21 =	vshll.u32 v49, $0x3;
	v19 =	vor.u32 v19, v50  }
0x254: {  	v37 =	vand.u32 $0x7F, v49;
	v51 =	vadd.s32 v8, v35;
	v35 =	vadd.s32 v9, v35;
	[tilespmem:v54+s9+$0x0] =	vst.idx.add.f32.msk $0xffff, v26  }
0x255: {  	v21 =	vand.u32 $0xFFFFFC00, v21;
	v19 =	vor.u32 v28, v19;
	v52 =	vshll.u32 v51, $0x3;
	[tilespmem:v53+s9+$0x0] =	vst.idx.add.f32.msk vm7, v26  }
0x256: {  	v54 =	vshll.u32 v35, $0x3;
	v35 =	vand.u32 $0x7F, v35;
	v36 =	vor.u32 v47, v31;
	[tilespmem:v55+s9+$0x0] =	vst.idx.add.f32.msk vm5, v26  }
0x257: {  	v21 =	vadd.s32 v28, v21;
	v38 =	vand.u32 $0xFFFFFC00, v52;
	v53 =	vadd.s32 $0x10, v32;
	[tilespmem:v60+s9+$0x0] =	vst.idx.add.f32.msk vm9, v26  }
0x258: {  	v21 =	vor.u32 v37, v21;
	v37 =	vand.u32 $0x7F, v51;
	v38 =	vadd.s32 v28, v38;
	[tilespmem:v58+s8+$0x0] =	vst.idx.msk $0xffff, v57  }
0x259: {  	v19 =	vor.u32 v27, v19;
	vm9 =	vgt.s32 v53, $0x0;
	v37 =	vor.u32 v37, v38;
	[tilespmem:v59+s8+$0x0] =	vst.idx.msk $0xffff, v56  }
0x25a: {  	v21 =	vor.u32 v27, v21;
	v39 =	vnsel vm9, $0x0, v53;
	v55 =	vor.u32 v27, v37;
	[tilespmem:v0+s9+$0x0] =	vst.idx.add.f32.msk $0xffff, v26  }
0x25b: {  	vm9 =	vmand vm1, vm2;
	v56 =	vand.u32 $0xFFFFFC00, v54;
	v57 =	vmin.u32 v39, $0xE1;
	[tilespmem:v61+s9+$0x0] =	vst.idx.add.f32.msk vm10, v26  }
0x25c: {  	v37 =	vadd.s32 v28, v56;
	v39 =	vshrl.u32 v57, $0x4;
	v59 =	vand.u32 $0xF, v57;
	[tilespmem:v1+s9+$0x0] =	vst.idx.add.f32.msk vm8, v26  }
0x25d: {  	v58 =	vor.u32 v35, v37;
	v60 =	vcvt.s32.f32 v39;
	v38 =	vcvt.s32.f32 v59;
	[tilespmem:v63+s9+$0x0] =	vst.idx.add.f32.msk vm13, v26  }
0x25e: {  	v61 =	vshll.u32 v59, $0x4;
	vm10 =	vne.s32 v39, $0x0;
	v63 =	vshll.u32 v59, $0x7;
	[tilespmem:v4+s8+$0x0] =	vst.idx.msk $0xffff, v3;
	v4 =	vld [tilespmem:$0x1FD90]  }
0x25f: {  	v37 =	vor.u32 v39, v61;
	[tilespmem:v62+s8+$0x0] =	vst.idx.msk $0xffff, v2;
	v62 =	vmul.f32 $6.250000000e-02, v38;
	v38 =	vor.u32 v6, v63  }
0x260: {  	v45 =	vadd.s32 v7, v37;
	[tilespmem:v10+s9+$0x0] =	vst.idx.add.f32.msk $0xffff, v26;
	v10 =	vand.u32 $0x7F, v37;
	v38 =	vand.u32 $0x1C00, v38  }
0x261: {  	v1 =	vor.u32 v27, v58;
	v46 =	vshll.u32 v45, $0x3;
	[tilespmem:v5+s9+$0x0] =	vst.idx.add.f32.msk vm12, v26;
	v5 =	vor.u32 v38, v10  }
0x262: {  	v3 =	vmul.f32 $6.250000000e-02, v60;
	v10 =	vand.u32 $0xFFFFFC00, v46;
	[tilespmem:v11+s9+$0x0] =	vst.idx.add.f32.msk vm11, v26;
	v5 =	vor.u32 v28, v5  }
0x263: {  	v11 =	vand.u32 $0x7F, v45;
	v10 =	vadd.s32 v28, v10;
	v4 =	vor.u32 v4, v30;
	[tilespmem:v15+s9+$0x0] =	vst.idx.add.f32.msk vm15, v26  }
0x264: {  	vm11 =	vne.s32 v59, $0x0;
	v5 =	vor.u32 v27, v5;
	v10 =	vor.u32 v11, v10;
	[tilespmem:v14+s8+$0x0] =	vst.idx.msk $0xffff, v13  }
0x265: {  	v11 =	vadd.s32 v8, v37;
	vm13 =	vmand vm10, vm11;
	v10 =	vor.u32 v27, v10;
	[tilespmem:v16+s8+$0x0] =	vst.idx.msk $0xffff, v12  }
0x266: {  	v13 =	vadd.s32 $0x11, v32;
	v12 =	vand.u32 $0x7F, v11;
	v11 =	vshll.u32 v11, $0x3;
	[tilespmem:v33+s9+$0x0] =	vst.idx.add.f32.msk $0xffff, v26  }
0x267: {  	v14 =	vadd.s32 v9, v37;
	vm12 =	vgt.s32 v13, $0x0;
	v11 =	vand.u32 $0xFFFFFC00, v11;
	[tilespmem:v34+s9+$0x0] =	vst.idx.add.f32.msk vm0, v26  }
0x268: {  	v15 =	vshll.u32 v14, $0x3;
	v13 =	vnsel vm12, $0x0, v13;
	v11 =	vadd.s32 v28, v11;
	[tilespmem:v17+s9+$0x0] =	vst.idx.add.f32.msk vm14, v26  }
0x269: {  	v14 =	vand.u32 $0x7F, v14;
	v13 =	vmin.u32 v13, $0xE1;
	v11 =	vor.u32 v12, v11;
	[tilespmem:v18+s9+$0x0] =	vst.idx.add.f32.msk vm3, v26  }
0x26a: {  	v12 =	vand.u32 $0xFFFFFC00, v15;
	v15 =	vshrl.u32 v13, $0x4;
	v13 =	vand.u32 $0xF, v13;
	[tilespmem:v23+s8+$0x0] =	vst.idx.msk $0xffff, v20  }
0x26b: {  	v12 =	vadd.s32 v28, v12;
	v17 =	vshll.u32 v13, $0x4;
	v18 =	vshll.u32 v13, $0x7;
	[tilespmem:v36+s8+$0x0] =	vst.idx.msk $0xffff, v22  }
0x26c: {  	v16 =	vcvt.s32.f32 v15;
	v17 =	vor.u32 v15, v17;
	v18 =	vor.u32 v6, v18;
	[tilespmem:v19+s9+$0x0] =	vst.idx.add.f32.msk $0xffff, v26  }
0x26d: {  	v11 =	vor.u32 v27, v11;
	v20 =	vand.u32 $0x7F, v17;
	v18 =	vand.u32 $0x1C00, v18;
	v19 =	vld [tilespmem:$0x1FDB0]  }
0x26e: {  	vm14 =	vne.s32 v15, $0x0;
	v18 =	vor.u32 v18, v20;
	v20 =	vadd.s32 v7, v17;
	[tilespmem:v21+s9+$0x0] =	vst.idx.add.f32.msk vm2, v26  }
0x26f: {  	v12 =	vor.u32 v14, v12;
	v47 =	vor.u32 v28, v18;
	v15 =	vshll.u32 v20, $0x3;
	[tilespmem:v55+s9+$0x0] =	vst.idx.add.f32.msk vm1, v26  }
0x270: {  	v12 =	vor.u32 v27, v12;
	v0 =	vor.u32 v27, v47;
	v48 =	vand.u32 $0xFFFFFC00, v15;
	[tilespmem:v1+s9+$0x0] =	vst.idx.add.f32.msk vm9, v26  }
0x271: {  	v21 =	vld [tilespmem:$0x1FDC0];
	v1 =	vadd.s32 v28, v48;
	[tilespmem:v4+s8+$0x0] =	vst.idx.msk $0xffff, v3;
	v3 =	vand.u32 $0x7F, v20;
	v4 =	vadd.s32 v8, v17  }
0x272: {  	v53 =	vld [tilespmem:$0x1FDE0];
	[tilespmem:v40+s8+$0x0] =	vst.idx.msk $0xffff, v62;
	v1 =	vor.u32 v3, v1;
	v49 =	vshll.u32 v4, $0x3;
	v3 =	vadd.s32 v9, v17  }
0x273: {  	v19 =	vor.u32 v19, v30;
	[tilespmem:v5+s9+$0x0] =	vst.idx.add.f32.msk $0xffff, v26;
	v2 =	vand.u32 $0xFFFFFC00, v49;
	v5 =	vshll.u32 v3, $0x3  }
0x274: {  	v47 =	vld [tilespmem:$0x1FE00];
	v4 =	vand.u32 $0x7F, v4;
	v2 =	vadd.s32 v28, v2;
	v5 =	vand.u32 $0xFFFFFC00, v5  }
0x275: {  	v20 =	vld [tilespmem:$0x1FE80];
	v3 =	vand.u32 $0x7F, v3;
	v2 =	vor.u32 v4, v2;
	v4 =	vadd.s32 v28, v5  }
0x276: {  	v21 =	vor.u32 v21, v30;
	v3 =	vor.u32 v3, v4;
	v4 =	vld [tilespmem:$0x1FDD0]  }
0x277: {  	vm15 =	vne.s32 v13, $0x0;
	v14 =	vmul.f32 $6.250000000e-02, v16;
	v16 =	vcvt.s32.f32 v13;
	[tilespmem:v10+s9+$0x0] =	vst.idx.add.f32.msk vm11, v26  }
0x278: {  	v1 =	vor.u32 v27, v1;
	[tilespmem:v11+s9+$0x0] =	vst.idx.add.f32.msk vm10, v26  }
0x279: {  	vm5 =	vmand vm14, vm15;
	v16 =	vmul.f32 $6.250000000e-02, v16;
	[tilespmem:v12+s9+$0x0] =	vst.idx.add.f32.msk vm13, v26;
	v2 =	vor.u32 v27, v2  }
0x27a: {  	[tilespmem:v19+s8+$0x0] =	vst.idx.msk $0xffff, v14;
	v3 =	vor.u32 v27, v3;
	v19 =	vld [tilespmem:$0x1FE70]  }
0x27b: {  	[tilespmem:v21+s8+$0x0] =	vst.idx.msk $0xffff, v16;
	v21 =	vld [tilespmem:$0x1FE90];
	v4 =	vor.u32 s11, v4  }
0x27c: {  	[tilespmem:v0+s9+$0x0] =	vst.idx.add.f32.msk $0xffff, v26  }
0x27d: {  	[tilespmem:v1+s9+$0x0] =	vst.idx.add.f32.msk vm15, v26  }
0x27e: {  	[tilespmem:v2+s9+$0x0] =	vst.idx.add.f32.msk vm14, v26  }
0x27f: {  	[tilespmem:v3+s9+$0x0] =	vst.idx.add.f32.msk vm5, v26  }
0x280: {  	v32 =	vld.idx.msk [tilespmem:v4+s2+$0x0], $0xffff  }
0x281: {  	v4 =	vld [tilespmem:$0x1FDF0];
	_ =	sdelay $0x2  }
0x282: {  	v35 =	vor.u32 v53, v29  }
0x283: {  	v42 =	vor.u32 v47, v29;
	v20 =	vor.u32 v20, v31;
	v19 =	vor.u32 v19, v29  }
0x284: {  	v21 =	vor.u32 v21, v31;
	v50 =	vadd.s32 $0xFFFFFFEF, v32;
	v36 =	vor.u32 v4, v29  }
0x285: {  	v61 =	vadd.s32 $0xFFFFFFF0, v32;
	v12 =	vadd.s32 $0x1, v32;
	vm6 =	vgt.s32 v50, $0x0  }
0x286: {  	vm12 =	vgt.s32 v32, $0x0;
	vm13 =	vgt.s32 v12, $0x0;
	v0 =	vnsel vm6, $0x0, v50  }
0x287: {  	vm7 =	vgt.s32 v61, $0x0;
	v12 =	vnsel vm13, $0x0, v12;
	v0 =	vmin.u32 v0, $0xE1  }
0x288: {  	v12 =	vmin.u32 v12, $0xE1;
	v51 =	vshrl.u32 v0, $0x4;
	v0 =	vand.u32 $0xF, v0  }
0x289: {  	v13 =	vand.u32 $0xF, v12;
	v12 =	vshrl.u32 v12, $0x4;
	v52 =	vcvt.s32.f32 v51  }
0x28a: {  	v3 =	vcvt.s32.f32 v0;
	v54 =	vshll.u32 v0, $0x4;
	vm3 =	vne.s32 v51, $0x0  }
0x28b: {  	vm0 =	vne.s32 v0, $0x0;
	v14 =	vshll.u32 v13, $0x4;
	v15 =	vshll.u32 v13, $0x7  }
0x28c: {  	vm13 =	vne.s32 v12, $0x0;
	v2 =	vor.u32 v51, v54;
	vm8 =	vmand vm3, vm0  }
0x28d: {  	v14 =	vor.u32 v12, v14;
	v15 =	vor.u32 v6, v15;
	v12 =	vcvt.s32.f32 v12  }
0x28e: {  	v34 =	vmul.f32 $6.250000000e-02, v52;
	v33 =	vmul.f32 $6.250000000e-02, v3;
	v3 =	vshll.u32 v0, $0x7  }
0x28f: {  	v4 =	vand.u32 $0x7F, v2;
	v5 =	vadd.s32 v7, v2;
	v16 =	vadd.s32 v7, v14  }
0x290: {  	v17 =	vand.u32 $0x7F, v14;
	v15 =	vand.u32 $0x1C00, v15;
	v3 =	vor.u32 v6, v3  }
0x291: {  	v18 =	vshll.u32 v16, $0x3;
	v16 =	vand.u32 $0x7F, v16;
	v3 =	vand.u32 $0x1C00, v3  }
0x292: {  	v12 =	vmul.f32 $6.250000000e-02, v12;
	v55 =	vor.u32 v3, v4;
	v3 =	vshll.u32 v5, $0x3  }
0x293: {  	v4 =	vadd.s32 v8, v2;
	v2 =	vadd.s32 v9, v2;
	v56 =	vor.u32 v28, v55  }
0x294: {  	v57 =	vand.u32 $0xFFFFFC00, v3;
	v3 =	vand.u32 $0x7F, v5;
	v59 =	vshll.u32 v4, $0x3  }
0x295: {  	v62 =	vshll.u32 v2, $0x3;
	v2 =	vand.u32 $0x7F, v2;
	v5 =	vimm.s32 $0x0  }
0x296: {  	v55 =	vadd.s32 $0xFFFFFFF1, v32;
	v1 =	vadd.s32 v28, v57;
	v38 =	vor.u32 v27, v56  }
0x297: {  	v60 =	vand.u32 $0xFFFFFC00, v59;
	v5 =	vsel vm8, $0xFFFFFFFF, v5;
	vm9 =	vgt.s32 v55, $0x0  }
0x298: {  	v58 =	vor.u32 v3, v1;
	v3 =	vand.u32 $0x7F, v4;
	v0 =	vadd.s32 v28, v60  }
0x299: {  	v1 =	vnsel vm7, $0x0, v61;
	v37 =	vor.u32 v27, v58;
	v0 =	vor.u32 v3, v0  }
0x29a: {  	[tilespmem:$0x1FAE0] =	vst v5;
	v1 =	vmin.u32 v1, $0xE1;
	v39 =	vor.u32 v27, v0;
	v0 =	vand.u32 $0xFFFFFC00, v62  }
0x29b: {  	v23 =	vld [tilespmem:$0x1FAE0];
	v3 =	vshrl.u32 v1, $0x4;
	v1 =	vand.u32 $0xF, v1;
	v0 =	vadd.s32 v28, v0  }
0x29c: {  	v4 =	vcvt.s32.f32 v3;
	v63 =	vcvt.s32.f32 v1;
	v48 =	vshll.u32 v1, $0x4  }
0x29d: {  	[tilespmem:v35+s8+$0x0] =	vst.idx.msk $0xffff, v34;
	v49 =	vshll.u32 v1, $0x7;
	vm6 =	vne.s32 v3, $0x0;
	vm4 =	vne.s32 v1, $0x0  }
0x29e: {  	[tilespmem:v36+s8+$0x0] =	vst.idx.msk $0xffff, v33;
	v0 =	vor.u32 v2, v0;
	v2 =	vor.u32 v6, v49;
	v41 =	vmul.f32 $6.250000000e-02, v4;
	v4 =	vld [tilespmem:$0x1FE10]  }
0x29f: {  	vm10 =	vmand vm6, vm4;
	[tilespmem:v38+s9+$0x0] =	vst.idx.add.f32.msk $0xffff, v26;
	v44 =	vor.u32 v27, v0;
	v0 =	vor.u32 v3, v48  }
0x2a0: {  	v38 =	vadd.s32 $0x10, v32;
	v5 =	vadd.s32 v7, v0;
	[tilespmem:v37+s9+$0x0] =	vst.idx.add.f32.msk vm0, v26;
	vm0 =	vnez.u8 v23  }
0x2a1: {  	v40 =	vmul.f32 $6.250000000e-02, v63;
	v2 =	vand.u32 $0x1C00, v2;
	v3 =	vshll.u32 v5, $0x3  }
0x2a2: {  	v51 =	vand.u32 $0xFFFFFC00, v3;
	v3 =	vand.u32 $0x7F, v5;
	v5 =	vimm.s32 $0x0  }
0x2a3: {  	v58 =	vld [tilespmem:$0x1FE20];
	v5 =	vsel vm10, $0xFFFFFFFF, v5;
	v43 =	vor.u32 v4, v29;
	v4 =	vand.u32 $0x7F, v0  }
0x2a4: {  	v2 =	vor.u32 v2, v4;
	v4 =	vadd.s32 v8, v0;
	v0 =	vadd.s32 v9, v0  }
0x2a5: {  	[tilespmem:v39+s9+$0x0] =	vst.idx.add.f32.msk vm3, v26;
	v50 =	vor.u32 v28, v2;
	v2 =	vadd.s32 v28, v51;
	v53 =	vshll.u32 v4, $0x3  }
0x2a6: {  	v56 =	vshll.u32 v0, $0x3;
	v0 =	vand.u32 $0x7F, v0;
	[tilespmem:v44+s9+$0x0] =	vst.idx.add.f32.msk vm0, v26;
	vm0 =	vgt.s32 v38, $0x0  }
0x2a7: {  	v46 =	vor.u32 v27, v50;
	v52 =	vor.u32 v3, v2;
	v54 =	vand.u32 $0xFFFFFC00, v53  }
0x2a8: {  	v3 =	vand.u32 $0x7F, v4;
	v2 =	vnsel vm9, $0x0, v55;
	v50 =	vor.u32 v58, v29  }
0x2a9: {  	v45 =	vor.u32 v27, v52;
	v1 =	vadd.s32 v28, v54;
	v2 =	vmin.u32 v2, $0xE1  }
0x2aa: {  	v1 =	vor.u32 v3, v1;
	v3 =	vshrl.u32 v2, $0x4;
	v2 =	vand.u32 $0xF, v2  }
0x2ab: {  	[tilespmem:$0x1FAF0] =	vst v5;
	v47 =	vor.u32 v27, v1;
	v1 =	vand.u32 $0xFFFFFC00, v56;
	v4 =	vcvt.s32.f32 v3  }
0x2ac: {  	[tilespmem:v42+s8+$0x0] =	vst.idx.msk $0xffff, v41;
	v41 =	vld [tilespmem:$0x1FFA0];
	v57 =	vcvt.s32.f32 v2;
	v59 =	vshll.u32 v2, $0x4;
	v60 =	vshll.u32 v2, $0x7  }
0x2ad: {  	[tilespmem:v43+s8+$0x0] =	vst.idx.msk $0xffff, v40;
	v40 =	vld [tilespmem:$0x1FAF0];
	vm5 =	vne.s32 v3, $0x0;
	vm7 =	vne.s32 v2, $0x0;
	v1 =	vadd.s32 v28, v1  }
0x2ae: {  	vm9 =	vmand vm5, vm7;
	v0 =	vor.u32 v0, v1;
	v49 =	vmul.f32 $6.250000000e-02, v4;
	v4 =	vld [tilespmem:$0x1FE30]  }
0x2af: {  	v48 =	vmul.f32 $6.250000000e-02, v57;
	v52 =	vor.u32 v27, v0;
	v0 =	vor.u32 v3, v59  }
0x2b0: {  	v1 =	vor.u32 v6, v60;
	v57 =	vadd.s32 $0xFFFFFFFF, v32;
	v5 =	vadd.s32 v7, v0  }
0x2b1: {  	[tilespmem:v46+s9+$0x0] =	vst.idx.add.f32.msk $0xffff, v26;
	v36 =	vor.u32 v41, v31;
	v1 =	vand.u32 $0x1C00, v1;
	v3 =	vshll.u32 v5, $0x3  }
0x2b2: {  	vm11 =	vgt.s32 v57, $0x0;
	[tilespmem:v45+s9+$0x0] =	vst.idx.add.f32.msk vm4, v26;
	vm4 =	vnez.u8 v40;
	v61 =	vand.u32 $0xFFFFFC00, v3  }
0x2b3: {  	v3 =	vand.u32 $0x7F, v5;
	v51 =	vor.u32 v4, v29;
	v4 =	vand.u32 $0x7F, v0  }
0x2b4: {  	v2 =	vadd.s32 v28, v61;
	v1 =	vor.u32 v1, v4;
	v4 =	vadd.s32 v8, v0  }
0x2b5: {  	v62 =	vor.u32 v3, v2;
	v0 =	vadd.s32 v9, v0;
	v2 =	vnsel vm11, $0x0, v57  }
0x2b6: {  	v59 =	vld [tilespmem:$0x1FE40];
	v1 =	vor.u32 v28, v1;
	v63 =	vshll.u32 v4, $0x3;
	v53 =	vor.u32 v27, v62  }
0x2b7: {  	v3 =	vand.u32 $0x7F, v4;
	v58 =	vshll.u32 v0, $0x3;
	v56 =	vand.u32 $0xFFFFFC00, v63  }
0x2b8: {  	v2 =	vmin.u32 v2, $0xE1;
	v54 =	vor.u32 v27, v1;
	v1 =	vadd.s32 v28, v56  }
0x2b9: {  	v0 =	vand.u32 $0x7F, v0;
	v1 =	vor.u32 v3, v1;
	v3 =	vshrl.u32 v2, $0x4  }
0x2ba: {  	v55 =	vor.u32 v27, v1;
	v1 =	vand.u32 $0xFFFFFC00, v58;
	v4 =	vcvt.s32.f32 v3  }
0x2bb: {  	v2 =	vand.u32 $0xF, v2;
	v58 =	vor.u32 v59, v29;
	v1 =	vadd.s32 v28, v1  }
0x2bc: {  	v61 =	vshll.u32 v2, $0x4;
	v0 =	vor.u32 v0, v1;
	v57 =	vmul.f32 $6.250000000e-02, v4;
	v4 =	vld [tilespmem:$0x1FE50]  }
0x2bd: {  	v1 =	vcvt.s32.f32 v2;
	v60 =	vor.u32 v27, v0;
	v0 =	vor.u32 v3, v61  }
0x2be: {  	v42 =	vld [tilespmem:$0x1FFB0];
	v62 =	vshll.u32 v2, $0x7;
	vm8 =	vne.s32 v3, $0x0;
	v5 =	vadd.s32 v7, v0  }
0x2bf: {  	v56 =	vmul.f32 $6.250000000e-02, v1;
	v1 =	vor.u32 v6, v62;
	v3 =	vshll.u32 v5, $0x3  }
0x2c0: {  	vm10 =	vne.s32 v2, $0x0;
	v1 =	vand.u32 $0x1C00, v1;
	v63 =	vand.u32 $0xFFFFFC00, v3  }
0x2c1: {  	v3 =	vand.u32 $0x7F, v5;
	v59 =	vor.u32 v4, v29;
	v4 =	vand.u32 $0x7F, v0  }
0x2c2: {  	v2 =	vadd.s32 v28, v63;
	v1 =	vor.u32 v1, v4;
	v4 =	vadd.s32 v8, v0  }
0x2c3: {  	v31 =	vor.u32 v42, v31;
	v61 =	vor.u32 v3, v2;
	v2 =	vshll.u32 v4, $0x3  }
0x2c4: {  	v0 =	vadd.s32 v9, v0;
	v3 =	vnsel vm12, $0x0, v32;
	v2 =	vand.u32 $0xFFFFFC00, v2  }
0x2c5: {  	v43 =	vld [tilespmem:$0x1FFC0];
	v1 =	vor.u32 v28, v1;
	v63 =	vand.u32 $0x7F, v4;
	v2 =	vadd.s32 v28, v2  }
0x2c6: {  	v62 =	vor.u32 v27, v1;
	v1 =	vor.u32 v63, v2;
	v2 =	vshll.u32 v0, $0x3  }
0x2c7: {  	[tilespmem:v47+s9+$0x0] =	vst.idx.add.f32.msk vm6, v26;
	v63 =	vor.u32 v27, v1;
	v1 =	vand.u32 $0xFFFFFC00, v2;
	v2 =	vmin.u32 v3, $0xE1  }
0x2c8: {  	[tilespmem:v52+s9+$0x0] =	vst.idx.add.f32.msk vm4, v26;
	v0 =	vand.u32 $0x7F, v0;
	v1 =	vadd.s32 v28, v1;
	v3 =	vshrl.u32 v2, $0x4  }
0x2c9: {  	[tilespmem:v50+s8+$0x0] =	vst.idx.msk $0xffff, v49;
	v2 =	vand.u32 $0xF, v2;
	v0 =	vor.u32 v0, v1;
	v4 =	vcvt.s32.f32 v3  }
0x2ca: {  	[tilespmem:v51+s8+$0x0] =	vst.idx.msk $0xffff, v48;
	v51 =	vor.u32 v43, v30;
	v5 =	vshll.u32 v2, $0x4;
	v1 =	vor.u32 v27, v0  }
0x2cb: {  	v0 =	vmul.f32 $6.250000000e-02, v4;
	v4 =	vor.u32 v3, v5;
	v5 =	vshll.u32 v2, $0x7  }
0x2cc: {  	vm11 =	vne.s32 v3, $0x0;
	v3 =	vor.u32 v6, v5;
	v5 =	vadd.s32 v7, v4  }
0x2cd: {  	v10 =	vand.u32 $0x7F, v4;
	v3 =	vand.u32 $0x1C00, v3;
	v11 =	vshll.u32 v5, $0x3  }
0x2ce: {  	vm12 =	vmand vm8, vm10;
	v3 =	vor.u32 v3, v10;
	v10 =	vand.u32 $0xFFFFFC00, v11  }
0x2cf: {  	v5 =	vand.u32 $0x7F, v5;
	v11 =	vadd.s32 v8, v4;
	v10 =	vadd.s32 v28, v10  }
0x2d0: {  	v61 =	vor.u32 v27, v61;
	v5 =	vor.u32 v5, v10;
	v10 =	vshll.u32 v11, $0x3  }
0x2d1: {  	vm15 =	vne.s32 v2, $0x0;
	v2 =	vcvt.s32.f32 v2;
	v10 =	vand.u32 $0xFFFFFC00, v10  }
0x2d2: {  	v4 =	vadd.s32 v9, v4;
	v11 =	vand.u32 $0x7F, v11;
	v10 =	vadd.s32 v28, v10  }
0x2d3: {  	v10 =	vor.u32 v11, v10;
	v11 =	vand.u32 $0x7F, v4;
	v4 =	vshll.u32 v4, $0x3  }
0x2d4: {  	vm1 =	vmand vm11, vm15;
	v3 =	vor.u32 v28, v3;
	v4 =	vand.u32 $0xFFFFFC00, v4  }
0x2d5: {  	v2 =	vmul.f32 $6.250000000e-02, v2;
	v3 =	vor.u32 v27, v3;
	v4 =	vadd.s32 v28, v4  }
0x2d6: {  	v4 =	vor.u32 v11, v4;
	v11 =	vor.u32 v15, v17;
	v15 =	vand.u32 $0xFFFFFC00, v18  }
0x2d7: {  	v5 =	vor.u32 v27, v5;
	v17 =	vadd.s32 v8, v14;
	v18 =	vld [tilespmem:$0x1FE60];
	v15 =	vadd.s32 v28, v15  }
0x2d8: {  	v10 =	vor.u32 v27, v10;
	v15 =	vor.u32 v16, v15;
	v16 =	vshll.u32 v17, $0x3  }
0x2d9: {  	v14 =	vadd.s32 v9, v14;
	v4 =	vor.u32 v27, v4;
	v16 =	vand.u32 $0xFFFFFC00, v16  }
0x2da: {  	v11 =	vor.u32 v28, v11;
	v17 =	vand.u32 $0x7F, v17;
	v16 =	vadd.s32 v28, v16  }
0x2db: {  	v11 =	vor.u32 v27, v11;
	v16 =	vor.u32 v17, v16;
	v17 =	vshll.u32 v14, $0x3  }
0x2dc: {  	v15 =	vor.u32 v27, v15;
	v18 =	vor.u32 v18, v29;
	v17 =	vand.u32 $0xFFFFFC00, v17  }
0x2dd: {  	v14 =	vand.u32 $0x7F, v14;
	v29 =	vnsel vm0, $0x0, v38;
	v17 =	vadd.s32 v28, v17  }
0x2de: {  	v16 =	vor.u32 v27, v16;
	v14 =	vor.u32 v14, v17;
	v17 =	vadd.s32 $0xF, v32  }
0x2df: {  	v29 =	vmin.u32 v29, $0xE1;
	v32 =	vadd.s32 $0x11, v32;
	vm14 =	vgt.s32 v17, $0x0  }
0x2e0: {  	[tilespmem:v54+s9+$0x0] =	vst.idx.add.f32.msk $0xffff, v26;
	v14 =	vor.u32 v27, v14;
	vm0 =	vgt.s32 v32, $0x0;
	v17 =	vnsel vm14, $0x0, v17  }
0x2e1: {  	[tilespmem:v53+s9+$0x0] =	vst.idx.add.f32.msk vm7, v26;
	vm14 =	vne.s32 v13, $0x0;
	v13 =	vcvt.s32.f32 v13;
	v17 =	vmin.u32 v17, $0xE1  }
0x2e2: {  	[tilespmem:v55+s9+$0x0] =	vst.idx.add.f32.msk vm5, v26;
	v32 =	vnsel vm0, $0x0, v32;
	vm2 =	vmand vm13, vm14;
	v22 =	vshrl.u32 v17, $0x4  }
0x2e3: {  	[tilespmem:v60+s9+$0x0] =	vst.idx.add.f32.msk vm9, v26;
	v13 =	vmul.f32 $6.250000000e-02, v13;
	v17 =	vand.u32 $0xF, v17;
	v23 =	vcvt.s32.f32 v22  }
0x2e4: {  	[tilespmem:v58+s8+$0x0] =	vst.idx.msk $0xffff, v57;
	v39 =	vshll.u32 v17, $0x4;
	vm0 =	vne.s32 v22, $0x0;
	v46 =	vcvt.s32.f32 v17  }
0x2e5: {  	[tilespmem:v59+s8+$0x0] =	vst.idx.msk $0xffff, v56;
	vm3 =	vne.s32 v17, $0x0;
	v33 =	vor.u32 v22, v39;
	v22 =	vshll.u32 v17, $0x7  }
0x2e6: {  	[tilespmem:v62+s9+$0x0] =	vst.idx.add.f32.msk $0xffff, v26;
	vm9 =	vmand vm0, vm3;
	v17 =	vor.u32 v6, v22;
	v22 =	vand.u32 $0x7F, v33  }
0x2e7: {  	[tilespmem:v61+s9+$0x0] =	vst.idx.add.f32.msk vm10, v26;
	v47 =	vadd.s32 v7, v33;
	v23 =	vmul.f32 $6.250000000e-02, v23;
	v34 =	vmul.f32 $6.250000000e-02, v46  }
0x2e8: {  	[tilespmem:v63+s9+$0x0] =	vst.idx.add.f32.msk vm8, v26;
	v44 =	vadd.s32 v8, v33;
	v33 =	vadd.s32 v9, v33;
	v17 =	vand.u32 $0x1C00, v17  }
0x2e9: {  	[tilespmem:v1+s9+$0x0] =	vst.idx.add.f32.msk vm12, v26;
	v35 =	vand.u32 $0x7F, v47;
	v45 =	vshll.u32 v44, $0x3;
	v37 =	vand.u32 $0x7F, v44  }
0x2ea: {  	[tilespmem:v18+s8+$0x0] =	vst.idx.msk $0xffff, v0;
	v46 =	vshll.u32 v33, $0x3;
	v33 =	vand.u32 $0x7F, v33;
	v17 =	vor.u32 v17, v22  }
0x2eb: {  	[tilespmem:v19+s8+$0x0] =	vst.idx.msk $0xffff, v2;
	v22 =	vshll.u32 v47, $0x3;
	v47 =	vshrl.u32 v29, $0x4;
	v29 =	vand.u32 $0xF, v29  }
0x2ec: {  	[tilespmem:v3+s9+$0x0] =	vst.idx.add.f32.msk $0xffff, v26;
	v22 =	vand.u32 $0xFFFFFC00, v22;
	v17 =	vor.u32 v28, v17;
	v48 =	vcvt.s32.f32 v47  }
0x2ed: {  	[tilespmem:v5+s9+$0x0] =	vst.idx.add.f32.msk vm15, v26;
	v49 =	vshll.u32 v29, $0x4;
	v50 =	vshll.u32 v29, $0x7;
	vm10 =	vne.s32 v47, $0x0  }
0x2ee: {  	[tilespmem:v10+s9+$0x0] =	vst.idx.add.f32.msk vm11, v26;
	v55 =	vcvt.s32.f32 v29;
	vm11 =	vne.s32 v29, $0x0;
	v22 =	vadd.s32 v28, v22  }
0x2ef: {  	v17 =	vor.u32 v27, v17;
	v39 =	vor.u32 v47, v49;
	v52 =	vor.u32 v6, v50  }
0x2f0: {  	v22 =	vor.u32 v35, v22;
	v35 =	vand.u32 $0xFFFFFC00, v45;
	v53 =	vand.u32 $0x7F, v39  }
0x2f1: {  	v18 =	vand.u32 $0x1C00, v52;
	v54 =	vadd.s32 v7, v39;
	v19 =	vadd.s32 v8, v39  }
0x2f2: {  	[tilespmem:v4+s9+$0x0] =	vst.idx.add.f32.msk vm1, v26;
	v56 =	vadd.s32 v9, v39;
	v2 =	vmul.f32 $6.250000000e-02, v55;
	v35 =	vadd.s32 v28, v35  }
0x2f3: {  	v60 =	vld [tilespmem:$0x1FFE0];
	[tilespmem:v20+s8+$0x0] =	vst.idx.msk $0xffff, v12;
	v22 =	vor.u32 v27, v22;
	v0 =	vor.u32 v18, v53;
	v18 =	vshll.u32 v54, $0x3  }
0x2f4: {  	v57 =	vld [tilespmem:$0x1FFD0];
	[tilespmem:v21+s8+$0x0] =	vst.idx.msk $0xffff, v13;
	v3 =	vand.u32 $0x7F, v54;
	v10 =	vshll.u32 v56, $0x3;
	v4 =	vand.u32 $0x7F, v19  }
0x2f5: {  	[tilespmem:v11+s9+$0x0] =	vst.idx.add.f32.msk $0xffff, v26;
	v12 =	vand.u32 $0x7F, v56;
	v35 =	vor.u32 v37, v35;
	v37 =	vand.u32 $0xFFFFFC00, v46  }
0x2f6: {  	[tilespmem:v15+s9+$0x0] =	vst.idx.add.f32.msk vm14, v26;
	v18 =	vand.u32 $0xFFFFFC00, v18;
	v10 =	vand.u32 $0xFFFFFC00, v10;
	v0 =	vor.u32 v28, v0  }
0x2f7: {  	v20 =	vld [tilespmem:$0x1FF60];
	v35 =	vor.u32 v27, v35;
	v37 =	vadd.s32 v28, v37;
	v5 =	vadd.s32 v28, v18  }
0x2f8: {  	[tilespmem:v16+s9+$0x0] =	vst.idx.add.f32.msk vm13, v26;
	v18 =	vshll.u32 v19, $0x3;
	v10 =	vadd.s32 v28, v10;
	v0 =	vor.u32 v27, v0  }
0x2f9: {  	[tilespmem:v14+s9+$0x0] =	vst.idx.add.f32.msk vm2, v26;
	v33 =	vor.u32 v33, v37;
	v3 =	vor.u32 v3, v5;
	v5 =	vand.u32 $0xFFFFFC00, v18  }
0x2fa: {  	v21 =	vld [tilespmem:$0x1FF70];
	[tilespmem:v36+s8+$0x0] =	vst.idx.msk $0xffff, v23;
	v37 =	vmul.f32 $6.250000000e-02, v48;
	v18 =	vmin.u32 v32, $0xE1;
	v5 =	vadd.s32 v28, v5  }
0x2fb: {  	v23 =	vld [tilespmem:$0x1FF90];
	[tilespmem:v31+s8+$0x0] =	vst.idx.msk $0xffff, v34;
	v4 =	vor.u32 v4, v5;
	v5 =	vor.u32 v12, v10;
	v10 =	vand.u32 $0xF, v18  }
0x2fc: {  	[tilespmem:v17+s9+$0x0] =	vst.idx.add.f32.msk $0xffff, v26;
	v11 =	vshrl.u32 v18, $0x4;
	v12 =	vshll.u32 v10, $0x4;
	v13 =	vshll.u32 v10, $0x7  }
0x2fd: {  	v19 =	vld [tilespmem:$0x1FF50];
	v33 =	vor.u32 v27, v33;
	v12 =	vor.u32 v11, v12;
	v13 =	vor.u32 v6, v13  }
0x2fe: {  	[tilespmem:v22+s9+$0x0] =	vst.idx.add.f32.msk vm3, v26;
	v15 =	vand.u32 $0x7F, v12;
	v13 =	vand.u32 $0x1C00, v13;
	v16 =	vadd.s32 v7, v12  }
0x2ff: {  	v22 =	vld [tilespmem:$0x1FF80];
	v13 =	vor.u32 v13, v15;
	v14 =	vshll.u32 v16, $0x3;
	v15 =	vor.u32 v57, v30  }
0x300: {  	vm13 =	vne.s32 v11, $0x0;
	v61 =	vcvt.s32.f32 v11;
	[tilespmem:v35+s9+$0x0] =	vst.idx.add.f32.msk vm0, v26;
	v14 =	vand.u32 $0xFFFFFC00, v14  }
0x301: {  	v11 =	vld [tilespmem:$0x1FFF0];
	v18 =	vadd.s32 v8, v12;
	v16 =	vand.u32 $0x7F, v16;
	v14 =	vadd.s32 v28, v14  }
0x302: {  	v3 =	vor.u32 v27, v3;
	[tilespmem:v33+s9+$0x0] =	vst.idx.add.f32.msk vm9, v26;
	v14 =	vor.u32 v16, v14;
	v16 =	vshll.u32 v18, $0x3  }
0x303: {  	v4 =	vor.u32 v27, v4;
	v17 =	vand.u32 $0x7F, v18;
	[tilespmem:v51+s8+$0x0] =	vst.idx.msk $0xffff, v37;
	v18 =	vld [tilespmem:$0x1FF40];
	v16 =	vand.u32 $0xFFFFFC00, v16  }
0x304: {  	v12 =	vadd.s32 v9, v12;
	v16 =	vadd.s32 v28, v16;
	[tilespmem:v15+s8+$0x0] =	vst.idx.msk $0xffff, v2;
	v15 =	vld [tilespmem:$0x1FF10]  }
0x305: {  	vm12 =	vmand vm10, vm11;
	v16 =	vor.u32 v17, v16;
	v17 =	vshll.u32 v12, $0x3;
	[tilespmem:v0+s9+$0x0] =	vst.idx.add.f32.msk $0xffff, v26  }
0x306: {  	v58 =	vor.u32 v27, v5;
	v5 =	vor.u32 v28, v13;
	v13 =	vand.u32 $0xFFFFFC00, v17;
	v17 =	vld [tilespmem:$0x1FF30]  }
0x307: {  	[tilespmem:v3+s9+$0x0] =	vst.idx.add.f32.msk vm11, v26  }
0x308: {  	vm14 =	vne.s32 v10, $0x0;
	v3 =	vcvt.s32.f32 v10;
	v10 =	vand.u32 $0x7F, v12;
	v12 =	vld [tilespmem:$0x1FEE0]  }
0x309: {  	v59 =	vadd.s32 v28, v13;
	v13 =	vor.u32 v60, v30;
	[tilespmem:v4+s9+$0x0] =	vst.idx.add.f32.msk vm10, v26  }
0x30a: {  	v11 =	vor.u32 v11, v30;
	v4 =	vor.u32 v27, v14;
	v14 =	vld [tilespmem:$0x1FF00]  }
0x30b: {  	v5 =	vor.u32 v27, v5;
	[tilespmem:v58+s9+$0x0] =	vst.idx.add.f32.msk vm12, v26  }
0x30c: {  	v0 =	vmul.f32 $6.250000000e-02, v61;
	v62 =	vmul.f32 $6.250000000e-02, v3;
	v3 =	vor.u32 v27, v16;
	v16 =	vld [tilespmem:$0x1FF20]  }
0x30d: {  	v2 =	vor.u32 v10, v59;
	v10 =	vld [tilespmem:$0x1FEC0]  }
0x30e: {  	[tilespmem:v13+s8+$0x0] =	vst.idx.msk $0xffff, v0;
	v13 =	vld [tilespmem:$0x1FEF0]  }
0x30f: {  	vm15 =	vmand vm13, vm14;
	[tilespmem:v11+s8+$0x0] =	vst.idx.msk $0xffff, v62;
	v11 =	vld [tilespmem:$0x1FED0]  }
0x310: {  	p0 =	sne.s32 s12, $0x3C;
	v63 =	vor.u32 v27, v2;
	[tilespmem:v5+s9+$0x0] =	vst.idx.add.f32.msk $0xffff, v26  }
.Ltmp1:
0x311: {  	v5 =	vld [tilespmem:$0x1FEB0];
	(pc) =	sbr.rel @p0 .LBB2_4-.Ltmp1, $4  }
0x312: {  	[tilespmem:v4+s9+$0x0] =	vst.idx.add.f32.msk vm14, v26  }
0x313: {  	v4 =	vld [tilespmem:$0x1FEA0]  }
0x314: {  	[tilespmem:v3+s9+$0x0] =	vst.idx.add.f32.msk vm13, v26  }
0x315: {  	s12 =	sadd.s32 $0x4, s12;
	s11 =	sadd.s32 $0x200, s11;
	[tilespmem:v63+s9+$0x0] =	vst.idx.add.f32.msk vm15, v26  }
0x316: {  	[hbm4b:s4+s2] =	stream.linear.scatter [tilespmem:s9], [sflag:$0x1], $0x10000, $0x38;
	[tilespmem:$0x18000] =	vst v63  }
0x317: {  	s10 =	sadd.s32 $0x1, s10;
	_ =	swait.ge [sflag:s7], $0x10000  }
0x318: {  	p0 =	sne.s32 s10, s6;
	[sflag:s7] =	ssyncset.done $0x0  }
.Ltmp2:
0x319: {  	[sflag:s7] =	ssyncadd.s32 $0xFFFF0000;
	(pc) =	sbr.rel @p0 .LBB2_1-.Ltmp2, $4  }
0x31a: {  	[hbm4b:s5+s2] =	stream.linear.scatter [tilespmem:s8], [sflag:$0x1], $0x6000, $0x38;
	[tilespmem:$0x18000] =	vst v63  }
0x31b: {  	_ =	swait.ge [sflag:s7], $0x6000  }
0x31c: {  	[sflag:s7] =	ssyncset.done $0x0  }
0x31d: {  	[sflag:s7] =	ssyncadd.s32 $0xFFFFA000  }
0x31e: {  	_ =	sfence.sel $0x180000  }
0x31f: {  	[bflag:$0x0] =	sbarrier.arrive $0xFFFF  }
0x320: {  	p0 =	sne.s32 s0, $0x0;
	_ =	strace $0x90000047  }
0x321: {  	s0 =	sadd.s32 @!p0 $0x100000, s1;
	[bflag:$0x2] =	sbarrier.arrive $0xFFFF  }
0x322: {  	[sflag:s0] =	ssyncadd.tile.s32 @!p0 $0x1;
	_ =	shalt  }
.Lfunc_end2:
_tile_overlayer_lowered:
.L_overlay_start_2:
0x323: {  	(tag) =	ssettag $0x2  }
0x324: {  	s0 =	rddreg [dreg:$0x0];
	s2 =	stileid.u32  }
0x325: {  	s1 =	rddreg [dreg:$0x1];
	p0 =	sne.s32 s2, $0x0  }
0x326: {  	s3 =	rddreg [dreg:$0x2];
	[bflag:$0x3] =	sbarrier.arrive $0xFFFF;
	s2 =	simm.s32 @!p0 $0x1C01  }
0x327: {  	[timem:s3], [sflag:s2] =	dma.local @!p0 [hbm:s0], s1  }
0x328: {  	s0 =	simm.s32 @!p0 $0x1  }
0x329: {  	_ =	swait.ge @!p0 [sflag:s0], s1  }
0x32a: {  	s1 =	ssub.s32 @!p0 $0x0, s1;
	[sflag:s0] =	ssyncset.done @!p0 $0x0  }
0x32b: {  	[sflag:s0] =	ssyncadd.s32 @!p0 s1  }
0x32c: {  	[bflag:$0x3] =	sbarrier.arrive $0xFFFF  }
0x32d: {  	_ =	shalt  }

</sc_bundles>
